<compile_context>
chip_gen: v7x
topology: tpu7x:2x2x1
jax: 0.10.2.dev20260603
libtpu: 0.0.44.dev20260713+nightly
codegen_flags: <defaults>
</compile_context>

<pallas_src>
import jax
import jax.numpy as jnp
from jax import lax
from jax.experimental import pallas as pl
from jax.experimental.pallas import tpu as pltpu
from jax.experimental.pallas import tpu_sc as plsc

VOCAB = 100000
EMBED = 64
BATCH = 4096
CTX = 20

NC, NS = 2, 16
NW = NC * NS
B_PER_W = BATCH // NW
ROWS_PER_W = B_PER_W * CTX
GATHERS_PER_W = ROWS_PER_W // 128
CHUNK_B = 32
CHUNK_ROWS = CHUNK_B * CTX
GATHERS_PER_CHUNK = CHUNK_ROWS // 128
N_CHUNKS = B_PER_W // CHUNK_B
PAD_E = 128


def _sc_body(idx_hbm, table_hbm, out_hbm, idx_v, rows_v, out_v, sem0, sem1):
    wid = lax.axis_index("s") * NC + lax.axis_index("c")
    pltpu.sync_copy(idx_hbm.at[wid], idx_v)

    sems = (sem0, sem1)

    def fire(chunk, slot):
        handles = []
        for j in range(GATHERS_PER_CHUNK):
            g = chunk * GATHERS_PER_CHUNK + j
            handles.append(pltpu.async_copy(
                table_hbm.at[idx_v.at[g]],
                rows_v.at[slot].at[pl.ds(j * 128, 128)],
                sems[slot]))
        return handles

    def reduce_chunk(chunk, slot):
        base = chunk * CHUNK_B

        def body(b, carry):
            r0 = b * CTX
            for e in range(EMBED // 16):
                sl = pl.ds(e * 16, 16)
                acc = rows_v[slot, r0, sl]
                for c in range(1, CTX):
                    acc = acc + rows_v[slot, r0 + c, sl]
                out_v[pl.ds((base + b) * PAD_E + e * 16, 16)] = acc * (1.0 / CTX)
            return carry

        lax.fori_loop(0, CHUNK_B, body, 0)

    pending = fire(0, 0)
    for chunk in range(N_CHUNKS):
        slot = chunk % 2
        for h in pending:
            h.wait()
        if chunk + 1 < N_CHUNKS:
            pending = fire(chunk + 1, 1 - slot)
        reduce_chunk(chunk, slot)

    pltpu.sync_copy(out_v, out_hbm.at[pl.ds(wid * B_PER_W * PAD_E,
                                            B_PER_W * PAD_E)])


def _sc_gather_mean(idx3d, emb_table):
    mesh = plsc.VectorSubcoreMesh(core_axis_name="c", subcore_axis_name="s")
    k = pl.kernel(
        _sc_body,
        out_type=jax.ShapeDtypeStruct((BATCH * PAD_E,), jnp.float32),
        mesh=mesh,
        scratch_types=[
            pltpu.VMEM((GATHERS_PER_W, 128), jnp.int32),
            pltpu.VMEM((2, CHUNK_ROWS, EMBED), jnp.float32),
            pltpu.VMEM((B_PER_W * PAD_E,), jnp.float32),
            pltpu.SemaphoreType.DMA,
            pltpu.SemaphoreType.DMA,
        ],
        compiler_params=pltpu.CompilerParams(use_tc_tiling_on_sc=False),
    )
    return k(idx3d, emb_table)


V_BLK = 1024


def _mm_body(wt_ref, ctx_ref, b_ref, out_ref):
    ctx64 = ctx_ref[...][:, :EMBED]
    prod = lax.dot_general(
        wt_ref[...], ctx64, (((0,), (1,)), ((), ())),
        preferred_element_type=jnp.float32)
    out_ref[...] = prod + b_ref[...][:, None]


def _tc_matmul_t(WT, ctx2, b):
    nv = pl.cdiv(VOCAB, V_BLK)
    return pl.pallas_call(
        _mm_body,
        grid=(nv,),
        in_specs=[
            pl.BlockSpec((EMBED, V_BLK), lambda i: (0, i)),
            pl.BlockSpec((BATCH, PAD_E), lambda i: (0, 0)),
            pl.BlockSpec((V_BLK,), lambda i: (i,)),
        ],
        out_specs=pl.BlockSpec((V_BLK, BATCH), lambda i: (i, 0)),
        out_shape=jax.ShapeDtypeStruct((VOCAB, BATCH), jnp.float32),
        compiler_params=pltpu.CompilerParams(
            dimension_semantics=("arbitrary",),
            vmem_limit_bytes=64 * 1024 * 1024),
    )(WT, ctx2, b)


def kernel(context_words, emb_table, W, b):
    idx3d = context_words.astype(jnp.int32).reshape(NW, GATHERS_PER_W, 128)
    ctx2 = _sc_gather_mean(idx3d, emb_table).reshape(BATCH, PAD_E)
    outT = _tc_matmul_t(W.T, ctx2, b)
    return outT.T

# --- scband reference (transcript-rebuilt; emitter-appended) ---
"""Pipeline reference for scband-cbow-41240275976386 (READ-ONLY COPY).

The authoritative reference and input builder live on the scoring server;
editing this copy changes nothing except your own understanding.
"""

import jax, jax.numpy as jnp
import numpy as np

VOCAB = 100000
EMBED = 64
BATCH = 4096
CTX = 20

def setup_inputs(seed: int = 0) -> dict:
    key = jax.random.key(seed)
    k1, k2, k3, k4 = jax.random.split(key, 4)
    context_words = jax.random.randint(k1, (BATCH, CTX), 0, VOCAB, dtype=jnp.int64 if jax.config.jax_enable_x64 else jnp.int32)
    # learned parameters, init uniform(-0.1, 0.1) as in the torch module
    emb_table = jax.random.uniform(k2, (VOCAB, EMBED), dtype=jnp.float32, minval=-0.1, maxval=0.1)
    W = jax.random.uniform(k3, (VOCAB, EMBED), dtype=jnp.float32, minval=-0.1, maxval=0.1)  # torch Linear weight [out, in]
    b = jnp.zeros((VOCAB,), dtype=jnp.float32)
    return {"context_words": context_words, "emb_table": emb_table, "W": W, "b": b}

def reference(context_words, emb_table, W, b):
    # embedding lookup (gather)
    embedded = jnp.take(emb_table, context_words, axis=0)          # [B, CTX, E]
    context_vector = jnp.mean(embedded, axis=1)                    # [B, E]
    # dropout is identity in eval/deterministic mode
    out = context_vector @ W.T + b                                 # [B, VOCAB]
    return out

if __name__ == "__main__":
    import jax
    _d = setup_inputs()
    print(jax.jit(kernel)(*tuple(_d.values())))

</pallas_src>

<mosaic_0001>
#map = affine_map<(d0, d1) -> (0, 0, 0)>
#map1 = affine_map<(d0, d1) -> (0, 0)>
#map2 = affine_map<(d0, d1) -> (0)>
module attributes {stable_mosaic.version = 14 : i64} {
  func.func @_sc_body(%arg0: i32, %arg1: i32, %arg2: memref<32x20x128xi32, #tpu.memory_space<hbm>>, %arg3: memref<100000x64xf32, #tpu.memory_space<hbm>>, %arg4: memref<524288xf32, #tpu.memory_space<hbm>>, %arg5: memref<20x128xi32, #tpu.memory_space<vmem>>, %arg6: memref<2x640x64xf32, #tpu.memory_space<vmem>>, %arg7: memref<16384xf32, #tpu.memory_space<vmem>>, %arg8: memref<!tpu.dma_semaphore, #tpu.memory_space<semaphore_mem>>, %arg9: memref<!tpu.dma_semaphore, #tpu.memory_space<semaphore_mem>>) attributes {dimension_semantics = [#tpu.dimension_semantics<core_parallel>, #tpu.dimension_semantics<subcore_parallel>], iteration_bounds = array<i64: 2, 16>, scalar_prefetch = 0 : i64, scratch_operands = 5 : i64, tpu.core_type = #tpu.core_type<sc_vector_subcore>, window_params = [{transform_indices = #map}, {transform_indices = #map1}, {transform_indices = #map2}]} {
    %mul3A = arith.constant 2 : i32
    %mul3A_0 = arith.muli %arg1, %mul3A : i32
    %add3A = arith.addi %mul3A_0, %arg0 : i32
    "tpu.region"() ({
      %run_scoped3A = tpu.sem_alloc : memref<!tpu.dma_semaphore, #tpu.memory_space<semaphore_mem>>
      %dma_start3A_626 = arith.constant 0 : i32
      %dma_start3A_627 = arith.constant 0 : i32
      %dma_start3A_628 = tpu.memref_slice %arg2[%add3A, %dma_start3A_626, %dma_start3A_627] : memref<32x20x128xi32, #tpu.memory_space<hbm>> -> memref<1x20x128xi32, #tpu.memory_space<hbm>>
      %dma_start3A_629 = tpu.memref_squeeze %dma_start3A_628 : memref<1x20x128xi32, #tpu.memory_space<hbm>> -> memref<20x128xi32, #tpu.memory_space<hbm>>
      %dma_start3A_630 = arith.constant 0 : i32
      %dma_start3A_631 = arith.constant 0 : i32
      %dma_start3A_632 = tpu.memref_slice %arg2[%add3A, %dma_start3A_630, %dma_start3A_631] : memref<32x20x128xi32, #tpu.memory_space<hbm>> -> memref<1x20x128xi32, #tpu.memory_space<hbm>>
      %dma_start3A_633 = tpu.memref_squeeze %dma_start3A_632 : memref<1x20x128xi32, #tpu.memory_space<hbm>> -> memref<20x128xi32, #tpu.memory_space<hbm>>
      tpu.enqueue_dma source(%dma_start3A_633 : memref<20x128xi32, #tpu.memory_space<hbm>>) target(%arg5 : memref<20x128xi32, #tpu.memory_space<vmem>>) target_semaphore(%run_scoped3A : memref<!tpu.dma_semaphore, #tpu.memory_space<semaphore_mem>>)
      %dma_wait3A_634 = arith.constant 0 : i32
      %dma_wait3A_635 = arith.constant 0 : i32
      %dma_wait3A_636 = tpu.memref_slice %arg2[%add3A, %dma_wait3A_634, %dma_wait3A_635] : memref<32x20x128xi32, #tpu.memory_space<hbm>> -> memref<1x20x128xi32, #tpu.memory_space<hbm>>
      %dma_wait3A_637 = tpu.memref_squeeze %dma_wait3A_636 : memref<1x20x128xi32, #tpu.memory_space<hbm>> -> memref<20x128xi32, #tpu.memory_space<hbm>>
      %dma_wait3A_638 = arith.constant 0 : i32
      %dma_wait3A_639 = arith.constant 0 : i32
      %dma_wait3A_640 = tpu.memref_slice %arg2[%add3A, %dma_wait3A_638, %dma_wait3A_639] : memref<32x20x128xi32, #tpu.memory_space<hbm>> -> memref<1x20x128xi32, #tpu.memory_space<hbm>>
      %dma_wait3A_641 = tpu.memref_squeeze %dma_wait3A_640 : memref<1x20x128xi32, #tpu.memory_space<hbm>> -> memref<20x128xi32, #tpu.memory_space<hbm>>
      tpu.wait_dma2 semaphore(%run_scoped3A : memref<!tpu.dma_semaphore, #tpu.memory_space<semaphore_mem>>) src(%dma_wait3A_641 : memref<20x128xi32, #tpu.memory_space<hbm>>) dst(%arg5 : memref<20x128xi32, #tpu.memory_space<vmem>>)
      tpu.yield
    }) : () -> ()
    %dma_start3A = arith.constant 0 : i32
    %dma_start3A_1 = arith.constant 0 : i32
    %dma_start3A_2 = arith.constant 0 : i32
    %dma_start3A_3 = arith.constant 0 : i32
    %dma_start3A_4 = tpu.memref_slice %arg6[%dma_start3A_1, %dma_start3A_2, %dma_start3A_3] : memref<2x640x64xf32, #tpu.memory_space<vmem>> -> memref<1x640x64xf32, #tpu.memory_space<vmem>>
    %dma_start3A_5 = tpu.memref_squeeze %dma_start3A_4 : memref<1x640x64xf32, #tpu.memory_space<vmem>> -> memref<640x64xf32, #tpu.memory_space<vmem>>
    %dma_start3A_6 = arith.constant 0 : i32
    %dma_start3A_7 = arith.constant 0 : i32
    %dma_start3A_8 = tpu.memref_slice %dma_start3A_5[%dma_start3A_6, %dma_start3A_7] : memref<640x64xf32, #tpu.memory_space<vmem>> -> memref<128x64xf32, #tpu.memory_space<vmem>>
    %dma_start3A_9 = arith.constant 0 : i32
    %dma_start3A_10 = tpu.memref_slice %arg5[%dma_start3A, %dma_start3A_9] : memref<20x128xi32, #tpu.memory_space<vmem>> -> memref<1x128xi32, #tpu.memory_space<vmem>>
    %dma_start3A_11 = tpu.memref_squeeze %dma_start3A_10 : memref<1x128xi32, #tpu.memory_space<vmem>> -> memref<128xi32, #tpu.memory_space<vmem>>
    %dma_start3A_12 = arith.constant 0 : i32
    %dma_start3A_13 = arith.constant 0 : i32
    %dma_start3A_14 = tpu.memref_slice %arg3[%dma_start3A_12, %dma_start3A_13] : memref<100000x64xf32, #tpu.memory_space<hbm>> -> memref<100000x64xf32, #tpu.memory_space<hbm>>
    tpu.enqueue_indirect_dma source(%dma_start3A_14 : memref<100000x64xf32, #tpu.memory_space<hbm>>) target(%dma_start3A_8 : memref<128x64xf32, #tpu.memory_space<vmem>>) offsets(%dma_start3A_11 : memref<128xi32, #tpu.memory_space<vmem>>) semaphore(%arg8 : memref<!tpu.dma_semaphore, #tpu.memory_space<semaphore_mem>>)
    %dma_start3A_15 = arith.constant 1 : i32
    %dma_start3A_16 = arith.constant 0 : i32
    %dma_start3A_17 = arith.constant 0 : i32
    %dma_start3A_18 = arith.constant 0 : i32
    %dma_start3A_19 = tpu.memref_slice %arg6[%dma_start3A_16, %dma_start3A_17, %dma_start3A_18] : memref<2x640x64xf32, #tpu.memory_space<vmem>> -> memref<1x640x64xf32, #tpu.memory_space<vmem>>
    %dma_start3A_20 = tpu.memref_squeeze %dma_start3A_19 : memref<1x640x64xf32, #tpu.memory_space<vmem>> -> memref<640x64xf32, #tpu.memory_space<vmem>>
    %dma_start3A_21 = arith.constant 128 : i32
    %dma_start3A_22 = arith.constant 0 : i32
    %dma_start3A_23 = tpu.memref_slice %dma_start3A_20[%dma_start3A_21, %dma_start3A_22] : memref<640x64xf32, #tpu.memory_space<vmem>> -> memref<128x64xf32, #tpu.memory_space<vmem>>
    %dma_start3A_24 = arith.constant 0 : i32
    %dma_start3A_25 = tpu.memref_slice %arg5[%dma_start3A_15, %dma_start3A_24] : memref<20x128xi32, #tpu.memory_space<vmem>> -> memref<1x128xi32, #tpu.memory_space<vmem>>
    %dma_start3A_26 = tpu.memref_squeeze %dma_start3A_25 : memref<1x128xi32, #tpu.memory_space<vmem>> -> memref<128xi32, #tpu.memory_space<vmem>>
    %dma_start3A_27 = arith.constant 0 : i32
    %dma_start3A_28 = arith.constant 0 : i32
    %dma_start3A_29 = tpu.memref_slice %arg3[%dma_start3A_27, %dma_start3A_28] : memref<100000x64xf32, #tpu.memory_space<hbm>> -> memref<100000x64xf32, #tpu.memory_space<hbm>>
    tpu.enqueue_indirect_dma source(%dma_start3A_29 : memref<100000x64xf32, #tpu.memory_space<hbm>>) target(%dma_start3A_23 : memref<128x64xf32, #tpu.memory_space<vmem>>) offsets(%dma_start3A_26 : memref<128xi32, #tpu.memory_space<vmem>>) semaphore(%arg8 : memref<!tpu.dma_semaphore, #tpu.memory_space<semaphore_mem>>)
    %dma_start3A_30 = arith.constant 2 : i32
    %dma_start3A_31 = arith.constant 0 : i32
    %dma_start3A_32 = arith.constant 0 : i32
    %dma_start3A_33 = arith.constant 0 : i32
    %dma_start3A_34 = tpu.memref_slice %arg6[%dma_start3A_31, %dma_start3A_32, %dma_start3A_33] : memref<2x640x64xf32, #tpu.memory_space<vmem>> -> memref<1x640x64xf32, #tpu.memory_space<vmem>>
    %dma_start3A_35 = tpu.memref_squeeze %dma_start3A_34 : memref<1x640x64xf32, #tpu.memory_space<vmem>> -> memref<640x64xf32, #tpu.memory_space<vmem>>
    %dma_start3A_36 = arith.constant 256 : i32
    %dma_start3A_37 = arith.constant 0 : i32
    %dma_start3A_38 = tpu.memref_slice %dma_start3A_35[%dma_start3A_36, %dma_start3A_37] : memref<640x64xf32, #tpu.memory_space<vmem>> -> memref<128x64xf32, #tpu.memory_space<vmem>>
    %dma_start3A_39 = arith.constant 0 : i32
    %dma_start3A_40 = tpu.memref_slice %arg5[%dma_start3A_30, %dma_start3A_39] : memref<20x128xi32, #tpu.memory_space<vmem>> -> memref<1x128xi32, #tpu.memory_space<vmem>>
    %dma_start3A_41 = tpu.memref_squeeze %dma_start3A_40 : memref<1x128xi32, #tpu.memory_space<vmem>> -> memref<128xi32, #tpu.memory_space<vmem>>
    %dma_start3A_42 = arith.constant 0 : i32
    %dma_start3A_43 = arith.constant 0 : i32
    %dma_start3A_44 = tpu.memref_slice %arg3[%dma_start3A_42, %dma_start3A_43] : memref<100000x64xf32, #tpu.memory_space<hbm>> -> memref<100000x64xf32, #tpu.memory_space<hbm>>
    tpu.enqueue_indirect_dma source(%dma_start3A_44 : memref<100000x64xf32, #tpu.memory_space<hbm>>) target(%dma_start3A_38 : memref<128x64xf32, #tpu.memory_space<vmem>>) offsets(%dma_start3A_41 : memref<128xi32, #tpu.memory_space<vmem>>) semaphore(%arg8 : memref<!tpu.dma_semaphore, #tpu.memory_space<semaphore_mem>>)
    %dma_start3A_45 = arith.constant 3 : i32
    %dma_start3A_46 = arith.constant 0 : i32
    %dma_start3A_47 = arith.constant 0 : i32
    %dma_start3A_48 = arith.constant 0 : i32
    %dma_start3A_49 = tpu.memref_slice %arg6[%dma_start3A_46, %dma_start3A_47, %dma_start3A_48] : memref<2x640x64xf32, #tpu.memory_space<vmem>> -> memref<1x640x64xf32, #tpu.memory_space<vmem>>
    %dma_start3A_50 = tpu.memref_squeeze %dma_start3A_49 : memref<1x640x64xf32, #tpu.memory_space<vmem>> -> memref<640x64xf32, #tpu.memory_space<vmem>>
    %dma_start3A_51 = arith.constant 384 : i32
    %dma_start3A_52 = arith.constant 0 : i32
    %dma_start3A_53 = tpu.memref_slice %dma_start3A_50[%dma_start3A_51, %dma_start3A_52] : memref<640x64xf32, #tpu.memory_space<vmem>> -> memref<128x64xf32, #tpu.memory_space<vmem>>
    %dma_start3A_54 = arith.constant 0 : i32
    %dma_start3A_55 = tpu.memref_slice %arg5[%dma_start3A_45, %dma_start3A_54] : memref<20x128xi32, #tpu.memory_space<vmem>> -> memref<1x128xi32, #tpu.memory_space<vmem>>
    %dma_start3A_56 = tpu.memref_squeeze %dma_start3A_55 : memref<1x128xi32, #tpu.memory_space<vmem>> -> memref<128xi32, #tpu.memory_space<vmem>>
    %dma_start3A_57 = arith.constant 0 : i32
    %dma_start3A_58 = arith.constant 0 : i32
    %dma_start3A_59 = tpu.memref_slice %arg3[%dma_start3A_57, %dma_start3A_58] : memref<100000x64xf32, #tpu.memory_space<hbm>> -> memref<100000x64xf32, #tpu.memory_space<hbm>>
    tpu.enqueue_indirect_dma source(%dma_start3A_59 : memref<100000x64xf32, #tpu.memory_space<hbm>>) target(%dma_start3A_53 : memref<128x64xf32, #tpu.memory_space<vmem>>) offsets(%dma_start3A_56 : memref<128xi32, #tpu.memory_space<vmem>>) semaphore(%arg8 : memref<!tpu.dma_semaphore, #tpu.memory_space<semaphore_mem>>)
    %dma_start3A_60 = arith.constant 4 : i32
    %dma_start3A_61 = arith.constant 0 : i32
    %dma_start3A_62 = arith.constant 0 : i32
    %dma_start3A_63 = arith.constant 0 : i32
    %dma_start3A_64 = tpu.memref_slice %arg6[%dma_start3A_61, %dma_start3A_62, %dma_start3A_63] : memref<2x640x64xf32, #tpu.memory_space<vmem>> -> memref<1x640x64xf32, #tpu.memory_space<vmem>>
    %dma_start3A_65 = tpu.memref_squeeze %dma_start3A_64 : memref<1x640x64xf32, #tpu.memory_space<vmem>> -> memref<640x64xf32, #tpu.memory_space<vmem>>
    %dma_start3A_66 = arith.constant 512 : i32
    %dma_start3A_67 = arith.constant 0 : i32
    %dma_start3A_68 = tpu.memref_slice %dma_start3A_65[%dma_start3A_66, %dma_start3A_67] : memref<640x64xf32, #tpu.memory_space<vmem>> -> memref<128x64xf32, #tpu.memory_space<vmem>>
    %dma_start3A_69 = arith.constant 0 : i32
    %dma_start3A_70 = tpu.memref_slice %arg5[%dma_start3A_60, %dma_start3A_69] : memref<20x128xi32, #tpu.memory_space<vmem>> -> memref<1x128xi32, #tpu.memory_space<vmem>>
    %dma_start3A_71 = tpu.memref_squeeze %dma_start3A_70 : memref<1x128xi32, #tpu.memory_space<vmem>> -> memref<128xi32, #tpu.memory_space<vmem>>
    %dma_start3A_72 = arith.constant 0 : i32
    %dma_start3A_73 = arith.constant 0 : i32
    %dma_start3A_74 = tpu.memref_slice %arg3[%dma_start3A_72, %dma_start3A_73] : memref<100000x64xf32, #tpu.memory_space<hbm>> -> memref<100000x64xf32, #tpu.memory_space<hbm>>
    tpu.enqueue_indirect_dma source(%dma_start3A_74 : memref<100000x64xf32, #tpu.memory_space<hbm>>) target(%dma_start3A_68 : memref<128x64xf32, #tpu.memory_space<vmem>>) offsets(%dma_start3A_71 : memref<128xi32, #tpu.memory_space<vmem>>) semaphore(%arg8 : memref<!tpu.dma_semaphore, #tpu.memory_space<semaphore_mem>>)
    %dma_wait3A = arith.constant 0 : i32
    %dma_wait3A_75 = arith.constant 0 : i32
    %dma_wait3A_76 = arith.constant 0 : i32
    %dma_wait3A_77 = arith.constant 0 : i32
    %dma_wait3A_78 = tpu.memref_slice %arg6[%dma_wait3A_75, %dma_wait3A_76, %dma_wait3A_77] : memref<2x640x64xf32, #tpu.memory_space<vmem>> -> memref<1x640x64xf32, #tpu.memory_space<vmem>>
    %dma_wait3A_79 = tpu.memref_squeeze %dma_wait3A_78 : memref<1x640x64xf32, #tpu.memory_space<vmem>> -> memref<640x64xf32, #tpu.memory_space<vmem>>
    %dma_wait3A_80 = arith.constant 0 : i32
    %dma_wait3A_81 = arith.constant 0 : i32
    %dma_wait3A_82 = tpu.memref_slice %dma_wait3A_79[%dma_wait3A_80, %dma_wait3A_81] : memref<640x64xf32, #tpu.memory_space<vmem>> -> memref<128x64xf32, #tpu.memory_space<vmem>>
    %dma_wait3A_83 = arith.constant 0 : i32
    %dma_wait3A_84 = tpu.memref_slice %arg5[%dma_wait3A, %dma_wait3A_83] : memref<20x128xi32, #tpu.memory_space<vmem>> -> memref<1x128xi32, #tpu.memory_space<vmem>>
    %dma_wait3A_85 = tpu.memref_squeeze %dma_wait3A_84 : memref<1x128xi32, #tpu.memory_space<vmem>> -> memref<128xi32, #tpu.memory_space<vmem>>
    %dma_wait3A_86 = arith.constant 0 : i32
    %dma_wait3A_87 = arith.constant 0 : i32
    %dma_wait3A_88 = tpu.memref_slice %arg3[%dma_wait3A_86, %dma_wait3A_87] : memref<100000x64xf32, #tpu.memory_space<hbm>> -> memref<100000x64xf32, #tpu.memory_space<hbm>>
    tpu.wait_indirect_dma semaphore(%arg8 : memref<!tpu.dma_semaphore, #tpu.memory_space<semaphore_mem>>) src(%dma_wait3A_88 : memref<100000x64xf32, #tpu.memory_space<hbm>>) dst(%dma_wait3A_82 : memref<128x64xf32, #tpu.memory_space<vmem>>)
    %dma_wait3A_89 = arith.constant 1 : i32
    %dma_wait3A_90 = arith.constant 0 : i32
    %dma_wait3A_91 = arith.constant 0 : i32
    %dma_wait3A_92 = arith.constant 0 : i32
    %dma_wait3A_93 = tpu.memref_slice %arg6[%dma_wait3A_90, %dma_wait3A_91, %dma_wait3A_92] : memref<2x640x64xf32, #tpu.memory_space<vmem>> -> memref<1x640x64xf32, #tpu.memory_space<vmem>>
    %dma_wait3A_94 = tpu.memref_squeeze %dma_wait3A_93 : memref<1x640x64xf32, #tpu.memory_space<vmem>> -> memref<640x64xf32, #tpu.memory_space<vmem>>
    %dma_wait3A_95 = arith.constant 128 : i32
    %dma_wait3A_96 = arith.constant 0 : i32
    %dma_wait3A_97 = tpu.memref_slice %dma_wait3A_94[%dma_wait3A_95, %dma_wait3A_96] : memref<640x64xf32, #tpu.memory_space<vmem>> -> memref<128x64xf32, #tpu.memory_space<vmem>>
    %dma_wait3A_98 = arith.constant 0 : i32
    %dma_wait3A_99 = tpu.memref_slice %arg5[%dma_wait3A_89, %dma_wait3A_98] : memref<20x128xi32, #tpu.memory_space<vmem>> -> memref<1x128xi32, #tpu.memory_space<vmem>>
    %dma_wait3A_100 = tpu.memref_squeeze %dma_wait3A_99 : memref<1x128xi32, #tpu.memory_space<vmem>> -> memref<128xi32, #tpu.memory_space<vmem>>
    %dma_wait3A_101 = arith.constant 0 : i32
    %dma_wait3A_102 = arith.constant 0 : i32
    %dma_wait3A_103 = tpu.memref_slice %arg3[%dma_wait3A_101, %dma_wait3A_102] : memref<100000x64xf32, #tpu.memory_space<hbm>> -> memref<100000x64xf32, #tpu.memory_space<hbm>>
    tpu.wait_indirect_dma semaphore(%arg8 : memref<!tpu.dma_semaphore, #tpu.memory_space<semaphore_mem>>) src(%dma_wait3A_103 : memref<100000x64xf32, #tpu.memory_space<hbm>>) dst(%dma_wait3A_97 : memref<128x64xf32, #tpu.memory_space<vmem>>)
    %dma_wait3A_104 = arith.constant 2 : i32
    %dma_wait3A_105 = arith.constant 0 : i32
    %dma_wait3A_106 = arith.constant 0 : i32
    %dma_wait3A_107 = arith.constant 0 : i32
    %dma_wait3A_108 = tpu.memref_slice %arg6[%dma_wait3A_105, %dma_wait3A_106, %dma_wait3A_107] : memref<2x640x64xf32, #tpu.memory_space<vmem>> -> memref<1x640x64xf32, #tpu.memory_space<vmem>>
    %dma_wait3A_109 = tpu.memref_squeeze %dma_wait3A_108 : memref<1x640x64xf32, #tpu.memory_space<vmem>> -> memref<640x64xf32, #tpu.memory_space<vmem>>
    %dma_wait3A_110 = arith.constant 256 : i32
    %dma_wait3A_111 = arith.constant 0 : i32
    %dma_wait3A_112 = tpu.memref_slice %dma_wait3A_109[%dma_wait3A_110, %dma_wait3A_111] : memref<640x64xf32, #tpu.memory_space<vmem>> -> memref<128x64xf32, #tpu.memory_space<vmem>>
    %dma_wait3A_113 = arith.constant 0 : i32
    %dma_wait3A_114 = tpu.memref_slice %arg5[%dma_wait3A_104, %dma_wait3A_113] : memref<20x128xi32, #tpu.memory_space<vmem>> -> memref<1x128xi32, #tpu.memory_space<vmem>>
    %dma_wait3A_115 = tpu.memref_squeeze %dma_wait3A_114 : memref<1x128xi32, #tpu.memory_space<vmem>> -> memref<128xi32, #tpu.memory_space<vmem>>
    %dma_wait3A_116 = arith.constant 0 : i32
    %dma_wait3A_117 = arith.constant 0 : i32
    %dma_wait3A_118 = tpu.memref_slice %arg3[%dma_wait3A_116, %dma_wait3A_117] : memref<100000x64xf32, #tpu.memory_space<hbm>> -> memref<100000x64xf32, #tpu.memory_space<hbm>>
    tpu.wait_indirect_dma semaphore(%arg8 : memref<!tpu.dma_semaphore, #tpu.memory_space<semaphore_mem>>) src(%dma_wait3A_118 : memref<100000x64xf32, #tpu.memory_space<hbm>>) dst(%dma_wait3A_112 : memref<128x64xf32, #tpu.memory_space<vmem>>)
    %dma_wait3A_119 = arith.constant 3 : i32
    %dma_wait3A_120 = arith.constant 0 : i32
    %dma_wait3A_121 = arith.constant 0 : i32
    %dma_wait3A_122 = arith.constant 0 : i32
    %dma_wait3A_123 = tpu.memref_slice %arg6[%dma_wait3A_120, %dma_wait3A_121, %dma_wait3A_122] : memref<2x640x64xf32, #tpu.memory_space<vmem>> -> memref<1x640x64xf32, #tpu.memory_space<vmem>>
    %dma_wait3A_124 = tpu.memref_squeeze %dma_wait3A_123 : memref<1x640x64xf32, #tpu.memory_space<vmem>> -> memref<640x64xf32, #tpu.memory_space<vmem>>
    %dma_wait3A_125 = arith.constant 384 : i32
    %dma_wait3A_126 = arith.constant 0 : i32
    %dma_wait3A_127 = tpu.memref_slice %dma_wait3A_124[%dma_wait3A_125, %dma_wait3A_126] : memref<640x64xf32, #tpu.memory_space<vmem>> -> memref<128x64xf32, #tpu.memory_space<vmem>>
    %dma_wait3A_128 = arith.constant 0 : i32
    %dma_wait3A_129 = tpu.memref_slice %arg5[%dma_wait3A_119, %dma_wait3A_128] : memref<20x128xi32, #tpu.memory_space<vmem>> -> memref<1x128xi32, #tpu.memory_space<vmem>>
    %dma_wait3A_130 = tpu.memref_squeeze %dma_wait3A_129 : memref<1x128xi32, #tpu.memory_space<vmem>> -> memref<128xi32, #tpu.memory_space<vmem>>
    %dma_wait3A_131 = arith.constant 0 : i32
    %dma_wait3A_132 = arith.constant 0 : i32
    %dma_wait3A_133 = tpu.memref_slice %arg3[%dma_wait3A_131, %dma_wait3A_132] : memref<100000x64xf32, #tpu.memory_space<hbm>> -> memref<100000x64xf32, #tpu.memory_space<hbm>>
    tpu.wait_indirect_dma semaphore(%arg8 : memref<!tpu.dma_semaphore, #tpu.memory_space<semaphore_mem>>) src(%dma_wait3A_133 : memref<100000x64xf32, #tpu.memory_space<hbm>>) dst(%dma_wait3A_127 : memref<128x64xf32, #tpu.memory_space<vmem>>)
    %dma_wait3A_134 = arith.constant 4 : i32
    %dma_wait3A_135 = arith.constant 0 : i32
    %dma_wait3A_136 = arith.constant 0 : i32
    %dma_wait3A_137 = arith.constant 0 : i32
    %dma_wait3A_138 = tpu.memref_slice %arg6[%dma_wait3A_135, %dma_wait3A_136, %dma_wait3A_137] : memref<2x640x64xf32, #tpu.memory_space<vmem>> -> memref<1x640x64xf32, #tpu.memory_space<vmem>>
    %dma_wait3A_139 = tpu.memref_squeeze %dma_wait3A_138 : memref<1x640x64xf32, #tpu.memory_space<vmem>> -> memref<640x64xf32, #tpu.memory_space<vmem>>
    %dma_wait3A_140 = arith.constant 512 : i32
    %dma_wait3A_141 = arith.constant 0 : i32
    %dma_wait3A_142 = tpu.memref_slice %dma_wait3A_139[%dma_wait3A_140, %dma_wait3A_141] : memref<640x64xf32, #tpu.memory_space<vmem>> -> memref<128x64xf32, #tpu.memory_space<vmem>>
    %dma_wait3A_143 = arith.constant 0 : i32
    %dma_wait3A_144 = tpu.memref_slice %arg5[%dma_wait3A_134, %dma_wait3A_143] : memref<20x128xi32, #tpu.memory_space<vmem>> -> memref<1x128xi32, #tpu.memory_space<vmem>>
    %dma_wait3A_145 = tpu.memref_squeeze %dma_wait3A_144 : memref<1x128xi32, #tpu.memory_space<vmem>> -> memref<128xi32, #tpu.memory_space<vmem>>
    %dma_wait3A_146 = arith.constant 0 : i32
    %dma_wait3A_147 = arith.constant 0 : i32
    %dma_wait3A_148 = tpu.memref_slice %arg3[%dma_wait3A_146, %dma_wait3A_147] : memref<100000x64xf32, #tpu.memory_space<hbm>> -> memref<100000x64xf32, #tpu.memory_space<hbm>>
    tpu.wait_indirect_dma semaphore(%arg8 : memref<!tpu.dma_semaphore, #tpu.memory_space<semaphore_mem>>) src(%dma_wait3A_148 : memref<100000x64xf32, #tpu.memory_space<hbm>>) dst(%dma_wait3A_142 : memref<128x64xf32, #tpu.memory_space<vmem>>)
    %dma_start3A_149 = arith.constant 5 : i32
    %dma_start3A_150 = arith.constant 1 : i32
    %dma_start3A_151 = arith.constant 0 : i32
    %dma_start3A_152 = arith.constant 0 : i32
    %dma_start3A_153 = tpu.memref_slice %arg6[%dma_start3A_150, %dma_start3A_151, %dma_start3A_152] : memref<2x640x64xf32, #tpu.memory_space<vmem>> -> memref<1x640x64xf32, #tpu.memory_space<vmem>>
    %dma_start3A_154 = tpu.memref_squeeze %dma_start3A_153 : memref<1x640x64xf32, #tpu.memory_space<vmem>> -> memref<640x64xf32, #tpu.memory_space<vmem>>
    %dma_start3A_155 = arith.constant 0 : i32
    %dma_start3A_156 = arith.constant 0 : i32
    %dma_start3A_157 = tpu.memref_slice %dma_start3A_154[%dma_start3A_155, %dma_start3A_156] : memref<640x64xf32, #tpu.memory_space<vmem>> -> memref<128x64xf32, #tpu.memory_space<vmem>>
    %dma_start3A_158 = arith.constant 0 : i32
    %dma_start3A_159 = tpu.memref_slice %arg5[%dma_start3A_149, %dma_start3A_158] : memref<20x128xi32, #tpu.memory_space<vmem>> -> memref<1x128xi32, #tpu.memory_space<vmem>>
    %dma_start3A_160 = tpu.memref_squeeze %dma_start3A_159 : memref<1x128xi32, #tpu.memory_space<vmem>> -> memref<128xi32, #tpu.memory_space<vmem>>
    %dma_start3A_161 = arith.constant 0 : i32
    %dma_start3A_162 = arith.constant 0 : i32
    %dma_start3A_163 = tpu.memref_slice %arg3[%dma_start3A_161, %dma_start3A_162] : memref<100000x64xf32, #tpu.memory_space<hbm>> -> memref<100000x64xf32, #tpu.memory_space<hbm>>
    tpu.enqueue_indirect_dma source(%dma_start3A_163 : memref<100000x64xf32, #tpu.memory_space<hbm>>) target(%dma_start3A_157 : memref<128x64xf32, #tpu.memory_space<vmem>>) offsets(%dma_start3A_160 : memref<128xi32, #tpu.memory_space<vmem>>) semaphore(%arg9 : memref<!tpu.dma_semaphore, #tpu.memory_space<semaphore_mem>>)
    %dma_start3A_164 = arith.constant 6 : i32
    %dma_start3A_165 = arith.constant 1 : i32
    %dma_start3A_166 = arith.constant 0 : i32
    %dma_start3A_167 = arith.constant 0 : i32
    %dma_start3A_168 = tpu.memref_slice %arg6[%dma_start3A_165, %dma_start3A_166, %dma_start3A_167] : memref<2x640x64xf32, #tpu.memory_space<vmem>> -> memref<1x640x64xf32, #tpu.memory_space<vmem>>
    %dma_start3A_169 = tpu.memref_squeeze %dma_start3A_168 : memref<1x640x64xf32, #tpu.memory_space<vmem>> -> memref<640x64xf32, #tpu.memory_space<vmem>>
    %dma_start3A_170 = arith.constant 128 : i32
    %dma_start3A_171 = arith.constant 0 : i32
    %dma_start3A_172 = tpu.memref_slice %dma_start3A_169[%dma_start3A_170, %dma_start3A_171] : memref<640x64xf32, #tpu.memory_space<vmem>> -> memref<128x64xf32, #tpu.memory_space<vmem>>
    %dma_start3A_173 = arith.constant 0 : i32
    %dma_start3A_174 = tpu.memref_slice %arg5[%dma_start3A_164, %dma_start3A_173] : memref<20x128xi32, #tpu.memory_space<vmem>> -> memref<1x128xi32, #tpu.memory_space<vmem>>
    %dma_start3A_175 = tpu.memref_squeeze %dma_start3A_174 : memref<1x128xi32, #tpu.memory_space<vmem>> -> memref<128xi32, #tpu.memory_space<vmem>>
    %dma_start3A_176 = arith.constant 0 : i32
    %dma_start3A_177 = arith.constant 0 : i32
    %dma_start3A_178 = tpu.memref_slice %arg3[%dma_start3A_176, %dma_start3A_177] : memref<100000x64xf32, #tpu.memory_space<hbm>> -> memref<100000x64xf32, #tpu.memory_space<hbm>>
    tpu.enqueue_indirect_dma source(%dma_start3A_178 : memref<100000x64xf32, #tpu.memory_space<hbm>>) target(%dma_start3A_172 : memref<128x64xf32, #tpu.memory_space<vmem>>) offsets(%dma_start3A_175 : memref<128xi32, #tpu.memory_space<vmem>>) semaphore(%arg9 : memref<!tpu.dma_semaphore, #tpu.memory_space<semaphore_mem>>)
    %dma_start3A_179 = arith.constant 7 : i32
    %dma_start3A_180 = arith.constant 1 : i32
    %dma_start3A_181 = arith.constant 0 : i32
    %dma_start3A_182 = arith.constant 0 : i32
    %dma_start3A_183 = tpu.memref_slice %arg6[%dma_start3A_180, %dma_start3A_181, %dma_start3A_182] : memref<2x640x64xf32, #tpu.memory_space<vmem>> -> memref<1x640x64xf32, #tpu.memory_space<vmem>>
    %dma_start3A_184 = tpu.memref_squeeze %dma_start3A_183 : memref<1x640x64xf32, #tpu.memory_space<vmem>> -> memref<640x64xf32, #tpu.memory_space<vmem>>
    %dma_start3A_185 = arith.constant 256 : i32
    %dma_start3A_186 = arith.constant 0 : i32
    %dma_start3A_187 = tpu.memref_slice %dma_start3A_184[%dma_start3A_185, %dma_start3A_186] : memref<640x64xf32, #tpu.memory_space<vmem>> -> memref<128x64xf32, #tpu.memory_space<vmem>>
    %dma_start3A_188 = arith.constant 0 : i32
    %dma_start3A_189 = tpu.memref_slice %arg5[%dma_start3A_179, %dma_start3A_188] : memref<20x128xi32, #tpu.memory_space<vmem>> -> memref<1x128xi32, #tpu.memory_space<vmem>>
    %dma_start3A_190 = tpu.memref_squeeze %dma_start3A_189 : memref<1x128xi32, #tpu.memory_space<vmem>> -> memref<128xi32, #tpu.memory_space<vmem>>
    %dma_start3A_191 = arith.constant 0 : i32
    %dma_start3A_192 = arith.constant 0 : i32
    %dma_start3A_193 = tpu.memref_slice %arg3[%dma_start3A_191, %dma_start3A_192] : memref<100000x64xf32, #tpu.memory_space<hbm>> -> memref<100000x64xf32, #tpu.memory_space<hbm>>
    tpu.enqueue_indirect_dma source(%dma_start3A_193 : memref<100000x64xf32, #tpu.memory_space<hbm>>) target(%dma_start3A_187 : memref<128x64xf32, #tpu.memory_space<vmem>>) offsets(%dma_start3A_190 : memref<128xi32, #tpu.memory_space<vmem>>) semaphore(%arg9 : memref<!tpu.dma_semaphore, #tpu.memory_space<semaphore_mem>>)
    %dma_start3A_194 = arith.constant 8 : i32
    %dma_start3A_195 = arith.constant 1 : i32
    %dma_start3A_196 = arith.constant 0 : i32
    %dma_start3A_197 = arith.constant 0 : i32
    %dma_start3A_198 = tpu.memref_slice %arg6[%dma_start3A_195, %dma_start3A_196, %dma_start3A_197] : memref<2x640x64xf32, #tpu.memory_space<vmem>> -> memref<1x640x64xf32, #tpu.memory_space<vmem>>
    %dma_start3A_199 = tpu.memref_squeeze %dma_start3A_198 : memref<1x640x64xf32, #tpu.memory_space<vmem>> -> memref<640x64xf32, #tpu.memory_space<vmem>>
    %dma_start3A_200 = arith.constant 384 : i32
    %dma_start3A_201 = arith.constant 0 : i32
    %dma_start3A_202 = tpu.memref_slice %dma_start3A_199[%dma_start3A_200, %dma_start3A_201] : memref<640x64xf32, #tpu.memory_space<vmem>> -> memref<128x64xf32, #tpu.memory_space<vmem>>
    %dma_start3A_203 = arith.constant 0 : i32
    %dma_start3A_204 = tpu.memref_slice %arg5[%dma_start3A_194, %dma_start3A_203] : memref<20x128xi32, #tpu.memory_space<vmem>> -> memref<1x128xi32, #tpu.memory_space<vmem>>
    %dma_start3A_205 = tpu.memref_squeeze %dma_start3A_204 : memref<1x128xi32, #tpu.memory_space<vmem>> -> memref<128xi32, #tpu.memory_space<vmem>>
    %dma_start3A_206 = arith.constant 0 : i32
    %dma_start3A_207 = arith.constant 0 : i32
    %dma_start3A_208 = tpu.memref_slice %arg3[%dma_start3A_206, %dma_start3A_207] : memref<100000x64xf32, #tpu.memory_space<hbm>> -> memref<100000x64xf32, #tpu.memory_space<hbm>>
    tpu.enqueue_indirect_dma source(%dma_start3A_208 : memref<100000x64xf32, #tpu.memory_space<hbm>>) target(%dma_start3A_202 : memref<128x64xf32, #tpu.memory_space<vmem>>) offsets(%dma_start3A_205 : memref<128xi32, #tpu.memory_space<vmem>>) semaphore(%arg9 : memref<!tpu.dma_semaphore, #tpu.memory_space<semaphore_mem>>)
    %dma_start3A_209 = arith.constant 9 : i32
    %dma_start3A_210 = arith.constant 1 : i32
    %dma_start3A_211 = arith.constant 0 : i32
    %dma_start3A_212 = arith.constant 0 : i32
    %dma_start3A_213 = tpu.memref_slice %arg6[%dma_start3A_210, %dma_start3A_211, %dma_start3A_212] : memref<2x640x64xf32, #tpu.memory_space<vmem>> -> memref<1x640x64xf32, #tpu.memory_space<vmem>>
    %dma_start3A_214 = tpu.memref_squeeze %dma_start3A_213 : memref<1x640x64xf32, #tpu.memory_space<vmem>> -> memref<640x64xf32, #tpu.memory_space<vmem>>
    %dma_start3A_215 = arith.constant 512 : i32
    %dma_start3A_216 = arith.constant 0 : i32
    %dma_start3A_217 = tpu.memref_slice %dma_start3A_214[%dma_start3A_215, %dma_start3A_216] : memref<640x64xf32, #tpu.memory_space<vmem>> -> memref<128x64xf32, #tpu.memory_space<vmem>>
    %dma_start3A_218 = arith.constant 0 : i32
    %dma_start3A_219 = tpu.memref_slice %arg5[%dma_start3A_209, %dma_start3A_218] : memref<20x128xi32, #tpu.memory_space<vmem>> -> memref<1x128xi32, #tpu.memory_space<vmem>>
    %dma_start3A_220 = tpu.memref_squeeze %dma_start3A_219 : memref<1x128xi32, #tpu.memory_space<vmem>> -> memref<128xi32, #tpu.memory_space<vmem>>
    %dma_start3A_221 = arith.constant 0 : i32
    %dma_start3A_222 = arith.constant 0 : i32
    %dma_start3A_223 = tpu.memref_slice %arg3[%dma_start3A_221, %dma_start3A_222] : memref<100000x64xf32, #tpu.memory_space<hbm>> -> memref<100000x64xf32, #tpu.memory_space<hbm>>
    tpu.enqueue_indirect_dma source(%dma_start3A_223 : memref<100000x64xf32, #tpu.memory_space<hbm>>) target(%dma_start3A_217 : memref<128x64xf32, #tpu.memory_space<vmem>>) offsets(%dma_start3A_220 : memref<128xi32, #tpu.memory_space<vmem>>) semaphore(%arg9 : memref<!tpu.dma_semaphore, #tpu.memory_space<semaphore_mem>>)
    %scan3A = arith.constant 0 : i32
    %scan3A_224 = arith.constant 0 : i32
    %scan3A_225 = arith.constant 32 : i32
    %scan3A_226 = arith.addi %scan3A_224, %scan3A_225 : i32
    %scan3A_227 = arith.constant 1 : i32
    scf.for %scan3A_626 = %scan3A_224 to %scan3A_226 step %scan3A_227  : i32 {
      %mul3A_627 = arith.constant 20 : i32
      %mul3A_628 = arith.muli %scan3A_626, %mul3A_627 : i32
      %get3A = arith.constant 0 : i32
      %get3A_629 = arith.index_cast %get3A : i32 to index
      %get3A_630 = arith.index_cast %mul3A_628 : i32 to index
      %get3A_631 = arith.constant 0 : index
      %get3A_632 = tpu.vector_load %arg6[%get3A_629, %get3A_630, %get3A_631] {strides = array<i32>} : memref<2x640x64xf32, #tpu.memory_space<vmem>>, vector<1x1x16xf32>,
      %get3A_633 = vector.shape_cast %get3A_632 : vector<1x1x16xf32> to vector<16xf32>
      %add3A_634 = arith.constant 1 : i32
      %add3A_635 = arith.addi %mul3A_628, %add3A_634 : i32
      %get3A_636 = arith.constant 0 : i32
      %get3A_637 = arith.index_cast %get3A_636 : i32 to index
      %get3A_638 = arith.index_cast %add3A_635 : i32 to index
      %get3A_639 = arith.constant 0 : index
      %get3A_640 = tpu.vector_load %arg6[%get3A_637, %get3A_638, %get3A_639] {strides = array<i32>} : memref<2x640x64xf32, #tpu.memory_space<vmem>>, vector<1x1x16xf32>,
      %get3A_641 = vector.shape_cast %get3A_640 : vector<1x1x16xf32> to vector<16xf32>
      %add3A_642 = arith.addf %get3A_633, %get3A_641 : vector<16xf32>
      %add3A_643 = arith.constant 2 : i32
      %add3A_644 = arith.addi %mul3A_628, %add3A_643 : i32
      %get3A_645 = arith.constant 0 : i32
      %get3A_646 = arith.index_cast %get3A_645 : i32 to index
      %get3A_647 = arith.index_cast %add3A_644 : i32 to index
      %get3A_648 = arith.constant 0 : index
      %get3A_649 = tpu.vector_load %arg6[%get3A_646, %get3A_647, %get3A_648] {strides = array<i32>} : memref<2x640x64xf32, #tpu.memory_space<vmem>>, vector<1x1x16xf32>,
      %get3A_650 = vector.shape_cast %get3A_649 : vector<1x1x16xf32> to vector<16xf32>
      %add3A_651 = arith.addf %add3A_642, %get3A_650 : vector<16xf32>
      %add3A_652 = arith.constant 3 : i32
      %add3A_653 = arith.addi %mul3A_628, %add3A_652 : i32
      %get3A_654 = arith.constant 0 : i32
      %get3A_655 = arith.index_cast %get3A_654 : i32 to index
      %get3A_656 = arith.index_cast %add3A_653 : i32 to index
      %get3A_657 = arith.constant 0 : index
      %get3A_658 = tpu.vector_load %arg6[%get3A_655, %get3A_656, %get3A_657] {strides = array<i32>} : memref<2x640x64xf32, #tpu.memory_space<vmem>>, vector<1x1x16xf32>,
      %get3A_659 = vector.shape_cast %get3A_658 : vector<1x1x16xf32> to vector<16xf32>
      %add3A_660 = arith.addf %add3A_651, %get3A_659 : vector<16xf32>
      %add3A_661 = arith.constant 4 : i32
      %add3A_662 = arith.addi %mul3A_628, %add3A_661 : i32
      %get3A_663 = arith.constant 0 : i32
      %get3A_664 = arith.index_cast %get3A_663 : i32 to index
      %get3A_665 = arith.index_cast %add3A_662 : i32 to index
      %get3A_666 = arith.constant 0 : index
      %get3A_667 = tpu.vector_load %arg6[%get3A_664, %get3A_665, %get3A_666] {strides = array<i32>} : memref<2x640x64xf32, #tpu.memory_space<vmem>>, vector<1x1x16xf32>,
      %get3A_668 = vector.shape_cast %get3A_667 : vector<1x1x16xf32> to vector<16xf32>
      %add3A_669 = arith.addf %add3A_660, %get3A_668 : vector<16xf32>
      %add3A_670 = arith.constant 5 : i32
      %add3A_671 = arith.addi %mul3A_628, %add3A_670 : i32
      %get3A_672 = arith.constant 0 : i32
      %get3A_673 = arith.index_cast %get3A_672 : i32 to index
      %get3A_674 = arith.index_cast %add3A_671 : i32 to index
      %get3A_675 = arith.constant 0 : index
      %get3A_676 = tpu.vector_load %arg6[%get3A_673, %get3A_674, %get3A_675] {strides = array<i32>} : memref<2x640x64xf32, #tpu.memory_space<vmem>>, vector<1x1x16xf32>,
      %get3A_677 = vector.shape_cast %get3A_676 : vector<1x1x16xf32> to vector<16xf32>
      %add3A_678 = arith.addf %add3A_669, %get3A_677 : vector<16xf32>
      %add3A_679 = arith.constant 6 : i32
      %add3A_680 = arith.addi %mul3A_628, %add3A_679 : i32
      %get3A_681 = arith.constant 0 : i32
      %get3A_682 = arith.index_cast %get3A_681 : i32 to index
      %get3A_683 = arith.index_cast %add3A_680 : i32 to index
      %get3A_684 = arith.constant 0 : index
      %get3A_685 = tpu.vector_load %arg6[%get3A_682, %get3A_683, %get3A_684] {strides = array<i32>} : memref<2x640x64xf32, #tpu.memory_space<vmem>>, vector<1x1x16xf32>,
      %get3A_686 = vector.shape_cast %get3A_685 : vector<1x1x16xf32> to vector<16xf32>
      %add3A_687 = arith.addf %add3A_678, %get3A_686 : vector<16xf32>
      %add3A_688 = arith.constant 7 : i32
      %add3A_689 = arith.addi %mul3A_628, %add3A_688 : i32
      %get3A_690 = arith.constant 0 : i32
      %get3A_691 = arith.index_cast %get3A_690 : i32 to index
      %get3A_692 = arith.index_cast %add3A_689 : i32 to index
      %get3A_693 = arith.constant 0 : index
      %get3A_694 = tpu.vector_load %arg6[%get3A_691, %get3A_692, %get3A_693] {strides = array<i32>} : memref<2x640x64xf32, #tpu.memory_space<vmem>>, vector<1x1x16xf32>,
      %get3A_695 = vector.shape_cast %get3A_694 : vector<1x1x16xf32> to vector<16xf32>
      %add3A_696 = arith.addf %add3A_687, %get3A_695 : vector<16xf32>
      %add3A_697 = arith.constant 8 : i32
      %add3A_698 = arith.addi %mul3A_628, %add3A_697 : i32
      %get3A_699 = arith.constant 0 : i32
      %get3A_700 = arith.index_cast %get3A_699 : i32 to index
      %get3A_701 = arith.index_cast %add3A_698 : i32 to index
      %get3A_702 = arith.constant 0 : index
      %get3A_703 = tpu.vector_load %arg6[%get3A_700, %get3A_701, %get3A_702] {strides = array<i32>} : memref<2x640x64xf32, #tpu.memory_space<vmem>>, vector<1x1x16xf32>,
      %get3A_704 = vector.shape_cast %get3A_703 : vector<1x1x16xf32> to vector<16xf32>
      %add3A_705 = arith.addf %add3A_696, %get3A_704 : vector<16xf32>
      %add3A_706 = arith.constant 9 : i32
      %add3A_707 = arith.addi %mul3A_628, %add3A_706 : i32
      %get3A_708 = arith.constant 0 : i32
      %get3A_709 = arith.index_cast %get3A_708 : i32 to index
      %get3A_710 = arith.index_cast %add3A_707 : i32 to index
      %get3A_711 = arith.constant 0 : index
      %get3A_712 = tpu.vector_load %arg6[%get3A_709, %get3A_710, %get3A_711] {strides = array<i32>} : memref<2x640x64xf32, #tpu.memory_space<vmem>>, vector<1x1x16xf32>,
      %get3A_713 = vector.shape_cast %get3A_712 : vector<1x1x16xf32> to vector<16xf32>
      %add3A_714 = arith.addf %add3A_705, %get3A_713 : vector<16xf32>
      %add3A_715 = arith.constant 10 : i32
      %add3A_716 = arith.addi %mul3A_628, %add3A_715 : i32
      %get3A_717 = arith.constant 0 : i32
      %get3A_718 = arith.index_cast %get3A_717 : i32 to index
      %get3A_719 = arith.index_cast %add3A_716 : i32 to index
      %get3A_720 = arith.constant 0 : index
      %get3A_721 = tpu.vector_load %arg6[%get3A_718, %get3A_719, %get3A_720] {strides = array<i32>} : memref<2x640x64xf32, #tpu.memory_space<vmem>>, vector<1x1x16xf32>,
      %get3A_722 = vector.shape_cast %get3A_721 : vector<1x1x16xf32> to vector<16xf32>
      %add3A_723 = arith.addf %add3A_714, %get3A_722 : vector<16xf32>
      %add3A_724 = arith.constant 11 : i32
      %add3A_725 = arith.addi %mul3A_628, %add3A_724 : i32
      %get3A_726 = arith.constant 0 : i32
      %get3A_727 = arith.index_cast %get3A_726 : i32 to index
      %get3A_728 = arith.index_cast %add3A_725 : i32 to index
      %get3A_729 = arith.constant 0 : index
      %get3A_730 = tpu.vector_load %arg6[%get3A_727, %get3A_728, %get3A_729] {strides = array<i32>} : memref<2x640x64xf32, #tpu.memory_space<vmem>>, vector<1x1x16xf32>,
      %get3A_731 = vector.shape_cast %get3A_730 : vector<1x1x16xf32> to vector<16xf32>
      %add3A_732 = arith.addf %add3A_723, %get3A_731 : vector<16xf32>
      %add3A_733 = arith.constant 12 : i32
      %add3A_734 = arith.addi %mul3A_628, %add3A_733 : i32
      %get3A_735 = arith.constant 0 : i32
      %get3A_736 = arith.index_cast %get3A_735 : i32 to index
      %get3A_737 = arith.index_cast %add3A_734 : i32 to index
      %get3A_738 = arith.constant 0 : index
      %get3A_739 = tpu.vector_load %arg6[%get3A_736, %get3A_737, %get3A_738] {strides = array<i32>} : memref<2x640x64xf32, #tpu.memory_space<vmem>>, vector<1x1x16xf32>,
      %get3A_740 = vector.shape_cast %get3A_739 : vector<1x1x16xf32> to vector<16xf32>
      %add3A_741 = arith.addf %add3A_732, %get3A_740 : vector<16xf32>
      %add3A_742 = arith.constant 13 : i32
      %add3A_743 = arith.addi %mul3A_628, %add3A_742 : i32
      %get3A_744 = arith.constant 0 : i32
      %get3A_745 = arith.index_cast %get3A_744 : i32 to index
      %get3A_746 = arith.index_cast %add3A_743 : i32 to index
      %get3A_747 = arith.constant 0 : index
      %get3A_748 = tpu.vector_load %arg6[%get3A_745, %get3A_746, %get3A_747] {strides = array<i32>} : memref<2x640x64xf32, #tpu.memory_space<vmem>>, vector<1x1x16xf32>,
      %get3A_749 = vector.shape_cast %get3A_748 : vector<1x1x16xf32> to vector<16xf32>
      %add3A_750 = arith.addf %add3A_741, %get3A_749 : vector<16xf32>
      %add3A_751 = arith.constant 14 : i32
      %add3A_752 = arith.addi %mul3A_628, %add3A_751 : i32
      %get3A_753 = arith.constant 0 : i32
      %get3A_754 = arith.index_cast %get3A_753 : i32 to index
      %get3A_755 = arith.index_cast %add3A_752 : i32 to index
      %get3A_756 = arith.constant 0 : index
      %get3A_757 = tpu.vector_load %arg6[%get3A_754, %get3A_755, %get3A_756] {strides = array<i32>} : memref<2x640x64xf32, #tpu.memory_space<vmem>>, vector<1x1x16xf32>,
      %get3A_758 = vector.shape_cast %get3A_757 : vector<1x1x16xf32> to vector<16xf32>
      %add3A_759 = arith.addf %add3A_750, %get3A_758 : vector<16xf32>
      %add3A_760 = arith.constant 15 : i32
      %add3A_761 = arith.addi %mul3A_628, %add3A_760 : i32
      %get3A_762 = arith.constant 0 : i32
      %get3A_763 = arith.index_cast %get3A_762 : i32 to index
      %get3A_764 = arith.index_cast %add3A_761 : i32 to index
      %get3A_765 = arith.constant 0 : index
      %get3A_766 = tpu.vector_load %arg6[%get3A_763, %get3A_764, %get3A_765] {strides = array<i32>} : memref<2x640x64xf32, #tpu.memory_space<vmem>>, vector<1x1x16xf32>,
      %get3A_767 = vector.shape_cast %get3A_766 : vector<1x1x16xf32> to vector<16xf32>
      %add3A_768 = arith.addf %add3A_759, %get3A_767 : vector<16xf32>
      %add3A_769 = arith.constant 16 : i32
      %add3A_770 = arith.addi %mul3A_628, %add3A_769 : i32
      %get3A_771 = arith.constant 0 : i32
      %get3A_772 = arith.index_cast %get3A_771 : i32 to index
      %get3A_773 = arith.index_cast %add3A_770 : i32 to index
      %get3A_774 = arith.constant 0 : index
      %get3A_775 = tpu.vector_load %arg6[%get3A_772, %get3A_773, %get3A_774] {strides = array<i32>} : memref<2x640x64xf32, #tpu.memory_space<vmem>>, vector<1x1x16xf32>,
      %get3A_776 = vector.shape_cast %get3A_775 : vector<1x1x16xf32> to vector<16xf32>
      %add3A_777 = arith.addf %add3A_768, %get3A_776 : vector<16xf32>
      %add3A_778 = arith.constant 17 : i32
      %add3A_779 = arith.addi %mul3A_628, %add3A_778 : i32
      %get3A_780 = arith.constant 0 : i32
      %get3A_781 = arith.index_cast %get3A_780 : i32 to index
      %get3A_782 = arith.index_cast %add3A_779 : i32 to index
      %get3A_783 = arith.constant 0 : index
      %get3A_784 = tpu.vector_load %arg6[%get3A_781, %get3A_782, %get3A_783] {strides = array<i32>} : memref<2x640x64xf32, #tpu.memory_space<vmem>>, vector<1x1x16xf32>,
      %get3A_785 = vector.shape_cast %get3A_784 : vector<1x1x16xf32> to vector<16xf32>
      %add3A_786 = arith.addf %add3A_777, %get3A_785 : vector<16xf32>
      %add3A_787 = arith.constant 18 : i32
      %add3A_788 = arith.addi %mul3A_628, %add3A_787 : i32
      %get3A_789 = arith.constant 0 : i32
      %get3A_790 = arith.index_cast %get3A_789 : i32 to index
      %get3A_791 = arith.index_cast %add3A_788 : i32 to index
      %get3A_792 = arith.constant 0 : index
      %get3A_793 = tpu.vector_load %arg6[%get3A_790, %get3A_791, %get3A_792] {strides = array<i32>} : memref<2x640x64xf32, #tpu.memory_space<vmem>>, vector<1x1x16xf32>,
      %get3A_794 = vector.shape_cast %get3A_793 : vector<1x1x16xf32> to vector<16xf32>
      %add3A_795 = arith.addf %add3A_786, %get3A_794 : vector<16xf32>
      %add3A_796 = arith.constant 19 : i32
      %add3A_797 = arith.addi %mul3A_628, %add3A_796 : i32
      %get3A_798 = arith.constant 0 : i32
      %get3A_799 = arith.index_cast %get3A_798 : i32 to index
      %get3A_800 = arith.index_cast %add3A_797 : i32 to index
      %get3A_801 = arith.constant 0 : index
      %get3A_802 = tpu.vector_load %arg6[%get3A_799, %get3A_800, %get3A_801] {strides = array<i32>} : memref<2x640x64xf32, #tpu.memory_space<vmem>>, vector<1x1x16xf32>,
      %get3A_803 = vector.shape_cast %get3A_802 : vector<1x1x16xf32> to vector<16xf32>
      %add3A_804 = arith.addf %add3A_795, %get3A_803 : vector<16xf32>
      %mul3A_805 = arith.constant 5.000000e-02 : f32
      %mul3A_806 = vector.broadcast %mul3A_805 : f32 to vector<16xf32>
      %mul3A_807 = arith.mulf %add3A_804, %mul3A_806 : vector<16xf32>
      %add3A_808 = arith.constant 0 : i32
      %add3A_809 = arith.addi %add3A_808, %scan3A_626 : i32
      %mul3A_810 = arith.constant 128 : i32
      %mul3A_811 = arith.muli %add3A_809, %mul3A_810 : i32
      %add3A_812 = arith.constant 0 : i32
      %add3A_813 = arith.addi %mul3A_811, %add3A_812 : i32
      %swap3A = arith.index_cast %add3A_813 : i32 to index
      %swap3A_814 = tpu.vector_load %arg7[%swap3A] {strides = array<i32>} : memref<16384xf32, #tpu.memory_space<vmem>>, vector<16xf32>,
      %swap3A_815 = vector.shape_cast %swap3A_814 : vector<16xf32> to vector<16xf32>
      %swap3A_816 = vector.shape_cast %mul3A_807 : vector<16xf32> to vector<16xf32>
      tpu.vector_store %arg7[%swap3A], %swap3A_816 {strides = array<i32>} : memref<16384xf32, #tpu.memory_space<vmem>>, vector<16xf32>,
      %get3A_817 = arith.constant 0 : i32
      %get3A_818 = arith.index_cast %get3A_817 : i32 to index
      %get3A_819 = arith.index_cast %mul3A_628 : i32 to index
      %get3A_820 = arith.constant 16 : index
      %get3A_821 = tpu.vector_load %arg6[%get3A_818, %get3A_819, %get3A_820] {strides = array<i32>} : memref<2x640x64xf32, #tpu.memory_space<vmem>>, vector<1x1x16xf32>,
      %get3A_822 = vector.shape_cast %get3A_821 : vector<1x1x16xf32> to vector<16xf32>
      %add3A_823 = arith.constant 1 : i32
      %add3A_824 = arith.addi %mul3A_628, %add3A_823 : i32
      %get3A_825 = arith.constant 0 : i32
      %get3A_826 = arith.index_cast %get3A_825 : i32 to index
      %get3A_827 = arith.index_cast %add3A_824 : i32 to index
      %get3A_828 = arith.constant 16 : index
      %get3A_829 = tpu.vector_load %arg6[%get3A_826, %get3A_827, %get3A_828] {strides = array<i32>} : memref<2x640x64xf32, #tpu.memory_space<vmem>>, vector<1x1x16xf32>,
      %get3A_830 = vector.shape_cast %get3A_829 : vector<1x1x16xf32> to vector<16xf32>
      %add3A_831 = arith.addf %get3A_822, %get3A_830 : vector<16xf32>
      %add3A_832 = arith.constant 2 : i32
      %add3A_833 = arith.addi %mul3A_628, %add3A_832 : i32
      %get3A_834 = arith.constant 0 : i32
      %get3A_835 = arith.index_cast %get3A_834 : i32 to index
      %get3A_836 = arith.index_cast %add3A_833 : i32 to index
      %get3A_837 = arith.constant 16 : index
      %get3A_838 = tpu.vector_load %arg6[%get3A_835, %get3A_836, %get3A_837] {strides = array<i32>} : memref<2x640x64xf32, #tpu.memory_space<vmem>>, vector<1x1x16xf32>,
      %get3A_839 = vector.shape_cast %get3A_838 : vector<1x1x16xf32> to vector<16xf32>
      %add3A_840 = arith.addf %add3A_831, %get3A_839 : vector<16xf32>
      %add3A_841 = arith.constant 3 : i32
      %add3A_842 = arith.addi %mul3A_628, %add3A_841 : i32
      %get3A_843 = arith.constant 0 : i32
      %get3A_844 = arith.index_cast %get3A_843 : i32 to index
      %get3A_845 = arith.index_cast %add3A_842 : i32 to index
      %get3A_846 = arith.constant 16 : index
      %get3A_847 = tpu.vector_load %arg6[%get3A_844, %get3A_845, %get3A_846] {strides = array<i32>} : memref<2x640x64xf32, #tpu.memory_space<vmem>>, vector<1x1x16xf32>,
      %get3A_848 = vector.shape_cast %get3A_847 : vector<1x1x16xf32> to vector<16xf32>
      %add3A_849 = arith.addf %add3A_840, %get3A_848 : vector<16xf32>
      %add3A_850 = arith.constant 4 : i32
      %add3A_851 = arith.addi %mul3A_628, %add3A_850 : i32
      %get3A_852 = arith.constant 0 : i32
      %get3A_853 = arith.index_cast %get3A_852 : i32 to index
      %get3A_854 = arith.index_cast %add3A_851 : i32 to index
      %get3A_855 = arith.constant 16 : index
      %get3A_856 = tpu.vector_load %arg6[%get3A_853, %get3A_854, %get3A_855] {strides = array<i32>} : memref<2x640x64xf32, #tpu.memory_space<vmem>>, vector<1x1x16xf32>,
      %get3A_857 = vector.shape_cast %get3A_856 : vector<1x1x16xf32> to vector<16xf32>
      %add3A_858 = arith.addf %add3A_849, %get3A_857 : vector<16xf32>
      %add3A_859 = arith.constant 5 : i32
      %add3A_860 = arith.addi %mul3A_628, %add3A_859 : i32
      %get3A_861 = arith.constant 0 : i32
      %get3A_862 = arith.index_cast %get3A_861 : i32 to index
      %get3A_863 = arith.index_cast %add3A_860 : i32 to index
      %get3A_864 = arith.constant 16 : index
      %get3A_865 = tpu.vector_load %arg6[%get3A_862, %get3A_863, %get3A_864] {strides = array<i32>} : memref<2x640x64xf32, #tpu.memory_space<vmem>>, vector<1x1x16xf32>,
      %get3A_866 = vector.shape_cast %get3A_865 : vector<1x1x16xf32> to vector<16xf32>
      %add3A_867 = arith.addf %add3A_858, %get3A_866 : vector<16xf32>
      %add3A_868 = arith.constant 6 : i32
      %add3A_869 = arith.addi %mul3A_628, %add3A_868 : i32
      %get3A_870 = arith.constant 0 : i32
      %get3A_871 = arith.index_cast %get3A_870 : i32 to index
      %get3A_872 = arith.index_cast %add3A_869 : i32 to index
      %get3A_873 = arith.constant 16 : index
      %get3A_874 = tpu.vector_load %arg6[%get3A_871, %get3A_872, %get3A_873] {strides = array<i32>} : memref<2x640x64xf32, #tpu.memory_space<vmem>>, vector<1x1x16xf32>,
      %get3A_875 = vector.shape_cast %get3A_874 : vector<1x1x16xf32> to vector<16xf32>
      %add3A_876 = arith.addf %add3A_867, %get3A_875 : vector<16xf32>
      %add3A_877 = arith.constant 7 : i32
      %add3A_878 = arith.addi %mul3A_628, %add3A_877 : i32
      %get3A_879 = arith.constant 0 : i32
      %get3A_880 = arith.index_cast %get3A_879 : i32 to index
      %get3A_881 = arith.index_cast %add3A_878 : i32 to index
      %get3A_882 = arith.constant 16 : index
      %get3A_883 = tpu.vector_load %arg6[%get3A_880, %get3A_881, %get3A_882] {strides = array<i32>} : memref<2x640x64xf32, #tpu.memory_space<vmem>>, vector<1x1x16xf32>,
      %get3A_884 = vector.shape_cast %get3A_883 : vector<1x1x16xf32> to vector<16xf32>
      %add3A_885 = arith.addf %add3A_876, %get3A_884 : vector<16xf32>
      %add3A_886 = arith.constant 8 : i32
      %add3A_887 = arith.addi %mul3A_628, %add3A_886 : i32
      %get3A_888 = arith.constant 0 : i32
      %get3A_889 = arith.index_cast %get3A_888 : i32 to index
      %get3A_890 = arith.index_cast %add3A_887 : i32 to index
      %get3A_891 = arith.constant 16 : index
      %get3A_892 = tpu.vector_load %arg6[%get3A_889, %get3A_890, %get3A_891] {strides = array<i32>} : memref<2x640x64xf32, #tpu.memory_space<vmem>>, vector<1x1x16xf32>,
      %get3A_893 = vector.shape_cast %get3A_892 : vector<1x1x16xf32> to vector<16xf32>
      %add3A_894 = arith.addf %add3A_885, %get3A_893 : vector<16xf32>
      %add3A_895 = arith.constant 9 : i32
      %add3A_896 = arith.addi %mul3A_628, %add3A_895 : i32
      %get3A_897 = arith.constant 0 : i32
      %get3A_898 = arith.index_cast %get3A_897 : i32 to index
      %get3A_899 = arith.index_cast %add3A_896 : i32 to index
      %get3A_900 = arith.constant 16 : index
      %get3A_901 = tpu.vector_load %arg6[%get3A_898, %get3A_899, %get3A_900] {strides = array<i32>} : memref<2x640x64xf32, #tpu.memory_space<vmem>>, vector<1x1x16xf32>,
      %get3A_902 = vector.shape_cast %get3A_901 : vector<1x1x16xf32> to vector<16xf32>
      %add3A_903 = arith.addf %add3A_894, %get3A_902 : vector<16xf32>
      %add3A_904 = arith.constant 10 : i32
      %add3A_905 = arith.addi %mul3A_628, %add3A_904 : i32
      %get3A_906 = arith.constant 0 : i32
      %get3A_907 = arith.index_cast %get3A_906 : i32 to index
      %get3A_908 = arith.index_cast %add3A_905 : i32 to index
      %get3A_909 = arith.constant 16 : index
      %get3A_910 = tpu.vector_load %arg6[%get3A_907, %get3A_908, %get3A_909] {strides = array<i32>} : memref<2x640x64xf32, #tpu.memory_space<vmem>>, vector<1x1x16xf32>,
      %get3A_911 = vector.shape_cast %get3A_910 : vector<1x1x16xf32> to vector<16xf32>
      %add3A_912 = arith.addf %add3A_903, %get3A_911 : vector<16xf32>
      %add3A_913 = arith.constant 11 : i32
      %add3A_914 = arith.addi %mul3A_628, %add3A_913 : i32
      %get3A_915 = arith.constant 0 : i32
      %get3A_916 = arith.index_cast %get3A_915 : i32 to index
      %get3A_917 = arith.index_cast %add3A_914 : i32 to index
      %get3A_918 = arith.constant 16 : index
      %get3A_919 = tpu.vector_load %arg6[%get3A_916, %get3A_917, %get3A_918] {strides = array<i32>} : memref<2x640x64xf32, #tpu.memory_space<vmem>>, vector<1x1x16xf32>,
      %get3A_920 = vector.shape_cast %get3A_919 : vector<1x1x16xf32> to vector<16xf32>
      %add3A_921 = arith.addf %add3A_912, %get3A_920 : vector<16xf32>
      %add3A_922 = arith.constant 12 : i32
      %add3A_923 = arith.addi %mul3A_628, %add3A_922 : i32
      %get3A_924 = arith.constant 0 : i32
      %get3A_925 = arith.index_cast %get3A_924 : i32 to index
      %get3A_926 = arith.index_cast %add3A_923 : i32 to index
      %get3A_927 = arith.constant 16 : index
      %get3A_928 = tpu.vector_load %arg6[%get3A_925, %get3A_926, %get3A_927] {strides = array<i32>} : memref<2x640x64xf32, #tpu.memory_space<vmem>>, vector<1x1x16xf32>,
      %get3A_929 = vector.shape_cast %get3A_928 : vector<1x1x16xf32> to vector<16xf32>
      %add3A_930 = arith.addf %add3A_921, %get3A_929 : vector<16xf32>
      %add3A_931 = arith.constant 13 : i32
      %add3A_932 = arith.addi %mul3A_628, %add3A_931 : i32
      %get3A_933 = arith.constant 0 : i32
      %get3A_934 = arith.index_cast %get3A_933 : i32 to index
      %get3A_935 = arith.index_cast %add3A_932 : i32 to index
      %get3A_936 = arith.constant 16 : index
      %get3A_937 = tpu.vector_load %arg6[%get3A_934, %get3A_935, %get3A_936] {strides = array<i32>} : memref<2x640x64xf32, #tpu.memory_space<vmem>>, vector<1x1x16xf32>,
      %get3A_938 = vector.shape_cast %get3A_937 : vector<1x1x16xf32> to vector<16xf32>
      %add3A_939 = arith.addf %add3A_930, %get3A_938 : vector<16xf32>
      %add3A_940 = arith.constant 14 : i32
      %add3A_941 = arith.addi %mul3A_628, %add3A_940 : i32
      %get3A_942 = arith.constant 0 : i32
      %get3A_943 = arith.index_cast %get3A_942 : i32 to index
      %get3A_944 = arith.index_cast %add3A_941 : i32 to index
      %get3A_945 = arith.constant 16 : index
      %get3A_946 = tpu.vector_load %arg6[%get3A_943, %get3A_944, %get3A_945] {strides = array<i32>} : memref<2x640x64xf32, #tpu.memory_space<vmem>>, vector<1x1x16xf32>,
      %get3A_947 = vector.shape_cast %get3A_946 : vector<1x1x16xf32> to vector<16xf32>
      %add3A_948 = arith.addf %add3A_939, %get3A_947 : vector<16xf32>
      %add3A_949 = arith.constant 15 : i32
      %add3A_950 = arith.addi %mul3A_628, %add3A_949 : i32
      %get3A_951 = arith.constant 0 : i32
      %get3A_952 = arith.index_cast %get3A_951 : i32 to index
      %get3A_953 = arith.index_cast %add3A_950 : i32 to index
      %get3A_954 = arith.constant 16 : index
      %get3A_955 = tpu.vector_load %arg6[%get3A_952, %get3A_953, %get3A_954] {strides = array<i32>} : memref<2x640x64xf32, #tpu.memory_space<vmem>>, vector<1x1x16xf32>,
      %get3A_956 = vector.shape_cast %get3A_955 : vector<1x1x16xf32> to vector<16xf32>
      %add3A_957 = arith.addf %add3A_948, %get3A_956 : vector<16xf32>
      %add3A_958 = arith.constant 16 : i32
      %add3A_959 = arith.addi %mul3A_628, %add3A_958 : i32
      %get3A_960 = arith.constant 0 : i32
      %get3A_961 = arith.index_cast %get3A_960 : i32 to index
      %get3A_962 = arith.index_cast %add3A_959 : i32 to index
      %get3A_963 = arith.constant 16 : index
      %get3A_964 = tpu.vector_load %arg6[%get3A_961, %get3A_962, %get3A_963] {strides = array<i32>} : memref<2x640x64xf32, #tpu.memory_space<vmem>>, vector<1x1x16xf32>,
      %get3A_965 = vector.shape_cast %get3A_964 : vector<1x1x16xf32> to vector<16xf32>
      %add3A_966 = arith.addf %add3A_957, %get3A_965 : vector<16xf32>
      %add3A_967 = arith.constant 17 : i32
      %add3A_968 = arith.addi %mul3A_628, %add3A_967 : i32
      %get3A_969 = arith.constant 0 : i32
      %get3A_970 = arith.index_cast %get3A_969 : i32 to index
      %get3A_971 = arith.index_cast %add3A_968 : i32 to index
      %get3A_972 = arith.constant 16 : index
      %get3A_973 = tpu.vector_load %arg6[%get3A_970, %get3A_971, %get3A_972] {strides = array<i32>} : memref<2x640x64xf32, #tpu.memory_space<vmem>>, vector<1x1x16xf32>,
      %get3A_974 = vector.shape_cast %get3A_973 : vector<1x1x16xf32> to vector<16xf32>
      %add3A_975 = arith.addf %add3A_966, %get3A_974 : vector<16xf32>
      %add3A_976 = arith.constant 18 : i32
      %add3A_977 = arith.addi %mul3A_628, %add3A_976 : i32
      %get3A_978 = arith.constant 0 : i32
      %get3A_979 = arith.index_cast %get3A_978 : i32 to index
      %get3A_980 = arith.index_cast %add3A_977 : i32 to index
      %get3A_981 = arith.constant 16 : index
      %get3A_982 = tpu.vector_load %arg6[%get3A_979, %get3A_980, %get3A_981] {strides = array<i32>} : memref<2x640x64xf32, #tpu.memory_space<vmem>>, vector<1x1x16xf32>,
      %get3A_983 = vector.shape_cast %get3A_982 : vector<1x1x16xf32> to vector<16xf32>
      %add3A_984 = arith.addf %add3A_975, %get3A_983 : vector<16xf32>
      %add3A_985 = arith.constant 19 : i32
      %add3A_986 = arith.addi %mul3A_628, %add3A_985 : i32
      %get3A_987 = arith.constant 0 : i32
      %get3A_988 = arith.index_cast %get3A_987 : i32 to index
      %get3A_989 = arith.index_cast %add3A_986 : i32 to index
      %get3A_990 = arith.constant 16 : index
      %get3A_991 = tpu.vector_load %arg6[%get3A_988, %get3A_989, %get3A_990] {strides = array<i32>} : memref<2x640x64xf32, #tpu.memory_space<vmem>>, vector<1x1x16xf32>,
      %get3A_992 = vector.shape_cast %get3A_991 : vector<1x1x16xf32> to vector<16xf32>
      %add3A_993 = arith.addf %add3A_984, %get3A_992 : vector<16xf32>
      %mul3A_994 = arith.constant 5.000000e-02 : f32
      %mul3A_995 = vector.broadcast %mul3A_994 : f32 to vector<16xf32>
      %mul3A_996 = arith.mulf %add3A_993, %mul3A_995 : vector<16xf32>
      %add3A_997 = arith.constant 0 : i32
      %add3A_998 = arith.addi %add3A_997, %scan3A_626 : i32
      %mul3A_999 = arith.constant 128 : i32
      %mul3A_1000 = arith.muli %add3A_998, %mul3A_999 : i32
      %add3A_1001 = arith.constant 16 : i32
      %add3A_1002 = arith.addi %mul3A_1000, %add3A_1001 : i32
      %swap3A_1003 = arith.index_cast %add3A_1002 : i32 to index
      %swap3A_1004 = tpu.vector_load %arg7[%swap3A_1003] {strides = array<i32>} : memref<16384xf32, #tpu.memory_space<vmem>>, vector<16xf32>,
      %swap3A_1005 = vector.shape_cast %swap3A_1004 : vector<16xf32> to vector<16xf32>
      %swap3A_1006 = vector.shape_cast %mul3A_996 : vector<16xf32> to vector<16xf32>
      tpu.vector_store %arg7[%swap3A_1003], %swap3A_1006 {strides = array<i32>} : memref<16384xf32, #tpu.memory_space<vmem>>, vector<16xf32>,
      %get3A_1007 = arith.constant 0 : i32
      %get3A_1008 = arith.index_cast %get3A_1007 : i32 to index
      %get3A_1009 = arith.index_cast %mul3A_628 : i32 to index
      %get3A_1010 = arith.constant 32 : index
      %get3A_1011 = tpu.vector_load %arg6[%get3A_1008, %get3A_1009, %get3A_1010] {strides = array<i32>} : memref<2x640x64xf32, #tpu.memory_space<vmem>>, vector<1x1x16xf32>,
      %get3A_1012 = vector.shape_cast %get3A_1011 : vector<1x1x16xf32> to vector<16xf32>
      %add3A_1013 = arith.constant 1 : i32
      %add3A_1014 = arith.addi %mul3A_628, %add3A_1013 : i32
      %get3A_1015 = arith.constant 0 : i32
      %get3A_1016 = arith.index_cast %get3A_1015 : i32 to index
      %get3A_1017 = arith.index_cast %add3A_1014 : i32 to index
      %get3A_1018 = arith.constant 32 : index
      %get3A_1019 = tpu.vector_load %arg6[%get3A_1016, %get3A_1017, %get3A_1018] {strides = array<i32>} : memref<2x640x64xf32, #tpu.memory_space<vmem>>, vector<1x1x16xf32>,
      %get3A_1020 = vector.shape_cast %get3A_1019 : vector<1x1x16xf32> to vector<16xf32>
      %add3A_1021 = arith.addf %get3A_1012, %get3A_1020 : vector<16xf32>
      %add3A_1022 = arith.constant 2 : i32
      %add3A_1023 = arith.addi %mul3A_628, %add3A_1022 : i32
      %get3A_1024 = arith.constant 0 : i32
      %get3A_1025 = arith.index_cast %get3A_1024 : i32 to index
      %get3A_1026 = arith.index_cast %add3A_1023 : i32 to index
      %get3A_1027 = arith.constant 32 : index
      %get3A_1028 = tpu.vector_load %arg6[%get3A_1025, %get3A_1026, %get3A_1027] {strides = array<i32>} : memref<2x640x64xf32, #tpu.memory_space<vmem>>, vector<1x1x16xf32>,
      %get3A_1029 = vector.shape_cast %get3A_1028 : vector<1x1x16xf32> to vector<16xf32>
      %add3A_1030 = arith.addf %add3A_1021, %get3A_1029 : vector<16xf32>
      %add3A_1031 = arith.constant 3 : i32
      %add3A_1032 = arith.addi %mul3A_628, %add3A_1031 : i32
      %get3A_1033 = arith.constant 0 : i32
      %get3A_1034 = arith.index_cast %get3A_1033 : i32 to index
      %get3A_1035 = arith.index_cast %add3A_1032 : i32 to index
      %get3A_1036 = arith.constant 32 : index
      %get3A_1037 = tpu.vector_load %arg6[%get3A_1034, %get3A_1035, %get3A_1036] {strides = array<i32>} : memref<2x640x64xf32, #tpu.memory_space<vmem>>, vector<1x1x16xf32>,
      %get3A_1038 = vector.shape_cast %get3A_1037 : vector<1x1x16xf32> to vector<16xf32>
      %add3A_1039 = arith.addf %add3A_1030, %get3A_1038 : vector<16xf32>
      %add3A_1040 = arith.constant 4 : i32
      %add3A_1041 = arith.addi %mul3A_628, %add3A_1040 : i32
      %get3A_1042 = arith.constant 0 : i32
      %get3A_1043 = arith.index_cast %get3A_1042 : i32 to index
      %get3A_1044 = arith.index_cast %add3A_1041 : i32 to index
      %get3A_1045 = arith.constant 32 : index
      %get3A_1046 = tpu.vector_load %arg6[%get3A_1043, %get3A_1044, %get3A_1045] {strides = array<i32>} : memref<2x640x64xf32, #tpu.memory_space<vmem>>, vector<1x1x16xf32>,
      %get3A_1047 = vector.shape_cast %get3A_1046 : vector<1x1x16xf32> to vector<16xf32>
      %add3A_1048 = arith.addf %add3A_1039, %get3A_1047 : vector<16xf32>
      %add3A_1049 = arith.constant 5 : i32
      %add3A_1050 = arith.addi %mul3A_628, %add3A_1049 : i32
      %get3A_1051 = arith.constant 0 : i32
      %get3A_1052 = arith.index_cast %get3A_1051 : i32 to index
      %get3A_1053 = arith.index_cast %add3A_1050 : i32 to index
      %get3A_1054 = arith.constant 32 : index
      %get3A_1055 = tpu.vector_load %arg6[%get3A_1052, %get3A_1053, %get3A_1054] {strides = array<i32>} : memref<2x640x64xf32, #tpu.memory_space<vmem>>, vector<1x1x16xf32>,
      %get3A_1056 = vector.shape_cast %get3A_1055 : vector<1x1x16xf32> to vector<16xf32>
      %add3A_1057 = arith.addf %add3A_1048, %get3A_1056 : vector<16xf32>
      %add3A_1058 = arith.constant 6 : i32
      %add3A_1059 = arith.addi %mul3A_628, %add3A_1058 : i32
      %get3A_1060 = arith.constant 0 : i32
      %get3A_1061 = arith.index_cast %get3A_1060 : i32 to index
      %get3A_1062 = arith.index_cast %add3A_1059 : i32 to index
      %get3A_1063 = arith.constant 32 : index
      %get3A_1064 = tpu.vector_load %arg6[%get3A_1061, %get3A_1062, %get3A_1063] {strides = array<i32>} : memref<2x640x64xf32, #tpu.memory_space<vmem>>, vector<1x1x16xf32>,
      %get3A_1065 = vector.shape_cast %get3A_1064 : vector<1x1x16xf32> to vector<16xf32>
      %add3A_1066 = arith.addf %add3A_1057, %get3A_1065 : vector<16xf32>
      %add3A_1067 = arith.constant 7 : i32
      %add3A_1068 = arith.addi %mul3A_628, %add3A_1067 : i32
      %get3A_1069 = arith.constant 0 : i32
      %get3A_1070 = arith.index_cast %get3A_1069 : i32 to index
      %get3A_1071 = arith.index_cast %add3A_1068 : i32 to index
      %get3A_1072 = arith.constant 32 : index
      %get3A_1073 = tpu.vector_load %arg6[%get3A_1070, %get3A_1071, %get3A_1072] {strides = array<i32>} : memref<2x640x64xf32, #tpu.memory_space<vmem>>, vector<1x1x16xf32>,
      %get3A_1074 = vector.shape_cast %get3A_1073 : vector<1x1x16xf32> to vector<16xf32>
      %add3A_1075 = arith.addf %add3A_1066, %get3A_1074 : vector<16xf32>
      %add3A_1076 = arith.constant 8 : i32
      %add3A_1077 = arith.addi %mul3A_628, %add3A_1076 : i32
      %get3A_1078 = arith.constant 0 : i32
      %get3A_1079 = arith.index_cast %get3A_1078 : i32 to index
      %get3A_1080 = arith.index_cast %add3A_1077 : i32 to index
      %get3A_1081 = arith.constant 32 : index
      %get3A_1082 = tpu.vector_load %arg6[%get3A_1079, %get3A_1080, %get3A_1081] {strides = array<i32>} : memref<2x640x64xf32, #tpu.memory_space<vmem>>, vector<1x1x16xf32>,
      %get3A_1083 = vector.shape_cast %get3A_1082 : vector<1x1x16xf32> to vector<16xf32>
      %add3A_1084 = arith.addf %add3A_1075, %get3A_1083 : vector<16xf32>
      %add3A_1085 = arith.constant 9 : i32
      %add3A_1086 = arith.addi %mul3A_628, %add3A_1085 : i32
      %get3A_1087 = arith.constant 0 : i32
      %get3A_1088 = arith.index_cast %get3A_1087 : i32 to index
      %get3A_1089 = arith.index_cast %add3A_1086 : i32 to index
      %get3A_1090 = arith.constant 32 : index
      %get3A_1091 = tpu.vector_load %arg6[%get3A_1088, %get3A_1089, %get3A_1090] {strides = array<i32>} : memref<2x640x64xf32, #tpu.memory_space<vmem>>, vector<1x1x16xf32>,
      %get3A_1092 = vector.shape_cast %get3A_1091 : vector<1x1x16xf32> to vector<16xf32>
      %add3A_1093 = arith.addf %add3A_1084, %get3A_1092 : vector<16xf32>
      %add3A_1094 = arith.constant 10 : i32
      %add3A_1095 = arith.addi %mul3A_628, %add3A_1094 : i32
      %get3A_1096 = arith.constant 0 : i32
      %get3A_1097 = arith.index_cast %get3A_1096 : i32 to index
      %get3A_1098 = arith.index_cast %add3A_1095 : i32 to index
      %get3A_1099 = arith.constant 32 : index
      %get3A_1100 = tpu.vector_load %arg6[%get3A_1097, %get3A_1098, %get3A_1099] {strides = array<i32>} : memref<2x640x64xf32, #tpu.memory_space<vmem>>, vector<1x1x16xf32>,
      %get3A_1101 = vector.shape_cast %get3A_1100 : vector<1x1x16xf32> to vector<16xf32>
      %add3A_1102 = arith.addf %add3A_1093, %get3A_1101 : vector<16xf32>
      %add3A_1103 = arith.constant 11 : i32
      %add3A_1104 = arith.addi %mul3A_628, %add3A_1103 : i32
      %get3A_1105 = arith.constant 0 : i32
      %get3A_1106 = arith.index_cast %get3A_1105 : i32 to index
      %get3A_1107 = arith.index_cast %add3A_1104 : i32 to index
      %get3A_1108 = arith.constant 32 : index
      %get3A_1109 = tpu.vector_load %arg6[%get3A_1106, %get3A_1107, %get3A_1108] {strides = array<i32>} : memref<2x640x64xf32, #tpu.memory_space<vmem>>, vector<1x1x16xf32>,
      %get3A_1110 = vector.shape_cast %get3A_1109 : vector<1x1x16xf32> to vector<16xf32>
      %add3A_1111 = arith.addf %add3A_1102, %get3A_1110 : vector<16xf32>
      %add3A_1112 = arith.constant 12 : i32
      %add3A_1113 = arith.addi %mul3A_628, %add3A_1112 : i32
      %get3A_1114 = arith.constant 0 : i32
      %get3A_1115 = arith.index_cast %get3A_1114 : i32 to index
      %get3A_1116 = arith.index_cast %add3A_1113 : i32 to index
      %get3A_1117 = arith.constant 32 : index
      %get3A_1118 = tpu.vector_load %arg6[%get3A_1115, %get3A_1116, %get3A_1117] {strides = array<i32>} : memref<2x640x64xf32, #tpu.memory_space<vmem>>, vector<1x1x16xf32>,
      %get3A_1119 = vector.shape_cast %get3A_1118 : vector<1x1x16xf32> to vector<16xf32>
      %add3A_1120 = arith.addf %add3A_1111, %get3A_1119 : vector<16xf32>
      %add3A_1121 = arith.constant 13 : i32
      %add3A_1122 = arith.addi %mul3A_628, %add3A_1121 : i32
      %get3A_1123 = arith.constant 0 : i32
      %get3A_1124 = arith.index_cast %get3A_1123 : i32 to index
      %get3A_1125 = arith.index_cast %add3A_1122 : i32 to index
      %get3A_1126 = arith.constant 32 : index
      %get3A_1127 = tpu.vector_load %arg6[%get3A_1124, %get3A_1125, %get3A_1126] {strides = array<i32>} : memref<2x640x64xf32, #tpu.memory_space<vmem>>, vector<1x1x16xf32>,
      %get3A_1128 = vector.shape_cast %get3A_1127 : vector<1x1x16xf32> to vector<16xf32>
      %add3A_1129 = arith.addf %add3A_1120, %get3A_1128 : vector<16xf32>
      %add3A_1130 = arith.constant 14 : i32
      %add3A_1131 = arith.addi %mul3A_628, %add3A_1130 : i32
      %get3A_1132 = arith.constant 0 : i32
      %get3A_1133 = arith.index_cast %get3A_1132 : i32 to index
      %get3A_1134 = arith.index_cast %add3A_1131 : i32 to index
      %get3A_1135 = arith.constant 32 : index
      %get3A_1136 = tpu.vector_load %arg6[%get3A_1133, %get3A_1134, %get3A_1135] {strides = array<i32>} : memref<2x640x64xf32, #tpu.memory_space<vmem>>, vector<1x1x16xf32>,
      %get3A_1137 = vector.shape_cast %get3A_1136 : vector<1x1x16xf32> to vector<16xf32>
      %add3A_1138 = arith.addf %add3A_1129, %get3A_1137 : vector<16xf32>
      %add3A_1139 = arith.constant 15 : i32
      %add3A_1140 = arith.addi %mul3A_628, %add3A_1139 : i32
      %get3A_1141 = arith.constant 0 : i32
      %get3A_1142 = arith.index_cast %get3A_1141 : i32 to index
      %get3A_1143 = arith.index_cast %add3A_1140 : i32 to index
      %get3A_1144 = arith.constant 32 : index
      %get3A_1145 = tpu.vector_load %arg6[%get3A_1142, %get3A_1143, %get3A_1144] {strides = array<i32>} : memref<2x640x64xf32, #tpu.memory_space<vmem>>, vector<1x1x16xf32>,
      %get3A_1146 = vector.shape_cast %get3A_1145 : vector<1x1x16xf32> to vector<16xf32>
      %add3A_1147 = arith.addf %add3A_1138, %get3A_1146 : vector<16xf32>
      %add3A_1148 = arith.constant 16 : i32
      %add3A_1149 = arith.addi %mul3A_628, %add3A_1148 : i32
      %get3A_1150 = arith.constant 0 : i32
      %get3A_1151 = arith.index_cast %get3A_1150 : i32 to index
      %get3A_1152 = arith.index_cast %add3A_1149 : i32 to index
      %get3A_1153 = arith.constant 32 : index
      %get3A_1154 = tpu.vector_load %arg6[%get3A_1151, %get3A_1152, %get3A_1153] {strides = array<i32>} : memref<2x640x64xf32, #tpu.memory_space<vmem>>, vector<1x1x16xf32>,
      %get3A_1155 = vector.shape_cast %get3A_1154 : vector<1x1x16xf32> to vector<16xf32>
      %add3A_1156 = arith.addf %add3A_1147, %get3A_1155 : vector<16xf32>
      %add3A_1157 = arith.constant 17 : i32
      %add3A_1158 = arith.addi %mul3A_628, %add3A_1157 : i32
      %get3A_1159 = arith.constant 0 : i32
      %get3A_1160 = arith.index_cast %get3A_1159 : i32 to index
      %get3A_1161 = arith.index_cast %add3A_1158 : i32 to index
      %get3A_1162 = arith.constant 32 : index
      %get3A_1163 = tpu.vector_load %arg6[%get3A_1160, %get3A_1161, %get3A_1162] {strides = array<i32>} : memref<2x640x64xf32, #tpu.memory_space<vmem>>, vector<1x1x16xf32>,
      %get3A_1164 = vector.shape_cast %get3A_1163 : vector<1x1x16xf32> to vector<16xf32>
      %add3A_1165 = arith.addf %add3A_1156, %get3A_1164 : vector<16xf32>
      %add3A_1166 = arith.constant 18 : i32
      %add3A_1167 = arith.addi %mul3A_628, %add3A_1166 : i32
      %get3A_1168 = arith.constant 0 : i32
      %get3A_1169 = arith.index_cast %get3A_1168 : i32 to index
      %get3A_1170 = arith.index_cast %add3A_1167 : i32 to index
      %get3A_1171 = arith.constant 32 : index
      %get3A_1172 = tpu.vector_load %arg6[%get3A_1169, %get3A_1170, %get3A_1171] {strides = array<i32>} : memref<2x640x64xf32, #tpu.memory_space<vmem>>, vector<1x1x16xf32>,
      %get3A_1173 = vector.shape_cast %get3A_1172 : vector<1x1x16xf32> to vector<16xf32>
      %add3A_1174 = arith.addf %add3A_1165, %get3A_1173 : vector<16xf32>
      %add3A_1175 = arith.constant 19 : i32
      %add3A_1176 = arith.addi %mul3A_628, %add3A_1175 : i32
      %get3A_1177 = arith.constant 0 : i32
      %get3A_1178 = arith.index_cast %get3A_1177 : i32 to index
      %get3A_1179 = arith.index_cast %add3A_1176 : i32 to index
      %get3A_1180 = arith.constant 32 : index
      %get3A_1181 = tpu.vector_load %arg6[%get3A_1178, %get3A_1179, %get3A_1180] {strides = array<i32>} : memref<2x640x64xf32, #tpu.memory_space<vmem>>, vector<1x1x16xf32>,
      %get3A_1182 = vector.shape_cast %get3A_1181 : vector<1x1x16xf32> to vector<16xf32>
      %add3A_1183 = arith.addf %add3A_1174, %get3A_1182 : vector<16xf32>
      %mul3A_1184 = arith.constant 5.000000e-02 : f32
      %mul3A_1185 = vector.broadcast %mul3A_1184 : f32 to vector<16xf32>
      %mul3A_1186 = arith.mulf %add3A_1183, %mul3A_1185 : vector<16xf32>
      %add3A_1187 = arith.constant 0 : i32
      %add3A_1188 = arith.addi %add3A_1187, %scan3A_626 : i32
      %mul3A_1189 = arith.constant 128 : i32
      %mul3A_1190 = arith.muli %add3A_1188, %mul3A_1189 : i32
      %add3A_1191 = arith.constant 32 : i32
      %add3A_1192 = arith.addi %mul3A_1190, %add3A_1191 : i32
      %swap3A_1193 = arith.index_cast %add3A_1192 : i32 to index
      %swap3A_1194 = tpu.vector_load %arg7[%swap3A_1193] {strides = array<i32>} : memref<16384xf32, #tpu.memory_space<vmem>>, vector<16xf32>,
      %swap3A_1195 = vector.shape_cast %swap3A_1194 : vector<16xf32> to vector<16xf32>
      %swap3A_1196 = vector.shape_cast %mul3A_1186 : vector<16xf32> to vector<16xf32>
      tpu.vector_store %arg7[%swap3A_1193], %swap3A_1196 {strides = array<i32>} : memref<16384xf32, #tpu.memory_space<vmem>>, vector<16xf32>,
      %get3A_1197 = arith.constant 0 : i32
      %get3A_1198 = arith.index_cast %get3A_1197 : i32 to index
      %get3A_1199 = arith.index_cast %mul3A_628 : i32 to index
      %get3A_1200 = arith.constant 48 : index
      %get3A_1201 = tpu.vector_load %arg6[%get3A_1198, %get3A_1199, %get3A_1200] {strides = array<i32>} : memref<2x640x64xf32, #tpu.memory_space<vmem>>, vector<1x1x16xf32>,
      %get3A_1202 = vector.shape_cast %get3A_1201 : vector<1x1x16xf32> to vector<16xf32>
      %add3A_1203 = arith.constant 1 : i32
      %add3A_1204 = arith.addi %mul3A_628, %add3A_1203 : i32
      %get3A_1205 = arith.constant 0 : i32
      %get3A_1206 = arith.index_cast %get3A_1205 : i32 to index
      %get3A_1207 = arith.index_cast %add3A_1204 : i32 to index
      %get3A_1208 = arith.constant 48 : index
      %get3A_1209 = tpu.vector_load %arg6[%get3A_1206, %get3A_1207, %get3A_1208] {strides = array<i32>} : memref<2x640x64xf32, #tpu.memory_space<vmem>>, vector<1x1x16xf32>,
      %get3A_1210 = vector.shape_cast %get3A_1209 : vector<1x1x16xf32> to vector<16xf32>
      %add3A_1211 = arith.addf %get3A_1202, %get3A_1210 : vector<16xf32>
      %add3A_1212 = arith.constant 2 : i32
      %add3A_1213 = arith.addi %mul3A_628, %add3A_1212 : i32
      %get3A_1214 = arith.constant 0 : i32
      %get3A_1215 = arith.index_cast %get3A_1214 : i32 to index
      %get3A_1216 = arith.index_cast %add3A_1213 : i32 to index
      %get3A_1217 = arith.constant 48 : index
      %get3A_1218 = tpu.vector_load %arg6[%get3A_1215, %get3A_1216, %get3A_1217] {strides = array<i32>} : memref<2x640x64xf32, #tpu.memory_space<vmem>>, vector<1x1x16xf32>,
      %get3A_1219 = vector.shape_cast %get3A_1218 : vector<1x1x16xf32> to vector<16xf32>
      %add3A_1220 = arith.addf %add3A_1211, %get3A_1219 : vector<16xf32>
      %add3A_1221 = arith.constant 3 : i32
      %add3A_1222 = arith.addi %mul3A_628, %add3A_1221 : i32
      %get3A_1223 = arith.constant 0 : i32
      %get3A_1224 = arith.index_cast %get3A_1223 : i32 to index
      %get3A_1225 = arith.index_cast %add3A_1222 : i32 to index
      %get3A_1226 = arith.constant 48 : index
      %get3A_1227 = tpu.vector_load %arg6[%get3A_1224, %get3A_1225, %get3A_1226] {strides = array<i32>} : memref<2x640x64xf32, #tpu.memory_space<vmem>>, vector<1x1x16xf32>,
      %get3A_1228 = vector.shape_cast %get3A_1227 : vector<1x1x16xf32> to vector<16xf32>
      %add3A_1229 = arith.addf %add3A_1220, %get3A_1228 : vector<16xf32>
      %add3A_1230 = arith.constant 4 : i32
      %add3A_1231 = arith.addi %mul3A_628, %add3A_1230 : i32
      %get3A_1232 = arith.constant 0 : i32
      %get3A_1233 = arith.index_cast %get3A_1232 : i32 to index
      %get3A_1234 = arith.index_cast %add3A_1231 : i32 to index
      %get3A_1235 = arith.constant 48 : index
      %get3A_1236 = tpu.vector_load %arg6[%get3A_1233, %get3A_1234, %get3A_1235] {strides = array<i32>} : memref<2x640x64xf32, #tpu.memory_space<vmem>>, vector<1x1x16xf32>,
      %get3A_1237 = vector.shape_cast %get3A_1236 : vector<1x1x16xf32> to vector<16xf32>
      %add3A_1238 = arith.addf %add3A_1229, %get3A_1237 : vector<16xf32>
      %add3A_1239 = arith.constant 5 : i32
      %add3A_1240 = arith.addi %mul3A_628, %add3A_1239 : i32
      %get3A_1241 = arith.constant 0 : i32
      %get3A_1242 = arith.index_cast %get3A_1241 : i32 to index
      %get3A_1243 = arith.index_cast %add3A_1240 : i32 to index
      %get3A_1244 = arith.constant 48 : index
      %get3A_1245 = tpu.vector_load %arg6[%get3A_1242, %get3A_1243, %get3A_1244] {strides = array<i32>} : memref<2x640x64xf32, #tpu.memory_space<vmem>>, vector<1x1x16xf32>,
      %get3A_1246 = vector.shape_cast %get3A_1245 : vector<1x1x16xf32> to vector<16xf32>
      %add3A_1247 = arith.addf %add3A_1238, %get3A_1246 : vector<16xf32>
      %add3A_1248 = arith.constant 6 : i32
      %add3A_1249 = arith.addi %mul3A_628, %add3A_1248 : i32
      %get3A_1250 = arith.constant 0 : i32
      %get3A_1251 = arith.index_cast %get3A_1250 : i32 to index
      %get3A_1252 = arith.index_cast %add3A_1249 : i32 to index
      %get3A_1253 = arith.constant 48 : index
      %get3A_1254 = tpu.vector_load %arg6[%get3A_1251, %get3A_1252, %get3A_1253] {strides = array<i32>} : memref<2x640x64xf32, #tpu.memory_space<vmem>>, vector<1x1x16xf32>,
      %get3A_1255 = vector.shape_cast %get3A_1254 : vector<1x1x16xf32> to vector<16xf32>
      %add3A_1256 = arith.addf %add3A_1247, %get3A_1255 : vector<16xf32>
      %add3A_1257 = arith.constant 7 : i32
      %add3A_1258 = arith.addi %mul3A_628, %add3A_1257 : i32
      %get3A_1259 = arith.constant 0 : i32
      %get3A_1260 = arith.index_cast %get3A_1259 : i32 to index
      %get3A_1261 = arith.index_cast %add3A_1258 : i32 to index
      %get3A_1262 = arith.constant 48 : index
      %get3A_1263 = tpu.vector_load %arg6[%get3A_1260, %get3A_1261, %get3A_1262] {strides = array<i32>} : memref<2x640x64xf32, #tpu.memory_space<vmem>>, vector<1x1x16xf32>,
      %get3A_1264 = vector.shape_cast %get3A_1263 : vector<1x1x16xf32> to vector<16xf32>
      %add3A_1265 = arith.addf %add3A_1256, %get3A_1264 : vector<16xf32>
      %add3A_1266 = arith.constant 8 : i32
      %add3A_1267 = arith.addi %mul3A_628, %add3A_1266 : i32
      %get3A_1268 = arith.constant 0 : i32
      %get3A_1269 = arith.index_cast %get3A_1268 : i32 to index
      %get3A_1270 = arith.index_cast %add3A_1267 : i32 to index
      %get3A_1271 = arith.constant 48 : index
      %get3A_1272 = tpu.vector_load %arg6[%get3A_1269, %get3A_1270, %get3A_1271] {strides = array<i32>} : memref<2x640x64xf32, #tpu.memory_space<vmem>>, vector<1x1x16xf32>,
      %get3A_1273 = vector.shape_cast %get3A_1272 : vector<1x1x16xf32> to vector<16xf32>
      %add3A_1274 = arith.addf %add3A_1265, %get3A_1273 : vector<16xf32>
      %add3A_1275 = arith.constant 9 : i32
      %add3A_1276 = arith.addi %mul3A_628, %add3A_1275 : i32
      %get3A_1277 = arith.constant 0 : i32
      %get3A_1278 = arith.index_cast %get3A_1277 : i32 to index
      %get3A_1279 = arith.index_cast %add3A_1276 : i32 to index
      %get3A_1280 = arith.constant 48 : index
      %get3A_1281 = tpu.vector_load %arg6[%get3A_1278, %get3A_1279, %get3A_1280] {strides = array<i32>} : memref<2x640x64xf32, #tpu.memory_space<vmem>>, vector<1x1x16xf32>,
      %get3A_1282 = vector.shape_cast %get3A_1281 : vector<1x1x16xf32> to vector<16xf32>
      %add3A_1283 = arith.addf %add3A_1274, %get3A_1282 : vector<16xf32>
      %add3A_1284 = arith.constant 10 : i32
      %add3A_1285 = arith.addi %mul3A_628, %add3A_1284 : i32
      %get3A_1286 = arith.constant 0 : i32
      %get3A_1287 = arith.index_cast %get3A_1286 : i32 to index
      %get3A_1288 = arith.index_cast %add3A_1285 : i32 to index
      %get3A_1289 = arith.constant 48 : index
      %get3A_1290 = tpu.vector_load %arg6[%get3A_1287, %get3A_1288, %get3A_1289] {strides = array<i32>} : memref<2x640x64xf32, #tpu.memory_space<vmem>>, vector<1x1x16xf32>,
      %get3A_1291 = vector.shape_cast %get3A_1290 : vector<1x1x16xf32> to vector<16xf32>
      %add3A_1292 = arith.addf %add3A_1283, %get3A_1291 : vector<16xf32>
      %add3A_1293 = arith.constant 11 : i32
      %add3A_1294 = arith.addi %mul3A_628, %add3A_1293 : i32
      %get3A_1295 = arith.constant 0 : i32
      %get3A_1296 = arith.index_cast %get3A_1295 : i32 to index
      %get3A_1297 = arith.index_cast %add3A_1294 : i32 to index
      %get3A_1298 = arith.constant 48 : index
      %get3A_1299 = tpu.vector_load %arg6[%get3A_1296, %get3A_1297, %get3A_1298] {strides = array<i32>} : memref<2x640x64xf32, #tpu.memory_space<vmem>>, vector<1x1x16xf32>,
      %get3A_1300 = vector.shape_cast %get3A_1299 : vector<1x1x16xf32> to vector<16xf32>
      %add3A_1301 = arith.addf %add3A_1292, %get3A_1300 : vector<16xf32>
      %add3A_1302 = arith.constant 12 : i32
      %add3A_1303 = arith.addi %mul3A_628, %add3A_1302 : i32
      %get3A_1304 = arith.constant 0 : i32
      %get3A_1305 = arith.index_cast %get3A_1304 : i32 to index
      %get3A_1306 = arith.index_cast %add3A_1303 : i32 to index
      %get3A_1307 = arith.constant 48 : index
      %get3A_1308 = tpu.vector_load %arg6[%get3A_1305, %get3A_1306, %get3A_1307] {strides = array<i32>} : memref<2x640x64xf32, #tpu.memory_space<vmem>>, vector<1x1x16xf32>,
      %get3A_1309 = vector.shape_cast %get3A_1308 : vector<1x1x16xf32> to vector<16xf32>
      %add3A_1310 = arith.addf %add3A_1301, %get3A_1309 : vector<16xf32>
      %add3A_1311 = arith.constant 13 : i32
      %add3A_1312 = arith.addi %mul3A_628, %add3A_1311 : i32
      %get3A_1313 = arith.constant 0 : i32
      %get3A_1314 = arith.index_cast %get3A_1313 : i32 to index
      %get3A_1315 = arith.index_cast %add3A_1312 : i32 to index
      %get3A_1316 = arith.constant 48 : index
      %get3A_1317 = tpu.vector_load %arg6[%get3A_1314, %get3A_1315, %get3A_1316] {strides = array<i32>} : memref<2x640x64xf32, #tpu.memory_space<vmem>>, vector<1x1x16xf32>,
      %get3A_1318 = vector.shape_cast %get3A_1317 : vector<1x1x16xf32> to vector<16xf32>
      %add3A_1319 = arith.addf %add3A_1310, %get3A_1318 : vector<16xf32>
      %add3A_1320 = arith.constant 14 : i32
      %add3A_1321 = arith.addi %mul3A_628, %add3A_1320 : i32
      %get3A_1322 = arith.constant 0 : i32
      %get3A_1323 = arith.index_cast %get3A_1322 : i32 to index
      %get3A_1324 = arith.index_cast %add3A_1321 : i32 to index
      %get3A_1325 = arith.constant 48 : index
      %get3A_1326 = tpu.vector_load %arg6[%get3A_1323, %get3A_1324, %get3A_1325] {strides = array<i32>} : memref<2x640x64xf32, #tpu.memory_space<vmem>>, vector<1x1x16xf32>,
      %get3A_1327 = vector.shape_cast %get3A_1326 : vector<1x1x16xf32> to vector<16xf32>
      %add3A_1328 = arith.addf %add3A_1319, %get3A_1327 : vector<16xf32>
      %add3A_1329 = arith.constant 15 : i32
      %add3A_1330 = arith.addi %mul3A_628, %add3A_1329 : i32
      %get3A_1331 = arith.constant 0 : i32
      %get3A_1332 = arith.index_cast %get3A_1331 : i32 to index
      %get3A_1333 = arith.index_cast %add3A_1330 : i32 to index
      %get3A_1334 = arith.constant 48 : index
      %get3A_1335 = tpu.vector_load %arg6[%get3A_1332, %get3A_1333, %get3A_1334] {strides = array<i32>} : memref<2x640x64xf32, #tpu.memory_space<vmem>>, vector<1x1x16xf32>,
      %get3A_1336 = vector.shape_cast %get3A_1335 : vector<1x1x16xf32> to vector<16xf32>
      %add3A_1337 = arith.addf %add3A_1328, %get3A_1336 : vector<16xf32>
      %add3A_1338 = arith.constant 16 : i32
      %add3A_1339 = arith.addi %mul3A_628, %add3A_1338 : i32
      %get3A_1340 = arith.constant 0 : i32
      %get3A_1341 = arith.index_cast %get3A_1340 : i32 to index
      %get3A_1342 = arith.index_cast %add3A_1339 : i32 to index
      %get3A_1343 = arith.constant 48 : index
      %get3A_1344 = tpu.vector_load %arg6[%get3A_1341, %get3A_1342, %get3A_1343] {strides = array<i32>} : memref<2x640x64xf32, #tpu.memory_space<vmem>>, vector<1x1x16xf32>,
      %get3A_1345 = vector.shape_cast %get3A_1344 : vector<1x1x16xf32> to vector<16xf32>
      %add3A_1346 = arith.addf %add3A_1337, %get3A_1345 : vector<16xf32>
      %add3A_1347 = arith.constant 17 : i32
      %add3A_1348 = arith.addi %mul3A_628, %add3A_1347 : i32
      %get3A_1349 = arith.constant 0 : i32
      %get3A_1350 = arith.index_cast %get3A_1349 : i32 to index
      %get3A_1351 = arith.index_cast %add3A_1348 : i32 to index
      %get3A_1352 = arith.constant 48 : index
      %get3A_1353 = tpu.vector_load %arg6[%get3A_1350, %get3A_1351, %get3A_1352] {strides = array<i32>} : memref<2x640x64xf32, #tpu.memory_space<vmem>>, vector<1x1x16xf32>,
      %get3A_1354 = vector.shape_cast %get3A_1353 : vector<1x1x16xf32> to vector<16xf32>
      %add3A_1355 = arith.addf %add3A_1346, %get3A_1354 : vector<16xf32>
      %add3A_1356 = arith.constant 18 : i32
      %add3A_1357 = arith.addi %mul3A_628, %add3A_1356 : i32
      %get3A_1358 = arith.constant 0 : i32
      %get3A_1359 = arith.index_cast %get3A_1358 : i32 to index
      %get3A_1360 = arith.index_cast %add3A_1357 : i32 to index
      %get3A_1361 = arith.constant 48 : index
      %get3A_1362 = tpu.vector_load %arg6[%get3A_1359, %get3A_1360, %get3A_1361] {strides = array<i32>} : memref<2x640x64xf32, #tpu.memory_space<vmem>>, vector<1x1x16xf32>,
      %get3A_1363 = vector.shape_cast %get3A_1362 : vector<1x1x16xf32> to vector<16xf32>
      %add3A_1364 = arith.addf %add3A_1355, %get3A_1363 : vector<16xf32>
      %add3A_1365 = arith.constant 19 : i32
      %add3A_1366 = arith.addi %mul3A_628, %add3A_1365 : i32
      %get3A_1367 = arith.constant 0 : i32
      %get3A_1368 = arith.index_cast %get3A_1367 : i32 to index
      %get3A_1369 = arith.index_cast %add3A_1366 : i32 to index
      %get3A_1370 = arith.constant 48 : index
      %get3A_1371 = tpu.vector_load %arg6[%get3A_1368, %get3A_1369, %get3A_1370] {strides = array<i32>} : memref<2x640x64xf32, #tpu.memory_space<vmem>>, vector<1x1x16xf32>,
      %get3A_1372 = vector.shape_cast %get3A_1371 : vector<1x1x16xf32> to vector<16xf32>
      %add3A_1373 = arith.addf %add3A_1364, %get3A_1372 : vector<16xf32>
      %mul3A_1374 = arith.constant 5.000000e-02 : f32
      %mul3A_1375 = vector.broadcast %mul3A_1374 : f32 to vector<16xf32>
      %mul3A_1376 = arith.mulf %add3A_1373, %mul3A_1375 : vector<16xf32>
      %add3A_1377 = arith.constant 0 : i32
      %add3A_1378 = arith.addi %add3A_1377, %scan3A_626 : i32
      %mul3A_1379 = arith.constant 128 : i32
      %mul3A_1380 = arith.muli %add3A_1378, %mul3A_1379 : i32
      %add3A_1381 = arith.constant 48 : i32
      %add3A_1382 = arith.addi %mul3A_1380, %add3A_1381 : i32
      %swap3A_1383 = arith.index_cast %add3A_1382 : i32 to index
      %swap3A_1384 = tpu.vector_load %arg7[%swap3A_1383] {strides = array<i32>} : memref<16384xf32, #tpu.memory_space<vmem>>, vector<16xf32>,
      %swap3A_1385 = vector.shape_cast %swap3A_1384 : vector<16xf32> to vector<16xf32>
      %swap3A_1386 = vector.shape_cast %mul3A_1376 : vector<16xf32> to vector<16xf32>
      tpu.vector_store %arg7[%swap3A_1383], %swap3A_1386 {strides = array<i32>} : memref<16384xf32, #tpu.memory_space<vmem>>, vector<16xf32>,
    }
    %scan3A_228 = arith.constant 32 : i32
    %dma_wait3A_229 = arith.constant 5 : i32
    %dma_wait3A_230 = arith.constant 1 : i32
    %dma_wait3A_231 = arith.constant 0 : i32
    %dma_wait3A_232 = arith.constant 0 : i32
    %dma_wait3A_233 = tpu.memref_slice %arg6[%dma_wait3A_230, %dma_wait3A_231, %dma_wait3A_232] : memref<2x640x64xf32, #tpu.memory_space<vmem>> -> memref<1x640x64xf32, #tpu.memory_space<vmem>>
    %dma_wait3A_234 = tpu.memref_squeeze %dma_wait3A_233 : memref<1x640x64xf32, #tpu.memory_space<vmem>> -> memref<640x64xf32, #tpu.memory_space<vmem>>
    %dma_wait3A_235 = arith.constant 0 : i32
    %dma_wait3A_236 = arith.constant 0 : i32
    %dma_wait3A_237 = tpu.memref_slice %dma_wait3A_234[%dma_wait3A_235, %dma_wait3A_236] : memref<640x64xf32, #tpu.memory_space<vmem>> -> memref<128x64xf32, #tpu.memory_space<vmem>>
    %dma_wait3A_238 = arith.constant 0 : i32
    %dma_wait3A_239 = tpu.memref_slice %arg5[%dma_wait3A_229, %dma_wait3A_238] : memref<20x128xi32, #tpu.memory_space<vmem>> -> memref<1x128xi32, #tpu.memory_space<vmem>>
    %dma_wait3A_240 = tpu.memref_squeeze %dma_wait3A_239 : memref<1x128xi32, #tpu.memory_space<vmem>> -> memref<128xi32, #tpu.memory_space<vmem>>
    %dma_wait3A_241 = arith.constant 0 : i32
    %dma_wait3A_242 = arith.constant 0 : i32
    %dma_wait3A_243 = tpu.memref_slice %arg3[%dma_wait3A_241, %dma_wait3A_242] : memref<100000x64xf32, #tpu.memory_space<hbm>> -> memref<100000x64xf32, #tpu.memory_space<hbm>>
    tpu.wait_indirect_dma semaphore(%arg9 : memref<!tpu.dma_semaphore, #tpu.memory_space<semaphore_mem>>) src(%dma_wait3A_243 : memref<100000x64xf32, #tpu.memory_space<hbm>>) dst(%dma_wait3A_237 : memref<128x64xf32, #tpu.memory_space<vmem>>)
    %dma_wait3A_244 = arith.constant 6 : i32
    %dma_wait3A_245 = arith.constant 1 : i32
    %dma_wait3A_246 = arith.constant 0 : i32
    %dma_wait3A_247 = arith.constant 0 : i32
    %dma_wait3A_248 = tpu.memref_slice %arg6[%dma_wait3A_245, %dma_wait3A_246, %dma_wait3A_247] : memref<2x640x64xf32, #tpu.memory_space<vmem>> -> memref<1x640x64xf32, #tpu.memory_space<vmem>>
    %dma_wait3A_249 = tpu.memref_squeeze %dma_wait3A_248 : memref<1x640x64xf32, #tpu.memory_space<vmem>> -> memref<640x64xf32, #tpu.memory_space<vmem>>
    %dma_wait3A_250 = arith.constant 128 : i32
    %dma_wait3A_251 = arith.constant 0 : i32
    %dma_wait3A_252 = tpu.memref_slice %dma_wait3A_249[%dma_wait3A_250, %dma_wait3A_251] : memref<640x64xf32, #tpu.memory_space<vmem>> -> memref<128x64xf32, #tpu.memory_space<vmem>>
    %dma_wait3A_253 = arith.constant 0 : i32
    %dma_wait3A_254 = tpu.memref_slice %arg5[%dma_wait3A_244, %dma_wait3A_253] : memref<20x128xi32, #tpu.memory_space<vmem>> -> memref<1x128xi32, #tpu.memory_space<vmem>>
    %dma_wait3A_255 = tpu.memref_squeeze %dma_wait3A_254 : memref<1x128xi32, #tpu.memory_space<vmem>> -> memref<128xi32, #tpu.memory_space<vmem>>
    %dma_wait3A_256 = arith.constant 0 : i32
    %dma_wait3A_257 = arith.constant 0 : i32
    %dma_wait3A_258 = tpu.memref_slice %arg3[%dma_wait3A_256, %dma_wait3A_257] : memref<100000x64xf32, #tpu.memory_space<hbm>> -> memref<100000x64xf32, #tpu.memory_space<hbm>>
    tpu.wait_indirect_dma semaphore(%arg9 : memref<!tpu.dma_semaphore, #tpu.memory_space<semaphore_mem>>) src(%dma_wait3A_258 : memref<100000x64xf32, #tpu.memory_space<hbm>>) dst(%dma_wait3A_252 : memref<128x64xf32, #tpu.memory_space<vmem>>)
    %dma_wait3A_259 = arith.constant 7 : i32
    %dma_wait3A_260 = arith.constant 1 : i32
    %dma_wait3A_261 = arith.constant 0 : i32
    %dma_wait3A_262 = arith.constant 0 : i32
    %dma_wait3A_263 = tpu.memref_slice %arg6[%dma_wait3A_260, %dma_wait3A_261, %dma_wait3A_262] : memref<2x640x64xf32, #tpu.memory_space<vmem>> -> memref<1x640x64xf32, #tpu.memory_space<vmem>>
    %dma_wait3A_264 = tpu.memref_squeeze %dma_wait3A_263 : memref<1x640x64xf32, #tpu.memory_space<vmem>> -> memref<640x64xf32, #tpu.memory_space<vmem>>
    %dma_wait3A_265 = arith.constant 256 : i32
    %dma_wait3A_266 = arith.constant 0 : i32
    %dma_wait3A_267 = tpu.memref_slice %dma_wait3A_264[%dma_wait3A_265, %dma_wait3A_266] : memref<640x64xf32, #tpu.memory_space<vmem>> -> memref<128x64xf32, #tpu.memory_space<vmem>>
    %dma_wait3A_268 = arith.constant 0 : i32
    %dma_wait3A_269 = tpu.memref_slice %arg5[%dma_wait3A_259, %dma_wait3A_268] : memref<20x128xi32, #tpu.memory_space<vmem>> -> memref<1x128xi32, #tpu.memory_space<vmem>>
    %dma_wait3A_270 = tpu.memref_squeeze %dma_wait3A_269 : memref<1x128xi32, #tpu.memory_space<vmem>> -> memref<128xi32, #tpu.memory_space<vmem>>
    %dma_wait3A_271 = arith.constant 0 : i32
    %dma_wait3A_272 = arith.constant 0 : i32
    %dma_wait3A_273 = tpu.memref_slice %arg3[%dma_wait3A_271, %dma_wait3A_272] : memref<100000x64xf32, #tpu.memory_space<hbm>> -> memref<100000x64xf32, #tpu.memory_space<hbm>>
    tpu.wait_indirect_dma semaphore(%arg9 : memref<!tpu.dma_semaphore, #tpu.memory_space<semaphore_mem>>) src(%dma_wait3A_273 : memref<100000x64xf32, #tpu.memory_space<hbm>>) dst(%dma_wait3A_267 : memref<128x64xf32, #tpu.memory_space<vmem>>)
    %dma_wait3A_274 = arith.constant 8 : i32
    %dma_wait3A_275 = arith.constant 1 : i32
    %dma_wait3A_276 = arith.constant 0 : i32
    %dma_wait3A_277 = arith.constant 0 : i32
    %dma_wait3A_278 = tpu.memref_slice %arg6[%dma_wait3A_275, %dma_wait3A_276, %dma_wait3A_277] : memref<2x640x64xf32, #tpu.memory_space<vmem>> -> memref<1x640x64xf32, #tpu.memory_space<vmem>>
    %dma_wait3A_279 = tpu.memref_squeeze %dma_wait3A_278 : memref<1x640x64xf32, #tpu.memory_space<vmem>> -> memref<640x64xf32, #tpu.memory_space<vmem>>
    %dma_wait3A_280 = arith.constant 384 : i32
    %dma_wait3A_281 = arith.constant 0 : i32
    %dma_wait3A_282 = tpu.memref_slice %dma_wait3A_279[%dma_wait3A_280, %dma_wait3A_281] : memref<640x64xf32, #tpu.memory_space<vmem>> -> memref<128x64xf32, #tpu.memory_space<vmem>>
    %dma_wait3A_283 = arith.constant 0 : i32
    %dma_wait3A_284 = tpu.memref_slice %arg5[%dma_wait3A_274, %dma_wait3A_283] : memref<20x128xi32, #tpu.memory_space<vmem>> -> memref<1x128xi32, #tpu.memory_space<vmem>>
    %dma_wait3A_285 = tpu.memref_squeeze %dma_wait3A_284 : memref<1x128xi32, #tpu.memory_space<vmem>> -> memref<128xi32, #tpu.memory_space<vmem>>
    %dma_wait3A_286 = arith.constant 0 : i32
    %dma_wait3A_287 = arith.constant 0 : i32
    %dma_wait3A_288 = tpu.memref_slice %arg3[%dma_wait3A_286, %dma_wait3A_287] : memref<100000x64xf32, #tpu.memory_space<hbm>> -> memref<100000x64xf32, #tpu.memory_space<hbm>>
    tpu.wait_indirect_dma semaphore(%arg9 : memref<!tpu.dma_semaphore, #tpu.memory_space<semaphore_mem>>) src(%dma_wait3A_288 : memref<100000x64xf32, #tpu.memory_space<hbm>>) dst(%dma_wait3A_282 : memref<128x64xf32, #tpu.memory_space<vmem>>)
    %dma_wait3A_289 = arith.constant 9 : i32
    %dma_wait3A_290 = arith.constant 1 : i32
    %dma_wait3A_291 = arith.constant 0 : i32
    %dma_wait3A_292 = arith.constant 0 : i32
    %dma_wait3A_293 = tpu.memref_slice %arg6[%dma_wait3A_290, %dma_wait3A_291, %dma_wait3A_292] : memref<2x640x64xf32, #tpu.memory_space<vmem>> -> memref<1x640x64xf32, #tpu.memory_space<vmem>>
    %dma_wait3A_294 = tpu.memref_squeeze %dma_wait3A_293 : memref<1x640x64xf32, #tpu.memory_space<vmem>> -> memref<640x64xf32, #tpu.memory_space<vmem>>
    %dma_wait3A_295 = arith.constant 512 : i32
    %dma_wait3A_296 = arith.constant 0 : i32
    %dma_wait3A_297 = tpu.memref_slice %dma_wait3A_294[%dma_wait3A_295, %dma_wait3A_296] : memref<640x64xf32, #tpu.memory_space<vmem>> -> memref<128x64xf32, #tpu.memory_space<vmem>>
    %dma_wait3A_298 = arith.constant 0 : i32
    %dma_wait3A_299 = tpu.memref_slice %arg5[%dma_wait3A_289, %dma_wait3A_298] : memref<20x128xi32, #tpu.memory_space<vmem>> -> memref<1x128xi32, #tpu.memory_space<vmem>>
    %dma_wait3A_300 = tpu.memref_squeeze %dma_wait3A_299 : memref<1x128xi32, #tpu.memory_space<vmem>> -> memref<128xi32, #tpu.memory_space<vmem>>
    %dma_wait3A_301 = arith.constant 0 : i32
    %dma_wait3A_302 = arith.constant 0 : i32
    %dma_wait3A_303 = tpu.memref_slice %arg3[%dma_wait3A_301, %dma_wait3A_302] : memref<100000x64xf32, #tpu.memory_space<hbm>> -> memref<100000x64xf32, #tpu.memory_space<hbm>>
    tpu.wait_indirect_dma semaphore(%arg9 : memref<!tpu.dma_semaphore, #tpu.memory_space<semaphore_mem>>) src(%dma_wait3A_303 : memref<100000x64xf32, #tpu.memory_space<hbm>>) dst(%dma_wait3A_297 : memref<128x64xf32, #tpu.memory_space<vmem>>)
    %dma_start3A_304 = arith.constant 10 : i32
    %dma_start3A_305 = arith.constant 0 : i32
    %dma_start3A_306 = arith.constant 0 : i32
    %dma_start3A_307 = arith.constant 0 : i32
    %dma_start3A_308 = tpu.memref_slice %arg6[%dma_start3A_305, %dma_start3A_306, %dma_start3A_307] : memref<2x640x64xf32, #tpu.memory_space<vmem>> -> memref<1x640x64xf32, #tpu.memory_space<vmem>>
    %dma_start3A_309 = tpu.memref_squeeze %dma_start3A_308 : memref<1x640x64xf32, #tpu.memory_space<vmem>> -> memref<640x64xf32, #tpu.memory_space<vmem>>
    %dma_start3A_310 = arith.constant 0 : i32
    %dma_start3A_311 = arith.constant 0 : i32
    %dma_start3A_312 = tpu.memref_slice %dma_start3A_309[%dma_start3A_310, %dma_start3A_311] : memref<640x64xf32, #tpu.memory_space<vmem>> -> memref<128x64xf32, #tpu.memory_space<vmem>>
    %dma_start3A_313 = arith.constant 0 : i32
    %dma_start3A_314 = tpu.memref_slice %arg5[%dma_start3A_304, %dma_start3A_313] : memref<20x128xi32, #tpu.memory_space<vmem>> -> memref<1x128xi32, #tpu.memory_space<vmem>>
    %dma_start3A_315 = tpu.memref_squeeze %dma_start3A_314 : memref<1x128xi32, #tpu.memory_space<vmem>> -> memref<128xi32, #tpu.memory_space<vmem>>
    %dma_start3A_316 = arith.constant 0 : i32
    %dma_start3A_317 = arith.constant 0 : i32
    %dma_start3A_318 = tpu.memref_slice %arg3[%dma_start3A_316, %dma_start3A_317] : memref<100000x64xf32, #tpu.memory_space<hbm>> -> memref<100000x64xf32, #tpu.memory_space<hbm>>
    tpu.enqueue_indirect_dma source(%dma_start3A_318 : memref<100000x64xf32, #tpu.memory_space<hbm>>) target(%dma_start3A_312 : memref<128x64xf32, #tpu.memory_space<vmem>>) offsets(%dma_start3A_315 : memref<128xi32, #tpu.memory_space<vmem>>) semaphore(%arg8 : memref<!tpu.dma_semaphore, #tpu.memory_space<semaphore_mem>>)
    %dma_start3A_319 = arith.constant 11 : i32
    %dma_start3A_320 = arith.constant 0 : i32
    %dma_start3A_321 = arith.constant 0 : i32
    %dma_start3A_322 = arith.constant 0 : i32
    %dma_start3A_323 = tpu.memref_slice %arg6[%dma_start3A_320, %dma_start3A_321, %dma_start3A_322] : memref<2x640x64xf32, #tpu.memory_space<vmem>> -> memref<1x640x64xf32, #tpu.memory_space<vmem>>
    %dma_start3A_324 = tpu.memref_squeeze %dma_start3A_323 : memref<1x640x64xf32, #tpu.memory_space<vmem>> -> memref<640x64xf32, #tpu.memory_space<vmem>>
    %dma_start3A_325 = arith.constant 128 : i32
    %dma_start3A_326 = arith.constant 0 : i32
    %dma_start3A_327 = tpu.memref_slice %dma_start3A_324[%dma_start3A_325, %dma_start3A_326] : memref<640x64xf32, #tpu.memory_space<vmem>> -> memref<128x64xf32, #tpu.memory_space<vmem>>
    %dma_start3A_328 = arith.constant 0 : i32
    %dma_start3A_329 = tpu.memref_slice %arg5[%dma_start3A_319, %dma_start3A_328] : memref<20x128xi32, #tpu.memory_space<vmem>> -> memref<1x128xi32, #tpu.memory_space<vmem>>
    %dma_start3A_330 = tpu.memref_squeeze %dma_start3A_329 : memref<1x128xi32, #tpu.memory_space<vmem>> -> memref<128xi32, #tpu.memory_space<vmem>>
    %dma_start3A_331 = arith.constant 0 : i32
    %dma_start3A_332 = arith.constant 0 : i32
    %dma_start3A_333 = tpu.memref_slice %arg3[%dma_start3A_331, %dma_start3A_332] : memref<100000x64xf32, #tpu.memory_space<hbm>> -> memref<100000x64xf32, #tpu.memory_space<hbm>>
    tpu.enqueue_indirect_dma source(%dma_start3A_333 : memref<100000x64xf32, #tpu.memory_space<hbm>>) target(%dma_start3A_327 : memref<128x64xf32, #tpu.memory_space<vmem>>) offsets(%dma_start3A_330 : memref<128xi32, #tpu.memory_space<vmem>>) semaphore(%arg8 : memref<!tpu.dma_semaphore, #tpu.memory_space<semaphore_mem>>)
    %dma_start3A_334 = arith.constant 12 : i32
    %dma_start3A_335 = arith.constant 0 : i32
    %dma_start3A_336 = arith.constant 0 : i32
    %dma_start3A_337 = arith.constant 0 : i32
    %dma_start3A_338 = tpu.memref_slice %arg6[%dma_start3A_335, %dma_start3A_336, %dma_start3A_337] : memref<2x640x64xf32, #tpu.memory_space<vmem>> -> memref<1x640x64xf32, #tpu.memory_space<vmem>>
    %dma_start3A_339 = tpu.memref_squeeze %dma_start3A_338 : memref<1x640x64xf32, #tpu.memory_space<vmem>> -> memref<640x64xf32, #tpu.memory_space<vmem>>
    %dma_start3A_340 = arith.constant 256 : i32
    %dma_start3A_341 = arith.constant 0 : i32
    %dma_start3A_342 = tpu.memref_slice %dma_start3A_339[%dma_start3A_340, %dma_start3A_341] : memref<640x64xf32, #tpu.memory_space<vmem>> -> memref<128x64xf32, #tpu.memory_space<vmem>>
    %dma_start3A_343 = arith.constant 0 : i32
    %dma_start3A_344 = tpu.memref_slice %arg5[%dma_start3A_334, %dma_start3A_343] : memref<20x128xi32, #tpu.memory_space<vmem>> -> memref<1x128xi32, #tpu.memory_space<vmem>>
    %dma_start3A_345 = tpu.memref_squeeze %dma_start3A_344 : memref<1x128xi32, #tpu.memory_space<vmem>> -> memref<128xi32, #tpu.memory_space<vmem>>
    %dma_start3A_346 = arith.constant 0 : i32
    %dma_start3A_347 = arith.constant 0 : i32
    %dma_start3A_348 = tpu.memref_slice %arg3[%dma_start3A_346, %dma_start3A_347] : memref<100000x64xf32, #tpu.memory_space<hbm>> -> memref<100000x64xf32, #tpu.memory_space<hbm>>
    tpu.enqueue_indirect_dma source(%dma_start3A_348 : memref<100000x64xf32, #tpu.memory_space<hbm>>) target(%dma_start3A_342 : memref<128x64xf32, #tpu.memory_space<vmem>>) offsets(%dma_start3A_345 : memref<128xi32, #tpu.memory_space<vmem>>) semaphore(%arg8 : memref<!tpu.dma_semaphore, #tpu.memory_space<semaphore_mem>>)
    %dma_start3A_349 = arith.constant 13 : i32
    %dma_start3A_350 = arith.constant 0 : i32
    %dma_start3A_351 = arith.constant 0 : i32
    %dma_start3A_352 = arith.constant 0 : i32
    %dma_start3A_353 = tpu.memref_slice %arg6[%dma_start3A_350, %dma_start3A_351, %dma_start3A_352] : memref<2x640x64xf32, #tpu.memory_space<vmem>> -> memref<1x640x64xf32, #tpu.memory_space<vmem>>
    %dma_start3A_354 = tpu.memref_squeeze %dma_start3A_353 : memref<1x640x64xf32, #tpu.memory_space<vmem>> -> memref<640x64xf32, #tpu.memory_space<vmem>>
    %dma_start3A_355 = arith.constant 384 : i32
    %dma_start3A_356 = arith.constant 0 : i32
    %dma_start3A_357 = tpu.memref_slice %dma_start3A_354[%dma_start3A_355, %dma_start3A_356] : memref<640x64xf32, #tpu.memory_space<vmem>> -> memref<128x64xf32, #tpu.memory_space<vmem>>
    %dma_start3A_358 = arith.constant 0 : i32
    %dma_start3A_359 = tpu.memref_slice %arg5[%dma_start3A_349, %dma_start3A_358] : memref<20x128xi32, #tpu.memory_space<vmem>> -> memref<1x128xi32, #tpu.memory_space<vmem>>
    %dma_start3A_360 = tpu.memref_squeeze %dma_start3A_359 : memref<1x128xi32, #tpu.memory_space<vmem>> -> memref<128xi32, #tpu.memory_space<vmem>>
    %dma_start3A_361 = arith.constant 0 : i32
    %dma_start3A_362 = arith.constant 0 : i32
    %dma_start3A_363 = tpu.memref_slice %arg3[%dma_start3A_361, %dma_start3A_362] : memref<100000x64xf32, #tpu.memory_space<hbm>> -> memref<100000x64xf32, #tpu.memory_space<hbm>>
    tpu.enqueue_indirect_dma source(%dma_start3A_363 : memref<100000x64xf32, #tpu.memory_space<hbm>>) target(%dma_start3A_357 : memref<128x64xf32, #tpu.memory_space<vmem>>) offsets(%dma_start3A_360 : memref<128xi32, #tpu.memory_space<vmem>>) semaphore(%arg8 : memref<!tpu.dma_semaphore, #tpu.memory_space<semaphore_mem>>)
    %dma_start3A_364 = arith.constant 14 : i32
    %dma_start3A_365 = arith.constant 0 : i32
    %dma_start3A_366 = arith.constant 0 : i32
    %dma_start3A_367 = arith.constant 0 : i32
    %dma_start3A_368 = tpu.memref_slice %arg6[%dma_start3A_365, %dma_start3A_366, %dma_start3A_367] : memref<2x640x64xf32, #tpu.memory_space<vmem>> -> memref<1x640x64xf32, #tpu.memory_space<vmem>>
    %dma_start3A_369 = tpu.memref_squeeze %dma_start3A_368 : memref<1x640x64xf32, #tpu.memory_space<vmem>> -> memref<640x64xf32, #tpu.memory_space<vmem>>
    %dma_start3A_370 = arith.constant 512 : i32
    %dma_start3A_371 = arith.constant 0 : i32
    %dma_start3A_372 = tpu.memref_slice %dma_start3A_369[%dma_start3A_370, %dma_start3A_371] : memref<640x64xf32, #tpu.memory_space<vmem>> -> memref<128x64xf32, #tpu.memory_space<vmem>>
    %dma_start3A_373 = arith.constant 0 : i32
    %dma_start3A_374 = tpu.memref_slice %arg5[%dma_start3A_364, %dma_start3A_373] : memref<20x128xi32, #tpu.memory_space<vmem>> -> memref<1x128xi32, #tpu.memory_space<vmem>>
    %dma_start3A_375 = tpu.memref_squeeze %dma_start3A_374 : memref<1x128xi32, #tpu.memory_space<vmem>> -> memref<128xi32, #tpu.memory_space<vmem>>
    %dma_start3A_376 = arith.constant 0 : i32
    %dma_start3A_377 = arith.constant 0 : i32
    %dma_start3A_378 = tpu.memref_slice %arg3[%dma_start3A_376, %dma_start3A_377] : memref<100000x64xf32, #tpu.memory_space<hbm>> -> memref<100000x64xf32, #tpu.memory_space<hbm>>
    tpu.enqueue_indirect_dma source(%dma_start3A_378 : memref<100000x64xf32, #tpu.memory_space<hbm>>) target(%dma_start3A_372 : memref<128x64xf32, #tpu.memory_space<vmem>>) offsets(%dma_start3A_375 : memref<128xi32, #tpu.memory_space<vmem>>) semaphore(%arg8 : memref<!tpu.dma_semaphore, #tpu.memory_space<semaphore_mem>>)
    %scan3A_379 = arith.constant 0 : i32
    %scan3A_380 = arith.constant 0 : i32
    %scan3A_381 = arith.constant 32 : i32
    %scan3A_382 = arith.addi %scan3A_380, %scan3A_381 : i32
    %scan3A_383 = arith.constant 1 : i32
    scf.for %scan3A_626 = %scan3A_380 to %scan3A_382 step %scan3A_383  : i32 {
      %mul3A_627 = arith.constant 20 : i32
      %mul3A_628 = arith.muli %scan3A_626, %mul3A_627 : i32
      %get3A = arith.constant 1 : i32
      %get3A_629 = arith.index_cast %get3A : i32 to index
      %get3A_630 = arith.index_cast %mul3A_628 : i32 to index
      %get3A_631 = arith.constant 0 : index
      %get3A_632 = tpu.vector_load %arg6[%get3A_629, %get3A_630, %get3A_631] {strides = array<i32>} : memref<2x640x64xf32, #tpu.memory_space<vmem>>, vector<1x1x16xf32>,
      %get3A_633 = vector.shape_cast %get3A_632 : vector<1x1x16xf32> to vector<16xf32>
      %add3A_634 = arith.constant 1 : i32
      %add3A_635 = arith.addi %mul3A_628, %add3A_634 : i32
      %get3A_636 = arith.constant 1 : i32
      %get3A_637 = arith.index_cast %get3A_636 : i32 to index
      %get3A_638 = arith.index_cast %add3A_635 : i32 to index
      %get3A_639 = arith.constant 0 : index
      %get3A_640 = tpu.vector_load %arg6[%get3A_637, %get3A_638, %get3A_639] {strides = array<i32>} : memref<2x640x64xf32, #tpu.memory_space<vmem>>, vector<1x1x16xf32>,
      %get3A_641 = vector.shape_cast %get3A_640 : vector<1x1x16xf32> to vector<16xf32>
      %add3A_642 = arith.addf %get3A_633, %get3A_641 : vector<16xf32>
      %add3A_643 = arith.constant 2 : i32
      %add3A_644 = arith.addi %mul3A_628, %add3A_643 : i32
      %get3A_645 = arith.constant 1 : i32
      %get3A_646 = arith.index_cast %get3A_645 : i32 to index
      %get3A_647 = arith.index_cast %add3A_644 : i32 to index
      %get3A_648 = arith.constant 0 : index
      %get3A_649 = tpu.vector_load %arg6[%get3A_646, %get3A_647, %get3A_648] {strides = array<i32>} : memref<2x640x64xf32, #tpu.memory_space<vmem>>, vector<1x1x16xf32>,
      %get3A_650 = vector.shape_cast %get3A_649 : vector<1x1x16xf32> to vector<16xf32>
      %add3A_651 = arith.addf %add3A_642, %get3A_650 : vector<16xf32>
      %add3A_652 = arith.constant 3 : i32
      %add3A_653 = arith.addi %mul3A_628, %add3A_652 : i32
      %get3A_654 = arith.constant 1 : i32
      %get3A_655 = arith.index_cast %get3A_654 : i32 to index
      %get3A_656 = arith.index_cast %add3A_653 : i32 to index
      %get3A_657 = arith.constant 0 : index
      %get3A_658 = tpu.vector_load %arg6[%get3A_655, %get3A_656, %get3A_657] {strides = array<i32>} : memref<2x640x64xf32, #tpu.memory_space<vmem>>, vector<1x1x16xf32>,
      %get3A_659 = vector.shape_cast %get3A_658 : vector<1x1x16xf32> to vector<16xf32>
      %add3A_660 = arith.addf %add3A_651, %get3A_659 : vector<16xf32>
      %add3A_661 = arith.constant 4 : i32
      %add3A_662 = arith.addi %mul3A_628, %add3A_661 : i32
      %get3A_663 = arith.constant 1 : i32
      %get3A_664 = arith.index_cast %get3A_663 : i32 to index
      %get3A_665 = arith.index_cast %add3A_662 : i32 to index
      %get3A_666 = arith.constant 0 : index
      %get3A_667 = tpu.vector_load %arg6[%get3A_664, %get3A_665, %get3A_666] {strides = array<i32>} : memref<2x640x64xf32, #tpu.memory_space<vmem>>, vector<1x1x16xf32>,
      %get3A_668 = vector.shape_cast %get3A_667 : vector<1x1x16xf32> to vector<16xf32>
      %add3A_669 = arith.addf %add3A_660, %get3A_668 : vector<16xf32>
      %add3A_670 = arith.constant 5 : i32
      %add3A_671 = arith.addi %mul3A_628, %add3A_670 : i32
      %get3A_672 = arith.constant 1 : i32
      %get3A_673 = arith.index_cast %get3A_672 : i32 to index
      %get3A_674 = arith.index_cast %add3A_671 : i32 to index
      %get3A_675 = arith.constant 0 : index
      %get3A_676 = tpu.vector_load %arg6[%get3A_673, %get3A_674, %get3A_675] {strides = array<i32>} : memref<2x640x64xf32, #tpu.memory_space<vmem>>, vector<1x1x16xf32>,
      %get3A_677 = vector.shape_cast %get3A_676 : vector<1x1x16xf32> to vector<16xf32>
      %add3A_678 = arith.addf %add3A_669, %get3A_677 : vector<16xf32>
      %add3A_679 = arith.constant 6 : i32
      %add3A_680 = arith.addi %mul3A_628, %add3A_679 : i32
      %get3A_681 = arith.constant 1 : i32
      %get3A_682 = arith.index_cast %get3A_681 : i32 to index
      %get3A_683 = arith.index_cast %add3A_680 : i32 to index
      %get3A_684 = arith.constant 0 : index
      %get3A_685 = tpu.vector_load %arg6[%get3A_682, %get3A_683, %get3A_684] {strides = array<i32>} : memref<2x640x64xf32, #tpu.memory_space<vmem>>, vector<1x1x16xf32>,
      %get3A_686 = vector.shape_cast %get3A_685 : vector<1x1x16xf32> to vector<16xf32>
      %add3A_687 = arith.addf %add3A_678, %get3A_686 : vector<16xf32>
      %add3A_688 = arith.constant 7 : i32
      %add3A_689 = arith.addi %mul3A_628, %add3A_688 : i32
      %get3A_690 = arith.constant 1 : i32
      %get3A_691 = arith.index_cast %get3A_690 : i32 to index
      %get3A_692 = arith.index_cast %add3A_689 : i32 to index
      %get3A_693 = arith.constant 0 : index
      %get3A_694 = tpu.vector_load %arg6[%get3A_691, %get3A_692, %get3A_693] {strides = array<i32>} : memref<2x640x64xf32, #tpu.memory_space<vmem>>, vector<1x1x16xf32>,
      %get3A_695 = vector.shape_cast %get3A_694 : vector<1x1x16xf32> to vector<16xf32>
      %add3A_696 = arith.addf %add3A_687, %get3A_695 : vector<16xf32>
      %add3A_697 = arith.constant 8 : i32
      %add3A_698 = arith.addi %mul3A_628, %add3A_697 : i32
      %get3A_699 = arith.constant 1 : i32
      %get3A_700 = arith.index_cast %get3A_699 : i32 to index
      %get3A_701 = arith.index_cast %add3A_698 : i32 to index
      %get3A_702 = arith.constant 0 : index
      %get3A_703 = tpu.vector_load %arg6[%get3A_700, %get3A_701, %get3A_702] {strides = array<i32>} : memref<2x640x64xf32, #tpu.memory_space<vmem>>, vector<1x1x16xf32>,
      %get3A_704 = vector.shape_cast %get3A_703 : vector<1x1x16xf32> to vector<16xf32>
      %add3A_705 = arith.addf %add3A_696, %get3A_704 : vector<16xf32>
      %add3A_706 = arith.constant 9 : i32
      %add3A_707 = arith.addi %mul3A_628, %add3A_706 : i32
      %get3A_708 = arith.constant 1 : i32
      %get3A_709 = arith.index_cast %get3A_708 : i32 to index
      %get3A_710 = arith.index_cast %add3A_707 : i32 to index
      %get3A_711 = arith.constant 0 : index
      %get3A_712 = tpu.vector_load %arg6[%get3A_709, %get3A_710, %get3A_711] {strides = array<i32>} : memref<2x640x64xf32, #tpu.memory_space<vmem>>, vector<1x1x16xf32>,
      %get3A_713 = vector.shape_cast %get3A_712 : vector<1x1x16xf32> to vector<16xf32>
      %add3A_714 = arith.addf %add3A_705, %get3A_713 : vector<16xf32>
      %add3A_715 = arith.constant 10 : i32
      %add3A_716 = arith.addi %mul3A_628, %add3A_715 : i32
      %get3A_717 = arith.constant 1 : i32
      %get3A_718 = arith.index_cast %get3A_717 : i32 to index
      %get3A_719 = arith.index_cast %add3A_716 : i32 to index
      %get3A_720 = arith.constant 0 : index
      %get3A_721 = tpu.vector_load %arg6[%get3A_718, %get3A_719, %get3A_720] {strides = array<i32>} : memref<2x640x64xf32, #tpu.memory_space<vmem>>, vector<1x1x16xf32>,
      %get3A_722 = vector.shape_cast %get3A_721 : vector<1x1x16xf32> to vector<16xf32>
      %add3A_723 = arith.addf %add3A_714, %get3A_722 : vector<16xf32>
      %add3A_724 = arith.constant 11 : i32
      %add3A_725 = arith.addi %mul3A_628, %add3A_724 : i32
      %get3A_726 = arith.constant 1 : i32
      %get3A_727 = arith.index_cast %get3A_726 : i32 to index
      %get3A_728 = arith.index_cast %add3A_725 : i32 to index
      %get3A_729 = arith.constant 0 : index
      %get3A_730 = tpu.vector_load %arg6[%get3A_727, %get3A_728, %get3A_729] {strides = array<i32>} : memref<2x640x64xf32, #tpu.memory_space<vmem>>, vector<1x1x16xf32>,
      %get3A_731 = vector.shape_cast %get3A_730 : vector<1x1x16xf32> to vector<16xf32>
      %add3A_732 = arith.addf %add3A_723, %get3A_731 : vector<16xf32>
      %add3A_733 = arith.constant 12 : i32
      %add3A_734 = arith.addi %mul3A_628, %add3A_733 : i32
      %get3A_735 = arith.constant 1 : i32
      %get3A_736 = arith.index_cast %get3A_735 : i32 to index
      %get3A_737 = arith.index_cast %add3A_734 : i32 to index
      %get3A_738 = arith.constant 0 : index
      %get3A_739 = tpu.vector_load %arg6[%get3A_736, %get3A_737, %get3A_738] {strides = array<i32>} : memref<2x640x64xf32, #tpu.memory_space<vmem>>, vector<1x1x16xf32>,
      %get3A_740 = vector.shape_cast %get3A_739 : vector<1x1x16xf32> to vector<16xf32>
      %add3A_741 = arith.addf %add3A_732, %get3A_740 : vector<16xf32>
      %add3A_742 = arith.constant 13 : i32
      %add3A_743 = arith.addi %mul3A_628, %add3A_742 : i32
      %get3A_744 = arith.constant 1 : i32
      %get3A_745 = arith.index_cast %get3A_744 : i32 to index
      %get3A_746 = arith.index_cast %add3A_743 : i32 to index
      %get3A_747 = arith.constant 0 : index
      %get3A_748 = tpu.vector_load %arg6[%get3A_745, %get3A_746, %get3A_747] {strides = array<i32>} : memref<2x640x64xf32, #tpu.memory_space<vmem>>, vector<1x1x16xf32>,
      %get3A_749 = vector.shape_cast %get3A_748 : vector<1x1x16xf32> to vector<16xf32>
      %add3A_750 = arith.addf %add3A_741, %get3A_749 : vector<16xf32>
      %add3A_751 = arith.constant 14 : i32
      %add3A_752 = arith.addi %mul3A_628, %add3A_751 : i32
      %get3A_753 = arith.constant 1 : i32
      %get3A_754 = arith.index_cast %get3A_753 : i32 to index
      %get3A_755 = arith.index_cast %add3A_752 : i32 to index
      %get3A_756 = arith.constant 0 : index
      %get3A_757 = tpu.vector_load %arg6[%get3A_754, %get3A_755, %get3A_756] {strides = array<i32>} : memref<2x640x64xf32, #tpu.memory_space<vmem>>, vector<1x1x16xf32>,
      %get3A_758 = vector.shape_cast %get3A_757 : vector<1x1x16xf32> to vector<16xf32>
      %add3A_759 = arith.addf %add3A_750, %get3A_758 : vector<16xf32>
      %add3A_760 = arith.constant 15 : i32
      %add3A_761 = arith.addi %mul3A_628, %add3A_760 : i32
      %get3A_762 = arith.constant 1 : i32
      %get3A_763 = arith.index_cast %get3A_762 : i32 to index
      %get3A_764 = arith.index_cast %add3A_761 : i32 to index
      %get3A_765 = arith.constant 0 : index
      %get3A_766 = tpu.vector_load %arg6[%get3A_763, %get3A_764, %get3A_765] {strides = array<i32>} : memref<2x640x64xf32, #tpu.memory_space<vmem>>, vector<1x1x16xf32>,
      %get3A_767 = vector.shape_cast %get3A_766 : vector<1x1x16xf32> to vector<16xf32>
      %add3A_768 = arith.addf %add3A_759, %get3A_767 : vector<16xf32>
      %add3A_769 = arith.constant 16 : i32
      %add3A_770 = arith.addi %mul3A_628, %add3A_769 : i32
      %get3A_771 = arith.constant 1 : i32
      %get3A_772 = arith.index_cast %get3A_771 : i32 to index
      %get3A_773 = arith.index_cast %add3A_770 : i32 to index
      %get3A_774 = arith.constant 0 : index
      %get3A_775 = tpu.vector_load %arg6[%get3A_772, %get3A_773, %get3A_774] {strides = array<i32>} : memref<2x640x64xf32, #tpu.memory_space<vmem>>, vector<1x1x16xf32>,
      %get3A_776 = vector.shape_cast %get3A_775 : vector<1x1x16xf32> to vector<16xf32>
      %add3A_777 = arith.addf %add3A_768, %get3A_776 : vector<16xf32>
      %add3A_778 = arith.constant 17 : i32
      %add3A_779 = arith.addi %mul3A_628, %add3A_778 : i32
      %get3A_780 = arith.constant 1 : i32
      %get3A_781 = arith.index_cast %get3A_780 : i32 to index
      %get3A_782 = arith.index_cast %add3A_779 : i32 to index
      %get3A_783 = arith.constant 0 : index
      %get3A_784 = tpu.vector_load %arg6[%get3A_781, %get3A_782, %get3A_783] {strides = array<i32>} : memref<2x640x64xf32, #tpu.memory_space<vmem>>, vector<1x1x16xf32>,
      %get3A_785 = vector.shape_cast %get3A_784 : vector<1x1x16xf32> to vector<16xf32>
      %add3A_786 = arith.addf %add3A_777, %get3A_785 : vector<16xf32>
      %add3A_787 = arith.constant 18 : i32
      %add3A_788 = arith.addi %mul3A_628, %add3A_787 : i32
      %get3A_789 = arith.constant 1 : i32
      %get3A_790 = arith.index_cast %get3A_789 : i32 to index
      %get3A_791 = arith.index_cast %add3A_788 : i32 to index
      %get3A_792 = arith.constant 0 : index
      %get3A_793 = tpu.vector_load %arg6[%get3A_790, %get3A_791, %get3A_792] {strides = array<i32>} : memref<2x640x64xf32, #tpu.memory_space<vmem>>, vector<1x1x16xf32>,
      %get3A_794 = vector.shape_cast %get3A_793 : vector<1x1x16xf32> to vector<16xf32>
      %add3A_795 = arith.addf %add3A_786, %get3A_794 : vector<16xf32>
      %add3A_796 = arith.constant 19 : i32
      %add3A_797 = arith.addi %mul3A_628, %add3A_796 : i32
      %get3A_798 = arith.constant 1 : i32
      %get3A_799 = arith.index_cast %get3A_798 : i32 to index
      %get3A_800 = arith.index_cast %add3A_797 : i32 to index
      %get3A_801 = arith.constant 0 : index
      %get3A_802 = tpu.vector_load %arg6[%get3A_799, %get3A_800, %get3A_801] {strides = array<i32>} : memref<2x640x64xf32, #tpu.memory_space<vmem>>, vector<1x1x16xf32>,
      %get3A_803 = vector.shape_cast %get3A_802 : vector<1x1x16xf32> to vector<16xf32>
      %add3A_804 = arith.addf %add3A_795, %get3A_803 : vector<16xf32>
      %mul3A_805 = arith.constant 5.000000e-02 : f32
      %mul3A_806 = vector.broadcast %mul3A_805 : f32 to vector<16xf32>
      %mul3A_807 = arith.mulf %add3A_804, %mul3A_806 : vector<16xf32>
      %add3A_808 = arith.constant 32 : i32
      %add3A_809 = arith.addi %add3A_808, %scan3A_626 : i32
      %mul3A_810 = arith.constant 128 : i32
      %mul3A_811 = arith.muli %add3A_809, %mul3A_810 : i32
      %add3A_812 = arith.constant 0 : i32
      %add3A_813 = arith.addi %mul3A_811, %add3A_812 : i32
      %swap3A = arith.index_cast %add3A_813 : i32 to index
      %swap3A_814 = tpu.vector_load %arg7[%swap3A] {strides = array<i32>} : memref<16384xf32, #tpu.memory_space<vmem>>, vector<16xf32>,
      %swap3A_815 = vector.shape_cast %swap3A_814 : vector<16xf32> to vector<16xf32>
      %swap3A_816 = vector.shape_cast %mul3A_807 : vector<16xf32> to vector<16xf32>
      tpu.vector_store %arg7[%swap3A], %swap3A_816 {strides = array<i32>} : memref<16384xf32, #tpu.memory_space<vmem>>, vector<16xf32>,
      %get3A_817 = arith.constant 1 : i32
      %get3A_818 = arith.index_cast %get3A_817 : i32 to index
      %get3A_819 = arith.index_cast %mul3A_628 : i32 to index
      %get3A_820 = arith.constant 16 : index
      %get3A_821 = tpu.vector_load %arg6[%get3A_818, %get3A_819, %get3A_820] {strides = array<i32>} : memref<2x640x64xf32, #tpu.memory_space<vmem>>, vector<1x1x16xf32>,
      %get3A_822 = vector.shape_cast %get3A_821 : vector<1x1x16xf32> to vector<16xf32>
      %add3A_823 = arith.constant 1 : i32
      %add3A_824 = arith.addi %mul3A_628, %add3A_823 : i32
      %get3A_825 = arith.constant 1 : i32
      %get3A_826 = arith.index_cast %get3A_825 : i32 to index
      %get3A_827 = arith.index_cast %add3A_824 : i32 to index
      %get3A_828 = arith.constant 16 : index
      %get3A_829 = tpu.vector_load %arg6[%get3A_826, %get3A_827, %get3A_828] {strides = array<i32>} : memref<2x640x64xf32, #tpu.memory_space<vmem>>, vector<1x1x16xf32>,
      %get3A_830 = vector.shape_cast %get3A_829 : vector<1x1x16xf32> to vector<16xf32>
      %add3A_831 = arith.addf %get3A_822, %get3A_830 : vector<16xf32>
      %add3A_832 = arith.constant 2 : i32
      %add3A_833 = arith.addi %mul3A_628, %add3A_832 : i32
      %get3A_834 = arith.constant 1 : i32
      %get3A_835 = arith.index_cast %get3A_834 : i32 to index
      %get3A_836 = arith.index_cast %add3A_833 : i32 to index
      %get3A_837 = arith.constant 16 : index
      %get3A_838 = tpu.vector_load %arg6[%get3A_835, %get3A_836, %get3A_837] {strides = array<i32>} : memref<2x640x64xf32, #tpu.memory_space<vmem>>, vector<1x1x16xf32>,
      %get3A_839 = vector.shape_cast %get3A_838 : vector<1x1x16xf32> to vector<16xf32>
      %add3A_840 = arith.addf %add3A_831, %get3A_839 : vector<16xf32>
      %add3A_841 = arith.constant 3 : i32
      %add3A_842 = arith.addi %mul3A_628, %add3A_841 : i32
      %get3A_843 = arith.constant 1 : i32
      %get3A_844 = arith.index_cast %get3A_843 : i32 to index
      %get3A_845 = arith.index_cast %add3A_842 : i32 to index
      %get3A_846 = arith.constant 16 : index
      %get3A_847 = tpu.vector_load %arg6[%get3A_844, %get3A_845, %get3A_846] {strides = array<i32>} : memref<2x640x64xf32, #tpu.memory_space<vmem>>, vector<1x1x16xf32>,
      %get3A_848 = vector.shape_cast %get3A_847 : vector<1x1x16xf32> to vector<16xf32>
      %add3A_849 = arith.addf %add3A_840, %get3A_848 : vector<16xf32>
      %add3A_850 = arith.constant 4 : i32
      %add3A_851 = arith.addi %mul3A_628, %add3A_850 : i32
      %get3A_852 = arith.constant 1 : i32
      %get3A_853 = arith.index_cast %get3A_852 : i32 to index
      %get3A_854 = arith.index_cast %add3A_851 : i32 to index
      %get3A_855 = arith.constant 16 : index
      %get3A_856 = tpu.vector_load %arg6[%get3A_853, %get3A_854, %get3A_855] {strides = array<i32>} : memref<2x640x64xf32, #tpu.memory_space<vmem>>, vector<1x1x16xf32>,
      %get3A_857 = vector.shape_cast %get3A_856 : vector<1x1x16xf32> to vector<16xf32>
      %add3A_858 = arith.addf %add3A_849, %get3A_857 : vector<16xf32>
      %add3A_859 = arith.constant 5 : i32
      %add3A_860 = arith.addi %mul3A_628, %add3A_859 : i32
      %get3A_861 = arith.constant 1 : i32
      %get3A_862 = arith.index_cast %get3A_861 : i32 to index
      %get3A_863 = arith.index_cast %add3A_860 : i32 to index
      %get3A_864 = arith.constant 16 : index
      %get3A_865 = tpu.vector_load %arg6[%get3A_862, %get3A_863, %get3A_864] {strides = array<i32>} : memref<2x640x64xf32, #tpu.memory_space<vmem>>, vector<1x1x16xf32>,
      %get3A_866 = vector.shape_cast %get3A_865 : vector<1x1x16xf32> to vector<16xf32>
      %add3A_867 = arith.addf %add3A_858, %get3A_866 : vector<16xf32>
      %add3A_868 = arith.constant 6 : i32
      %add3A_869 = arith.addi %mul3A_628, %add3A_868 : i32
      %get3A_870 = arith.constant 1 : i32
      %get3A_871 = arith.index_cast %get3A_870 : i32 to index
      %get3A_872 = arith.index_cast %add3A_869 : i32 to index
      %get3A_873 = arith.constant 16 : index
      %get3A_874 = tpu.vector_load %arg6[%get3A_871, %get3A_872, %get3A_873] {strides = array<i32>} : memref<2x640x64xf32, #tpu.memory_space<vmem>>, vector<1x1x16xf32>,
      %get3A_875 = vector.shape_cast %get3A_874 : vector<1x1x16xf32> to vector<16xf32>
      %add3A_876 = arith.addf %add3A_867, %get3A_875 : vector<16xf32>
      %add3A_877 = arith.constant 7 : i32
      %add3A_878 = arith.addi %mul3A_628, %add3A_877 : i32
      %get3A_879 = arith.constant 1 : i32
      %get3A_880 = arith.index_cast %get3A_879 : i32 to index
      %get3A_881 = arith.index_cast %add3A_878 : i32 to index
      %get3A_882 = arith.constant 16 : index
      %get3A_883 = tpu.vector_load %arg6[%get3A_880, %get3A_881, %get3A_882] {strides = array<i32>} : memref<2x640x64xf32, #tpu.memory_space<vmem>>, vector<1x1x16xf32>,
      %get3A_884 = vector.shape_cast %get3A_883 : vector<1x1x16xf32> to vector<16xf32>
      %add3A_885 = arith.addf %add3A_876, %get3A_884 : vector<16xf32>
      %add3A_886 = arith.constant 8 : i32
      %add3A_887 = arith.addi %mul3A_628, %add3A_886 : i32
      %get3A_888 = arith.constant 1 : i32
      %get3A_889 = arith.index_cast %get3A_888 : i32 to index
      %get3A_890 = arith.index_cast %add3A_887 : i32 to index
      %get3A_891 = arith.constant 16 : index
      %get3A_892 = tpu.vector_load %arg6[%get3A_889, %get3A_890, %get3A_891] {strides = array<i32>} : memref<2x640x64xf32, #tpu.memory_space<vmem>>, vector<1x1x16xf32>,
      %get3A_893 = vector.shape_cast %get3A_892 : vector<1x1x16xf32> to vector<16xf32>
      %add3A_894 = arith.addf %add3A_885, %get3A_893 : vector<16xf32>
      %add3A_895 = arith.constant 9 : i32
      %add3A_896 = arith.addi %mul3A_628, %add3A_895 : i32
      %get3A_897 = arith.constant 1 : i32
      %get3A_898 = arith.index_cast %get3A_897 : i32 to index
      %get3A_899 = arith.index_cast %add3A_896 : i32 to index
      %get3A_900 = arith.constant 16 : index
      %get3A_901 = tpu.vector_load %arg6[%get3A_898, %get3A_899, %get3A_900] {strides = array<i32>} : memref<2x640x64xf32, #tpu.memory_space<vmem>>, vector<1x1x16xf32>,
      %get3A_902 = vector.shape_cast %get3A_901 : vector<1x1x16xf32> to vector<16xf32>
      %add3A_903 = arith.addf %add3A_894, %get3A_902 : vector<16xf32>
      %add3A_904 = arith.constant 10 : i32
      %add3A_905 = arith.addi %mul3A_628, %add3A_904 : i32
      %get3A_906 = arith.constant 1 : i32
      %get3A_907 = arith.index_cast %get3A_906 : i32 to index
      %get3A_908 = arith.index_cast %add3A_905 : i32 to index
      %get3A_909 = arith.constant 16 : index
      %get3A_910 = tpu.vector_load %arg6[%get3A_907, %get3A_908, %get3A_909] {strides = array<i32>} : memref<2x640x64xf32, #tpu.memory_space<vmem>>, vector<1x1x16xf32>,
      %get3A_911 = vector.shape_cast %get3A_910 : vector<1x1x16xf32> to vector<16xf32>
      %add3A_912 = arith.addf %add3A_903, %get3A_911 : vector<16xf32>
      %add3A_913 = arith.constant 11 : i32
      %add3A_914 = arith.addi %mul3A_628, %add3A_913 : i32
      %get3A_915 = arith.constant 1 : i32
      %get3A_916 = arith.index_cast %get3A_915 : i32 to index
      %get3A_917 = arith.index_cast %add3A_914 : i32 to index
      %get3A_918 = arith.constant 16 : index
      %get3A_919 = tpu.vector_load %arg6[%get3A_916, %get3A_917, %get3A_918] {strides = array<i32>} : memref<2x640x64xf32, #tpu.memory_space<vmem>>, vector<1x1x16xf32>,
      %get3A_920 = vector.shape_cast %get3A_919 : vector<1x1x16xf32> to vector<16xf32>
      %add3A_921 = arith.addf %add3A_912, %get3A_920 : vector<16xf32>
      %add3A_922 = arith.constant 12 : i32
      %add3A_923 = arith.addi %mul3A_628, %add3A_922 : i32
      %get3A_924 = arith.constant 1 : i32
      %get3A_925 = arith.index_cast %get3A_924 : i32 to index
      %get3A_926 = arith.index_cast %add3A_923 : i32 to index
      %get3A_927 = arith.constant 16 : index
      %get3A_928 = tpu.vector_load %arg6[%get3A_925, %get3A_926, %get3A_927] {strides = array<i32>} : memref<2x640x64xf32, #tpu.memory_space<vmem>>, vector<1x1x16xf32>,
      %get3A_929 = vector.shape_cast %get3A_928 : vector<1x1x16xf32> to vector<16xf32>
      %add3A_930 = arith.addf %add3A_921, %get3A_929 : vector<16xf32>
      %add3A_931 = arith.constant 13 : i32
      %add3A_932 = arith.addi %mul3A_628, %add3A_931 : i32
      %get3A_933 = arith.constant 1 : i32
      %get3A_934 = arith.index_cast %get3A_933 : i32 to index
      %get3A_935 = arith.index_cast %add3A_932 : i32 to index
      %get3A_936 = arith.constant 16 : index
      %get3A_937 = tpu.vector_load %arg6[%get3A_934, %get3A_935, %get3A_936] {strides = array<i32>} : memref<2x640x64xf32, #tpu.memory_space<vmem>>, vector<1x1x16xf32>,
      %get3A_938 = vector.shape_cast %get3A_937 : vector<1x1x16xf32> to vector<16xf32>
      %add3A_939 = arith.addf %add3A_930, %get3A_938 : vector<16xf32>
      %add3A_940 = arith.constant 14 : i32
      %add3A_941 = arith.addi %mul3A_628, %add3A_940 : i32
      %get3A_942 = arith.constant 1 : i32
      %get3A_943 = arith.index_cast %get3A_942 : i32 to index
      %get3A_944 = arith.index_cast %add3A_941 : i32 to index
      %get3A_945 = arith.constant 16 : index
      %get3A_946 = tpu.vector_load %arg6[%get3A_943, %get3A_944, %get3A_945] {strides = array<i32>} : memref<2x640x64xf32, #tpu.memory_space<vmem>>, vector<1x1x16xf32>,
      %get3A_947 = vector.shape_cast %get3A_946 : vector<1x1x16xf32> to vector<16xf32>
      %add3A_948 = arith.addf %add3A_939, %get3A_947 : vector<16xf32>
      %add3A_949 = arith.constant 15 : i32
      %add3A_950 = arith.addi %mul3A_628, %add3A_949 : i32
      %get3A_951 = arith.constant 1 : i32
      %get3A_952 = arith.index_cast %get3A_951 : i32 to index
      %get3A_953 = arith.index_cast %add3A_950 : i32 to index
      %get3A_954 = arith.constant 16 : index
      %get3A_955 = tpu.vector_load %arg6[%get3A_952, %get3A_953, %get3A_954] {strides = array<i32>} : memref<2x640x64xf32, #tpu.memory_space<vmem>>, vector<1x1x16xf32>,
      %get3A_956 = vector.shape_cast %get3A_955 : vector<1x1x16xf32> to vector<16xf32>
      %add3A_957 = arith.addf %add3A_948, %get3A_956 : vector<16xf32>
      %add3A_958 = arith.constant 16 : i32
      %add3A_959 = arith.addi %mul3A_628, %add3A_958 : i32
      %get3A_960 = arith.constant 1 : i32
      %get3A_961 = arith.index_cast %get3A_960 : i32 to index
      %get3A_962 = arith.index_cast %add3A_959 : i32 to index
      %get3A_963 = arith.constant 16 : index
      %get3A_964 = tpu.vector_load %arg6[%get3A_961, %get3A_962, %get3A_963] {strides = array<i32>} : memref<2x640x64xf32, #tpu.memory_space<vmem>>, vector<1x1x16xf32>,
      %get3A_965 = vector.shape_cast %get3A_964 : vector<1x1x16xf32> to vector<16xf32>
      %add3A_966 = arith.addf %add3A_957, %get3A_965 : vector<16xf32>
      %add3A_967 = arith.constant 17 : i32
      %add3A_968 = arith.addi %mul3A_628, %add3A_967 : i32
      %get3A_969 = arith.constant 1 : i32
      %get3A_970 = arith.index_cast %get3A_969 : i32 to index
      %get3A_971 = arith.index_cast %add3A_968 : i32 to index
      %get3A_972 = arith.constant 16 : index
      %get3A_973 = tpu.vector_load %arg6[%get3A_970, %get3A_971, %get3A_972] {strides = array<i32>} : memref<2x640x64xf32, #tpu.memory_space<vmem>>, vector<1x1x16xf32>,
      %get3A_974 = vector.shape_cast %get3A_973 : vector<1x1x16xf32> to vector<16xf32>
      %add3A_975 = arith.addf %add3A_966, %get3A_974 : vector<16xf32>
      %add3A_976 = arith.constant 18 : i32
      %add3A_977 = arith.addi %mul3A_628, %add3A_976 : i32
      %get3A_978 = arith.constant 1 : i32
      %get3A_979 = arith.index_cast %get3A_978 : i32 to index
      %get3A_980 = arith.index_cast %add3A_977 : i32 to index
      %get3A_981 = arith.constant 16 : index
      %get3A_982 = tpu.vector_load %arg6[%get3A_979, %get3A_980, %get3A_981] {strides = array<i32>} : memref<2x640x64xf32, #tpu.memory_space<vmem>>, vector<1x1x16xf32>,
      %get3A_983 = vector.shape_cast %get3A_982 : vector<1x1x16xf32> to vector<16xf32>
      %add3A_984 = arith.addf %add3A_975, %get3A_983 : vector<16xf32>
      %add3A_985 = arith.constant 19 : i32
      %add3A_986 = arith.addi %mul3A_628, %add3A_985 : i32
      %get3A_987 = arith.constant 1 : i32
      %get3A_988 = arith.index_cast %get3A_987 : i32 to index
      %get3A_989 = arith.index_cast %add3A_986 : i32 to index
      %get3A_990 = arith.constant 16 : index
      %get3A_991 = tpu.vector_load %arg6[%get3A_988, %get3A_989, %get3A_990] {strides = array<i32>} : memref<2x640x64xf32, #tpu.memory_space<vmem>>, vector<1x1x16xf32>,
      %get3A_992 = vector.shape_cast %get3A_991 : vector<1x1x16xf32> to vector<16xf32>
      %add3A_993 = arith.addf %add3A_984, %get3A_992 : vector<16xf32>
      %mul3A_994 = arith.constant 5.000000e-02 : f32
      %mul3A_995 = vector.broadcast %mul3A_994 : f32 to vector<16xf32>
      %mul3A_996 = arith.mulf %add3A_993, %mul3A_995 : vector<16xf32>
      %add3A_997 = arith.constant 32 : i32
      %add3A_998 = arith.addi %add3A_997, %scan3A_626 : i32
      %mul3A_999 = arith.constant 128 : i32
      %mul3A_1000 = arith.muli %add3A_998, %mul3A_999 : i32
      %add3A_1001 = arith.constant 16 : i32
      %add3A_1002 = arith.addi %mul3A_1000, %add3A_1001 : i32
      %swap3A_1003 = arith.index_cast %add3A_1002 : i32 to index
      %swap3A_1004 = tpu.vector_load %arg7[%swap3A_1003] {strides = array<i32>} : memref<16384xf32, #tpu.memory_space<vmem>>, vector<16xf32>,
      %swap3A_1005 = vector.shape_cast %swap3A_1004 : vector<16xf32> to vector<16xf32>
      %swap3A_1006 = vector.shape_cast %mul3A_996 : vector<16xf32> to vector<16xf32>
      tpu.vector_store %arg7[%swap3A_1003], %swap3A_1006 {strides = array<i32>} : memref<16384xf32, #tpu.memory_space<vmem>>, vector<16xf32>,
      %get3A_1007 = arith.constant 1 : i32
      %get3A_1008 = arith.index_cast %get3A_1007 : i32 to index
      %get3A_1009 = arith.index_cast %mul3A_628 : i32 to index
      %get3A_1010 = arith.constant 32 : index
      %get3A_1011 = tpu.vector_load %arg6[%get3A_1008, %get3A_1009, %get3A_1010] {strides = array<i32>} : memref<2x640x64xf32, #tpu.memory_space<vmem>>, vector<1x1x16xf32>,
      %get3A_1012 = vector.shape_cast %get3A_1011 : vector<1x1x16xf32> to vector<16xf32>
      %add3A_1013 = arith.constant 1 : i32
      %add3A_1014 = arith.addi %mul3A_628, %add3A_1013 : i32
      %get3A_1015 = arith.constant 1 : i32
      %get3A_1016 = arith.index_cast %get3A_1015 : i32 to index
      %get3A_1017 = arith.index_cast %add3A_1014 : i32 to index
      %get3A_1018 = arith.constant 32 : index
      %get3A_1019 = tpu.vector_load %arg6[%get3A_1016, %get3A_1017, %get3A_1018] {strides = array<i32>} : memref<2x640x64xf32, #tpu.memory_space<vmem>>, vector<1x1x16xf32>,
      %get3A_1020 = vector.shape_cast %get3A_1019 : vector<1x1x16xf32> to vector<16xf32>
      %add3A_1021 = arith.addf %get3A_1012, %get3A_1020 : vector<16xf32>
      %add3A_1022 = arith.constant 2 : i32
      %add3A_1023 = arith.addi %mul3A_628, %add3A_1022 : i32
      %get3A_1024 = arith.constant 1 : i32
      %get3A_1025 = arith.index_cast %get3A_1024 : i32 to index
      %get3A_1026 = arith.index_cast %add3A_1023 : i32 to index
      %get3A_1027 = arith.constant 32 : index
      %get3A_1028 = tpu.vector_load %arg6[%get3A_1025, %get3A_1026, %get3A_1027] {strides = array<i32>} : memref<2x640x64xf32, #tpu.memory_space<vmem>>, vector<1x1x16xf32>,
      %get3A_1029 = vector.shape_cast %get3A_1028 : vector<1x1x16xf32> to vector<16xf32>
      %add3A_1030 = arith.addf %add3A_1021, %get3A_1029 : vector<16xf32>
      %add3A_1031 = arith.constant 3 : i32
      %add3A_1032 = arith.addi %mul3A_628, %add3A_1031 : i32
      %get3A_1033 = arith.constant 1 : i32
      %get3A_1034 = arith.index_cast %get3A_1033 : i32 to index
      %get3A_1035 = arith.index_cast %add3A_1032 : i32 to index
      %get3A_1036 = arith.constant 32 : index
      %get3A_1037 = tpu.vector_load %arg6[%get3A_1034, %get3A_1035, %get3A_1036] {strides = array<i32>} : memref<2x640x64xf32, #tpu.memory_space<vmem>>, vector<1x1x16xf32>,
      %get3A_1038 = vector.shape_cast %get3A_1037 : vector<1x1x16xf32> to vector<16xf32>
      %add3A_1039 = arith.addf %add3A_1030, %get3A_1038 : vector<16xf32>
      %add3A_1040 = arith.constant 4 : i32
      %add3A_1041 = arith.addi %mul3A_628, %add3A_1040 : i32
      %get3A_1042 = arith.constant 1 : i32
      %get3A_1043 = arith.index_cast %get3A_1042 : i32 to index
      %get3A_1044 = arith.index_cast %add3A_1041 : i32 to index
      %get3A_1045 = arith.constant 32 : index
      %get3A_1046 = tpu.vector_load %arg6[%get3A_1043, %get3A_1044, %get3A_1045] {strides = array<i32>} : memref<2x640x64xf32, #tpu.memory_space<vmem>>, vector<1x1x16xf32>,
      %get3A_1047 = vector.shape_cast %get3A_1046 : vector<1x1x16xf32> to vector<16xf32>
      %add3A_1048 = arith.addf %add3A_1039, %get3A_1047 : vector<16xf32>
      %add3A_1049 = arith.constant 5 : i32
      %add3A_1050 = arith.addi %mul3A_628, %add3A_1049 : i32
      %get3A_1051 = arith.constant 1 : i32
      %get3A_1052 = arith.index_cast %get3A_1051 : i32 to index
      %get3A_1053 = arith.index_cast %add3A_1050 : i32 to index
      %get3A_1054 = arith.constant 32 : index
      %get3A_1055 = tpu.vector_load %arg6[%get3A_1052, %get3A_1053, %get3A_1054] {strides = array<i32>} : memref<2x640x64xf32, #tpu.memory_space<vmem>>, vector<1x1x16xf32>,
      %get3A_1056 = vector.shape_cast %get3A_1055 : vector<1x1x16xf32> to vector<16xf32>
      %add3A_1057 = arith.addf %add3A_1048, %get3A_1056 : vector<16xf32>
      %add3A_1058 = arith.constant 6 : i32
      %add3A_1059 = arith.addi %mul3A_628, %add3A_1058 : i32
      %get3A_1060 = arith.constant 1 : i32
      %get3A_1061 = arith.index_cast %get3A_1060 : i32 to index
      %get3A_1062 = arith.index_cast %add3A_1059 : i32 to index
      %get3A_1063 = arith.constant 32 : index
      %get3A_1064 = tpu.vector_load %arg6[%get3A_1061, %get3A_1062, %get3A_1063] {strides = array<i32>} : memref<2x640x64xf32, #tpu.memory_space<vmem>>, vector<1x1x16xf32>,
      %get3A_1065 = vector.shape_cast %get3A_1064 : vector<1x1x16xf32> to vector<16xf32>
      %add3A_1066 = arith.addf %add3A_1057, %get3A_1065 : vector<16xf32>
      %add3A_1067 = arith.constant 7 : i32
      %add3A_1068 = arith.addi %mul3A_628, %add3A_1067 : i32
      %get3A_1069 = arith.constant 1 : i32
      %get3A_1070 = arith.index_cast %get3A_1069 : i32 to index
      %get3A_1071 = arith.index_cast %add3A_1068 : i32 to index
      %get3A_1072 = arith.constant 32 : index
      %get3A_1073 = tpu.vector_load %arg6[%get3A_1070, %get3A_1071, %get3A_1072] {strides = array<i32>} : memref<2x640x64xf32, #tpu.memory_space<vmem>>, vector<1x1x16xf32>,
      %get3A_1074 = vector.shape_cast %get3A_1073 : vector<1x1x16xf32> to vector<16xf32>
      %add3A_1075 = arith.addf %add3A_1066, %get3A_1074 : vector<16xf32>
      %add3A_1076 = arith.constant 8 : i32
      %add3A_1077 = arith.addi %mul3A_628, %add3A_1076 : i32
      %get3A_1078 = arith.constant 1 : i32
      %get3A_1079 = arith.index_cast %get3A_1078 : i32 to index
      %get3A_1080 = arith.index_cast %add3A_1077 : i32 to index
      %get3A_1081 = arith.constant 32 : index
      %get3A_1082 = tpu.vector_load %arg6[%get3A_1079, %get3A_1080, %get3A_1081] {strides = array<i32>} : memref<2x640x64xf32, #tpu.memory_space<vmem>>, vector<1x1x16xf32>,
      %get3A_1083 = vector.shape_cast %get3A_1082 : vector<1x1x16xf32> to vector<16xf32>
      %add3A_1084 = arith.addf %add3A_1075, %get3A_1083 : vector<16xf32>
      %add3A_1085 = arith.constant 9 : i32
      %add3A_1086 = arith.addi %mul3A_628, %add3A_1085 : i32
      %get3A_1087 = arith.constant 1 : i32
      %get3A_1088 = arith.index_cast %get3A_1087 : i32 to index
      %get3A_1089 = arith.index_cast %add3A_1086 : i32 to index
      %get3A_1090 = arith.constant 32 : index
      %get3A_1091 = tpu.vector_load %arg6[%get3A_1088, %get3A_1089, %get3A_1090] {strides = array<i32>} : memref<2x640x64xf32, #tpu.memory_space<vmem>>, vector<1x1x16xf32>,
      %get3A_1092 = vector.shape_cast %get3A_1091 : vector<1x1x16xf32> to vector<16xf32>
      %add3A_1093 = arith.addf %add3A_1084, %get3A_1092 : vector<16xf32>
      %add3A_1094 = arith.constant 10 : i32
      %add3A_1095 = arith.addi %mul3A_628, %add3A_1094 : i32
      %get3A_1096 = arith.constant 1 : i32
      %get3A_1097 = arith.index_cast %get3A_1096 : i32 to index
      %get3A_1098 = arith.index_cast %add3A_1095 : i32 to index
      %get3A_1099 = arith.constant 32 : index
      %get3A_1100 = tpu.vector_load %arg6[%get3A_1097, %get3A_1098, %get3A_1099] {strides = array<i32>} : memref<2x640x64xf32, #tpu.memory_space<vmem>>, vector<1x1x16xf32>,
      %get3A_1101 = vector.shape_cast %get3A_1100 : vector<1x1x16xf32> to vector<16xf32>
      %add3A_1102 = arith.addf %add3A_1093, %get3A_1101 : vector<16xf32>
      %add3A_1103 = arith.constant 11 : i32
      %add3A_1104 = arith.addi %mul3A_628, %add3A_1103 : i32
      %get3A_1105 = arith.constant 1 : i32
      %get3A_1106 = arith.index_cast %get3A_1105 : i32 to index
      %get3A_1107 = arith.index_cast %add3A_1104 : i32 to index
      %get3A_1108 = arith.constant 32 : index
      %get3A_1109 = tpu.vector_load %arg6[%get3A_1106, %get3A_1107, %get3A_1108] {strides = array<i32>} : memref<2x640x64xf32, #tpu.memory_space<vmem>>, vector<1x1x16xf32>,
      %get3A_1110 = vector.shape_cast %get3A_1109 : vector<1x1x16xf32> to vector<16xf32>
      %add3A_1111 = arith.addf %add3A_1102, %get3A_1110 : vector<16xf32>
      %add3A_1112 = arith.constant 12 : i32
      %add3A_1113 = arith.addi %mul3A_628, %add3A_1112 : i32
      %get3A_1114 = arith.constant 1 : i32
      %get3A_1115 = arith.index_cast %get3A_1114 : i32 to index
      %get3A_1116 = arith.index_cast %add3A_1113 : i32 to index
      %get3A_1117 = arith.constant 32 : index
      %get3A_1118 = tpu.vector_load %arg6[%get3A_1115, %get3A_1116, %get3A_1117] {strides = array<i32>} : memref<2x640x64xf32, #tpu.memory_space<vmem>>, vector<1x1x16xf32>,
      %get3A_1119 = vector.shape_cast %get3A_1118 : vector<1x1x16xf32> to vector<16xf32>
      %add3A_1120 = arith.addf %add3A_1111, %get3A_1119 : vector<16xf32>
      %add3A_1121 = arith.constant 13 : i32
      %add3A_1122 = arith.addi %mul3A_628, %add3A_1121 : i32
      %get3A_1123 = arith.constant 1 : i32
      %get3A_1124 = arith.index_cast %get3A_1123 : i32 to index
      %get3A_1125 = arith.index_cast %add3A_1122 : i32 to index
      %get3A_1126 = arith.constant 32 : index
      %get3A_1127 = tpu.vector_load %arg6[%get3A_1124, %get3A_1125, %get3A_1126] {strides = array<i32>} : memref<2x640x64xf32, #tpu.memory_space<vmem>>, vector<1x1x16xf32>,
      %get3A_1128 = vector.shape_cast %get3A_1127 : vector<1x1x16xf32> to vector<16xf32>
      %add3A_1129 = arith.addf %add3A_1120, %get3A_1128 : vector<16xf32>
      %add3A_1130 = arith.constant 14 : i32
      %add3A_1131 = arith.addi %mul3A_628, %add3A_1130 : i32
      %get3A_1132 = arith.constant 1 : i32
      %get3A_1133 = arith.index_cast %get3A_1132 : i32 to index
      %get3A_1134 = arith.index_cast %add3A_1131 : i32 to index
      %get3A_1135 = arith.constant 32 : index
      %get3A_1136 = tpu.vector_load %arg6[%get3A_1133, %get3A_1134, %get3A_1135] {strides = array<i32>} : memref<2x640x64xf32, #tpu.memory_space<vmem>>, vector<1x1x16xf32>,
      %get3A_1137 = vector.shape_cast %get3A_1136 : vector<1x1x16xf32> to vector<16xf32>
      %add3A_1138 = arith.addf %add3A_1129, %get3A_1137 : vector<16xf32>
      %add3A_1139 = arith.constant 15 : i32
      %add3A_1140 = arith.addi %mul3A_628, %add3A_1139 : i32
      %get3A_1141 = arith.constant 1 : i32
      %get3A_1142 = arith.index_cast %get3A_1141 : i32 to index
      %get3A_1143 = arith.index_cast %add3A_1140 : i32 to index
      %get3A_1144 = arith.constant 32 : index
      %get3A_1145 = tpu.vector_load %arg6[%get3A_1142, %get3A_1143, %get3A_1144] {strides = array<i32>} : memref<2x640x64xf32, #tpu.memory_space<vmem>>, vector<1x1x16xf32>,
      %get3A_1146 = vector.shape_cast %get3A_1145 : vector<1x1x16xf32> to vector<16xf32>
      %add3A_1147 = arith.addf %add3A_1138, %get3A_1146 : vector<16xf32>
      %add3A_1148 = arith.constant 16 : i32
      %add3A_1149 = arith.addi %mul3A_628, %add3A_1148 : i32
      %get3A_1150 = arith.constant 1 : i32
      %get3A_1151 = arith.index_cast %get3A_1150 : i32 to index
      %get3A_1152 = arith.index_cast %add3A_1149 : i32 to index
      %get3A_1153 = arith.constant 32 : index
      %get3A_1154 = tpu.vector_load %arg6[%get3A_1151, %get3A_1152, %get3A_1153] {strides = array<i32>} : memref<2x640x64xf32, #tpu.memory_space<vmem>>, vector<1x1x16xf32>,
      %get3A_1155 = vector.shape_cast %get3A_1154 : vector<1x1x16xf32> to vector<16xf32>
      %add3A_1156 = arith.addf %add3A_1147, %get3A_1155 : vector<16xf32>
      %add3A_1157 = arith.constant 17 : i32
      %add3A_1158 = arith.addi %mul3A_628, %add3A_1157 : i32
      %get3A_1159 = arith.constant 1 : i32
      %get3A_1160 = arith.index_cast %get3A_1159 : i32 to index
      %get3A_1161 = arith.index_cast %add3A_1158 : i32 to index
      %get3A_1162 = arith.constant 32 : index
      %get3A_1163 = tpu.vector_load %arg6[%get3A_1160, %get3A_1161, %get3A_1162] {strides = array<i32>} : memref<2x640x64xf32, #tpu.memory_space<vmem>>, vector<1x1x16xf32>,
      %get3A_1164 = vector.shape_cast %get3A_1163 : vector<1x1x16xf32> to vector<16xf32>
      %add3A_1165 = arith.addf %add3A_1156, %get3A_1164 : vector<16xf32>
      %add3A_1166 = arith.constant 18 : i32
      %add3A_1167 = arith.addi %mul3A_628, %add3A_1166 : i32
      %get3A_1168 = arith.constant 1 : i32
      %get3A_1169 = arith.index_cast %get3A_1168 : i32 to index
      %get3A_1170 = arith.index_cast %add3A_1167 : i32 to index
      %get3A_1171 = arith.constant 32 : index
      %get3A_1172 = tpu.vector_load %arg6[%get3A_1169, %get3A_1170, %get3A_1171] {strides = array<i32>} : memref<2x640x64xf32, #tpu.memory_space<vmem>>, vector<1x1x16xf32>,
      %get3A_1173 = vector.shape_cast %get3A_1172 : vector<1x1x16xf32> to vector<16xf32>
      %add3A_1174 = arith.addf %add3A_1165, %get3A_1173 : vector<16xf32>
      %add3A_1175 = arith.constant 19 : i32
      %add3A_1176 = arith.addi %mul3A_628, %add3A_1175 : i32
      %get3A_1177 = arith.constant 1 : i32
      %get3A_1178 = arith.index_cast %get3A_1177 : i32 to index
      %get3A_1179 = arith.index_cast %add3A_1176 : i32 to index
      %get3A_1180 = arith.constant 32 : index
      %get3A_1181 = tpu.vector_load %arg6[%get3A_1178, %get3A_1179, %get3A_1180] {strides = array<i32>} : memref<2x640x64xf32, #tpu.memory_space<vmem>>, vector<1x1x16xf32>,
      %get3A_1182 = vector.shape_cast %get3A_1181 : vector<1x1x16xf32> to vector<16xf32>
      %add3A_1183 = arith.addf %add3A_1174, %get3A_1182 : vector<16xf32>
      %mul3A_1184 = arith.constant 5.000000e-02 : f32
      %mul3A_1185 = vector.broadcast %mul3A_1184 : f32 to vector<16xf32>
      %mul3A_1186 = arith.mulf %add3A_1183, %mul3A_1185 : vector<16xf32>
      %add3A_1187 = arith.constant 32 : i32
      %add3A_1188 = arith.addi %add3A_1187, %scan3A_626 : i32
      %mul3A_1189 = arith.constant 128 : i32
      %mul3A_1190 = arith.muli %add3A_1188, %mul3A_1189 : i32
      %add3A_1191 = arith.constant 32 : i32
      %add3A_1192 = arith.addi %mul3A_1190, %add3A_1191 : i32
      %swap3A_1193 = arith.index_cast %add3A_1192 : i32 to index
      %swap3A_1194 = tpu.vector_load %arg7[%swap3A_1193] {strides = array<i32>} : memref<16384xf32, #tpu.memory_space<vmem>>, vector<16xf32>,
      %swap3A_1195 = vector.shape_cast %swap3A_1194 : vector<16xf32> to vector<16xf32>
      %swap3A_1196 = vector.shape_cast %mul3A_1186 : vector<16xf32> to vector<16xf32>
      tpu.vector_store %arg7[%swap3A_1193], %swap3A_1196 {strides = array<i32>} : memref<16384xf32, #tpu.memory_space<vmem>>, vector<16xf32>,
      %get3A_1197 = arith.constant 1 : i32
      %get3A_1198 = arith.index_cast %get3A_1197 : i32 to index
      %get3A_1199 = arith.index_cast %mul3A_628 : i32 to index
      %get3A_1200 = arith.constant 48 : index
      %get3A_1201 = tpu.vector_load %arg6[%get3A_1198, %get3A_1199, %get3A_1200] {strides = array<i32>} : memref<2x640x64xf32, #tpu.memory_space<vmem>>, vector<1x1x16xf32>,
      %get3A_1202 = vector.shape_cast %get3A_1201 : vector<1x1x16xf32> to vector<16xf32>
      %add3A_1203 = arith.constant 1 : i32
      %add3A_1204 = arith.addi %mul3A_628, %add3A_1203 : i32
      %get3A_1205 = arith.constant 1 : i32
      %get3A_1206 = arith.index_cast %get3A_1205 : i32 to index
      %get3A_1207 = arith.index_cast %add3A_1204 : i32 to index
      %get3A_1208 = arith.constant 48 : index
      %get3A_1209 = tpu.vector_load %arg6[%get3A_1206, %get3A_1207, %get3A_1208] {strides = array<i32>} : memref<2x640x64xf32, #tpu.memory_space<vmem>>, vector<1x1x16xf32>,
      %get3A_1210 = vector.shape_cast %get3A_1209 : vector<1x1x16xf32> to vector<16xf32>
      %add3A_1211 = arith.addf %get3A_1202, %get3A_1210 : vector<16xf32>
      %add3A_1212 = arith.constant 2 : i32
      %add3A_1213 = arith.addi %mul3A_628, %add3A_1212 : i32
      %get3A_1214 = arith.constant 1 : i32
      %get3A_1215 = arith.index_cast %get3A_1214 : i32 to index
      %get3A_1216 = arith.index_cast %add3A_1213 : i32 to index
      %get3A_1217 = arith.constant 48 : index
      %get3A_1218 = tpu.vector_load %arg6[%get3A_1215, %get3A_1216, %get3A_1217] {strides = array<i32>} : memref<2x640x64xf32, #tpu.memory_space<vmem>>, vector<1x1x16xf32>,
      %get3A_1219 = vector.shape_cast %get3A_1218 : vector<1x1x16xf32> to vector<16xf32>
      %add3A_1220 = arith.addf %add3A_1211, %get3A_1219 : vector<16xf32>
      %add3A_1221 = arith.constant 3 : i32
      %add3A_1222 = arith.addi %mul3A_628, %add3A_1221 : i32
      %get3A_1223 = arith.constant 1 : i32
      %get3A_1224 = arith.index_cast %get3A_1223 : i32 to index
      %get3A_1225 = arith.index_cast %add3A_1222 : i32 to index
      %get3A_1226 = arith.constant 48 : index
      %get3A_1227 = tpu.vector_load %arg6[%get3A_1224, %get3A_1225, %get3A_1226] {strides = array<i32>} : memref<2x640x64xf32, #tpu.memory_space<vmem>>, vector<1x1x16xf32>,
      %get3A_1228 = vector.shape_cast %get3A_1227 : vector<1x1x16xf32> to vector<16xf32>
      %add3A_1229 = arith.addf %add3A_1220, %get3A_1228 : vector<16xf32>
      %add3A_1230 = arith.constant 4 : i32
      %add3A_1231 = arith.addi %mul3A_628, %add3A_1230 : i32
      %get3A_1232 = arith.constant 1 : i32
      %get3A_1233 = arith.index_cast %get3A_1232 : i32 to index
      %get3A_1234 = arith.index_cast %add3A_1231 : i32 to index
      %get3A_1235 = arith.constant 48 : index
      %get3A_1236 = tpu.vector_load %arg6[%get3A_1233, %get3A_1234, %get3A_1235] {strides = array<i32>} : memref<2x640x64xf32, #tpu.memory_space<vmem>>, vector<1x1x16xf32>,
      %get3A_1237 = vector.shape_cast %get3A_1236 : vector<1x1x16xf32> to vector<16xf32>
      %add3A_1238 = arith.addf %add3A_1229, %get3A_1237 : vector<16xf32>
      %add3A_1239 = arith.constant 5 : i32
      %add3A_1240 = arith.addi %mul3A_628, %add3A_1239 : i32
      %get3A_1241 = arith.constant 1 : i32
      %get3A_1242 = arith.index_cast %get3A_1241 : i32 to index
      %get3A_1243 = arith.index_cast %add3A_1240 : i32 to index
      %get3A_1244 = arith.constant 48 : index
      %get3A_1245 = tpu.vector_load %arg6[%get3A_1242, %get3A_1243, %get3A_1244] {strides = array<i32>} : memref<2x640x64xf32, #tpu.memory_space<vmem>>, vector<1x1x16xf32>,
      %get3A_1246 = vector.shape_cast %get3A_1245 : vector<1x1x16xf32> to vector<16xf32>
      %add3A_1247 = arith.addf %add3A_1238, %get3A_1246 : vector<16xf32>
      %add3A_1248 = arith.constant 6 : i32
      %add3A_1249 = arith.addi %mul3A_628, %add3A_1248 : i32
      %get3A_1250 = arith.constant 1 : i32
      %get3A_1251 = arith.index_cast %get3A_1250 : i32 to index
      %get3A_1252 = arith.index_cast %add3A_1249 : i32 to index
      %get3A_1253 = arith.constant 48 : index
      %get3A_1254 = tpu.vector_load %arg6[%get3A_1251, %get3A_1252, %get3A_1253] {strides = array<i32>} : memref<2x640x64xf32, #tpu.memory_space<vmem>>, vector<1x1x16xf32>,
      %get3A_1255 = vector.shape_cast %get3A_1254 : vector<1x1x16xf32> to vector<16xf32>
      %add3A_1256 = arith.addf %add3A_1247, %get3A_1255 : vector<16xf32>
      %add3A_1257 = arith.constant 7 : i32
      %add3A_1258 = arith.addi %mul3A_628, %add3A_1257 : i32
      %get3A_1259 = arith.constant 1 : i32
      %get3A_1260 = arith.index_cast %get3A_1259 : i32 to index
      %get3A_1261 = arith.index_cast %add3A_1258 : i32 to index
      %get3A_1262 = arith.constant 48 : index
      %get3A_1263 = tpu.vector_load %arg6[%get3A_1260, %get3A_1261, %get3A_1262] {strides = array<i32>} : memref<2x640x64xf32, #tpu.memory_space<vmem>>, vector<1x1x16xf32>,
      %get3A_1264 = vector.shape_cast %get3A_1263 : vector<1x1x16xf32> to vector<16xf32>
      %add3A_1265 = arith.addf %add3A_1256, %get3A_1264 : vector<16xf32>
      %add3A_1266 = arith.constant 8 : i32
      %add3A_1267 = arith.addi %mul3A_628, %add3A_1266 : i32
      %get3A_1268 = arith.constant 1 : i32
      %get3A_1269 = arith.index_cast %get3A_1268 : i32 to index
      %get3A_1270 = arith.index_cast %add3A_1267 : i32 to index
      %get3A_1271 = arith.constant 48 : index
      %get3A_1272 = tpu.vector_load %arg6[%get3A_1269, %get3A_1270, %get3A_1271] {strides = array<i32>} : memref<2x640x64xf32, #tpu.memory_space<vmem>>, vector<1x1x16xf32>,
      %get3A_1273 = vector.shape_cast %get3A_1272 : vector<1x1x16xf32> to vector<16xf32>
      %add3A_1274 = arith.addf %add3A_1265, %get3A_1273 : vector<16xf32>
      %add3A_1275 = arith.constant 9 : i32
      %add3A_1276 = arith.addi %mul3A_628, %add3A_1275 : i32
      %get3A_1277 = arith.constant 1 : i32
      %get3A_1278 = arith.index_cast %get3A_1277 : i32 to index
      %get3A_1279 = arith.index_cast %add3A_1276 : i32 to index
      %get3A_1280 = arith.constant 48 : index
      %get3A_1281 = tpu.vector_load %arg6[%get3A_1278, %get3A_1279, %get3A_1280] {strides = array<i32>} : memref<2x640x64xf32, #tpu.memory_space<vmem>>, vector<1x1x16xf32>,
      %get3A_1282 = vector.shape_cast %get3A_1281 : vector<1x1x16xf32> to vector<16xf32>
      %add3A_1283 = arith.addf %add3A_1274, %get3A_1282 : vector<16xf32>
      %add3A_1284 = arith.constant 10 : i32
      %add3A_1285 = arith.addi %mul3A_628, %add3A_1284 : i32
      %get3A_1286 = arith.constant 1 : i32
      %get3A_1287 = arith.index_cast %get3A_1286 : i32 to index
      %get3A_1288 = arith.index_cast %add3A_1285 : i32 to index
      %get3A_1289 = arith.constant 48 : index
      %get3A_1290 = tpu.vector_load %arg6[%get3A_1287, %get3A_1288, %get3A_1289] {strides = array<i32>} : memref<2x640x64xf32, #tpu.memory_space<vmem>>, vector<1x1x16xf32>,
      %get3A_1291 = vector.shape_cast %get3A_1290 : vector<1x1x16xf32> to vector<16xf32>
      %add3A_1292 = arith.addf %add3A_1283, %get3A_1291 : vector<16xf32>
      %add3A_1293 = arith.constant 11 : i32
      %add3A_1294 = arith.addi %mul3A_628, %add3A_1293 : i32
      %get3A_1295 = arith.constant 1 : i32
      %get3A_1296 = arith.index_cast %get3A_1295 : i32 to index
      %get3A_1297 = arith.index_cast %add3A_1294 : i32 to index
      %get3A_1298 = arith.constant 48 : index
      %get3A_1299 = tpu.vector_load %arg6[%get3A_1296, %get3A_1297, %get3A_1298] {strides = array<i32>} : memref<2x640x64xf32, #tpu.memory_space<vmem>>, vector<1x1x16xf32>,
      %get3A_1300 = vector.shape_cast %get3A_1299 : vector<1x1x16xf32> to vector<16xf32>
      %add3A_1301 = arith.addf %add3A_1292, %get3A_1300 : vector<16xf32>
      %add3A_1302 = arith.constant 12 : i32
      %add3A_1303 = arith.addi %mul3A_628, %add3A_1302 : i32
      %get3A_1304 = arith.constant 1 : i32
      %get3A_1305 = arith.index_cast %get3A_1304 : i32 to index
      %get3A_1306 = arith.index_cast %add3A_1303 : i32 to index
      %get3A_1307 = arith.constant 48 : index
      %get3A_1308 = tpu.vector_load %arg6[%get3A_1305, %get3A_1306, %get3A_1307] {strides = array<i32>} : memref<2x640x64xf32, #tpu.memory_space<vmem>>, vector<1x1x16xf32>,
      %get3A_1309 = vector.shape_cast %get3A_1308 : vector<1x1x16xf32> to vector<16xf32>
      %add3A_1310 = arith.addf %add3A_1301, %get3A_1309 : vector<16xf32>
      %add3A_1311 = arith.constant 13 : i32
      %add3A_1312 = arith.addi %mul3A_628, %add3A_1311 : i32
      %get3A_1313 = arith.constant 1 : i32
      %get3A_1314 = arith.index_cast %get3A_1313 : i32 to index
      %get3A_1315 = arith.index_cast %add3A_1312 : i32 to index
      %get3A_1316 = arith.constant 48 : index
      %get3A_1317 = tpu.vector_load %arg6[%get3A_1314, %get3A_1315, %get3A_1316] {strides = array<i32>} : memref<2x640x64xf32, #tpu.memory_space<vmem>>, vector<1x1x16xf32>,
      %get3A_1318 = vector.shape_cast %get3A_1317 : vector<1x1x16xf32> to vector<16xf32>
      %add3A_1319 = arith.addf %add3A_1310, %get3A_1318 : vector<16xf32>
      %add3A_1320 = arith.constant 14 : i32
      %add3A_1321 = arith.addi %mul3A_628, %add3A_1320 : i32
      %get3A_1322 = arith.constant 1 : i32
      %get3A_1323 = arith.index_cast %get3A_1322 : i32 to index
      %get3A_1324 = arith.index_cast %add3A_1321 : i32 to index
      %get3A_1325 = arith.constant 48 : index
      %get3A_1326 = tpu.vector_load %arg6[%get3A_1323, %get3A_1324, %get3A_1325] {strides = array<i32>} : memref<2x640x64xf32, #tpu.memory_space<vmem>>, vector<1x1x16xf32>,
      %get3A_1327 = vector.shape_cast %get3A_1326 : vector<1x1x16xf32> to vector<16xf32>
      %add3A_1328 = arith.addf %add3A_1319, %get3A_1327 : vector<16xf32>
      %add3A_1329 = arith.constant 15 : i32
      %add3A_1330 = arith.addi %mul3A_628, %add3A_1329 : i32
      %get3A_1331 = arith.constant 1 : i32
      %get3A_1332 = arith.index_cast %get3A_1331 : i32 to index
      %get3A_1333 = arith.index_cast %add3A_1330 : i32 to index
      %get3A_1334 = arith.constant 48 : index
      %get3A_1335 = tpu.vector_load %arg6[%get3A_1332, %get3A_1333, %get3A_1334] {strides = array<i32>} : memref<2x640x64xf32, #tpu.memory_space<vmem>>, vector<1x1x16xf32>,
      %get3A_1336 = vector.shape_cast %get3A_1335 : vector<1x1x16xf32> to vector<16xf32>
      %add3A_1337 = arith.addf %add3A_1328, %get3A_1336 : vector<16xf32>
      %add3A_1338 = arith.constant 16 : i32
      %add3A_1339 = arith.addi %mul3A_628, %add3A_1338 : i32
      %get3A_1340 = arith.constant 1 : i32
      %get3A_1341 = arith.index_cast %get3A_1340 : i32 to index
      %get3A_1342 = arith.index_cast %add3A_1339 : i32 to index
      %get3A_1343 = arith.constant 48 : index
      %get3A_1344 = tpu.vector_load %arg6[%get3A_1341, %get3A_1342, %get3A_1343] {strides = array<i32>} : memref<2x640x64xf32, #tpu.memory_space<vmem>>, vector<1x1x16xf32>,
      %get3A_1345 = vector.shape_cast %get3A_1344 : vector<1x1x16xf32> to vector<16xf32>
      %add3A_1346 = arith.addf %add3A_1337, %get3A_1345 : vector<16xf32>
      %add3A_1347 = arith.constant 17 : i32
      %add3A_1348 = arith.addi %mul3A_628, %add3A_1347 : i32
      %get3A_1349 = arith.constant 1 : i32
      %get3A_1350 = arith.index_cast %get3A_1349 : i32 to index
      %get3A_1351 = arith.index_cast %add3A_1348 : i32 to index
      %get3A_1352 = arith.constant 48 : index
      %get3A_1353 = tpu.vector_load %arg6[%get3A_1350, %get3A_1351, %get3A_1352] {strides = array<i32>} : memref<2x640x64xf32, #tpu.memory_space<vmem>>, vector<1x1x16xf32>,
      %get3A_1354 = vector.shape_cast %get3A_1353 : vector<1x1x16xf32> to vector<16xf32>
      %add3A_1355 = arith.addf %add3A_1346, %get3A_1354 : vector<16xf32>
      %add3A_1356 = arith.constant 18 : i32
      %add3A_1357 = arith.addi %mul3A_628, %add3A_1356 : i32
      %get3A_1358 = arith.constant 1 : i32
      %get3A_1359 = arith.index_cast %get3A_1358 : i32 to index
      %get3A_1360 = arith.index_cast %add3A_1357 : i32 to index
      %get3A_1361 = arith.constant 48 : index
      %get3A_1362 = tpu.vector_load %arg6[%get3A_1359, %get3A_1360, %get3A_1361] {strides = array<i32>} : memref<2x640x64xf32, #tpu.memory_space<vmem>>, vector<1x1x16xf32>,
      %get3A_1363 = vector.shape_cast %get3A_1362 : vector<1x1x16xf32> to vector<16xf32>
      %add3A_1364 = arith.addf %add3A_1355, %get3A_1363 : vector<16xf32>
      %add3A_1365 = arith.constant 19 : i32
      %add3A_1366 = arith.addi %mul3A_628, %add3A_1365 : i32
      %get3A_1367 = arith.constant 1 : i32
      %get3A_1368 = arith.index_cast %get3A_1367 : i32 to index
      %get3A_1369 = arith.index_cast %add3A_1366 : i32 to index
      %get3A_1370 = arith.constant 48 : index
      %get3A_1371 = tpu.vector_load %arg6[%get3A_1368, %get3A_1369, %get3A_1370] {strides = array<i32>} : memref<2x640x64xf32, #tpu.memory_space<vmem>>, vector<1x1x16xf32>,
      %get3A_1372 = vector.shape_cast %get3A_1371 : vector<1x1x16xf32> to vector<16xf32>
      %add3A_1373 = arith.addf %add3A_1364, %get3A_1372 : vector<16xf32>
      %mul3A_1374 = arith.constant 5.000000e-02 : f32
      %mul3A_1375 = vector.broadcast %mul3A_1374 : f32 to vector<16xf32>
      %mul3A_1376 = arith.mulf %add3A_1373, %mul3A_1375 : vector<16xf32>
      %add3A_1377 = arith.constant 32 : i32
      %add3A_1378 = arith.addi %add3A_1377, %scan3A_626 : i32
      %mul3A_1379 = arith.constant 128 : i32
      %mul3A_1380 = arith.muli %add3A_1378, %mul3A_1379 : i32
      %add3A_1381 = arith.constant 48 : i32
      %add3A_1382 = arith.addi %mul3A_1380, %add3A_1381 : i32
      %swap3A_1383 = arith.index_cast %add3A_1382 : i32 to index
      %swap3A_1384 = tpu.vector_load %arg7[%swap3A_1383] {strides = array<i32>} : memref<16384xf32, #tpu.memory_space<vmem>>, vector<16xf32>,
      %swap3A_1385 = vector.shape_cast %swap3A_1384 : vector<16xf32> to vector<16xf32>
      %swap3A_1386 = vector.shape_cast %mul3A_1376 : vector<16xf32> to vector<16xf32>
      tpu.vector_store %arg7[%swap3A_1383], %swap3A_1386 {strides = array<i32>} : memref<16384xf32, #tpu.memory_space<vmem>>, vector<16xf32>,
    }
    %scan3A_384 = arith.constant 32 : i32
    %dma_wait3A_385 = arith.constant 10 : i32
    %dma_wait3A_386 = arith.constant 0 : i32
    %dma_wait3A_387 = arith.constant 0 : i32
    %dma_wait3A_388 = arith.constant 0 : i32
    %dma_wait3A_389 = tpu.memref_slice %arg6[%dma_wait3A_386, %dma_wait3A_387, %dma_wait3A_388] : memref<2x640x64xf32, #tpu.memory_space<vmem>> -> memref<1x640x64xf32, #tpu.memory_space<vmem>>
    %dma_wait3A_390 = tpu.memref_squeeze %dma_wait3A_389 : memref<1x640x64xf32, #tpu.memory_space<vmem>> -> memref<640x64xf32, #tpu.memory_space<vmem>>
    %dma_wait3A_391 = arith.constant 0 : i32
    %dma_wait3A_392 = arith.constant 0 : i32
    %dma_wait3A_393 = tpu.memref_slice %dma_wait3A_390[%dma_wait3A_391, %dma_wait3A_392] : memref<640x64xf32, #tpu.memory_space<vmem>> -> memref<128x64xf32, #tpu.memory_space<vmem>>
    %dma_wait3A_394 = arith.constant 0 : i32
    %dma_wait3A_395 = tpu.memref_slice %arg5[%dma_wait3A_385, %dma_wait3A_394] : memref<20x128xi32, #tpu.memory_space<vmem>> -> memref<1x128xi32, #tpu.memory_space<vmem>>
    %dma_wait3A_396 = tpu.memref_squeeze %dma_wait3A_395 : memref<1x128xi32, #tpu.memory_space<vmem>> -> memref<128xi32, #tpu.memory_space<vmem>>
    %dma_wait3A_397 = arith.constant 0 : i32
    %dma_wait3A_398 = arith.constant 0 : i32
    %dma_wait3A_399 = tpu.memref_slice %arg3[%dma_wait3A_397, %dma_wait3A_398] : memref<100000x64xf32, #tpu.memory_space<hbm>> -> memref<100000x64xf32, #tpu.memory_space<hbm>>
    tpu.wait_indirect_dma semaphore(%arg8 : memref<!tpu.dma_semaphore, #tpu.memory_space<semaphore_mem>>) src(%dma_wait3A_399 : memref<100000x64xf32, #tpu.memory_space<hbm>>) dst(%dma_wait3A_393 : memref<128x64xf32, #tpu.memory_space<vmem>>)
    %dma_wait3A_400 = arith.constant 11 : i32
    %dma_wait3A_401 = arith.constant 0 : i32
    %dma_wait3A_402 = arith.constant 0 : i32
    %dma_wait3A_403 = arith.constant 0 : i32
    %dma_wait3A_404 = tpu.memref_slice %arg6[%dma_wait3A_401, %dma_wait3A_402, %dma_wait3A_403] : memref<2x640x64xf32, #tpu.memory_space<vmem>> -> memref<1x640x64xf32, #tpu.memory_space<vmem>>
    %dma_wait3A_405 = tpu.memref_squeeze %dma_wait3A_404 : memref<1x640x64xf32, #tpu.memory_space<vmem>> -> memref<640x64xf32, #tpu.memory_space<vmem>>
    %dma_wait3A_406 = arith.constant 128 : i32
    %dma_wait3A_407 = arith.constant 0 : i32
    %dma_wait3A_408 = tpu.memref_slice %dma_wait3A_405[%dma_wait3A_406, %dma_wait3A_407] : memref<640x64xf32, #tpu.memory_space<vmem>> -> memref<128x64xf32, #tpu.memory_space<vmem>>
    %dma_wait3A_409 = arith.constant 0 : i32
    %dma_wait3A_410 = tpu.memref_slice %arg5[%dma_wait3A_400, %dma_wait3A_409] : memref<20x128xi32, #tpu.memory_space<vmem>> -> memref<1x128xi32, #tpu.memory_space<vmem>>
    %dma_wait3A_411 = tpu.memref_squeeze %dma_wait3A_410 : memref<1x128xi32, #tpu.memory_space<vmem>> -> memref<128xi32, #tpu.memory_space<vmem>>
    %dma_wait3A_412 = arith.constant 0 : i32
    %dma_wait3A_413 = arith.constant 0 : i32
    %dma_wait3A_414 = tpu.memref_slice %arg3[%dma_wait3A_412, %dma_wait3A_413] : memref<100000x64xf32, #tpu.memory_space<hbm>> -> memref<100000x64xf32, #tpu.memory_space<hbm>>
    tpu.wait_indirect_dma semaphore(%arg8 : memref<!tpu.dma_semaphore, #tpu.memory_space<semaphore_mem>>) src(%dma_wait3A_414 : memref<100000x64xf32, #tpu.memory_space<hbm>>) dst(%dma_wait3A_408 : memref<128x64xf32, #tpu.memory_space<vmem>>)
    %dma_wait3A_415 = arith.constant 12 : i32
    %dma_wait3A_416 = arith.constant 0 : i32
    %dma_wait3A_417 = arith.constant 0 : i32
    %dma_wait3A_418 = arith.constant 0 : i32
    %dma_wait3A_419 = tpu.memref_slice %arg6[%dma_wait3A_416, %dma_wait3A_417, %dma_wait3A_418] : memref<2x640x64xf32, #tpu.memory_space<vmem>> -> memref<1x640x64xf32, #tpu.memory_space<vmem>>
    %dma_wait3A_420 = tpu.memref_squeeze %dma_wait3A_419 : memref<1x640x64xf32, #tpu.memory_space<vmem>> -> memref<640x64xf32, #tpu.memory_space<vmem>>
    %dma_wait3A_421 = arith.constant 256 : i32
    %dma_wait3A_422 = arith.constant 0 : i32
    %dma_wait3A_423 = tpu.memref_slice %dma_wait3A_420[%dma_wait3A_421, %dma_wait3A_422] : memref<640x64xf32, #tpu.memory_space<vmem>> -> memref<128x64xf32, #tpu.memory_space<vmem>>
    %dma_wait3A_424 = arith.constant 0 : i32
    %dma_wait3A_425 = tpu.memref_slice %arg5[%dma_wait3A_415, %dma_wait3A_424] : memref<20x128xi32, #tpu.memory_space<vmem>> -> memref<1x128xi32, #tpu.memory_space<vmem>>
    %dma_wait3A_426 = tpu.memref_squeeze %dma_wait3A_425 : memref<1x128xi32, #tpu.memory_space<vmem>> -> memref<128xi32, #tpu.memory_space<vmem>>
    %dma_wait3A_427 = arith.constant 0 : i32
    %dma_wait3A_428 = arith.constant 0 : i32
    %dma_wait3A_429 = tpu.memref_slice %arg3[%dma_wait3A_427, %dma_wait3A_428] : memref<100000x64xf32, #tpu.memory_space<hbm>> -> memref<100000x64xf32, #tpu.memory_space<hbm>>
    tpu.wait_indirect_dma semaphore(%arg8 : memref<!tpu.dma_semaphore, #tpu.memory_space<semaphore_mem>>) src(%dma_wait3A_429 : memref<100000x64xf32, #tpu.memory_space<hbm>>) dst(%dma_wait3A_423 : memref<128x64xf32, #tpu.memory_space<vmem>>)
    %dma_wait3A_430 = arith.constant 13 : i32
    %dma_wait3A_431 = arith.constant 0 : i32
    %dma_wait3A_432 = arith.constant 0 : i32
    %dma_wait3A_433 = arith.constant 0 : i32
    %dma_wait3A_434 = tpu.memref_slice %arg6[%dma_wait3A_431, %dma_wait3A_432, %dma_wait3A_433] : memref<2x640x64xf32, #tpu.memory_space<vmem>> -> memref<1x640x64xf32, #tpu.memory_space<vmem>>
    %dma_wait3A_435 = tpu.memref_squeeze %dma_wait3A_434 : memref<1x640x64xf32, #tpu.memory_space<vmem>> -> memref<640x64xf32, #tpu.memory_space<vmem>>
    %dma_wait3A_436 = arith.constant 384 : i32
    %dma_wait3A_437 = arith.constant 0 : i32
    %dma_wait3A_438 = tpu.memref_slice %dma_wait3A_435[%dma_wait3A_436, %dma_wait3A_437] : memref<640x64xf32, #tpu.memory_space<vmem>> -> memref<128x64xf32, #tpu.memory_space<vmem>>
    %dma_wait3A_439 = arith.constant 0 : i32
    %dma_wait3A_440 = tpu.memref_slice %arg5[%dma_wait3A_430, %dma_wait3A_439] : memref<20x128xi32, #tpu.memory_space<vmem>> -> memref<1x128xi32, #tpu.memory_space<vmem>>
    %dma_wait3A_441 = tpu.memref_squeeze %dma_wait3A_440 : memref<1x128xi32, #tpu.memory_space<vmem>> -> memref<128xi32, #tpu.memory_space<vmem>>
    %dma_wait3A_442 = arith.constant 0 : i32
    %dma_wait3A_443 = arith.constant 0 : i32
    %dma_wait3A_444 = tpu.memref_slice %arg3[%dma_wait3A_442, %dma_wait3A_443] : memref<100000x64xf32, #tpu.memory_space<hbm>> -> memref<100000x64xf32, #tpu.memory_space<hbm>>
    tpu.wait_indirect_dma semaphore(%arg8 : memref<!tpu.dma_semaphore, #tpu.memory_space<semaphore_mem>>) src(%dma_wait3A_444 : memref<100000x64xf32, #tpu.memory_space<hbm>>) dst(%dma_wait3A_438 : memref<128x64xf32, #tpu.memory_space<vmem>>)
    %dma_wait3A_445 = arith.constant 14 : i32
    %dma_wait3A_446 = arith.constant 0 : i32
    %dma_wait3A_447 = arith.constant 0 : i32
    %dma_wait3A_448 = arith.constant 0 : i32
    %dma_wait3A_449 = tpu.memref_slice %arg6[%dma_wait3A_446, %dma_wait3A_447, %dma_wait3A_448] : memref<2x640x64xf32, #tpu.memory_space<vmem>> -> memref<1x640x64xf32, #tpu.memory_space<vmem>>
    %dma_wait3A_450 = tpu.memref_squeeze %dma_wait3A_449 : memref<1x640x64xf32, #tpu.memory_space<vmem>> -> memref<640x64xf32, #tpu.memory_space<vmem>>
    %dma_wait3A_451 = arith.constant 512 : i32
    %dma_wait3A_452 = arith.constant 0 : i32
    %dma_wait3A_453 = tpu.memref_slice %dma_wait3A_450[%dma_wait3A_451, %dma_wait3A_452] : memref<640x64xf32, #tpu.memory_space<vmem>> -> memref<128x64xf32, #tpu.memory_space<vmem>>
    %dma_wait3A_454 = arith.constant 0 : i32
    %dma_wait3A_455 = tpu.memref_slice %arg5[%dma_wait3A_445, %dma_wait3A_454] : memref<20x128xi32, #tpu.memory_space<vmem>> -> memref<1x128xi32, #tpu.memory_space<vmem>>
    %dma_wait3A_456 = tpu.memref_squeeze %dma_wait3A_455 : memref<1x128xi32, #tpu.memory_space<vmem>> -> memref<128xi32, #tpu.memory_space<vmem>>
    %dma_wait3A_457 = arith.constant 0 : i32
    %dma_wait3A_458 = arith.constant 0 : i32
    %dma_wait3A_459 = tpu.memref_slice %arg3[%dma_wait3A_457, %dma_wait3A_458] : memref<100000x64xf32, #tpu.memory_space<hbm>> -> memref<100000x64xf32, #tpu.memory_space<hbm>>
    tpu.wait_indirect_dma semaphore(%arg8 : memref<!tpu.dma_semaphore, #tpu.memory_space<semaphore_mem>>) src(%dma_wait3A_459 : memref<100000x64xf32, #tpu.memory_space<hbm>>) dst(%dma_wait3A_453 : memref<128x64xf32, #tpu.memory_space<vmem>>)
    %dma_start3A_460 = arith.constant 15 : i32
    %dma_start3A_461 = arith.constant 1 : i32
    %dma_start3A_462 = arith.constant 0 : i32
    %dma_start3A_463 = arith.constant 0 : i32
    %dma_start3A_464 = tpu.memref_slice %arg6[%dma_start3A_461, %dma_start3A_462, %dma_start3A_463] : memref<2x640x64xf32, #tpu.memory_space<vmem>> -> memref<1x640x64xf32, #tpu.memory_space<vmem>>
    %dma_start3A_465 = tpu.memref_squeeze %dma_start3A_464 : memref<1x640x64xf32, #tpu.memory_space<vmem>> -> memref<640x64xf32, #tpu.memory_space<vmem>>
    %dma_start3A_466 = arith.constant 0 : i32
    %dma_start3A_467 = arith.constant 0 : i32
    %dma_start3A_468 = tpu.memref_slice %dma_start3A_465[%dma_start3A_466, %dma_start3A_467] : memref<640x64xf32, #tpu.memory_space<vmem>> -> memref<128x64xf32, #tpu.memory_space<vmem>>
    %dma_start3A_469 = arith.constant 0 : i32
    %dma_start3A_470 = tpu.memref_slice %arg5[%dma_start3A_460, %dma_start3A_469] : memref<20x128xi32, #tpu.memory_space<vmem>> -> memref<1x128xi32, #tpu.memory_space<vmem>>
    %dma_start3A_471 = tpu.memref_squeeze %dma_start3A_470 : memref<1x128xi32, #tpu.memory_space<vmem>> -> memref<128xi32, #tpu.memory_space<vmem>>
    %dma_start3A_472 = arith.constant 0 : i32
    %dma_start3A_473 = arith.constant 0 : i32
    %dma_start3A_474 = tpu.memref_slice %arg3[%dma_start3A_472, %dma_start3A_473] : memref<100000x64xf32, #tpu.memory_space<hbm>> -> memref<100000x64xf32, #tpu.memory_space<hbm>>
    tpu.enqueue_indirect_dma source(%dma_start3A_474 : memref<100000x64xf32, #tpu.memory_space<hbm>>) target(%dma_start3A_468 : memref<128x64xf32, #tpu.memory_space<vmem>>) offsets(%dma_start3A_471 : memref<128xi32, #tpu.memory_space<vmem>>) semaphore(%arg9 : memref<!tpu.dma_semaphore, #tpu.memory_space<semaphore_mem>>)
    %dma_start3A_475 = arith.constant 16 : i32
    %dma_start3A_476 = arith.constant 1 : i32
    %dma_start3A_477 = arith.constant 0 : i32
    %dma_start3A_478 = arith.constant 0 : i32
    %dma_start3A_479 = tpu.memref_slice %arg6[%dma_start3A_476, %dma_start3A_477, %dma_start3A_478] : memref<2x640x64xf32, #tpu.memory_space<vmem>> -> memref<1x640x64xf32, #tpu.memory_space<vmem>>
    %dma_start3A_480 = tpu.memref_squeeze %dma_start3A_479 : memref<1x640x64xf32, #tpu.memory_space<vmem>> -> memref<640x64xf32, #tpu.memory_space<vmem>>
    %dma_start3A_481 = arith.constant 128 : i32
    %dma_start3A_482 = arith.constant 0 : i32
    %dma_start3A_483 = tpu.memref_slice %dma_start3A_480[%dma_start3A_481, %dma_start3A_482] : memref<640x64xf32, #tpu.memory_space<vmem>> -> memref<128x64xf32, #tpu.memory_space<vmem>>
    %dma_start3A_484 = arith.constant 0 : i32
    %dma_start3A_485 = tpu.memref_slice %arg5[%dma_start3A_475, %dma_start3A_484] : memref<20x128xi32, #tpu.memory_space<vmem>> -> memref<1x128xi32, #tpu.memory_space<vmem>>
    %dma_start3A_486 = tpu.memref_squeeze %dma_start3A_485 : memref<1x128xi32, #tpu.memory_space<vmem>> -> memref<128xi32, #tpu.memory_space<vmem>>
    %dma_start3A_487 = arith.constant 0 : i32
    %dma_start3A_488 = arith.constant 0 : i32
    %dma_start3A_489 = tpu.memref_slice %arg3[%dma_start3A_487, %dma_start3A_488] : memref<100000x64xf32, #tpu.memory_space<hbm>> -> memref<100000x64xf32, #tpu.memory_space<hbm>>
    tpu.enqueue_indirect_dma source(%dma_start3A_489 : memref<100000x64xf32, #tpu.memory_space<hbm>>) target(%dma_start3A_483 : memref<128x64xf32, #tpu.memory_space<vmem>>) offsets(%dma_start3A_486 : memref<128xi32, #tpu.memory_space<vmem>>) semaphore(%arg9 : memref<!tpu.dma_semaphore, #tpu.memory_space<semaphore_mem>>)
    %dma_start3A_490 = arith.constant 17 : i32
    %dma_start3A_491 = arith.constant 1 : i32
    %dma_start3A_492 = arith.constant 0 : i32
    %dma_start3A_493 = arith.constant 0 : i32
    %dma_start3A_494 = tpu.memref_slice %arg6[%dma_start3A_491, %dma_start3A_492, %dma_start3A_493] : memref<2x640x64xf32, #tpu.memory_space<vmem>> -> memref<1x640x64xf32, #tpu.memory_space<vmem>>
    %dma_start3A_495 = tpu.memref_squeeze %dma_start3A_494 : memref<1x640x64xf32, #tpu.memory_space<vmem>> -> memref<640x64xf32, #tpu.memory_space<vmem>>
    %dma_start3A_496 = arith.constant 256 : i32
    %dma_start3A_497 = arith.constant 0 : i32
    %dma_start3A_498 = tpu.memref_slice %dma_start3A_495[%dma_start3A_496, %dma_start3A_497] : memref<640x64xf32, #tpu.memory_space<vmem>> -> memref<128x64xf32, #tpu.memory_space<vmem>>
    %dma_start3A_499 = arith.constant 0 : i32
    %dma_start3A_500 = tpu.memref_slice %arg5[%dma_start3A_490, %dma_start3A_499] : memref<20x128xi32, #tpu.memory_space<vmem>> -> memref<1x128xi32, #tpu.memory_space<vmem>>
    %dma_start3A_501 = tpu.memref_squeeze %dma_start3A_500 : memref<1x128xi32, #tpu.memory_space<vmem>> -> memref<128xi32, #tpu.memory_space<vmem>>
    %dma_start3A_502 = arith.constant 0 : i32
    %dma_start3A_503 = arith.constant 0 : i32
    %dma_start3A_504 = tpu.memref_slice %arg3[%dma_start3A_502, %dma_start3A_503] : memref<100000x64xf32, #tpu.memory_space<hbm>> -> memref<100000x64xf32, #tpu.memory_space<hbm>>
    tpu.enqueue_indirect_dma source(%dma_start3A_504 : memref<100000x64xf32, #tpu.memory_space<hbm>>) target(%dma_start3A_498 : memref<128x64xf32, #tpu.memory_space<vmem>>) offsets(%dma_start3A_501 : memref<128xi32, #tpu.memory_space<vmem>>) semaphore(%arg9 : memref<!tpu.dma_semaphore, #tpu.memory_space<semaphore_mem>>)
    %dma_start3A_505 = arith.constant 18 : i32
    %dma_start3A_506 = arith.constant 1 : i32
    %dma_start3A_507 = arith.constant 0 : i32
    %dma_start3A_508 = arith.constant 0 : i32
    %dma_start3A_509 = tpu.memref_slice %arg6[%dma_start3A_506, %dma_start3A_507, %dma_start3A_508] : memref<2x640x64xf32, #tpu.memory_space<vmem>> -> memref<1x640x64xf32, #tpu.memory_space<vmem>>
    %dma_start3A_510 = tpu.memref_squeeze %dma_start3A_509 : memref<1x640x64xf32, #tpu.memory_space<vmem>> -> memref<640x64xf32, #tpu.memory_space<vmem>>
    %dma_start3A_511 = arith.constant 384 : i32
    %dma_start3A_512 = arith.constant 0 : i32
    %dma_start3A_513 = tpu.memref_slice %dma_start3A_510[%dma_start3A_511, %dma_start3A_512] : memref<640x64xf32, #tpu.memory_space<vmem>> -> memref<128x64xf32, #tpu.memory_space<vmem>>
    %dma_start3A_514 = arith.constant 0 : i32
    %dma_start3A_515 = tpu.memref_slice %arg5[%dma_start3A_505, %dma_start3A_514] : memref<20x128xi32, #tpu.memory_space<vmem>> -> memref<1x128xi32, #tpu.memory_space<vmem>>
    %dma_start3A_516 = tpu.memref_squeeze %dma_start3A_515 : memref<1x128xi32, #tpu.memory_space<vmem>> -> memref<128xi32, #tpu.memory_space<vmem>>
    %dma_start3A_517 = arith.constant 0 : i32
    %dma_start3A_518 = arith.constant 0 : i32
    %dma_start3A_519 = tpu.memref_slice %arg3[%dma_start3A_517, %dma_start3A_518] : memref<100000x64xf32, #tpu.memory_space<hbm>> -> memref<100000x64xf32, #tpu.memory_space<hbm>>
    tpu.enqueue_indirect_dma source(%dma_start3A_519 : memref<100000x64xf32, #tpu.memory_space<hbm>>) target(%dma_start3A_513 : memref<128x64xf32, #tpu.memory_space<vmem>>) offsets(%dma_start3A_516 : memref<128xi32, #tpu.memory_space<vmem>>) semaphore(%arg9 : memref<!tpu.dma_semaphore, #tpu.memory_space<semaphore_mem>>)
    %dma_start3A_520 = arith.constant 19 : i32
    %dma_start3A_521 = arith.constant 1 : i32
    %dma_start3A_522 = arith.constant 0 : i32
    %dma_start3A_523 = arith.constant 0 : i32
    %dma_start3A_524 = tpu.memref_slice %arg6[%dma_start3A_521, %dma_start3A_522, %dma_start3A_523] : memref<2x640x64xf32, #tpu.memory_space<vmem>> -> memref<1x640x64xf32, #tpu.memory_space<vmem>>
    %dma_start3A_525 = tpu.memref_squeeze %dma_start3A_524 : memref<1x640x64xf32, #tpu.memory_space<vmem>> -> memref<640x64xf32, #tpu.memory_space<vmem>>
    %dma_start3A_526 = arith.constant 512 : i32
    %dma_start3A_527 = arith.constant 0 : i32
    %dma_start3A_528 = tpu.memref_slice %dma_start3A_525[%dma_start3A_526, %dma_start3A_527] : memref<640x64xf32, #tpu.memory_space<vmem>> -> memref<128x64xf32, #tpu.memory_space<vmem>>
    %dma_start3A_529 = arith.constant 0 : i32
    %dma_start3A_530 = tpu.memref_slice %arg5[%dma_start3A_520, %dma_start3A_529] : memref<20x128xi32, #tpu.memory_space<vmem>> -> memref<1x128xi32, #tpu.memory_space<vmem>>
    %dma_start3A_531 = tpu.memref_squeeze %dma_start3A_530 : memref<1x128xi32, #tpu.memory_space<vmem>> -> memref<128xi32, #tpu.memory_space<vmem>>
    %dma_start3A_532 = arith.constant 0 : i32
    %dma_start3A_533 = arith.constant 0 : i32
    %dma_start3A_534 = tpu.memref_slice %arg3[%dma_start3A_532, %dma_start3A_533] : memref<100000x64xf32, #tpu.memory_space<hbm>> -> memref<100000x64xf32, #tpu.memory_space<hbm>>
    tpu.enqueue_indirect_dma source(%dma_start3A_534 : memref<100000x64xf32, #tpu.memory_space<hbm>>) target(%dma_start3A_528 : memref<128x64xf32, #tpu.memory_space<vmem>>) offsets(%dma_start3A_531 : memref<128xi32, #tpu.memory_space<vmem>>) semaphore(%arg9 : memref<!tpu.dma_semaphore, #tpu.memory_space<semaphore_mem>>)
    %scan3A_535 = arith.constant 0 : i32
    %scan3A_536 = arith.constant 0 : i32
    %scan3A_537 = arith.constant 32 : i32
    %scan3A_538 = arith.addi %scan3A_536, %scan3A_537 : i32
    %scan3A_539 = arith.constant 1 : i32
    scf.for %scan3A_626 = %scan3A_536 to %scan3A_538 step %scan3A_539  : i32 {
      %mul3A_627 = arith.constant 20 : i32
      %mul3A_628 = arith.muli %scan3A_626, %mul3A_627 : i32
      %get3A = arith.constant 0 : i32
      %get3A_629 = arith.index_cast %get3A : i32 to index
      %get3A_630 = arith.index_cast %mul3A_628 : i32 to index
      %get3A_631 = arith.constant 0 : index
      %get3A_632 = tpu.vector_load %arg6[%get3A_629, %get3A_630, %get3A_631] {strides = array<i32>} : memref<2x640x64xf32, #tpu.memory_space<vmem>>, vector<1x1x16xf32>,
      %get3A_633 = vector.shape_cast %get3A_632 : vector<1x1x16xf32> to vector<16xf32>
      %add3A_634 = arith.constant 1 : i32
      %add3A_635 = arith.addi %mul3A_628, %add3A_634 : i32
      %get3A_636 = arith.constant 0 : i32
      %get3A_637 = arith.index_cast %get3A_636 : i32 to index
      %get3A_638 = arith.index_cast %add3A_635 : i32 to index
      %get3A_639 = arith.constant 0 : index
      %get3A_640 = tpu.vector_load %arg6[%get3A_637, %get3A_638, %get3A_639] {strides = array<i32>} : memref<2x640x64xf32, #tpu.memory_space<vmem>>, vector<1x1x16xf32>,
      %get3A_641 = vector.shape_cast %get3A_640 : vector<1x1x16xf32> to vector<16xf32>
      %add3A_642 = arith.addf %get3A_633, %get3A_641 : vector<16xf32>
      %add3A_643 = arith.constant 2 : i32
      %add3A_644 = arith.addi %mul3A_628, %add3A_643 : i32
      %get3A_645 = arith.constant 0 : i32
      %get3A_646 = arith.index_cast %get3A_645 : i32 to index
      %get3A_647 = arith.index_cast %add3A_644 : i32 to index
      %get3A_648 = arith.constant 0 : index
      %get3A_649 = tpu.vector_load %arg6[%get3A_646, %get3A_647, %get3A_648] {strides = array<i32>} : memref<2x640x64xf32, #tpu.memory_space<vmem>>, vector<1x1x16xf32>,
      %get3A_650 = vector.shape_cast %get3A_649 : vector<1x1x16xf32> to vector<16xf32>
      %add3A_651 = arith.addf %add3A_642, %get3A_650 : vector<16xf32>
      %add3A_652 = arith.constant 3 : i32
      %add3A_653 = arith.addi %mul3A_628, %add3A_652 : i32
      %get3A_654 = arith.constant 0 : i32
      %get3A_655 = arith.index_cast %get3A_654 : i32 to index
      %get3A_656 = arith.index_cast %add3A_653 : i32 to index
      %get3A_657 = arith.constant 0 : index
      %get3A_658 = tpu.vector_load %arg6[%get3A_655, %get3A_656, %get3A_657] {strides = array<i32>} : memref<2x640x64xf32, #tpu.memory_space<vmem>>, vector<1x1x16xf32>,
      %get3A_659 = vector.shape_cast %get3A_658 : vector<1x1x16xf32> to vector<16xf32>
      %add3A_660 = arith.addf %add3A_651, %get3A_659 : vector<16xf32>
      %add3A_661 = arith.constant 4 : i32
      %add3A_662 = arith.addi %mul3A_628, %add3A_661 : i32
      %get3A_663 = arith.constant 0 : i32
      %get3A_664 = arith.index_cast %get3A_663 : i32 to index
      %get3A_665 = arith.index_cast %add3A_662 : i32 to index
      %get3A_666 = arith.constant 0 : index
      %get3A_667 = tpu.vector_load %arg6[%get3A_664, %get3A_665, %get3A_666] {strides = array<i32>} : memref<2x640x64xf32, #tpu.memory_space<vmem>>, vector<1x1x16xf32>,
      %get3A_668 = vector.shape_cast %get3A_667 : vector<1x1x16xf32> to vector<16xf32>
      %add3A_669 = arith.addf %add3A_660, %get3A_668 : vector<16xf32>
      %add3A_670 = arith.constant 5 : i32
      %add3A_671 = arith.addi %mul3A_628, %add3A_670 : i32
      %get3A_672 = arith.constant 0 : i32
      %get3A_673 = arith.index_cast %get3A_672 : i32 to index
      %get3A_674 = arith.index_cast %add3A_671 : i32 to index
      %get3A_675 = arith.constant 0 : index
      %get3A_676 = tpu.vector_load %arg6[%get3A_673, %get3A_674, %get3A_675] {strides = array<i32>} : memref<2x640x64xf32, #tpu.memory_space<vmem>>, vector<1x1x16xf32>,
      %get3A_677 = vector.shape_cast %get3A_676 : vector<1x1x16xf32> to vector<16xf32>
      %add3A_678 = arith.addf %add3A_669, %get3A_677 : vector<16xf32>
      %add3A_679 = arith.constant 6 : i32
      %add3A_680 = arith.addi %mul3A_628, %add3A_679 : i32
      %get3A_681 = arith.constant 0 : i32
      %get3A_682 = arith.index_cast %get3A_681 : i32 to index
      %get3A_683 = arith.index_cast %add3A_680 : i32 to index
      %get3A_684 = arith.constant 0 : index
      %get3A_685 = tpu.vector_load %arg6[%get3A_682, %get3A_683, %get3A_684] {strides = array<i32>} : memref<2x640x64xf32, #tpu.memory_space<vmem>>, vector<1x1x16xf32>,
      %get3A_686 = vector.shape_cast %get3A_685 : vector<1x1x16xf32> to vector<16xf32>
      %add3A_687 = arith.addf %add3A_678, %get3A_686 : vector<16xf32>
      %add3A_688 = arith.constant 7 : i32
      %add3A_689 = arith.addi %mul3A_628, %add3A_688 : i32
      %get3A_690 = arith.constant 0 : i32
      %get3A_691 = arith.index_cast %get3A_690 : i32 to index
      %get3A_692 = arith.index_cast %add3A_689 : i32 to index
      %get3A_693 = arith.constant 0 : index
      %get3A_694 = tpu.vector_load %arg6[%get3A_691, %get3A_692, %get3A_693] {strides = array<i32>} : memref<2x640x64xf32, #tpu.memory_space<vmem>>, vector<1x1x16xf32>,
      %get3A_695 = vector.shape_cast %get3A_694 : vector<1x1x16xf32> to vector<16xf32>
      %add3A_696 = arith.addf %add3A_687, %get3A_695 : vector<16xf32>
      %add3A_697 = arith.constant 8 : i32
      %add3A_698 = arith.addi %mul3A_628, %add3A_697 : i32
      %get3A_699 = arith.constant 0 : i32
      %get3A_700 = arith.index_cast %get3A_699 : i32 to index
      %get3A_701 = arith.index_cast %add3A_698 : i32 to index
      %get3A_702 = arith.constant 0 : index
      %get3A_703 = tpu.vector_load %arg6[%get3A_700, %get3A_701, %get3A_702] {strides = array<i32>} : memref<2x640x64xf32, #tpu.memory_space<vmem>>, vector<1x1x16xf32>,
      %get3A_704 = vector.shape_cast %get3A_703 : vector<1x1x16xf32> to vector<16xf32>
      %add3A_705 = arith.addf %add3A_696, %get3A_704 : vector<16xf32>
      %add3A_706 = arith.constant 9 : i32
      %add3A_707 = arith.addi %mul3A_628, %add3A_706 : i32
      %get3A_708 = arith.constant 0 : i32
      %get3A_709 = arith.index_cast %get3A_708 : i32 to index
      %get3A_710 = arith.index_cast %add3A_707 : i32 to index
      %get3A_711 = arith.constant 0 : index
      %get3A_712 = tpu.vector_load %arg6[%get3A_709, %get3A_710, %get3A_711] {strides = array<i32>} : memref<2x640x64xf32, #tpu.memory_space<vmem>>, vector<1x1x16xf32>,
      %get3A_713 = vector.shape_cast %get3A_712 : vector<1x1x16xf32> to vector<16xf32>
      %add3A_714 = arith.addf %add3A_705, %get3A_713 : vector<16xf32>
      %add3A_715 = arith.constant 10 : i32
      %add3A_716 = arith.addi %mul3A_628, %add3A_715 : i32
      %get3A_717 = arith.constant 0 : i32
      %get3A_718 = arith.index_cast %get3A_717 : i32 to index
      %get3A_719 = arith.index_cast %add3A_716 : i32 to index
      %get3A_720 = arith.constant 0 : index
      %get3A_721 = tpu.vector_load %arg6[%get3A_718, %get3A_719, %get3A_720] {strides = array<i32>} : memref<2x640x64xf32, #tpu.memory_space<vmem>>, vector<1x1x16xf32>,
      %get3A_722 = vector.shape_cast %get3A_721 : vector<1x1x16xf32> to vector<16xf32>
      %add3A_723 = arith.addf %add3A_714, %get3A_722 : vector<16xf32>
      %add3A_724 = arith.constant 11 : i32
      %add3A_725 = arith.addi %mul3A_628, %add3A_724 : i32
      %get3A_726 = arith.constant 0 : i32
      %get3A_727 = arith.index_cast %get3A_726 : i32 to index
      %get3A_728 = arith.index_cast %add3A_725 : i32 to index
      %get3A_729 = arith.constant 0 : index
      %get3A_730 = tpu.vector_load %arg6[%get3A_727, %get3A_728, %get3A_729] {strides = array<i32>} : memref<2x640x64xf32, #tpu.memory_space<vmem>>, vector<1x1x16xf32>,
      %get3A_731 = vector.shape_cast %get3A_730 : vector<1x1x16xf32> to vector<16xf32>
      %add3A_732 = arith.addf %add3A_723, %get3A_731 : vector<16xf32>
      %add3A_733 = arith.constant 12 : i32
      %add3A_734 = arith.addi %mul3A_628, %add3A_733 : i32
      %get3A_735 = arith.constant 0 : i32
      %get3A_736 = arith.index_cast %get3A_735 : i32 to index
      %get3A_737 = arith.index_cast %add3A_734 : i32 to index
      %get3A_738 = arith.constant 0 : index
      %get3A_739 = tpu.vector_load %arg6[%get3A_736, %get3A_737, %get3A_738] {strides = array<i32>} : memref<2x640x64xf32, #tpu.memory_space<vmem>>, vector<1x1x16xf32>,
      %get3A_740 = vector.shape_cast %get3A_739 : vector<1x1x16xf32> to vector<16xf32>
      %add3A_741 = arith.addf %add3A_732, %get3A_740 : vector<16xf32>
      %add3A_742 = arith.constant 13 : i32
      %add3A_743 = arith.addi %mul3A_628, %add3A_742 : i32
      %get3A_744 = arith.constant 0 : i32
      %get3A_745 = arith.index_cast %get3A_744 : i32 to index
      %get3A_746 = arith.index_cast %add3A_743 : i32 to index
      %get3A_747 = arith.constant 0 : index
      %get3A_748 = tpu.vector_load %arg6[%get3A_745, %get3A_746, %get3A_747] {strides = array<i32>} : memref<2x640x64xf32, #tpu.memory_space<vmem>>, vector<1x1x16xf32>,
      %get3A_749 = vector.shape_cast %get3A_748 : vector<1x1x16xf32> to vector<16xf32>
      %add3A_750 = arith.addf %add3A_741, %get3A_749 : vector<16xf32>
      %add3A_751 = arith.constant 14 : i32
      %add3A_752 = arith.addi %mul3A_628, %add3A_751 : i32
      %get3A_753 = arith.constant 0 : i32
      %get3A_754 = arith.index_cast %get3A_753 : i32 to index
      %get3A_755 = arith.index_cast %add3A_752 : i32 to index
      %get3A_756 = arith.constant 0 : index
      %get3A_757 = tpu.vector_load %arg6[%get3A_754, %get3A_755, %get3A_756] {strides = array<i32>} : memref<2x640x64xf32, #tpu.memory_space<vmem>>, vector<1x1x16xf32>,
      %get3A_758 = vector.shape_cast %get3A_757 : vector<1x1x16xf32> to vector<16xf32>
      %add3A_759 = arith.addf %add3A_750, %get3A_758 : vector<16xf32>
      %add3A_760 = arith.constant 15 : i32
      %add3A_761 = arith.addi %mul3A_628, %add3A_760 : i32
      %get3A_762 = arith.constant 0 : i32
      %get3A_763 = arith.index_cast %get3A_762 : i32 to index
      %get3A_764 = arith.index_cast %add3A_761 : i32 to index
      %get3A_765 = arith.constant 0 : index
      %get3A_766 = tpu.vector_load %arg6[%get3A_763, %get3A_764, %get3A_765] {strides = array<i32>} : memref<2x640x64xf32, #tpu.memory_space<vmem>>, vector<1x1x16xf32>,
      %get3A_767 = vector.shape_cast %get3A_766 : vector<1x1x16xf32> to vector<16xf32>
      %add3A_768 = arith.addf %add3A_759, %get3A_767 : vector<16xf32>
      %add3A_769 = arith.constant 16 : i32
      %add3A_770 = arith.addi %mul3A_628, %add3A_769 : i32
      %get3A_771 = arith.constant 0 : i32
      %get3A_772 = arith.index_cast %get3A_771 : i32 to index
      %get3A_773 = arith.index_cast %add3A_770 : i32 to index
      %get3A_774 = arith.constant 0 : index
      %get3A_775 = tpu.vector_load %arg6[%get3A_772, %get3A_773, %get3A_774] {strides = array<i32>} : memref<2x640x64xf32, #tpu.memory_space<vmem>>, vector<1x1x16xf32>,
      %get3A_776 = vector.shape_cast %get3A_775 : vector<1x1x16xf32> to vector<16xf32>
      %add3A_777 = arith.addf %add3A_768, %get3A_776 : vector<16xf32>
      %add3A_778 = arith.constant 17 : i32
      %add3A_779 = arith.addi %mul3A_628, %add3A_778 : i32
      %get3A_780 = arith.constant 0 : i32
      %get3A_781 = arith.index_cast %get3A_780 : i32 to index
      %get3A_782 = arith.index_cast %add3A_779 : i32 to index
      %get3A_783 = arith.constant 0 : index
      %get3A_784 = tpu.vector_load %arg6[%get3A_781, %get3A_782, %get3A_783] {strides = array<i32>} : memref<2x640x64xf32, #tpu.memory_space<vmem>>, vector<1x1x16xf32>,
      %get3A_785 = vector.shape_cast %get3A_784 : vector<1x1x16xf32> to vector<16xf32>
      %add3A_786 = arith.addf %add3A_777, %get3A_785 : vector<16xf32>
      %add3A_787 = arith.constant 18 : i32
      %add3A_788 = arith.addi %mul3A_628, %add3A_787 : i32
      %get3A_789 = arith.constant 0 : i32
      %get3A_790 = arith.index_cast %get3A_789 : i32 to index
      %get3A_791 = arith.index_cast %add3A_788 : i32 to index
      %get3A_792 = arith.constant 0 : index
      %get3A_793 = tpu.vector_load %arg6[%get3A_790, %get3A_791, %get3A_792] {strides = array<i32>} : memref<2x640x64xf32, #tpu.memory_space<vmem>>, vector<1x1x16xf32>,
      %get3A_794 = vector.shape_cast %get3A_793 : vector<1x1x16xf32> to vector<16xf32>
      %add3A_795 = arith.addf %add3A_786, %get3A_794 : vector<16xf32>
      %add3A_796 = arith.constant 19 : i32
      %add3A_797 = arith.addi %mul3A_628, %add3A_796 : i32
      %get3A_798 = arith.constant 0 : i32
      %get3A_799 = arith.index_cast %get3A_798 : i32 to index
      %get3A_800 = arith.index_cast %add3A_797 : i32 to index
      %get3A_801 = arith.constant 0 : index
      %get3A_802 = tpu.vector_load %arg6[%get3A_799, %get3A_800, %get3A_801] {strides = array<i32>} : memref<2x640x64xf32, #tpu.memory_space<vmem>>, vector<1x1x16xf32>,
      %get3A_803 = vector.shape_cast %get3A_802 : vector<1x1x16xf32> to vector<16xf32>
      %add3A_804 = arith.addf %add3A_795, %get3A_803 : vector<16xf32>
      %mul3A_805 = arith.constant 5.000000e-02 : f32
      %mul3A_806 = vector.broadcast %mul3A_805 : f32 to vector<16xf32>
      %mul3A_807 = arith.mulf %add3A_804, %mul3A_806 : vector<16xf32>
      %add3A_808 = arith.constant 64 : i32
      %add3A_809 = arith.addi %add3A_808, %scan3A_626 : i32
      %mul3A_810 = arith.constant 128 : i32
      %mul3A_811 = arith.muli %add3A_809, %mul3A_810 : i32
      %add3A_812 = arith.constant 0 : i32
      %add3A_813 = arith.addi %mul3A_811, %add3A_812 : i32
      %swap3A = arith.index_cast %add3A_813 : i32 to index
      %swap3A_814 = tpu.vector_load %arg7[%swap3A] {strides = array<i32>} : memref<16384xf32, #tpu.memory_space<vmem>>, vector<16xf32>,
      %swap3A_815 = vector.shape_cast %swap3A_814 : vector<16xf32> to vector<16xf32>
      %swap3A_816 = vector.shape_cast %mul3A_807 : vector<16xf32> to vector<16xf32>
      tpu.vector_store %arg7[%swap3A], %swap3A_816 {strides = array<i32>} : memref<16384xf32, #tpu.memory_space<vmem>>, vector<16xf32>,
      %get3A_817 = arith.constant 0 : i32
      %get3A_818 = arith.index_cast %get3A_817 : i32 to index
      %get3A_819 = arith.index_cast %mul3A_628 : i32 to index
      %get3A_820 = arith.constant 16 : index
      %get3A_821 = tpu.vector_load %arg6[%get3A_818, %get3A_819, %get3A_820] {strides = array<i32>} : memref<2x640x64xf32, #tpu.memory_space<vmem>>, vector<1x1x16xf32>,
      %get3A_822 = vector.shape_cast %get3A_821 : vector<1x1x16xf32> to vector<16xf32>
      %add3A_823 = arith.constant 1 : i32
      %add3A_824 = arith.addi %mul3A_628, %add3A_823 : i32
      %get3A_825 = arith.constant 0 : i32
      %get3A_826 = arith.index_cast %get3A_825 : i32 to index
      %get3A_827 = arith.index_cast %add3A_824 : i32 to index
      %get3A_828 = arith.constant 16 : index
      %get3A_829 = tpu.vector_load %arg6[%get3A_826, %get3A_827, %get3A_828] {strides = array<i32>} : memref<2x640x64xf32, #tpu.memory_space<vmem>>, vector<1x1x16xf32>,
      %get3A_830 = vector.shape_cast %get3A_829 : vector<1x1x16xf32> to vector<16xf32>
      %add3A_831 = arith.addf %get3A_822, %get3A_830 : vector<16xf32>
      %add3A_832 = arith.constant 2 : i32
      %add3A_833 = arith.addi %mul3A_628, %add3A_832 : i32
      %get3A_834 = arith.constant 0 : i32
      %get3A_835 = arith.index_cast %get3A_834 : i32 to index
      %get3A_836 = arith.index_cast %add3A_833 : i32 to index
      %get3A_837 = arith.constant 16 : index
      %get3A_838 = tpu.vector_load %arg6[%get3A_835, %get3A_836, %get3A_837] {strides = array<i32>} : memref<2x640x64xf32, #tpu.memory_space<vmem>>, vector<1x1x16xf32>,
      %get3A_839 = vector.shape_cast %get3A_838 : vector<1x1x16xf32> to vector<16xf32>
      %add3A_840 = arith.addf %add3A_831, %get3A_839 : vector<16xf32>
      %add3A_841 = arith.constant 3 : i32
      %add3A_842 = arith.addi %mul3A_628, %add3A_841 : i32
      %get3A_843 = arith.constant 0 : i32
      %get3A_844 = arith.index_cast %get3A_843 : i32 to index
      %get3A_845 = arith.index_cast %add3A_842 : i32 to index
      %get3A_846 = arith.constant 16 : index
      %get3A_847 = tpu.vector_load %arg6[%get3A_844, %get3A_845, %get3A_846] {strides = array<i32>} : memref<2x640x64xf32, #tpu.memory_space<vmem>>, vector<1x1x16xf32>,
      %get3A_848 = vector.shape_cast %get3A_847 : vector<1x1x16xf32> to vector<16xf32>
      %add3A_849 = arith.addf %add3A_840, %get3A_848 : vector<16xf32>
      %add3A_850 = arith.constant 4 : i32
      %add3A_851 = arith.addi %mul3A_628, %add3A_850 : i32
      %get3A_852 = arith.constant 0 : i32
      %get3A_853 = arith.index_cast %get3A_852 : i32 to index
      %get3A_854 = arith.index_cast %add3A_851 : i32 to index
      %get3A_855 = arith.constant 16 : index
      %get3A_856 = tpu.vector_load %arg6[%get3A_853, %get3A_854, %get3A_855] {strides = array<i32>} : memref<2x640x64xf32, #tpu.memory_space<vmem>>, vector<1x1x16xf32>,
      %get3A_857 = vector.shape_cast %get3A_856 : vector<1x1x16xf32> to vector<16xf32>
      %add3A_858 = arith.addf %add3A_849, %get3A_857 : vector<16xf32>
      %add3A_859 = arith.constant 5 : i32
      %add3A_860 = arith.addi %mul3A_628, %add3A_859 : i32
      %get3A_861 = arith.constant 0 : i32
      %get3A_862 = arith.index_cast %get3A_861 : i32 to index
      %get3A_863 = arith.index_cast %add3A_860 : i32 to index
      %get3A_864 = arith.constant 16 : index
      %get3A_865 = tpu.vector_load %arg6[%get3A_862, %get3A_863, %get3A_864] {strides = array<i32>} : memref<2x640x64xf32, #tpu.memory_space<vmem>>, vector<1x1x16xf32>,
      %get3A_866 = vector.shape_cast %get3A_865 : vector<1x1x16xf32> to vector<16xf32>
      %add3A_867 = arith.addf %add3A_858, %get3A_866 : vector<16xf32>
      %add3A_868 = arith.constant 6 : i32
      %add3A_869 = arith.addi %mul3A_628, %add3A_868 : i32
      %get3A_870 = arith.constant 0 : i32
      %get3A_871 = arith.index_cast %get3A_870 : i32 to index
      %get3A_872 = arith.index_cast %add3A_869 : i32 to index
      %get3A_873 = arith.constant 16 : index
      %get3A_874 = tpu.vector_load %arg6[%get3A_871, %get3A_872, %get3A_873] {strides = array<i32>} : memref<2x640x64xf32, #tpu.memory_space<vmem>>, vector<1x1x16xf32>,
      %get3A_875 = vector.shape_cast %get3A_874 : vector<1x1x16xf32> to vector<16xf32>
      %add3A_876 = arith.addf %add3A_867, %get3A_875 : vector<16xf32>
      %add3A_877 = arith.constant 7 : i32
      %add3A_878 = arith.addi %mul3A_628, %add3A_877 : i32
      %get3A_879 = arith.constant 0 : i32
      %get3A_880 = arith.index_cast %get3A_879 : i32 to index
      %get3A_881 = arith.index_cast %add3A_878 : i32 to index
      %get3A_882 = arith.constant 16 : index
      %get3A_883 = tpu.vector_load %arg6[%get3A_880, %get3A_881, %get3A_882] {strides = array<i32>} : memref<2x640x64xf32, #tpu.memory_space<vmem>>, vector<1x1x16xf32>,
      %get3A_884 = vector.shape_cast %get3A_883 : vector<1x1x16xf32> to vector<16xf32>
      %add3A_885 = arith.addf %add3A_876, %get3A_884 : vector<16xf32>
      %add3A_886 = arith.constant 8 : i32
      %add3A_887 = arith.addi %mul3A_628, %add3A_886 : i32
      %get3A_888 = arith.constant 0 : i32
      %get3A_889 = arith.index_cast %get3A_888 : i32 to index
      %get3A_890 = arith.index_cast %add3A_887 : i32 to index
      %get3A_891 = arith.constant 16 : index
      %get3A_892 = tpu.vector_load %arg6[%get3A_889, %get3A_890, %get3A_891] {strides = array<i32>} : memref<2x640x64xf32, #tpu.memory_space<vmem>>, vector<1x1x16xf32>,
      %get3A_893 = vector.shape_cast %get3A_892 : vector<1x1x16xf32> to vector<16xf32>
      %add3A_894 = arith.addf %add3A_885, %get3A_893 : vector<16xf32>
      %add3A_895 = arith.constant 9 : i32
      %add3A_896 = arith.addi %mul3A_628, %add3A_895 : i32
      %get3A_897 = arith.constant 0 : i32
      %get3A_898 = arith.index_cast %get3A_897 : i32 to index
      %get3A_899 = arith.index_cast %add3A_896 : i32 to index
      %get3A_900 = arith.constant 16 : index
      %get3A_901 = tpu.vector_load %arg6[%get3A_898, %get3A_899, %get3A_900] {strides = array<i32>} : memref<2x640x64xf32, #tpu.memory_space<vmem>>, vector<1x1x16xf32>,
      %get3A_902 = vector.shape_cast %get3A_901 : vector<1x1x16xf32> to vector<16xf32>
      %add3A_903 = arith.addf %add3A_894, %get3A_902 : vector<16xf32>
      %add3A_904 = arith.constant 10 : i32
      %add3A_905 = arith.addi %mul3A_628, %add3A_904 : i32
      %get3A_906 = arith.constant 0 : i32
      %get3A_907 = arith.index_cast %get3A_906 : i32 to index
      %get3A_908 = arith.index_cast %add3A_905 : i32 to index
      %get3A_909 = arith.constant 16 : index
      %get3A_910 = tpu.vector_load %arg6[%get3A_907, %get3A_908, %get3A_909] {strides = array<i32>} : memref<2x640x64xf32, #tpu.memory_space<vmem>>, vector<1x1x16xf32>,
      %get3A_911 = vector.shape_cast %get3A_910 : vector<1x1x16xf32> to vector<16xf32>
      %add3A_912 = arith.addf %add3A_903, %get3A_911 : vector<16xf32>
      %add3A_913 = arith.constant 11 : i32
      %add3A_914 = arith.addi %mul3A_628, %add3A_913 : i32
      %get3A_915 = arith.constant 0 : i32
      %get3A_916 = arith.index_cast %get3A_915 : i32 to index
      %get3A_917 = arith.index_cast %add3A_914 : i32 to index
      %get3A_918 = arith.constant 16 : index
      %get3A_919 = tpu.vector_load %arg6[%get3A_916, %get3A_917, %get3A_918] {strides = array<i32>} : memref<2x640x64xf32, #tpu.memory_space<vmem>>, vector<1x1x16xf32>,
      %get3A_920 = vector.shape_cast %get3A_919 : vector<1x1x16xf32> to vector<16xf32>
      %add3A_921 = arith.addf %add3A_912, %get3A_920 : vector<16xf32>
      %add3A_922 = arith.constant 12 : i32
      %add3A_923 = arith.addi %mul3A_628, %add3A_922 : i32
      %get3A_924 = arith.constant 0 : i32
      %get3A_925 = arith.index_cast %get3A_924 : i32 to index
      %get3A_926 = arith.index_cast %add3A_923 : i32 to index
      %get3A_927 = arith.constant 16 : index
      %get3A_928 = tpu.vector_load %arg6[%get3A_925, %get3A_926, %get3A_927] {strides = array<i32>} : memref<2x640x64xf32, #tpu.memory_space<vmem>>, vector<1x1x16xf32>,
      %get3A_929 = vector.shape_cast %get3A_928 : vector<1x1x16xf32> to vector<16xf32>
      %add3A_930 = arith.addf %add3A_921, %get3A_929 : vector<16xf32>
      %add3A_931 = arith.constant 13 : i32
      %add3A_932 = arith.addi %mul3A_628, %add3A_931 : i32
      %get3A_933 = arith.constant 0 : i32
      %get3A_934 = arith.index_cast %get3A_933 : i32 to index
      %get3A_935 = arith.index_cast %add3A_932 : i32 to index
      %get3A_936 = arith.constant 16 : index
      %get3A_937 = tpu.vector_load %arg6[%get3A_934, %get3A_935, %get3A_936] {strides = array<i32>} : memref<2x640x64xf32, #tpu.memory_space<vmem>>, vector<1x1x16xf32>,
      %get3A_938 = vector.shape_cast %get3A_937 : vector<1x1x16xf32> to vector<16xf32>
      %add3A_939 = arith.addf %add3A_930, %get3A_938 : vector<16xf32>
      %add3A_940 = arith.constant 14 : i32
      %add3A_941 = arith.addi %mul3A_628, %add3A_940 : i32
      %get3A_942 = arith.constant 0 : i32
      %get3A_943 = arith.index_cast %get3A_942 : i32 to index
      %get3A_944 = arith.index_cast %add3A_941 : i32 to index
      %get3A_945 = arith.constant 16 : index
      %get3A_946 = tpu.vector_load %arg6[%get3A_943, %get3A_944, %get3A_945] {strides = array<i32>} : memref<2x640x64xf32, #tpu.memory_space<vmem>>, vector<1x1x16xf32>,
      %get3A_947 = vector.shape_cast %get3A_946 : vector<1x1x16xf32> to vector<16xf32>
      %add3A_948 = arith.addf %add3A_939, %get3A_947 : vector<16xf32>
      %add3A_949 = arith.constant 15 : i32
      %add3A_950 = arith.addi %mul3A_628, %add3A_949 : i32
      %get3A_951 = arith.constant 0 : i32
      %get3A_952 = arith.index_cast %get3A_951 : i32 to index
      %get3A_953 = arith.index_cast %add3A_950 : i32 to index
      %get3A_954 = arith.constant 16 : index
      %get3A_955 = tpu.vector_load %arg6[%get3A_952, %get3A_953, %get3A_954] {strides = array<i32>} : memref<2x640x64xf32, #tpu.memory_space<vmem>>, vector<1x1x16xf32>,
      %get3A_956 = vector.shape_cast %get3A_955 : vector<1x1x16xf32> to vector<16xf32>
      %add3A_957 = arith.addf %add3A_948, %get3A_956 : vector<16xf32>
      %add3A_958 = arith.constant 16 : i32
      %add3A_959 = arith.addi %mul3A_628, %add3A_958 : i32
      %get3A_960 = arith.constant 0 : i32
      %get3A_961 = arith.index_cast %get3A_960 : i32 to index
      %get3A_962 = arith.index_cast %add3A_959 : i32 to index
      %get3A_963 = arith.constant 16 : index
      %get3A_964 = tpu.vector_load %arg6[%get3A_961, %get3A_962, %get3A_963] {strides = array<i32>} : memref<2x640x64xf32, #tpu.memory_space<vmem>>, vector<1x1x16xf32>,
      %get3A_965 = vector.shape_cast %get3A_964 : vector<1x1x16xf32> to vector<16xf32>
      %add3A_966 = arith.addf %add3A_957, %get3A_965 : vector<16xf32>
      %add3A_967 = arith.constant 17 : i32
      %add3A_968 = arith.addi %mul3A_628, %add3A_967 : i32
      %get3A_969 = arith.constant 0 : i32
      %get3A_970 = arith.index_cast %get3A_969 : i32 to index
      %get3A_971 = arith.index_cast %add3A_968 : i32 to index
      %get3A_972 = arith.constant 16 : index
      %get3A_973 = tpu.vector_load %arg6[%get3A_970, %get3A_971, %get3A_972] {strides = array<i32>} : memref<2x640x64xf32, #tpu.memory_space<vmem>>, vector<1x1x16xf32>,
      %get3A_974 = vector.shape_cast %get3A_973 : vector<1x1x16xf32> to vector<16xf32>
      %add3A_975 = arith.addf %add3A_966, %get3A_974 : vector<16xf32>
      %add3A_976 = arith.constant 18 : i32
      %add3A_977 = arith.addi %mul3A_628, %add3A_976 : i32
      %get3A_978 = arith.constant 0 : i32
      %get3A_979 = arith.index_cast %get3A_978 : i32 to index
      %get3A_980 = arith.index_cast %add3A_977 : i32 to index
      %get3A_981 = arith.constant 16 : index
      %get3A_982 = tpu.vector_load %arg6[%get3A_979, %get3A_980, %get3A_981] {strides = array<i32>} : memref<2x640x64xf32, #tpu.memory_space<vmem>>, vector<1x1x16xf32>,
      %get3A_983 = vector.shape_cast %get3A_982 : vector<1x1x16xf32> to vector<16xf32>
      %add3A_984 = arith.addf %add3A_975, %get3A_983 : vector<16xf32>
      %add3A_985 = arith.constant 19 : i32
      %add3A_986 = arith.addi %mul3A_628, %add3A_985 : i32
      %get3A_987 = arith.constant 0 : i32
      %get3A_988 = arith.index_cast %get3A_987 : i32 to index
      %get3A_989 = arith.index_cast %add3A_986 : i32 to index
      %get3A_990 = arith.constant 16 : index
      %get3A_991 = tpu.vector_load %arg6[%get3A_988, %get3A_989, %get3A_990] {strides = array<i32>} : memref<2x640x64xf32, #tpu.memory_space<vmem>>, vector<1x1x16xf32>,
      %get3A_992 = vector.shape_cast %get3A_991 : vector<1x1x16xf32> to vector<16xf32>
      %add3A_993 = arith.addf %add3A_984, %get3A_992 : vector<16xf32>
      %mul3A_994 = arith.constant 5.000000e-02 : f32
      %mul3A_995 = vector.broadcast %mul3A_994 : f32 to vector<16xf32>
      %mul3A_996 = arith.mulf %add3A_993, %mul3A_995 : vector<16xf32>
      %add3A_997 = arith.constant 64 : i32
      %add3A_998 = arith.addi %add3A_997, %scan3A_626 : i32
      %mul3A_999 = arith.constant 128 : i32
      %mul3A_1000 = arith.muli %add3A_998, %mul3A_999 : i32
      %add3A_1001 = arith.constant 16 : i32
      %add3A_1002 = arith.addi %mul3A_1000, %add3A_1001 : i32
      %swap3A_1003 = arith.index_cast %add3A_1002 : i32 to index
      %swap3A_1004 = tpu.vector_load %arg7[%swap3A_1003] {strides = array<i32>} : memref<16384xf32, #tpu.memory_space<vmem>>, vector<16xf32>,
      %swap3A_1005 = vector.shape_cast %swap3A_1004 : vector<16xf32> to vector<16xf32>
      %swap3A_1006 = vector.shape_cast %mul3A_996 : vector<16xf32> to vector<16xf32>
      tpu.vector_store %arg7[%swap3A_1003], %swap3A_1006 {strides = array<i32>} : memref<16384xf32, #tpu.memory_space<vmem>>, vector<16xf32>,
      %get3A_1007 = arith.constant 0 : i32
      %get3A_1008 = arith.index_cast %get3A_1007 : i32 to index
      %get3A_1009 = arith.index_cast %mul3A_628 : i32 to index
      %get3A_1010 = arith.constant 32 : index
      %get3A_1011 = tpu.vector_load %arg6[%get3A_1008, %get3A_1009, %get3A_1010] {strides = array<i32>} : memref<2x640x64xf32, #tpu.memory_space<vmem>>, vector<1x1x16xf32>,
      %get3A_1012 = vector.shape_cast %get3A_1011 : vector<1x1x16xf32> to vector<16xf32>
      %add3A_1013 = arith.constant 1 : i32
      %add3A_1014 = arith.addi %mul3A_628, %add3A_1013 : i32
      %get3A_1015 = arith.constant 0 : i32
      %get3A_1016 = arith.index_cast %get3A_1015 : i32 to index
      %get3A_1017 = arith.index_cast %add3A_1014 : i32 to index
      %get3A_1018 = arith.constant 32 : index
      %get3A_1019 = tpu.vector_load %arg6[%get3A_1016, %get3A_1017, %get3A_1018] {strides = array<i32>} : memref<2x640x64xf32, #tpu.memory_space<vmem>>, vector<1x1x16xf32>,
      %get3A_1020 = vector.shape_cast %get3A_1019 : vector<1x1x16xf32> to vector<16xf32>
      %add3A_1021 = arith.addf %get3A_1012, %get3A_1020 : vector<16xf32>
      %add3A_1022 = arith.constant 2 : i32
      %add3A_1023 = arith.addi %mul3A_628, %add3A_1022 : i32
      %get3A_1024 = arith.constant 0 : i32
      %get3A_1025 = arith.index_cast %get3A_1024 : i32 to index
      %get3A_1026 = arith.index_cast %add3A_1023 : i32 to index
      %get3A_1027 = arith.constant 32 : index
      %get3A_1028 = tpu.vector_load %arg6[%get3A_1025, %get3A_1026, %get3A_1027] {strides = array<i32>} : memref<2x640x64xf32, #tpu.memory_space<vmem>>, vector<1x1x16xf32>,
      %get3A_1029 = vector.shape_cast %get3A_1028 : vector<1x1x16xf32> to vector<16xf32>
      %add3A_1030 = arith.addf %add3A_1021, %get3A_1029 : vector<16xf32>
      %add3A_1031 = arith.constant 3 : i32
      %add3A_1032 = arith.addi %mul3A_628, %add3A_1031 : i32
      %get3A_1033 = arith.constant 0 : i32
      %get3A_1034 = arith.index_cast %get3A_1033 : i32 to index
      %get3A_1035 = arith.index_cast %add3A_1032 : i32 to index
      %get3A_1036 = arith.constant 32 : index
      %get3A_1037 = tpu.vector_load %arg6[%get3A_1034, %get3A_1035, %get3A_1036] {strides = array<i32>} : memref<2x640x64xf32, #tpu.memory_space<vmem>>, vector<1x1x16xf32>,
      %get3A_1038 = vector.shape_cast %get3A_1037 : vector<1x1x16xf32> to vector<16xf32>
      %add3A_1039 = arith.addf %add3A_1030, %get3A_1038 : vector<16xf32>
      %add3A_1040 = arith.constant 4 : i32
      %add3A_1041 = arith.addi %mul3A_628, %add3A_1040 : i32
      %get3A_1042 = arith.constant 0 : i32
      %get3A_1043 = arith.index_cast %get3A_1042 : i32 to index
      %get3A_1044 = arith.index_cast %add3A_1041 : i32 to index
      %get3A_1045 = arith.constant 32 : index
      %get3A_1046 = tpu.vector_load %arg6[%get3A_1043, %get3A_1044, %get3A_1045] {strides = array<i32>} : memref<2x640x64xf32, #tpu.memory_space<vmem>>, vector<1x1x16xf32>,
      %get3A_1047 = vector.shape_cast %get3A_1046 : vector<1x1x16xf32> to vector<16xf32>
      %add3A_1048 = arith.addf %add3A_1039, %get3A_1047 : vector<16xf32>
      %add3A_1049 = arith.constant 5 : i32
      %add3A_1050 = arith.addi %mul3A_628, %add3A_1049 : i32
      %get3A_1051 = arith.constant 0 : i32
      %get3A_1052 = arith.index_cast %get3A_1051 : i32 to index
      %get3A_1053 = arith.index_cast %add3A_1050 : i32 to index
      %get3A_1054 = arith.constant 32 : index
      %get3A_1055 = tpu.vector_load %arg6[%get3A_1052, %get3A_1053, %get3A_1054] {strides = array<i32>} : memref<2x640x64xf32, #tpu.memory_space<vmem>>, vector<1x1x16xf32>,
      %get3A_1056 = vector.shape_cast %get3A_1055 : vector<1x1x16xf32> to vector<16xf32>
      %add3A_1057 = arith.addf %add3A_1048, %get3A_1056 : vector<16xf32>
      %add3A_1058 = arith.constant 6 : i32
      %add3A_1059 = arith.addi %mul3A_628, %add3A_1058 : i32
      %get3A_1060 = arith.constant 0 : i32
      %get3A_1061 = arith.index_cast %get3A_1060 : i32 to index
      %get3A_1062 = arith.index_cast %add3A_1059 : i32 to index
      %get3A_1063 = arith.constant 32 : index
      %get3A_1064 = tpu.vector_load %arg6[%get3A_1061, %get3A_1062, %get3A_1063] {strides = array<i32>} : memref<2x640x64xf32, #tpu.memory_space<vmem>>, vector<1x1x16xf32>,
      %get3A_1065 = vector.shape_cast %get3A_1064 : vector<1x1x16xf32> to vector<16xf32>
      %add3A_1066 = arith.addf %add3A_1057, %get3A_1065 : vector<16xf32>
      %add3A_1067 = arith.constant 7 : i32
      %add3A_1068 = arith.addi %mul3A_628, %add3A_1067 : i32
      %get3A_1069 = arith.constant 0 : i32
      %get3A_1070 = arith.index_cast %get3A_1069 : i32 to index
      %get3A_1071 = arith.index_cast %add3A_1068 : i32 to index
      %get3A_1072 = arith.constant 32 : index
      %get3A_1073 = tpu.vector_load %arg6[%get3A_1070, %get3A_1071, %get3A_1072] {strides = array<i32>} : memref<2x640x64xf32, #tpu.memory_space<vmem>>, vector<1x1x16xf32>,
      %get3A_1074 = vector.shape_cast %get3A_1073 : vector<1x1x16xf32> to vector<16xf32>
      %add3A_1075 = arith.addf %add3A_1066, %get3A_1074 : vector<16xf32>
      %add3A_1076 = arith.constant 8 : i32
      %add3A_1077 = arith.addi %mul3A_628, %add3A_1076 : i32
      %get3A_1078 = arith.constant 0 : i32
      %get3A_1079 = arith.index_cast %get3A_1078 : i32 to index
      %get3A_1080 = arith.index_cast %add3A_1077 : i32 to index
      %get3A_1081 = arith.constant 32 : index
      %get3A_1082 = tpu.vector_load %arg6[%get3A_1079, %get3A_1080, %get3A_1081] {strides = array<i32>} : memref<2x640x64xf32, #tpu.memory_space<vmem>>, vector<1x1x16xf32>,
      %get3A_1083 = vector.shape_cast %get3A_1082 : vector<1x1x16xf32> to vector<16xf32>
      %add3A_1084 = arith.addf %add3A_1075, %get3A_1083 : vector<16xf32>
      %add3A_1085 = arith.constant 9 : i32
      %add3A_1086 = arith.addi %mul3A_628, %add3A_1085 : i32
      %get3A_1087 = arith.constant 0 : i32
      %get3A_1088 = arith.index_cast %get3A_1087 : i32 to index
      %get3A_1089 = arith.index_cast %add3A_1086 : i32 to index
      %get3A_1090 = arith.constant 32 : index
      %get3A_1091 = tpu.vector_load %arg6[%get3A_1088, %get3A_1089, %get3A_1090] {strides = array<i32>} : memref<2x640x64xf32, #tpu.memory_space<vmem>>, vector<1x1x16xf32>,
      %get3A_1092 = vector.shape_cast %get3A_1091 : vector<1x1x16xf32> to vector<16xf32>
      %add3A_1093 = arith.addf %add3A_1084, %get3A_1092 : vector<16xf32>
      %add3A_1094 = arith.constant 10 : i32
      %add3A_1095 = arith.addi %mul3A_628, %add3A_1094 : i32
      %get3A_1096 = arith.constant 0 : i32
      %get3A_1097 = arith.index_cast %get3A_1096 : i32 to index
      %get3A_1098 = arith.index_cast %add3A_1095 : i32 to index
      %get3A_1099 = arith.constant 32 : index
      %get3A_1100 = tpu.vector_load %arg6[%get3A_1097, %get3A_1098, %get3A_1099] {strides = array<i32>} : memref<2x640x64xf32, #tpu.memory_space<vmem>>, vector<1x1x16xf32>,
      %get3A_1101 = vector.shape_cast %get3A_1100 : vector<1x1x16xf32> to vector<16xf32>
      %add3A_1102 = arith.addf %add3A_1093, %get3A_1101 : vector<16xf32>
      %add3A_1103 = arith.constant 11 : i32
      %add3A_1104 = arith.addi %mul3A_628, %add3A_1103 : i32
      %get3A_1105 = arith.constant 0 : i32
      %get3A_1106 = arith.index_cast %get3A_1105 : i32 to index
      %get3A_1107 = arith.index_cast %add3A_1104 : i32 to index
      %get3A_1108 = arith.constant 32 : index
      %get3A_1109 = tpu.vector_load %arg6[%get3A_1106, %get3A_1107, %get3A_1108] {strides = array<i32>} : memref<2x640x64xf32, #tpu.memory_space<vmem>>, vector<1x1x16xf32>,
      %get3A_1110 = vector.shape_cast %get3A_1109 : vector<1x1x16xf32> to vector<16xf32>
      %add3A_1111 = arith.addf %add3A_1102, %get3A_1110 : vector<16xf32>
      %add3A_1112 = arith.constant 12 : i32
      %add3A_1113 = arith.addi %mul3A_628, %add3A_1112 : i32
      %get3A_1114 = arith.constant 0 : i32
      %get3A_1115 = arith.index_cast %get3A_1114 : i32 to index
      %get3A_1116 = arith.index_cast %add3A_1113 : i32 to index
      %get3A_1117 = arith.constant 32 : index
      %get3A_1118 = tpu.vector_load %arg6[%get3A_1115, %get3A_1116, %get3A_1117] {strides = array<i32>} : memref<2x640x64xf32, #tpu.memory_space<vmem>>, vector<1x1x16xf32>,
      %get3A_1119 = vector.shape_cast %get3A_1118 : vector<1x1x16xf32> to vector<16xf32>
      %add3A_1120 = arith.addf %add3A_1111, %get3A_1119 : vector<16xf32>
      %add3A_1121 = arith.constant 13 : i32
      %add3A_1122 = arith.addi %mul3A_628, %add3A_1121 : i32
      %get3A_1123 = arith.constant 0 : i32
      %get3A_1124 = arith.index_cast %get3A_1123 : i32 to index
      %get3A_1125 = arith.index_cast %add3A_1122 : i32 to index
      %get3A_1126 = arith.constant 32 : index
      %get3A_1127 = tpu.vector_load %arg6[%get3A_1124, %get3A_1125, %get3A_1126] {strides = array<i32>} : memref<2x640x64xf32, #tpu.memory_space<vmem>>, vector<1x1x16xf32>,
      %get3A_1128 = vector.shape_cast %get3A_1127 : vector<1x1x16xf32> to vector<16xf32>
      %add3A_1129 = arith.addf %add3A_1120, %get3A_1128 : vector<16xf32>
      %add3A_1130 = arith.constant 14 : i32
      %add3A_1131 = arith.addi %mul3A_628, %add3A_1130 : i32
      %get3A_1132 = arith.constant 0 : i32
      %get3A_1133 = arith.index_cast %get3A_1132 : i32 to index
      %get3A_1134 = arith.index_cast %add3A_1131 : i32 to index
      %get3A_1135 = arith.constant 32 : index
      %get3A_1136 = tpu.vector_load %arg6[%get3A_1133, %get3A_1134, %get3A_1135] {strides = array<i32>} : memref<2x640x64xf32, #tpu.memory_space<vmem>>, vector<1x1x16xf32>,
      %get3A_1137 = vector.shape_cast %get3A_1136 : vector<1x1x16xf32> to vector<16xf32>
      %add3A_1138 = arith.addf %add3A_1129, %get3A_1137 : vector<16xf32>
      %add3A_1139 = arith.constant 15 : i32
      %add3A_1140 = arith.addi %mul3A_628, %add3A_1139 : i32
      %get3A_1141 = arith.constant 0 : i32
      %get3A_1142 = arith.index_cast %get3A_1141 : i32 to index
      %get3A_1143 = arith.index_cast %add3A_1140 : i32 to index
      %get3A_1144 = arith.constant 32 : index
      %get3A_1145 = tpu.vector_load %arg6[%get3A_1142, %get3A_1143, %get3A_1144] {strides = array<i32>} : memref<2x640x64xf32, #tpu.memory_space<vmem>>, vector<1x1x16xf32>,
      %get3A_1146 = vector.shape_cast %get3A_1145 : vector<1x1x16xf32> to vector<16xf32>
      %add3A_1147 = arith.addf %add3A_1138, %get3A_1146 : vector<16xf32>
      %add3A_1148 = arith.constant 16 : i32
      %add3A_1149 = arith.addi %mul3A_628, %add3A_1148 : i32
      %get3A_1150 = arith.constant 0 : i32
      %get3A_1151 = arith.index_cast %get3A_1150 : i32 to index
      %get3A_1152 = arith.index_cast %add3A_1149 : i32 to index
      %get3A_1153 = arith.constant 32 : index
      %get3A_1154 = tpu.vector_load %arg6[%get3A_1151, %get3A_1152, %get3A_1153] {strides = array<i32>} : memref<2x640x64xf32, #tpu.memory_space<vmem>>, vector<1x1x16xf32>,
      %get3A_1155 = vector.shape_cast %get3A_1154 : vector<1x1x16xf32> to vector<16xf32>
      %add3A_1156 = arith.addf %add3A_1147, %get3A_1155 : vector<16xf32>
      %add3A_1157 = arith.constant 17 : i32
      %add3A_1158 = arith.addi %mul3A_628, %add3A_1157 : i32
      %get3A_1159 = arith.constant 0 : i32
      %get3A_1160 = arith.index_cast %get3A_1159 : i32 to index
      %get3A_1161 = arith.index_cast %add3A_1158 : i32 to index
      %get3A_1162 = arith.constant 32 : index
      %get3A_1163 = tpu.vector_load %arg6[%get3A_1160, %get3A_1161, %get3A_1162] {strides = array<i32>} : memref<2x640x64xf32, #tpu.memory_space<vmem>>, vector<1x1x16xf32>,
      %get3A_1164 = vector.shape_cast %get3A_1163 : vector<1x1x16xf32> to vector<16xf32>
      %add3A_1165 = arith.addf %add3A_1156, %get3A_1164 : vector<16xf32>
      %add3A_1166 = arith.constant 18 : i32
      %add3A_1167 = arith.addi %mul3A_628, %add3A_1166 : i32
      %get3A_1168 = arith.constant 0 : i32
      %get3A_1169 = arith.index_cast %get3A_1168 : i32 to index
      %get3A_1170 = arith.index_cast %add3A_1167 : i32 to index
      %get3A_1171 = arith.constant 32 : index
      %get3A_1172 = tpu.vector_load %arg6[%get3A_1169, %get3A_1170, %get3A_1171] {strides = array<i32>} : memref<2x640x64xf32, #tpu.memory_space<vmem>>, vector<1x1x16xf32>,
      %get3A_1173 = vector.shape_cast %get3A_1172 : vector<1x1x16xf32> to vector<16xf32>
      %add3A_1174 = arith.addf %add3A_1165, %get3A_1173 : vector<16xf32>
      %add3A_1175 = arith.constant 19 : i32
      %add3A_1176 = arith.addi %mul3A_628, %add3A_1175 : i32
      %get3A_1177 = arith.constant 0 : i32
      %get3A_1178 = arith.index_cast %get3A_1177 : i32 to index
      %get3A_1179 = arith.index_cast %add3A_1176 : i32 to index
      %get3A_1180 = arith.constant 32 : index
      %get3A_1181 = tpu.vector_load %arg6[%get3A_1178, %get3A_1179, %get3A_1180] {strides = array<i32>} : memref<2x640x64xf32, #tpu.memory_space<vmem>>, vector<1x1x16xf32>,
      %get3A_1182 = vector.shape_cast %get3A_1181 : vector<1x1x16xf32> to vector<16xf32>
      %add3A_1183 = arith.addf %add3A_1174, %get3A_1182 : vector<16xf32>
      %mul3A_1184 = arith.constant 5.000000e-02 : f32
      %mul3A_1185 = vector.broadcast %mul3A_1184 : f32 to vector<16xf32>
      %mul3A_1186 = arith.mulf %add3A_1183, %mul3A_1185 : vector<16xf32>
      %add3A_1187 = arith.constant 64 : i32
      %add3A_1188 = arith.addi %add3A_1187, %scan3A_626 : i32
      %mul3A_1189 = arith.constant 128 : i32
      %mul3A_1190 = arith.muli %add3A_1188, %mul3A_1189 : i32
      %add3A_1191 = arith.constant 32 : i32
      %add3A_1192 = arith.addi %mul3A_1190, %add3A_1191 : i32
      %swap3A_1193 = arith.index_cast %add3A_1192 : i32 to index
      %swap3A_1194 = tpu.vector_load %arg7[%swap3A_1193] {strides = array<i32>} : memref<16384xf32, #tpu.memory_space<vmem>>, vector<16xf32>,
      %swap3A_1195 = vector.shape_cast %swap3A_1194 : vector<16xf32> to vector<16xf32>
      %swap3A_1196 = vector.shape_cast %mul3A_1186 : vector<16xf32> to vector<16xf32>
      tpu.vector_store %arg7[%swap3A_1193], %swap3A_1196 {strides = array<i32>} : memref<16384xf32, #tpu.memory_space<vmem>>, vector<16xf32>,
      %get3A_1197 = arith.constant 0 : i32
      %get3A_1198 = arith.index_cast %get3A_1197 : i32 to index
      %get3A_1199 = arith.index_cast %mul3A_628 : i32 to index
      %get3A_1200 = arith.constant 48 : index
      %get3A_1201 = tpu.vector_load %arg6[%get3A_1198, %get3A_1199, %get3A_1200] {strides = array<i32>} : memref<2x640x64xf32, #tpu.memory_space<vmem>>, vector<1x1x16xf32>,
      %get3A_1202 = vector.shape_cast %get3A_1201 : vector<1x1x16xf32> to vector<16xf32>
      %add3A_1203 = arith.constant 1 : i32
      %add3A_1204 = arith.addi %mul3A_628, %add3A_1203 : i32
      %get3A_1205 = arith.constant 0 : i32
      %get3A_1206 = arith.index_cast %get3A_1205 : i32 to index
      %get3A_1207 = arith.index_cast %add3A_1204 : i32 to index
      %get3A_1208 = arith.constant 48 : index
      %get3A_1209 = tpu.vector_load %arg6[%get3A_1206, %get3A_1207, %get3A_1208] {strides = array<i32>} : memref<2x640x64xf32, #tpu.memory_space<vmem>>, vector<1x1x16xf32>,
      %get3A_1210 = vector.shape_cast %get3A_1209 : vector<1x1x16xf32> to vector<16xf32>
      %add3A_1211 = arith.addf %get3A_1202, %get3A_1210 : vector<16xf32>
      %add3A_1212 = arith.constant 2 : i32
      %add3A_1213 = arith.addi %mul3A_628, %add3A_1212 : i32
      %get3A_1214 = arith.constant 0 : i32
      %get3A_1215 = arith.index_cast %get3A_1214 : i32 to index
      %get3A_1216 = arith.index_cast %add3A_1213 : i32 to index
      %get3A_1217 = arith.constant 48 : index
      %get3A_1218 = tpu.vector_load %arg6[%get3A_1215, %get3A_1216, %get3A_1217] {strides = array<i32>} : memref<2x640x64xf32, #tpu.memory_space<vmem>>, vector<1x1x16xf32>,
      %get3A_1219 = vector.shape_cast %get3A_1218 : vector<1x1x16xf32> to vector<16xf32>
      %add3A_1220 = arith.addf %add3A_1211, %get3A_1219 : vector<16xf32>
      %add3A_1221 = arith.constant 3 : i32
      %add3A_1222 = arith.addi %mul3A_628, %add3A_1221 : i32
      %get3A_1223 = arith.constant 0 : i32
      %get3A_1224 = arith.index_cast %get3A_1223 : i32 to index
      %get3A_1225 = arith.index_cast %add3A_1222 : i32 to index
      %get3A_1226 = arith.constant 48 : index
      %get3A_1227 = tpu.vector_load %arg6[%get3A_1224, %get3A_1225, %get3A_1226] {strides = array<i32>} : memref<2x640x64xf32, #tpu.memory_space<vmem>>, vector<1x1x16xf32>,
      %get3A_1228 = vector.shape_cast %get3A_1227 : vector<1x1x16xf32> to vector<16xf32>
      %add3A_1229 = arith.addf %add3A_1220, %get3A_1228 : vector<16xf32>
      %add3A_1230 = arith.constant 4 : i32
      %add3A_1231 = arith.addi %mul3A_628, %add3A_1230 : i32
      %get3A_1232 = arith.constant 0 : i32
      %get3A_1233 = arith.index_cast %get3A_1232 : i32 to index
      %get3A_1234 = arith.index_cast %add3A_1231 : i32 to index
      %get3A_1235 = arith.constant 48 : index
      %get3A_1236 = tpu.vector_load %arg6[%get3A_1233, %get3A_1234, %get3A_1235] {strides = array<i32>} : memref<2x640x64xf32, #tpu.memory_space<vmem>>, vector<1x1x16xf32>,
      %get3A_1237 = vector.shape_cast %get3A_1236 : vector<1x1x16xf32> to vector<16xf32>
      %add3A_1238 = arith.addf %add3A_1229, %get3A_1237 : vector<16xf32>
      %add3A_1239 = arith.constant 5 : i32
      %add3A_1240 = arith.addi %mul3A_628, %add3A_1239 : i32
      %get3A_1241 = arith.constant 0 : i32
      %get3A_1242 = arith.index_cast %get3A_1241 : i32 to index
      %get3A_1243 = arith.index_cast %add3A_1240 : i32 to index
      %get3A_1244 = arith.constant 48 : index
      %get3A_1245 = tpu.vector_load %arg6[%get3A_1242, %get3A_1243, %get3A_1244] {strides = array<i32>} : memref<2x640x64xf32, #tpu.memory_space<vmem>>, vector<1x1x16xf32>,
      %get3A_1246 = vector.shape_cast %get3A_1245 : vector<1x1x16xf32> to vector<16xf32>
      %add3A_1247 = arith.addf %add3A_1238, %get3A_1246 : vector<16xf32>
      %add3A_1248 = arith.constant 6 : i32
      %add3A_1249 = arith.addi %mul3A_628, %add3A_1248 : i32
      %get3A_1250 = arith.constant 0 : i32
      %get3A_1251 = arith.index_cast %get3A_1250 : i32 to index
      %get3A_1252 = arith.index_cast %add3A_1249 : i32 to index
      %get3A_1253 = arith.constant 48 : index
      %get3A_1254 = tpu.vector_load %arg6[%get3A_1251, %get3A_1252, %get3A_1253] {strides = array<i32>} : memref<2x640x64xf32, #tpu.memory_space<vmem>>, vector<1x1x16xf32>,
      %get3A_1255 = vector.shape_cast %get3A_1254 : vector<1x1x16xf32> to vector<16xf32>
      %add3A_1256 = arith.addf %add3A_1247, %get3A_1255 : vector<16xf32>
      %add3A_1257 = arith.constant 7 : i32
      %add3A_1258 = arith.addi %mul3A_628, %add3A_1257 : i32
      %get3A_1259 = arith.constant 0 : i32
      %get3A_1260 = arith.index_cast %get3A_1259 : i32 to index
      %get3A_1261 = arith.index_cast %add3A_1258 : i32 to index
      %get3A_1262 = arith.constant 48 : index
      %get3A_1263 = tpu.vector_load %arg6[%get3A_1260, %get3A_1261, %get3A_1262] {strides = array<i32>} : memref<2x640x64xf32, #tpu.memory_space<vmem>>, vector<1x1x16xf32>,
      %get3A_1264 = vector.shape_cast %get3A_1263 : vector<1x1x16xf32> to vector<16xf32>
      %add3A_1265 = arith.addf %add3A_1256, %get3A_1264 : vector<16xf32>
      %add3A_1266 = arith.constant 8 : i32
      %add3A_1267 = arith.addi %mul3A_628, %add3A_1266 : i32
      %get3A_1268 = arith.constant 0 : i32
      %get3A_1269 = arith.index_cast %get3A_1268 : i32 to index
      %get3A_1270 = arith.index_cast %add3A_1267 : i32 to index
      %get3A_1271 = arith.constant 48 : index
      %get3A_1272 = tpu.vector_load %arg6[%get3A_1269, %get3A_1270, %get3A_1271] {strides = array<i32>} : memref<2x640x64xf32, #tpu.memory_space<vmem>>, vector<1x1x16xf32>,
      %get3A_1273 = vector.shape_cast %get3A_1272 : vector<1x1x16xf32> to vector<16xf32>
      %add3A_1274 = arith.addf %add3A_1265, %get3A_1273 : vector<16xf32>
      %add3A_1275 = arith.constant 9 : i32
      %add3A_1276 = arith.addi %mul3A_628, %add3A_1275 : i32
      %get3A_1277 = arith.constant 0 : i32
      %get3A_1278 = arith.index_cast %get3A_1277 : i32 to index
      %get3A_1279 = arith.index_cast %add3A_1276 : i32 to index
      %get3A_1280 = arith.constant 48 : index
      %get3A_1281 = tpu.vector_load %arg6[%get3A_1278, %get3A_1279, %get3A_1280] {strides = array<i32>} : memref<2x640x64xf32, #tpu.memory_space<vmem>>, vector<1x1x16xf32>,
      %get3A_1282 = vector.shape_cast %get3A_1281 : vector<1x1x16xf32> to vector<16xf32>
      %add3A_1283 = arith.addf %add3A_1274, %get3A_1282 : vector<16xf32>
      %add3A_1284 = arith.constant 10 : i32
      %add3A_1285 = arith.addi %mul3A_628, %add3A_1284 : i32
      %get3A_1286 = arith.constant 0 : i32
      %get3A_1287 = arith.index_cast %get3A_1286 : i32 to index
      %get3A_1288 = arith.index_cast %add3A_1285 : i32 to index
      %get3A_1289 = arith.constant 48 : index
      %get3A_1290 = tpu.vector_load %arg6[%get3A_1287, %get3A_1288, %get3A_1289] {strides = array<i32>} : memref<2x640x64xf32, #tpu.memory_space<vmem>>, vector<1x1x16xf32>,
      %get3A_1291 = vector.shape_cast %get3A_1290 : vector<1x1x16xf32> to vector<16xf32>
      %add3A_1292 = arith.addf %add3A_1283, %get3A_1291 : vector<16xf32>
      %add3A_1293 = arith.constant 11 : i32
      %add3A_1294 = arith.addi %mul3A_628, %add3A_1293 : i32
      %get3A_1295 = arith.constant 0 : i32
      %get3A_1296 = arith.index_cast %get3A_1295 : i32 to index
      %get3A_1297 = arith.index_cast %add3A_1294 : i32 to index
      %get3A_1298 = arith.constant 48 : index
      %get3A_1299 = tpu.vector_load %arg6[%get3A_1296, %get3A_1297, %get3A_1298] {strides = array<i32>} : memref<2x640x64xf32, #tpu.memory_space<vmem>>, vector<1x1x16xf32>,
      %get3A_1300 = vector.shape_cast %get3A_1299 : vector<1x1x16xf32> to vector<16xf32>
      %add3A_1301 = arith.addf %add3A_1292, %get3A_1300 : vector<16xf32>
      %add3A_1302 = arith.constant 12 : i32
      %add3A_1303 = arith.addi %mul3A_628, %add3A_1302 : i32
      %get3A_1304 = arith.constant 0 : i32
      %get3A_1305 = arith.index_cast %get3A_1304 : i32 to index
      %get3A_1306 = arith.index_cast %add3A_1303 : i32 to index
      %get3A_1307 = arith.constant 48 : index
      %get3A_1308 = tpu.vector_load %arg6[%get3A_1305, %get3A_1306, %get3A_1307] {strides = array<i32>} : memref<2x640x64xf32, #tpu.memory_space<vmem>>, vector<1x1x16xf32>,
      %get3A_1309 = vector.shape_cast %get3A_1308 : vector<1x1x16xf32> to vector<16xf32>
      %add3A_1310 = arith.addf %add3A_1301, %get3A_1309 : vector<16xf32>
      %add3A_1311 = arith.constant 13 : i32
      %add3A_1312 = arith.addi %mul3A_628, %add3A_1311 : i32
      %get3A_1313 = arith.constant 0 : i32
      %get3A_1314 = arith.index_cast %get3A_1313 : i32 to index
      %get3A_1315 = arith.index_cast %add3A_1312 : i32 to index
      %get3A_1316 = arith.constant 48 : index
      %get3A_1317 = tpu.vector_load %arg6[%get3A_1314, %get3A_1315, %get3A_1316] {strides = array<i32>} : memref<2x640x64xf32, #tpu.memory_space<vmem>>, vector<1x1x16xf32>,
      %get3A_1318 = vector.shape_cast %get3A_1317 : vector<1x1x16xf32> to vector<16xf32>
      %add3A_1319 = arith.addf %add3A_1310, %get3A_1318 : vector<16xf32>
      %add3A_1320 = arith.constant 14 : i32
      %add3A_1321 = arith.addi %mul3A_628, %add3A_1320 : i32
      %get3A_1322 = arith.constant 0 : i32
      %get3A_1323 = arith.index_cast %get3A_1322 : i32 to index
      %get3A_1324 = arith.index_cast %add3A_1321 : i32 to index
      %get3A_1325 = arith.constant 48 : index
      %get3A_1326 = tpu.vector_load %arg6[%get3A_1323, %get3A_1324, %get3A_1325] {strides = array<i32>} : memref<2x640x64xf32, #tpu.memory_space<vmem>>, vector<1x1x16xf32>,
      %get3A_1327 = vector.shape_cast %get3A_1326 : vector<1x1x16xf32> to vector<16xf32>
      %add3A_1328 = arith.addf %add3A_1319, %get3A_1327 : vector<16xf32>
      %add3A_1329 = arith.constant 15 : i32
      %add3A_1330 = arith.addi %mul3A_628, %add3A_1329 : i32
      %get3A_1331 = arith.constant 0 : i32
      %get3A_1332 = arith.index_cast %get3A_1331 : i32 to index
      %get3A_1333 = arith.index_cast %add3A_1330 : i32 to index
      %get3A_1334 = arith.constant 48 : index
      %get3A_1335 = tpu.vector_load %arg6[%get3A_1332, %get3A_1333, %get3A_1334] {strides = array<i32>} : memref<2x640x64xf32, #tpu.memory_space<vmem>>, vector<1x1x16xf32>,
      %get3A_1336 = vector.shape_cast %get3A_1335 : vector<1x1x16xf32> to vector<16xf32>
      %add3A_1337 = arith.addf %add3A_1328, %get3A_1336 : vector<16xf32>
      %add3A_1338 = arith.constant 16 : i32
      %add3A_1339 = arith.addi %mul3A_628, %add3A_1338 : i32
      %get3A_1340 = arith.constant 0 : i32
      %get3A_1341 = arith.index_cast %get3A_1340 : i32 to index
      %get3A_1342 = arith.index_cast %add3A_1339 : i32 to index
      %get3A_1343 = arith.constant 48 : index
      %get3A_1344 = tpu.vector_load %arg6[%get3A_1341, %get3A_1342, %get3A_1343] {strides = array<i32>} : memref<2x640x64xf32, #tpu.memory_space<vmem>>, vector<1x1x16xf32>,
      %get3A_1345 = vector.shape_cast %get3A_1344 : vector<1x1x16xf32> to vector<16xf32>
      %add3A_1346 = arith.addf %add3A_1337, %get3A_1345 : vector<16xf32>
      %add3A_1347 = arith.constant 17 : i32
      %add3A_1348 = arith.addi %mul3A_628, %add3A_1347 : i32
      %get3A_1349 = arith.constant 0 : i32
      %get3A_1350 = arith.index_cast %get3A_1349 : i32 to index
      %get3A_1351 = arith.index_cast %add3A_1348 : i32 to index
      %get3A_1352 = arith.constant 48 : index
      %get3A_1353 = tpu.vector_load %arg6[%get3A_1350, %get3A_1351, %get3A_1352] {strides = array<i32>} : memref<2x640x64xf32, #tpu.memory_space<vmem>>, vector<1x1x16xf32>,
      %get3A_1354 = vector.shape_cast %get3A_1353 : vector<1x1x16xf32> to vector<16xf32>
      %add3A_1355 = arith.addf %add3A_1346, %get3A_1354 : vector<16xf32>
      %add3A_1356 = arith.constant 18 : i32
      %add3A_1357 = arith.addi %mul3A_628, %add3A_1356 : i32
      %get3A_1358 = arith.constant 0 : i32
      %get3A_1359 = arith.index_cast %get3A_1358 : i32 to index
      %get3A_1360 = arith.index_cast %add3A_1357 : i32 to index
      %get3A_1361 = arith.constant 48 : index
      %get3A_1362 = tpu.vector_load %arg6[%get3A_1359, %get3A_1360, %get3A_1361] {strides = array<i32>} : memref<2x640x64xf32, #tpu.memory_space<vmem>>, vector<1x1x16xf32>,
      %get3A_1363 = vector.shape_cast %get3A_1362 : vector<1x1x16xf32> to vector<16xf32>
      %add3A_1364 = arith.addf %add3A_1355, %get3A_1363 : vector<16xf32>
      %add3A_1365 = arith.constant 19 : i32
      %add3A_1366 = arith.addi %mul3A_628, %add3A_1365 : i32
      %get3A_1367 = arith.constant 0 : i32
      %get3A_1368 = arith.index_cast %get3A_1367 : i32 to index
      %get3A_1369 = arith.index_cast %add3A_1366 : i32 to index
      %get3A_1370 = arith.constant 48 : index
      %get3A_1371 = tpu.vector_load %arg6[%get3A_1368, %get3A_1369, %get3A_1370] {strides = array<i32>} : memref<2x640x64xf32, #tpu.memory_space<vmem>>, vector<1x1x16xf32>,
      %get3A_1372 = vector.shape_cast %get3A_1371 : vector<1x1x16xf32> to vector<16xf32>
      %add3A_1373 = arith.addf %add3A_1364, %get3A_1372 : vector<16xf32>
      %mul3A_1374 = arith.constant 5.000000e-02 : f32
      %mul3A_1375 = vector.broadcast %mul3A_1374 : f32 to vector<16xf32>
      %mul3A_1376 = arith.mulf %add3A_1373, %mul3A_1375 : vector<16xf32>
      %add3A_1377 = arith.constant 64 : i32
      %add3A_1378 = arith.addi %add3A_1377, %scan3A_626 : i32
      %mul3A_1379 = arith.constant 128 : i32
      %mul3A_1380 = arith.muli %add3A_1378, %mul3A_1379 : i32
      %add3A_1381 = arith.constant 48 : i32
      %add3A_1382 = arith.addi %mul3A_1380, %add3A_1381 : i32
      %swap3A_1383 = arith.index_cast %add3A_1382 : i32 to index
      %swap3A_1384 = tpu.vector_load %arg7[%swap3A_1383] {strides = array<i32>} : memref<16384xf32, #tpu.memory_space<vmem>>, vector<16xf32>,
      %swap3A_1385 = vector.shape_cast %swap3A_1384 : vector<16xf32> to vector<16xf32>
      %swap3A_1386 = vector.shape_cast %mul3A_1376 : vector<16xf32> to vector<16xf32>
      tpu.vector_store %arg7[%swap3A_1383], %swap3A_1386 {strides = array<i32>} : memref<16384xf32, #tpu.memory_space<vmem>>, vector<16xf32>,
    }
    %scan3A_540 = arith.constant 32 : i32
    %dma_wait3A_541 = arith.constant 15 : i32
    %dma_wait3A_542 = arith.constant 1 : i32
    %dma_wait3A_543 = arith.constant 0 : i32
    %dma_wait3A_544 = arith.constant 0 : i32
    %dma_wait3A_545 = tpu.memref_slice %arg6[%dma_wait3A_542, %dma_wait3A_543, %dma_wait3A_544] : memref<2x640x64xf32, #tpu.memory_space<vmem>> -> memref<1x640x64xf32, #tpu.memory_space<vmem>>
    %dma_wait3A_546 = tpu.memref_squeeze %dma_wait3A_545 : memref<1x640x64xf32, #tpu.memory_space<vmem>> -> memref<640x64xf32, #tpu.memory_space<vmem>>
    %dma_wait3A_547 = arith.constant 0 : i32
    %dma_wait3A_548 = arith.constant 0 : i32
    %dma_wait3A_549 = tpu.memref_slice %dma_wait3A_546[%dma_wait3A_547, %dma_wait3A_548] : memref<640x64xf32, #tpu.memory_space<vmem>> -> memref<128x64xf32, #tpu.memory_space<vmem>>
    %dma_wait3A_550 = arith.constant 0 : i32
    %dma_wait3A_551 = tpu.memref_slice %arg5[%dma_wait3A_541, %dma_wait3A_550] : memref<20x128xi32, #tpu.memory_space<vmem>> -> memref<1x128xi32, #tpu.memory_space<vmem>>
    %dma_wait3A_552 = tpu.memref_squeeze %dma_wait3A_551 : memref<1x128xi32, #tpu.memory_space<vmem>> -> memref<128xi32, #tpu.memory_space<vmem>>
    %dma_wait3A_553 = arith.constant 0 : i32
    %dma_wait3A_554 = arith.constant 0 : i32
    %dma_wait3A_555 = tpu.memref_slice %arg3[%dma_wait3A_553, %dma_wait3A_554] : memref<100000x64xf32, #tpu.memory_space<hbm>> -> memref<100000x64xf32, #tpu.memory_space<hbm>>
    tpu.wait_indirect_dma semaphore(%arg9 : memref<!tpu.dma_semaphore, #tpu.memory_space<semaphore_mem>>) src(%dma_wait3A_555 : memref<100000x64xf32, #tpu.memory_space<hbm>>) dst(%dma_wait3A_549 : memref<128x64xf32, #tpu.memory_space<vmem>>)
    %dma_wait3A_556 = arith.constant 16 : i32
    %dma_wait3A_557 = arith.constant 1 : i32
    %dma_wait3A_558 = arith.constant 0 : i32
    %dma_wait3A_559 = arith.constant 0 : i32
    %dma_wait3A_560 = tpu.memref_slice %arg6[%dma_wait3A_557, %dma_wait3A_558, %dma_wait3A_559] : memref<2x640x64xf32, #tpu.memory_space<vmem>> -> memref<1x640x64xf32, #tpu.memory_space<vmem>>
    %dma_wait3A_561 = tpu.memref_squeeze %dma_wait3A_560 : memref<1x640x64xf32, #tpu.memory_space<vmem>> -> memref<640x64xf32, #tpu.memory_space<vmem>>
    %dma_wait3A_562 = arith.constant 128 : i32
    %dma_wait3A_563 = arith.constant 0 : i32
    %dma_wait3A_564 = tpu.memref_slice %dma_wait3A_561[%dma_wait3A_562, %dma_wait3A_563] : memref<640x64xf32, #tpu.memory_space<vmem>> -> memref<128x64xf32, #tpu.memory_space<vmem>>
    %dma_wait3A_565 = arith.constant 0 : i32
    %dma_wait3A_566 = tpu.memref_slice %arg5[%dma_wait3A_556, %dma_wait3A_565] : memref<20x128xi32, #tpu.memory_space<vmem>> -> memref<1x128xi32, #tpu.memory_space<vmem>>
    %dma_wait3A_567 = tpu.memref_squeeze %dma_wait3A_566 : memref<1x128xi32, #tpu.memory_space<vmem>> -> memref<128xi32, #tpu.memory_space<vmem>>
    %dma_wait3A_568 = arith.constant 0 : i32
    %dma_wait3A_569 = arith.constant 0 : i32
    %dma_wait3A_570 = tpu.memref_slice %arg3[%dma_wait3A_568, %dma_wait3A_569] : memref<100000x64xf32, #tpu.memory_space<hbm>> -> memref<100000x64xf32, #tpu.memory_space<hbm>>
    tpu.wait_indirect_dma semaphore(%arg9 : memref<!tpu.dma_semaphore, #tpu.memory_space<semaphore_mem>>) src(%dma_wait3A_570 : memref<100000x64xf32, #tpu.memory_space<hbm>>) dst(%dma_wait3A_564 : memref<128x64xf32, #tpu.memory_space<vmem>>)
    %dma_wait3A_571 = arith.constant 17 : i32
    %dma_wait3A_572 = arith.constant 1 : i32
    %dma_wait3A_573 = arith.constant 0 : i32
    %dma_wait3A_574 = arith.constant 0 : i32
    %dma_wait3A_575 = tpu.memref_slice %arg6[%dma_wait3A_572, %dma_wait3A_573, %dma_wait3A_574] : memref<2x640x64xf32, #tpu.memory_space<vmem>> -> memref<1x640x64xf32, #tpu.memory_space<vmem>>
    %dma_wait3A_576 = tpu.memref_squeeze %dma_wait3A_575 : memref<1x640x64xf32, #tpu.memory_space<vmem>> -> memref<640x64xf32, #tpu.memory_space<vmem>>
    %dma_wait3A_577 = arith.constant 256 : i32
    %dma_wait3A_578 = arith.constant 0 : i32
    %dma_wait3A_579 = tpu.memref_slice %dma_wait3A_576[%dma_wait3A_577, %dma_wait3A_578] : memref<640x64xf32, #tpu.memory_space<vmem>> -> memref<128x64xf32, #tpu.memory_space<vmem>>
    %dma_wait3A_580 = arith.constant 0 : i32
    %dma_wait3A_581 = tpu.memref_slice %arg5[%dma_wait3A_571, %dma_wait3A_580] : memref<20x128xi32, #tpu.memory_space<vmem>> -> memref<1x128xi32, #tpu.memory_space<vmem>>
    %dma_wait3A_582 = tpu.memref_squeeze %dma_wait3A_581 : memref<1x128xi32, #tpu.memory_space<vmem>> -> memref<128xi32, #tpu.memory_space<vmem>>
    %dma_wait3A_583 = arith.constant 0 : i32
    %dma_wait3A_584 = arith.constant 0 : i32
    %dma_wait3A_585 = tpu.memref_slice %arg3[%dma_wait3A_583, %dma_wait3A_584] : memref<100000x64xf32, #tpu.memory_space<hbm>> -> memref<100000x64xf32, #tpu.memory_space<hbm>>
    tpu.wait_indirect_dma semaphore(%arg9 : memref<!tpu.dma_semaphore, #tpu.memory_space<semaphore_mem>>) src(%dma_wait3A_585 : memref<100000x64xf32, #tpu.memory_space<hbm>>) dst(%dma_wait3A_579 : memref<128x64xf32, #tpu.memory_space<vmem>>)
    %dma_wait3A_586 = arith.constant 18 : i32
    %dma_wait3A_587 = arith.constant 1 : i32
    %dma_wait3A_588 = arith.constant 0 : i32
    %dma_wait3A_589 = arith.constant 0 : i32
    %dma_wait3A_590 = tpu.memref_slice %arg6[%dma_wait3A_587, %dma_wait3A_588, %dma_wait3A_589] : memref<2x640x64xf32, #tpu.memory_space<vmem>> -> memref<1x640x64xf32, #tpu.memory_space<vmem>>
    %dma_wait3A_591 = tpu.memref_squeeze %dma_wait3A_590 : memref<1x640x64xf32, #tpu.memory_space<vmem>> -> memref<640x64xf32, #tpu.memory_space<vmem>>
    %dma_wait3A_592 = arith.constant 384 : i32
    %dma_wait3A_593 = arith.constant 0 : i32
    %dma_wait3A_594 = tpu.memref_slice %dma_wait3A_591[%dma_wait3A_592, %dma_wait3A_593] : memref<640x64xf32, #tpu.memory_space<vmem>> -> memref<128x64xf32, #tpu.memory_space<vmem>>
    %dma_wait3A_595 = arith.constant 0 : i32
    %dma_wait3A_596 = tpu.memref_slice %arg5[%dma_wait3A_586, %dma_wait3A_595] : memref<20x128xi32, #tpu.memory_space<vmem>> -> memref<1x128xi32, #tpu.memory_space<vmem>>
    %dma_wait3A_597 = tpu.memref_squeeze %dma_wait3A_596 : memref<1x128xi32, #tpu.memory_space<vmem>> -> memref<128xi32, #tpu.memory_space<vmem>>
    %dma_wait3A_598 = arith.constant 0 : i32
    %dma_wait3A_599 = arith.constant 0 : i32
    %dma_wait3A_600 = tpu.memref_slice %arg3[%dma_wait3A_598, %dma_wait3A_599] : memref<100000x64xf32, #tpu.memory_space<hbm>> -> memref<100000x64xf32, #tpu.memory_space<hbm>>
    tpu.wait_indirect_dma semaphore(%arg9 : memref<!tpu.dma_semaphore, #tpu.memory_space<semaphore_mem>>) src(%dma_wait3A_600 : memref<100000x64xf32, #tpu.memory_space<hbm>>) dst(%dma_wait3A_594 : memref<128x64xf32, #tpu.memory_space<vmem>>)
    %dma_wait3A_601 = arith.constant 19 : i32
    %dma_wait3A_602 = arith.constant 1 : i32
    %dma_wait3A_603 = arith.constant 0 : i32
    %dma_wait3A_604 = arith.constant 0 : i32
    %dma_wait3A_605 = tpu.memref_slice %arg6[%dma_wait3A_602, %dma_wait3A_603, %dma_wait3A_604] : memref<2x640x64xf32, #tpu.memory_space<vmem>> -> memref<1x640x64xf32, #tpu.memory_space<vmem>>
    %dma_wait3A_606 = tpu.memref_squeeze %dma_wait3A_605 : memref<1x640x64xf32, #tpu.memory_space<vmem>> -> memref<640x64xf32, #tpu.memory_space<vmem>>
    %dma_wait3A_607 = arith.constant 512 : i32
    %dma_wait3A_608 = arith.constant 0 : i32
    %dma_wait3A_609 = tpu.memref_slice %dma_wait3A_606[%dma_wait3A_607, %dma_wait3A_608] : memref<640x64xf32, #tpu.memory_space<vmem>> -> memref<128x64xf32, #tpu.memory_space<vmem>>
    %dma_wait3A_610 = arith.constant 0 : i32
    %dma_wait3A_611 = tpu.memref_slice %arg5[%dma_wait3A_601, %dma_wait3A_610] : memref<20x128xi32, #tpu.memory_space<vmem>> -> memref<1x128xi32, #tpu.memory_space<vmem>>
    %dma_wait3A_612 = tpu.memref_squeeze %dma_wait3A_611 : memref<1x128xi32, #tpu.memory_space<vmem>> -> memref<128xi32, #tpu.memory_space<vmem>>
    %dma_wait3A_613 = arith.constant 0 : i32
    %dma_wait3A_614 = arith.constant 0 : i32
    %dma_wait3A_615 = tpu.memref_slice %arg3[%dma_wait3A_613, %dma_wait3A_614] : memref<100000x64xf32, #tpu.memory_space<hbm>> -> memref<100000x64xf32, #tpu.memory_space<hbm>>
    tpu.wait_indirect_dma semaphore(%arg9 : memref<!tpu.dma_semaphore, #tpu.memory_space<semaphore_mem>>) src(%dma_wait3A_615 : memref<100000x64xf32, #tpu.memory_space<hbm>>) dst(%dma_wait3A_609 : memref<128x64xf32, #tpu.memory_space<vmem>>)
    %scan3A_616 = arith.constant 0 : i32
    %scan3A_617 = arith.constant 0 : i32
    %scan3A_618 = arith.constant 32 : i32
    %scan3A_619 = arith.addi %scan3A_617, %scan3A_618 : i32
    %scan3A_620 = arith.constant 1 : i32
    scf.for %scan3A_626 = %scan3A_617 to %scan3A_619 step %scan3A_620  : i32 {
      %mul3A_627 = arith.constant 20 : i32
      %mul3A_628 = arith.muli %scan3A_626, %mul3A_627 : i32
      %get3A = arith.constant 1 : i32
      %get3A_629 = arith.index_cast %get3A : i32 to index
      %get3A_630 = arith.index_cast %mul3A_628 : i32 to index
      %get3A_631 = arith.constant 0 : index
      %get3A_632 = tpu.vector_load %arg6[%get3A_629, %get3A_630, %get3A_631] {strides = array<i32>} : memref<2x640x64xf32, #tpu.memory_space<vmem>>, vector<1x1x16xf32>,
      %get3A_633 = vector.shape_cast %get3A_632 : vector<1x1x16xf32> to vector<16xf32>
      %add3A_634 = arith.constant 1 : i32
      %add3A_635 = arith.addi %mul3A_628, %add3A_634 : i32
      %get3A_636 = arith.constant 1 : i32
      %get3A_637 = arith.index_cast %get3A_636 : i32 to index
      %get3A_638 = arith.index_cast %add3A_635 : i32 to index
      %get3A_639 = arith.constant 0 : index
      %get3A_640 = tpu.vector_load %arg6[%get3A_637, %get3A_638, %get3A_639] {strides = array<i32>} : memref<2x640x64xf32, #tpu.memory_space<vmem>>, vector<1x1x16xf32>,
      %get3A_641 = vector.shape_cast %get3A_640 : vector<1x1x16xf32> to vector<16xf32>
      %add3A_642 = arith.addf %get3A_633, %get3A_641 : vector<16xf32>
      %add3A_643 = arith.constant 2 : i32
      %add3A_644 = arith.addi %mul3A_628, %add3A_643 : i32
      %get3A_645 = arith.constant 1 : i32
      %get3A_646 = arith.index_cast %get3A_645 : i32 to index
      %get3A_647 = arith.index_cast %add3A_644 : i32 to index
      %get3A_648 = arith.constant 0 : index
      %get3A_649 = tpu.vector_load %arg6[%get3A_646, %get3A_647, %get3A_648] {strides = array<i32>} : memref<2x640x64xf32, #tpu.memory_space<vmem>>, vector<1x1x16xf32>,
      %get3A_650 = vector.shape_cast %get3A_649 : vector<1x1x16xf32> to vector<16xf32>
      %add3A_651 = arith.addf %add3A_642, %get3A_650 : vector<16xf32>
      %add3A_652 = arith.constant 3 : i32
      %add3A_653 = arith.addi %mul3A_628, %add3A_652 : i32
      %get3A_654 = arith.constant 1 : i32
      %get3A_655 = arith.index_cast %get3A_654 : i32 to index
      %get3A_656 = arith.index_cast %add3A_653 : i32 to index
      %get3A_657 = arith.constant 0 : index
      %get3A_658 = tpu.vector_load %arg6[%get3A_655, %get3A_656, %get3A_657] {strides = array<i32>} : memref<2x640x64xf32, #tpu.memory_space<vmem>>, vector<1x1x16xf32>,
      %get3A_659 = vector.shape_cast %get3A_658 : vector<1x1x16xf32> to vector<16xf32>
      %add3A_660 = arith.addf %add3A_651, %get3A_659 : vector<16xf32>
      %add3A_661 = arith.constant 4 : i32
      %add3A_662 = arith.addi %mul3A_628, %add3A_661 : i32
      %get3A_663 = arith.constant 1 : i32
      %get3A_664 = arith.index_cast %get3A_663 : i32 to index
      %get3A_665 = arith.index_cast %add3A_662 : i32 to index
      %get3A_666 = arith.constant 0 : index
      %get3A_667 = tpu.vector_load %arg6[%get3A_664, %get3A_665, %get3A_666] {strides = array<i32>} : memref<2x640x64xf32, #tpu.memory_space<vmem>>, vector<1x1x16xf32>,
      %get3A_668 = vector.shape_cast %get3A_667 : vector<1x1x16xf32> to vector<16xf32>
      %add3A_669 = arith.addf %add3A_660, %get3A_668 : vector<16xf32>
      %add3A_670 = arith.constant 5 : i32
      %add3A_671 = arith.addi %mul3A_628, %add3A_670 : i32
      %get3A_672 = arith.constant 1 : i32
      %get3A_673 = arith.index_cast %get3A_672 : i32 to index
      %get3A_674 = arith.index_cast %add3A_671 : i32 to index
      %get3A_675 = arith.constant 0 : index
      %get3A_676 = tpu.vector_load %arg6[%get3A_673, %get3A_674, %get3A_675] {strides = array<i32>} : memref<2x640x64xf32, #tpu.memory_space<vmem>>, vector<1x1x16xf32>,
      %get3A_677 = vector.shape_cast %get3A_676 : vector<1x1x16xf32> to vector<16xf32>
      %add3A_678 = arith.addf %add3A_669, %get3A_677 : vector<16xf32>
      %add3A_679 = arith.constant 6 : i32
      %add3A_680 = arith.addi %mul3A_628, %add3A_679 : i32
      %get3A_681 = arith.constant 1 : i32
      %get3A_682 = arith.index_cast %get3A_681 : i32 to index
      %get3A_683 = arith.index_cast %add3A_680 : i32 to index
      %get3A_684 = arith.constant 0 : index
      %get3A_685 = tpu.vector_load %arg6[%get3A_682, %get3A_683, %get3A_684] {strides = array<i32>} : memref<2x640x64xf32, #tpu.memory_space<vmem>>, vector<1x1x16xf32>,
      %get3A_686 = vector.shape_cast %get3A_685 : vector<1x1x16xf32> to vector<16xf32>
      %add3A_687 = arith.addf %add3A_678, %get3A_686 : vector<16xf32>
      %add3A_688 = arith.constant 7 : i32
      %add3A_689 = arith.addi %mul3A_628, %add3A_688 : i32
      %get3A_690 = arith.constant 1 : i32
      %get3A_691 = arith.index_cast %get3A_690 : i32 to index
      %get3A_692 = arith.index_cast %add3A_689 : i32 to index
      %get3A_693 = arith.constant 0 : index
      %get3A_694 = tpu.vector_load %arg6[%get3A_691, %get3A_692, %get3A_693] {strides = array<i32>} : memref<2x640x64xf32, #tpu.memory_space<vmem>>, vector<1x1x16xf32>,
      %get3A_695 = vector.shape_cast %get3A_694 : vector<1x1x16xf32> to vector<16xf32>
      %add3A_696 = arith.addf %add3A_687, %get3A_695 : vector<16xf32>
      %add3A_697 = arith.constant 8 : i32
      %add3A_698 = arith.addi %mul3A_628, %add3A_697 : i32
      %get3A_699 = arith.constant 1 : i32
      %get3A_700 = arith.index_cast %get3A_699 : i32 to index
      %get3A_701 = arith.index_cast %add3A_698 : i32 to index
      %get3A_702 = arith.constant 0 : index
      %get3A_703 = tpu.vector_load %arg6[%get3A_700, %get3A_701, %get3A_702] {strides = array<i32>} : memref<2x640x64xf32, #tpu.memory_space<vmem>>, vector<1x1x16xf32>,
      %get3A_704 = vector.shape_cast %get3A_703 : vector<1x1x16xf32> to vector<16xf32>
      %add3A_705 = arith.addf %add3A_696, %get3A_704 : vector<16xf32>
      %add3A_706 = arith.constant 9 : i32
      %add3A_707 = arith.addi %mul3A_628, %add3A_706 : i32
      %get3A_708 = arith.constant 1 : i32
      %get3A_709 = arith.index_cast %get3A_708 : i32 to index
      %get3A_710 = arith.index_cast %add3A_707 : i32 to index
      %get3A_711 = arith.constant 0 : index
      %get3A_712 = tpu.vector_load %arg6[%get3A_709, %get3A_710, %get3A_711] {strides = array<i32>} : memref<2x640x64xf32, #tpu.memory_space<vmem>>, vector<1x1x16xf32>,
      %get3A_713 = vector.shape_cast %get3A_712 : vector<1x1x16xf32> to vector<16xf32>
      %add3A_714 = arith.addf %add3A_705, %get3A_713 : vector<16xf32>
      %add3A_715 = arith.constant 10 : i32
      %add3A_716 = arith.addi %mul3A_628, %add3A_715 : i32
      %get3A_717 = arith.constant 1 : i32
      %get3A_718 = arith.index_cast %get3A_717 : i32 to index
      %get3A_719 = arith.index_cast %add3A_716 : i32 to index
      %get3A_720 = arith.constant 0 : index
      %get3A_721 = tpu.vector_load %arg6[%get3A_718, %get3A_719, %get3A_720] {strides = array<i32>} : memref<2x640x64xf32, #tpu.memory_space<vmem>>, vector<1x1x16xf32>,
      %get3A_722 = vector.shape_cast %get3A_721 : vector<1x1x16xf32> to vector<16xf32>
      %add3A_723 = arith.addf %add3A_714, %get3A_722 : vector<16xf32>
      %add3A_724 = arith.constant 11 : i32
      %add3A_725 = arith.addi %mul3A_628, %add3A_724 : i32
      %get3A_726 = arith.constant 1 : i32
      %get3A_727 = arith.index_cast %get3A_726 : i32 to index
      %get3A_728 = arith.index_cast %add3A_725 : i32 to index
      %get3A_729 = arith.constant 0 : index
      %get3A_730 = tpu.vector_load %arg6[%get3A_727, %get3A_728, %get3A_729] {strides = array<i32>} : memref<2x640x64xf32, #tpu.memory_space<vmem>>, vector<1x1x16xf32>,
      %get3A_731 = vector.shape_cast %get3A_730 : vector<1x1x16xf32> to vector<16xf32>
      %add3A_732 = arith.addf %add3A_723, %get3A_731 : vector<16xf32>
      %add3A_733 = arith.constant 12 : i32
      %add3A_734 = arith.addi %mul3A_628, %add3A_733 : i32
      %get3A_735 = arith.constant 1 : i32
      %get3A_736 = arith.index_cast %get3A_735 : i32 to index
      %get3A_737 = arith.index_cast %add3A_734 : i32 to index
      %get3A_738 = arith.constant 0 : index
      %get3A_739 = tpu.vector_load %arg6[%get3A_736, %get3A_737, %get3A_738] {strides = array<i32>} : memref<2x640x64xf32, #tpu.memory_space<vmem>>, vector<1x1x16xf32>,
      %get3A_740 = vector.shape_cast %get3A_739 : vector<1x1x16xf32> to vector<16xf32>
      %add3A_741 = arith.addf %add3A_732, %get3A_740 : vector<16xf32>
      %add3A_742 = arith.constant 13 : i32
      %add3A_743 = arith.addi %mul3A_628, %add3A_742 : i32
      %get3A_744 = arith.constant 1 : i32
      %get3A_745 = arith.index_cast %get3A_744 : i32 to index
      %get3A_746 = arith.index_cast %add3A_743 : i32 to index
      %get3A_747 = arith.constant 0 : index
      %get3A_748 = tpu.vector_load %arg6[%get3A_745, %get3A_746, %get3A_747] {strides = array<i32>} : memref<2x640x64xf32, #tpu.memory_space<vmem>>, vector<1x1x16xf32>,
      %get3A_749 = vector.shape_cast %get3A_748 : vector<1x1x16xf32> to vector<16xf32>
      %add3A_750 = arith.addf %add3A_741, %get3A_749 : vector<16xf32>
      %add3A_751 = arith.constant 14 : i32
      %add3A_752 = arith.addi %mul3A_628, %add3A_751 : i32
      %get3A_753 = arith.constant 1 : i32
      %get3A_754 = arith.index_cast %get3A_753 : i32 to index
      %get3A_755 = arith.index_cast %add3A_752 : i32 to index
      %get3A_756 = arith.constant 0 : index
      %get3A_757 = tpu.vector_load %arg6[%get3A_754, %get3A_755, %get3A_756] {strides = array<i32>} : memref<2x640x64xf32, #tpu.memory_space<vmem>>, vector<1x1x16xf32>,
      %get3A_758 = vector.shape_cast %get3A_757 : vector<1x1x16xf32> to vector<16xf32>
      %add3A_759 = arith.addf %add3A_750, %get3A_758 : vector<16xf32>
      %add3A_760 = arith.constant 15 : i32
      %add3A_761 = arith.addi %mul3A_628, %add3A_760 : i32
      %get3A_762 = arith.constant 1 : i32
      %get3A_763 = arith.index_cast %get3A_762 : i32 to index
      %get3A_764 = arith.index_cast %add3A_761 : i32 to index
      %get3A_765 = arith.constant 0 : index
      %get3A_766 = tpu.vector_load %arg6[%get3A_763, %get3A_764, %get3A_765] {strides = array<i32>} : memref<2x640x64xf32, #tpu.memory_space<vmem>>, vector<1x1x16xf32>,
      %get3A_767 = vector.shape_cast %get3A_766 : vector<1x1x16xf32> to vector<16xf32>
      %add3A_768 = arith.addf %add3A_759, %get3A_767 : vector<16xf32>
      %add3A_769 = arith.constant 16 : i32
      %add3A_770 = arith.addi %mul3A_628, %add3A_769 : i32
      %get3A_771 = arith.constant 1 : i32
      %get3A_772 = arith.index_cast %get3A_771 : i32 to index
      %get3A_773 = arith.index_cast %add3A_770 : i32 to index
      %get3A_774 = arith.constant 0 : index
      %get3A_775 = tpu.vector_load %arg6[%get3A_772, %get3A_773, %get3A_774] {strides = array<i32>} : memref<2x640x64xf32, #tpu.memory_space<vmem>>, vector<1x1x16xf32>,
      %get3A_776 = vector.shape_cast %get3A_775 : vector<1x1x16xf32> to vector<16xf32>
      %add3A_777 = arith.addf %add3A_768, %get3A_776 : vector<16xf32>
      %add3A_778 = arith.constant 17 : i32
      %add3A_779 = arith.addi %mul3A_628, %add3A_778 : i32
      %get3A_780 = arith.constant 1 : i32
      %get3A_781 = arith.index_cast %get3A_780 : i32 to index
      %get3A_782 = arith.index_cast %add3A_779 : i32 to index
      %get3A_783 = arith.constant 0 : index
      %get3A_784 = tpu.vector_load %arg6[%get3A_781, %get3A_782, %get3A_783] {strides = array<i32>} : memref<2x640x64xf32, #tpu.memory_space<vmem>>, vector<1x1x16xf32>,
      %get3A_785 = vector.shape_cast %get3A_784 : vector<1x1x16xf32> to vector<16xf32>
      %add3A_786 = arith.addf %add3A_777, %get3A_785 : vector<16xf32>
      %add3A_787 = arith.constant 18 : i32
      %add3A_788 = arith.addi %mul3A_628, %add3A_787 : i32
      %get3A_789 = arith.constant 1 : i32
      %get3A_790 = arith.index_cast %get3A_789 : i32 to index
      %get3A_791 = arith.index_cast %add3A_788 : i32 to index
      %get3A_792 = arith.constant 0 : index
      %get3A_793 = tpu.vector_load %arg6[%get3A_790, %get3A_791, %get3A_792] {strides = array<i32>} : memref<2x640x64xf32, #tpu.memory_space<vmem>>, vector<1x1x16xf32>,
      %get3A_794 = vector.shape_cast %get3A_793 : vector<1x1x16xf32> to vector<16xf32>
      %add3A_795 = arith.addf %add3A_786, %get3A_794 : vector<16xf32>
      %add3A_796 = arith.constant 19 : i32
      %add3A_797 = arith.addi %mul3A_628, %add3A_796 : i32
      %get3A_798 = arith.constant 1 : i32
      %get3A_799 = arith.index_cast %get3A_798 : i32 to index
      %get3A_800 = arith.index_cast %add3A_797 : i32 to index
      %get3A_801 = arith.constant 0 : index
      %get3A_802 = tpu.vector_load %arg6[%get3A_799, %get3A_800, %get3A_801] {strides = array<i32>} : memref<2x640x64xf32, #tpu.memory_space<vmem>>, vector<1x1x16xf32>,
      %get3A_803 = vector.shape_cast %get3A_802 : vector<1x1x16xf32> to vector<16xf32>
      %add3A_804 = arith.addf %add3A_795, %get3A_803 : vector<16xf32>
      %mul3A_805 = arith.constant 5.000000e-02 : f32
      %mul3A_806 = vector.broadcast %mul3A_805 : f32 to vector<16xf32>
      %mul3A_807 = arith.mulf %add3A_804, %mul3A_806 : vector<16xf32>
      %add3A_808 = arith.constant 96 : i32
      %add3A_809 = arith.addi %add3A_808, %scan3A_626 : i32
      %mul3A_810 = arith.constant 128 : i32
      %mul3A_811 = arith.muli %add3A_809, %mul3A_810 : i32
      %add3A_812 = arith.constant 0 : i32
      %add3A_813 = arith.addi %mul3A_811, %add3A_812 : i32
      %swap3A = arith.index_cast %add3A_813 : i32 to index
      %swap3A_814 = tpu.vector_load %arg7[%swap3A] {strides = array<i32>} : memref<16384xf32, #tpu.memory_space<vmem>>, vector<16xf32>,
      %swap3A_815 = vector.shape_cast %swap3A_814 : vector<16xf32> to vector<16xf32>
      %swap3A_816 = vector.shape_cast %mul3A_807 : vector<16xf32> to vector<16xf32>
      tpu.vector_store %arg7[%swap3A], %swap3A_816 {strides = array<i32>} : memref<16384xf32, #tpu.memory_space<vmem>>, vector<16xf32>,
      %get3A_817 = arith.constant 1 : i32
      %get3A_818 = arith.index_cast %get3A_817 : i32 to index
      %get3A_819 = arith.index_cast %mul3A_628 : i32 to index
      %get3A_820 = arith.constant 16 : index
      %get3A_821 = tpu.vector_load %arg6[%get3A_818, %get3A_819, %get3A_820] {strides = array<i32>} : memref<2x640x64xf32, #tpu.memory_space<vmem>>, vector<1x1x16xf32>,
      %get3A_822 = vector.shape_cast %get3A_821 : vector<1x1x16xf32> to vector<16xf32>
      %add3A_823 = arith.constant 1 : i32
      %add3A_824 = arith.addi %mul3A_628, %add3A_823 : i32
      %get3A_825 = arith.constant 1 : i32
      %get3A_826 = arith.index_cast %get3A_825 : i32 to index
      %get3A_827 = arith.index_cast %add3A_824 : i32 to index
      %get3A_828 = arith.constant 16 : index
      %get3A_829 = tpu.vector_load %arg6[%get3A_826, %get3A_827, %get3A_828] {strides = array<i32>} : memref<2x640x64xf32, #tpu.memory_space<vmem>>, vector<1x1x16xf32>,
      %get3A_830 = vector.shape_cast %get3A_829 : vector<1x1x16xf32> to vector<16xf32>
      %add3A_831 = arith.addf %get3A_822, %get3A_830 : vector<16xf32>
      %add3A_832 = arith.constant 2 : i32
      %add3A_833 = arith.addi %mul3A_628, %add3A_832 : i32
      %get3A_834 = arith.constant 1 : i32
      %get3A_835 = arith.index_cast %get3A_834 : i32 to index
      %get3A_836 = arith.index_cast %add3A_833 : i32 to index
      %get3A_837 = arith.constant 16 : index
      %get3A_838 = tpu.vector_load %arg6[%get3A_835, %get3A_836, %get3A_837] {strides = array<i32>} : memref<2x640x64xf32, #tpu.memory_space<vmem>>, vector<1x1x16xf32>,
      %get3A_839 = vector.shape_cast %get3A_838 : vector<1x1x16xf32> to vector<16xf32>
      %add3A_840 = arith.addf %add3A_831, %get3A_839 : vector<16xf32>
      %add3A_841 = arith.constant 3 : i32
      %add3A_842 = arith.addi %mul3A_628, %add3A_841 : i32
      %get3A_843 = arith.constant 1 : i32
      %get3A_844 = arith.index_cast %get3A_843 : i32 to index
      %get3A_845 = arith.index_cast %add3A_842 : i32 to index
      %get3A_846 = arith.constant 16 : index
      %get3A_847 = tpu.vector_load %arg6[%get3A_844, %get3A_845, %get3A_846] {strides = array<i32>} : memref<2x640x64xf32, #tpu.memory_space<vmem>>, vector<1x1x16xf32>,
      %get3A_848 = vector.shape_cast %get3A_847 : vector<1x1x16xf32> to vector<16xf32>
      %add3A_849 = arith.addf %add3A_840, %get3A_848 : vector<16xf32>
      %add3A_850 = arith.constant 4 : i32
      %add3A_851 = arith.addi %mul3A_628, %add3A_850 : i32
      %get3A_852 = arith.constant 1 : i32
      %get3A_853 = arith.index_cast %get3A_852 : i32 to index
      %get3A_854 = arith.index_cast %add3A_851 : i32 to index
      %get3A_855 = arith.constant 16 : index
      %get3A_856 = tpu.vector_load %arg6[%get3A_853, %get3A_854, %get3A_855] {strides = array<i32>} : memref<2x640x64xf32, #tpu.memory_space<vmem>>, vector<1x1x16xf32>,
      %get3A_857 = vector.shape_cast %get3A_856 : vector<1x1x16xf32> to vector<16xf32>
      %add3A_858 = arith.addf %add3A_849, %get3A_857 : vector<16xf32>
      %add3A_859 = arith.constant 5 : i32
      %add3A_860 = arith.addi %mul3A_628, %add3A_859 : i32
      %get3A_861 = arith.constant 1 : i32
      %get3A_862 = arith.index_cast %get3A_861 : i32 to index
      %get3A_863 = arith.index_cast %add3A_860 : i32 to index
      %get3A_864 = arith.constant 16 : index
      %get3A_865 = tpu.vector_load %arg6[%get3A_862, %get3A_863, %get3A_864] {strides = array<i32>} : memref<2x640x64xf32, #tpu.memory_space<vmem>>, vector<1x1x16xf32>,
      %get3A_866 = vector.shape_cast %get3A_865 : vector<1x1x16xf32> to vector<16xf32>
      %add3A_867 = arith.addf %add3A_858, %get3A_866 : vector<16xf32>
      %add3A_868 = arith.constant 6 : i32
      %add3A_869 = arith.addi %mul3A_628, %add3A_868 : i32
      %get3A_870 = arith.constant 1 : i32
      %get3A_871 = arith.index_cast %get3A_870 : i32 to index
      %get3A_872 = arith.index_cast %add3A_869 : i32 to index
      %get3A_873 = arith.constant 16 : index
      %get3A_874 = tpu.vector_load %arg6[%get3A_871, %get3A_872, %get3A_873] {strides = array<i32>} : memref<2x640x64xf32, #tpu.memory_space<vmem>>, vector<1x1x16xf32>,
      %get3A_875 = vector.shape_cast %get3A_874 : vector<1x1x16xf32> to vector<16xf32>
      %add3A_876 = arith.addf %add3A_867, %get3A_875 : vector<16xf32>
      %add3A_877 = arith.constant 7 : i32
      %add3A_878 = arith.addi %mul3A_628, %add3A_877 : i32
      %get3A_879 = arith.constant 1 : i32
      %get3A_880 = arith.index_cast %get3A_879 : i32 to index
      %get3A_881 = arith.index_cast %add3A_878 : i32 to index
      %get3A_882 = arith.constant 16 : index
      %get3A_883 = tpu.vector_load %arg6[%get3A_880, %get3A_881, %get3A_882] {strides = array<i32>} : memref<2x640x64xf32, #tpu.memory_space<vmem>>, vector<1x1x16xf32>,
      %get3A_884 = vector.shape_cast %get3A_883 : vector<1x1x16xf32> to vector<16xf32>
      %add3A_885 = arith.addf %add3A_876, %get3A_884 : vector<16xf32>
      %add3A_886 = arith.constant 8 : i32
      %add3A_887 = arith.addi %mul3A_628, %add3A_886 : i32
      %get3A_888 = arith.constant 1 : i32
      %get3A_889 = arith.index_cast %get3A_888 : i32 to index
      %get3A_890 = arith.index_cast %add3A_887 : i32 to index
      %get3A_891 = arith.constant 16 : index
      %get3A_892 = tpu.vector_load %arg6[%get3A_889, %get3A_890, %get3A_891] {strides = array<i32>} : memref<2x640x64xf32, #tpu.memory_space<vmem>>, vector<1x1x16xf32>,
      %get3A_893 = vector.shape_cast %get3A_892 : vector<1x1x16xf32> to vector<16xf32>
      %add3A_894 = arith.addf %add3A_885, %get3A_893 : vector<16xf32>
      %add3A_895 = arith.constant 9 : i32
      %add3A_896 = arith.addi %mul3A_628, %add3A_895 : i32
      %get3A_897 = arith.constant 1 : i32
      %get3A_898 = arith.index_cast %get3A_897 : i32 to index
      %get3A_899 = arith.index_cast %add3A_896 : i32 to index
      %get3A_900 = arith.constant 16 : index
      %get3A_901 = tpu.vector_load %arg6[%get3A_898, %get3A_899, %get3A_900] {strides = array<i32>} : memref<2x640x64xf32, #tpu.memory_space<vmem>>, vector<1x1x16xf32>,
      %get3A_902 = vector.shape_cast %get3A_901 : vector<1x1x16xf32> to vector<16xf32>
      %add3A_903 = arith.addf %add3A_894, %get3A_902 : vector<16xf32>
      %add3A_904 = arith.constant 10 : i32
      %add3A_905 = arith.addi %mul3A_628, %add3A_904 : i32
      %get3A_906 = arith.constant 1 : i32
      %get3A_907 = arith.index_cast %get3A_906 : i32 to index
      %get3A_908 = arith.index_cast %add3A_905 : i32 to index
      %get3A_909 = arith.constant 16 : index
      %get3A_910 = tpu.vector_load %arg6[%get3A_907, %get3A_908, %get3A_909] {strides = array<i32>} : memref<2x640x64xf32, #tpu.memory_space<vmem>>, vector<1x1x16xf32>,
      %get3A_911 = vector.shape_cast %get3A_910 : vector<1x1x16xf32> to vector<16xf32>
      %add3A_912 = arith.addf %add3A_903, %get3A_911 : vector<16xf32>
      %add3A_913 = arith.constant 11 : i32
      %add3A_914 = arith.addi %mul3A_628, %add3A_913 : i32
      %get3A_915 = arith.constant 1 : i32
      %get3A_916 = arith.index_cast %get3A_915 : i32 to index
      %get3A_917 = arith.index_cast %add3A_914 : i32 to index
      %get3A_918 = arith.constant 16 : index
      %get3A_919 = tpu.vector_load %arg6[%get3A_916, %get3A_917, %get3A_918] {strides = array<i32>} : memref<2x640x64xf32, #tpu.memory_space<vmem>>, vector<1x1x16xf32>,
      %get3A_920 = vector.shape_cast %get3A_919 : vector<1x1x16xf32> to vector<16xf32>
      %add3A_921 = arith.addf %add3A_912, %get3A_920 : vector<16xf32>
      %add3A_922 = arith.constant 12 : i32
      %add3A_923 = arith.addi %mul3A_628, %add3A_922 : i32
      %get3A_924 = arith.constant 1 : i32
      %get3A_925 = arith.index_cast %get3A_924 : i32 to index
      %get3A_926 = arith.index_cast %add3A_923 : i32 to index
      %get3A_927 = arith.constant 16 : index
      %get3A_928 = tpu.vector_load %arg6[%get3A_925, %get3A_926, %get3A_927] {strides = array<i32>} : memref<2x640x64xf32, #tpu.memory_space<vmem>>, vector<1x1x16xf32>,
      %get3A_929 = vector.shape_cast %get3A_928 : vector<1x1x16xf32> to vector<16xf32>
      %add3A_930 = arith.addf %add3A_921, %get3A_929 : vector<16xf32>
      %add3A_931 = arith.constant 13 : i32
      %add3A_932 = arith.addi %mul3A_628, %add3A_931 : i32
      %get3A_933 = arith.constant 1 : i32
      %get3A_934 = arith.index_cast %get3A_933 : i32 to index
      %get3A_935 = arith.index_cast %add3A_932 : i32 to index
      %get3A_936 = arith.constant 16 : index
      %get3A_937 = tpu.vector_load %arg6[%get3A_934, %get3A_935, %get3A_936] {strides = array<i32>} : memref<2x640x64xf32, #tpu.memory_space<vmem>>, vector<1x1x16xf32>,
      %get3A_938 = vector.shape_cast %get3A_937 : vector<1x1x16xf32> to vector<16xf32>
      %add3A_939 = arith.addf %add3A_930, %get3A_938 : vector<16xf32>
      %add3A_940 = arith.constant 14 : i32
      %add3A_941 = arith.addi %mul3A_628, %add3A_940 : i32
      %get3A_942 = arith.constant 1 : i32
      %get3A_943 = arith.index_cast %get3A_942 : i32 to index
      %get3A_944 = arith.index_cast %add3A_941 : i32 to index
      %get3A_945 = arith.constant 16 : index
      %get3A_946 = tpu.vector_load %arg6[%get3A_943, %get3A_944, %get3A_945] {strides = array<i32>} : memref<2x640x64xf32, #tpu.memory_space<vmem>>, vector<1x1x16xf32>,
      %get3A_947 = vector.shape_cast %get3A_946 : vector<1x1x16xf32> to vector<16xf32>
      %add3A_948 = arith.addf %add3A_939, %get3A_947 : vector<16xf32>
      %add3A_949 = arith.constant 15 : i32
      %add3A_950 = arith.addi %mul3A_628, %add3A_949 : i32
      %get3A_951 = arith.constant 1 : i32
      %get3A_952 = arith.index_cast %get3A_951 : i32 to index
      %get3A_953 = arith.index_cast %add3A_950 : i32 to index
      %get3A_954 = arith.constant 16 : index
      %get3A_955 = tpu.vector_load %arg6[%get3A_952, %get3A_953, %get3A_954] {strides = array<i32>} : memref<2x640x64xf32, #tpu.memory_space<vmem>>, vector<1x1x16xf32>,
      %get3A_956 = vector.shape_cast %get3A_955 : vector<1x1x16xf32> to vector<16xf32>
      %add3A_957 = arith.addf %add3A_948, %get3A_956 : vector<16xf32>
      %add3A_958 = arith.constant 16 : i32
      %add3A_959 = arith.addi %mul3A_628, %add3A_958 : i32
      %get3A_960 = arith.constant 1 : i32
      %get3A_961 = arith.index_cast %get3A_960 : i32 to index
      %get3A_962 = arith.index_cast %add3A_959 : i32 to index
      %get3A_963 = arith.constant 16 : index
      %get3A_964 = tpu.vector_load %arg6[%get3A_961, %get3A_962, %get3A_963] {strides = array<i32>} : memref<2x640x64xf32, #tpu.memory_space<vmem>>, vector<1x1x16xf32>,
      %get3A_965 = vector.shape_cast %get3A_964 : vector<1x1x16xf32> to vector<16xf32>
      %add3A_966 = arith.addf %add3A_957, %get3A_965 : vector<16xf32>
      %add3A_967 = arith.constant 17 : i32
      %add3A_968 = arith.addi %mul3A_628, %add3A_967 : i32
      %get3A_969 = arith.constant 1 : i32
      %get3A_970 = arith.index_cast %get3A_969 : i32 to index
      %get3A_971 = arith.index_cast %add3A_968 : i32 to index
      %get3A_972 = arith.constant 16 : index
      %get3A_973 = tpu.vector_load %arg6[%get3A_970, %get3A_971, %get3A_972] {strides = array<i32>} : memref<2x640x64xf32, #tpu.memory_space<vmem>>, vector<1x1x16xf32>,
      %get3A_974 = vector.shape_cast %get3A_973 : vector<1x1x16xf32> to vector<16xf32>
      %add3A_975 = arith.addf %add3A_966, %get3A_974 : vector<16xf32>
      %add3A_976 = arith.constant 18 : i32
      %add3A_977 = arith.addi %mul3A_628, %add3A_976 : i32
      %get3A_978 = arith.constant 1 : i32
      %get3A_979 = arith.index_cast %get3A_978 : i32 to index
      %get3A_980 = arith.index_cast %add3A_977 : i32 to index
      %get3A_981 = arith.constant 16 : index
      %get3A_982 = tpu.vector_load %arg6[%get3A_979, %get3A_980, %get3A_981] {strides = array<i32>} : memref<2x640x64xf32, #tpu.memory_space<vmem>>, vector<1x1x16xf32>,
      %get3A_983 = vector.shape_cast %get3A_982 : vector<1x1x16xf32> to vector<16xf32>
      %add3A_984 = arith.addf %add3A_975, %get3A_983 : vector<16xf32>
      %add3A_985 = arith.constant 19 : i32
      %add3A_986 = arith.addi %mul3A_628, %add3A_985 : i32
      %get3A_987 = arith.constant 1 : i32
      %get3A_988 = arith.index_cast %get3A_987 : i32 to index
      %get3A_989 = arith.index_cast %add3A_986 : i32 to index
      %get3A_990 = arith.constant 16 : index
      %get3A_991 = tpu.vector_load %arg6[%get3A_988, %get3A_989, %get3A_990] {strides = array<i32>} : memref<2x640x64xf32, #tpu.memory_space<vmem>>, vector<1x1x16xf32>,
      %get3A_992 = vector.shape_cast %get3A_991 : vector<1x1x16xf32> to vector<16xf32>
      %add3A_993 = arith.addf %add3A_984, %get3A_992 : vector<16xf32>
      %mul3A_994 = arith.constant 5.000000e-02 : f32
      %mul3A_995 = vector.broadcast %mul3A_994 : f32 to vector<16xf32>
      %mul3A_996 = arith.mulf %add3A_993, %mul3A_995 : vector<16xf32>
      %add3A_997 = arith.constant 96 : i32
      %add3A_998 = arith.addi %add3A_997, %scan3A_626 : i32
      %mul3A_999 = arith.constant 128 : i32
      %mul3A_1000 = arith.muli %add3A_998, %mul3A_999 : i32
      %add3A_1001 = arith.constant 16 : i32
      %add3A_1002 = arith.addi %mul3A_1000, %add3A_1001 : i32
      %swap3A_1003 = arith.index_cast %add3A_1002 : i32 to index
      %swap3A_1004 = tpu.vector_load %arg7[%swap3A_1003] {strides = array<i32>} : memref<16384xf32, #tpu.memory_space<vmem>>, vector<16xf32>,
      %swap3A_1005 = vector.shape_cast %swap3A_1004 : vector<16xf32> to vector<16xf32>
      %swap3A_1006 = vector.shape_cast %mul3A_996 : vector<16xf32> to vector<16xf32>
      tpu.vector_store %arg7[%swap3A_1003], %swap3A_1006 {strides = array<i32>} : memref<16384xf32, #tpu.memory_space<vmem>>, vector<16xf32>,
      %get3A_1007 = arith.constant 1 : i32
      %get3A_1008 = arith.index_cast %get3A_1007 : i32 to index
      %get3A_1009 = arith.index_cast %mul3A_628 : i32 to index
      %get3A_1010 = arith.constant 32 : index
      %get3A_1011 = tpu.vector_load %arg6[%get3A_1008, %get3A_1009, %get3A_1010] {strides = array<i32>} : memref<2x640x64xf32, #tpu.memory_space<vmem>>, vector<1x1x16xf32>,
      %get3A_1012 = vector.shape_cast %get3A_1011 : vector<1x1x16xf32> to vector<16xf32>
      %add3A_1013 = arith.constant 1 : i32
      %add3A_1014 = arith.addi %mul3A_628, %add3A_1013 : i32
      %get3A_1015 = arith.constant 1 : i32
      %get3A_1016 = arith.index_cast %get3A_1015 : i32 to index
      %get3A_1017 = arith.index_cast %add3A_1014 : i32 to index
      %get3A_1018 = arith.constant 32 : index
      %get3A_1019 = tpu.vector_load %arg6[%get3A_1016, %get3A_1017, %get3A_1018] {strides = array<i32>} : memref<2x640x64xf32, #tpu.memory_space<vmem>>, vector<1x1x16xf32>,
      %get3A_1020 = vector.shape_cast %get3A_1019 : vector<1x1x16xf32> to vector<16xf32>
      %add3A_1021 = arith.addf %get3A_1012, %get3A_1020 : vector<16xf32>
      %add3A_1022 = arith.constant 2 : i32
      %add3A_1023 = arith.addi %mul3A_628, %add3A_1022 : i32
      %get3A_1024 = arith.constant 1 : i32
      %get3A_1025 = arith.index_cast %get3A_1024 : i32 to index
      %get3A_1026 = arith.index_cast %add3A_1023 : i32 to index
      %get3A_1027 = arith.constant 32 : index
      %get3A_1028 = tpu.vector_load %arg6[%get3A_1025, %get3A_1026, %get3A_1027] {strides = array<i32>} : memref<2x640x64xf32, #tpu.memory_space<vmem>>, vector<1x1x16xf32>,
      %get3A_1029 = vector.shape_cast %get3A_1028 : vector<1x1x16xf32> to vector<16xf32>
      %add3A_1030 = arith.addf %add3A_1021, %get3A_1029 : vector<16xf32>
      %add3A_1031 = arith.constant 3 : i32
      %add3A_1032 = arith.addi %mul3A_628, %add3A_1031 : i32
      %get3A_1033 = arith.constant 1 : i32
      %get3A_1034 = arith.index_cast %get3A_1033 : i32 to index
      %get3A_1035 = arith.index_cast %add3A_1032 : i32 to index
      %get3A_1036 = arith.constant 32 : index
      %get3A_1037 = tpu.vector_load %arg6[%get3A_1034, %get3A_1035, %get3A_1036] {strides = array<i32>} : memref<2x640x64xf32, #tpu.memory_space<vmem>>, vector<1x1x16xf32>,
      %get3A_1038 = vector.shape_cast %get3A_1037 : vector<1x1x16xf32> to vector<16xf32>
      %add3A_1039 = arith.addf %add3A_1030, %get3A_1038 : vector<16xf32>
      %add3A_1040 = arith.constant 4 : i32
      %add3A_1041 = arith.addi %mul3A_628, %add3A_1040 : i32
      %get3A_1042 = arith.constant 1 : i32
      %get3A_1043 = arith.index_cast %get3A_1042 : i32 to index
      %get3A_1044 = arith.index_cast %add3A_1041 : i32 to index
      %get3A_1045 = arith.constant 32 : index
      %get3A_1046 = tpu.vector_load %arg6[%get3A_1043, %get3A_1044, %get3A_1045] {strides = array<i32>} : memref<2x640x64xf32, #tpu.memory_space<vmem>>, vector<1x1x16xf32>,
      %get3A_1047 = vector.shape_cast %get3A_1046 : vector<1x1x16xf32> to vector<16xf32>
      %add3A_1048 = arith.addf %add3A_1039, %get3A_1047 : vector<16xf32>
      %add3A_1049 = arith.constant 5 : i32
      %add3A_1050 = arith.addi %mul3A_628, %add3A_1049 : i32
      %get3A_1051 = arith.constant 1 : i32
      %get3A_1052 = arith.index_cast %get3A_1051 : i32 to index
      %get3A_1053 = arith.index_cast %add3A_1050 : i32 to index
      %get3A_1054 = arith.constant 32 : index
      %get3A_1055 = tpu.vector_load %arg6[%get3A_1052, %get3A_1053, %get3A_1054] {strides = array<i32>} : memref<2x640x64xf32, #tpu.memory_space<vmem>>, vector<1x1x16xf32>,
      %get3A_1056 = vector.shape_cast %get3A_1055 : vector<1x1x16xf32> to vector<16xf32>
      %add3A_1057 = arith.addf %add3A_1048, %get3A_1056 : vector<16xf32>
      %add3A_1058 = arith.constant 6 : i32
      %add3A_1059 = arith.addi %mul3A_628, %add3A_1058 : i32
      %get3A_1060 = arith.constant 1 : i32
      %get3A_1061 = arith.index_cast %get3A_1060 : i32 to index
      %get3A_1062 = arith.index_cast %add3A_1059 : i32 to index
      %get3A_1063 = arith.constant 32 : index
      %get3A_1064 = tpu.vector_load %arg6[%get3A_1061, %get3A_1062, %get3A_1063] {strides = array<i32>} : memref<2x640x64xf32, #tpu.memory_space<vmem>>, vector<1x1x16xf32>,
      %get3A_1065 = vector.shape_cast %get3A_1064 : vector<1x1x16xf32> to vector<16xf32>
      %add3A_1066 = arith.addf %add3A_1057, %get3A_1065 : vector<16xf32>
      %add3A_1067 = arith.constant 7 : i32
      %add3A_1068 = arith.addi %mul3A_628, %add3A_1067 : i32
      %get3A_1069 = arith.constant 1 : i32
      %get3A_1070 = arith.index_cast %get3A_1069 : i32 to index
      %get3A_1071 = arith.index_cast %add3A_1068 : i32 to index
      %get3A_1072 = arith.constant 32 : index
      %get3A_1073 = tpu.vector_load %arg6[%get3A_1070, %get3A_1071, %get3A_1072] {strides = array<i32>} : memref<2x640x64xf32, #tpu.memory_space<vmem>>, vector<1x1x16xf32>,
      %get3A_1074 = vector.shape_cast %get3A_1073 : vector<1x1x16xf32> to vector<16xf32>
      %add3A_1075 = arith.addf %add3A_1066, %get3A_1074 : vector<16xf32>
      %add3A_1076 = arith.constant 8 : i32
      %add3A_1077 = arith.addi %mul3A_628, %add3A_1076 : i32
      %get3A_1078 = arith.constant 1 : i32
      %get3A_1079 = arith.index_cast %get3A_1078 : i32 to index
      %get3A_1080 = arith.index_cast %add3A_1077 : i32 to index
      %get3A_1081 = arith.constant 32 : index
      %get3A_1082 = tpu.vector_load %arg6[%get3A_1079, %get3A_1080, %get3A_1081] {strides = array<i32>} : memref<2x640x64xf32, #tpu.memory_space<vmem>>, vector<1x1x16xf32>,
      %get3A_1083 = vector.shape_cast %get3A_1082 : vector<1x1x16xf32> to vector<16xf32>
      %add3A_1084 = arith.addf %add3A_1075, %get3A_1083 : vector<16xf32>
      %add3A_1085 = arith.constant 9 : i32
      %add3A_1086 = arith.addi %mul3A_628, %add3A_1085 : i32
      %get3A_1087 = arith.constant 1 : i32
      %get3A_1088 = arith.index_cast %get3A_1087 : i32 to index
      %get3A_1089 = arith.index_cast %add3A_1086 : i32 to index
      %get3A_1090 = arith.constant 32 : index
      %get3A_1091 = tpu.vector_load %arg6[%get3A_1088, %get3A_1089, %get3A_1090] {strides = array<i32>} : memref<2x640x64xf32, #tpu.memory_space<vmem>>, vector<1x1x16xf32>,
      %get3A_1092 = vector.shape_cast %get3A_1091 : vector<1x1x16xf32> to vector<16xf32>
      %add3A_1093 = arith.addf %add3A_1084, %get3A_1092 : vector<16xf32>
      %add3A_1094 = arith.constant 10 : i32
      %add3A_1095 = arith.addi %mul3A_628, %add3A_1094 : i32
      %get3A_1096 = arith.constant 1 : i32
      %get3A_1097 = arith.index_cast %get3A_1096 : i32 to index
      %get3A_1098 = arith.index_cast %add3A_1095 : i32 to index
      %get3A_1099 = arith.constant 32 : index
      %get3A_1100 = tpu.vector_load %arg6[%get3A_1097, %get3A_1098, %get3A_1099] {strides = array<i32>} : memref<2x640x64xf32, #tpu.memory_space<vmem>>, vector<1x1x16xf32>,
      %get3A_1101 = vector.shape_cast %get3A_1100 : vector<1x1x16xf32> to vector<16xf32>
      %add3A_1102 = arith.addf %add3A_1093, %get3A_1101 : vector<16xf32>
      %add3A_1103 = arith.constant 11 : i32
      %add3A_1104 = arith.addi %mul3A_628, %add3A_1103 : i32
      %get3A_1105 = arith.constant 1 : i32
      %get3A_1106 = arith.index_cast %get3A_1105 : i32 to index
      %get3A_1107 = arith.index_cast %add3A_1104 : i32 to index
      %get3A_1108 = arith.constant 32 : index
      %get3A_1109 = tpu.vector_load %arg6[%get3A_1106, %get3A_1107, %get3A_1108] {strides = array<i32>} : memref<2x640x64xf32, #tpu.memory_space<vmem>>, vector<1x1x16xf32>,
      %get3A_1110 = vector.shape_cast %get3A_1109 : vector<1x1x16xf32> to vector<16xf32>
      %add3A_1111 = arith.addf %add3A_1102, %get3A_1110 : vector<16xf32>
      %add3A_1112 = arith.constant 12 : i32
      %add3A_1113 = arith.addi %mul3A_628, %add3A_1112 : i32
      %get3A_1114 = arith.constant 1 : i32
      %get3A_1115 = arith.index_cast %get3A_1114 : i32 to index
      %get3A_1116 = arith.index_cast %add3A_1113 : i32 to index
      %get3A_1117 = arith.constant 32 : index
      %get3A_1118 = tpu.vector_load %arg6[%get3A_1115, %get3A_1116, %get3A_1117] {strides = array<i32>} : memref<2x640x64xf32, #tpu.memory_space<vmem>>, vector<1x1x16xf32>,
      %get3A_1119 = vector.shape_cast %get3A_1118 : vector<1x1x16xf32> to vector<16xf32>
      %add3A_1120 = arith.addf %add3A_1111, %get3A_1119 : vector<16xf32>
      %add3A_1121 = arith.constant 13 : i32
      %add3A_1122 = arith.addi %mul3A_628, %add3A_1121 : i32
      %get3A_1123 = arith.constant 1 : i32
      %get3A_1124 = arith.index_cast %get3A_1123 : i32 to index
      %get3A_1125 = arith.index_cast %add3A_1122 : i32 to index
      %get3A_1126 = arith.constant 32 : index
      %get3A_1127 = tpu.vector_load %arg6[%get3A_1124, %get3A_1125, %get3A_1126] {strides = array<i32>} : memref<2x640x64xf32, #tpu.memory_space<vmem>>, vector<1x1x16xf32>,
      %get3A_1128 = vector.shape_cast %get3A_1127 : vector<1x1x16xf32> to vector<16xf32>
      %add3A_1129 = arith.addf %add3A_1120, %get3A_1128 : vector<16xf32>
      %add3A_1130 = arith.constant 14 : i32
      %add3A_1131 = arith.addi %mul3A_628, %add3A_1130 : i32
      %get3A_1132 = arith.constant 1 : i32
      %get3A_1133 = arith.index_cast %get3A_1132 : i32 to index
      %get3A_1134 = arith.index_cast %add3A_1131 : i32 to index
      %get3A_1135 = arith.constant 32 : index
      %get3A_1136 = tpu.vector_load %arg6[%get3A_1133, %get3A_1134, %get3A_1135] {strides = array<i32>} : memref<2x640x64xf32, #tpu.memory_space<vmem>>, vector<1x1x16xf32>,
      %get3A_1137 = vector.shape_cast %get3A_1136 : vector<1x1x16xf32> to vector<16xf32>
      %add3A_1138 = arith.addf %add3A_1129, %get3A_1137 : vector<16xf32>
      %add3A_1139 = arith.constant 15 : i32
      %add3A_1140 = arith.addi %mul3A_628, %add3A_1139 : i32
      %get3A_1141 = arith.constant 1 : i32
      %get3A_1142 = arith.index_cast %get3A_1141 : i32 to index
      %get3A_1143 = arith.index_cast %add3A_1140 : i32 to index
      %get3A_1144 = arith.constant 32 : index
      %get3A_1145 = tpu.vector_load %arg6[%get3A_1142, %get3A_1143, %get3A_1144] {strides = array<i32>} : memref<2x640x64xf32, #tpu.memory_space<vmem>>, vector<1x1x16xf32>,
      %get3A_1146 = vector.shape_cast %get3A_1145 : vector<1x1x16xf32> to vector<16xf32>
      %add3A_1147 = arith.addf %add3A_1138, %get3A_1146 : vector<16xf32>
      %add3A_1148 = arith.constant 16 : i32
      %add3A_1149 = arith.addi %mul3A_628, %add3A_1148 : i32
      %get3A_1150 = arith.constant 1 : i32
      %get3A_1151 = arith.index_cast %get3A_1150 : i32 to index
      %get3A_1152 = arith.index_cast %add3A_1149 : i32 to index
      %get3A_1153 = arith.constant 32 : index
      %get3A_1154 = tpu.vector_load %arg6[%get3A_1151, %get3A_1152, %get3A_1153] {strides = array<i32>} : memref<2x640x64xf32, #tpu.memory_space<vmem>>, vector<1x1x16xf32>,
      %get3A_1155 = vector.shape_cast %get3A_1154 : vector<1x1x16xf32> to vector<16xf32>
      %add3A_1156 = arith.addf %add3A_1147, %get3A_1155 : vector<16xf32>
      %add3A_1157 = arith.constant 17 : i32
      %add3A_1158 = arith.addi %mul3A_628, %add3A_1157 : i32
      %get3A_1159 = arith.constant 1 : i32
      %get3A_1160 = arith.index_cast %get3A_1159 : i32 to index
      %get3A_1161 = arith.index_cast %add3A_1158 : i32 to index
      %get3A_1162 = arith.constant 32 : index
      %get3A_1163 = tpu.vector_load %arg6[%get3A_1160, %get3A_1161, %get3A_1162] {strides = array<i32>} : memref<2x640x64xf32, #tpu.memory_space<vmem>>, vector<1x1x16xf32>,
      %get3A_1164 = vector.shape_cast %get3A_1163 : vector<1x1x16xf32> to vector<16xf32>
      %add3A_1165 = arith.addf %add3A_1156, %get3A_1164 : vector<16xf32>
      %add3A_1166 = arith.constant 18 : i32
      %add3A_1167 = arith.addi %mul3A_628, %add3A_1166 : i32
      %get3A_1168 = arith.constant 1 : i32
      %get3A_1169 = arith.index_cast %get3A_1168 : i32 to index
      %get3A_1170 = arith.index_cast %add3A_1167 : i32 to index
      %get3A_1171 = arith.constant 32 : index
      %get3A_1172 = tpu.vector_load %arg6[%get3A_1169, %get3A_1170, %get3A_1171] {strides = array<i32>} : memref<2x640x64xf32, #tpu.memory_space<vmem>>, vector<1x1x16xf32>,
      %get3A_1173 = vector.shape_cast %get3A_1172 : vector<1x1x16xf32> to vector<16xf32>
      %add3A_1174 = arith.addf %add3A_1165, %get3A_1173 : vector<16xf32>
      %add3A_1175 = arith.constant 19 : i32
      %add3A_1176 = arith.addi %mul3A_628, %add3A_1175 : i32
      %get3A_1177 = arith.constant 1 : i32
      %get3A_1178 = arith.index_cast %get3A_1177 : i32 to index
      %get3A_1179 = arith.index_cast %add3A_1176 : i32 to index
      %get3A_1180 = arith.constant 32 : index
      %get3A_1181 = tpu.vector_load %arg6[%get3A_1178, %get3A_1179, %get3A_1180] {strides = array<i32>} : memref<2x640x64xf32, #tpu.memory_space<vmem>>, vector<1x1x16xf32>,
      %get3A_1182 = vector.shape_cast %get3A_1181 : vector<1x1x16xf32> to vector<16xf32>
      %add3A_1183 = arith.addf %add3A_1174, %get3A_1182 : vector<16xf32>
      %mul3A_1184 = arith.constant 5.000000e-02 : f32
      %mul3A_1185 = vector.broadcast %mul3A_1184 : f32 to vector<16xf32>
      %mul3A_1186 = arith.mulf %add3A_1183, %mul3A_1185 : vector<16xf32>
      %add3A_1187 = arith.constant 96 : i32
      %add3A_1188 = arith.addi %add3A_1187, %scan3A_626 : i32
      %mul3A_1189 = arith.constant 128 : i32
      %mul3A_1190 = arith.muli %add3A_1188, %mul3A_1189 : i32
      %add3A_1191 = arith.constant 32 : i32
      %add3A_1192 = arith.addi %mul3A_1190, %add3A_1191 : i32
      %swap3A_1193 = arith.index_cast %add3A_1192 : i32 to index
      %swap3A_1194 = tpu.vector_load %arg7[%swap3A_1193] {strides = array<i32>} : memref<16384xf32, #tpu.memory_space<vmem>>, vector<16xf32>,
      %swap3A_1195 = vector.shape_cast %swap3A_1194 : vector<16xf32> to vector<16xf32>
      %swap3A_1196 = vector.shape_cast %mul3A_1186 : vector<16xf32> to vector<16xf32>
      tpu.vector_store %arg7[%swap3A_1193], %swap3A_1196 {strides = array<i32>} : memref<16384xf32, #tpu.memory_space<vmem>>, vector<16xf32>,
      %get3A_1197 = arith.constant 1 : i32
      %get3A_1198 = arith.index_cast %get3A_1197 : i32 to index
      %get3A_1199 = arith.index_cast %mul3A_628 : i32 to index
      %get3A_1200 = arith.constant 48 : index
      %get3A_1201 = tpu.vector_load %arg6[%get3A_1198, %get3A_1199, %get3A_1200] {strides = array<i32>} : memref<2x640x64xf32, #tpu.memory_space<vmem>>, vector<1x1x16xf32>,
      %get3A_1202 = vector.shape_cast %get3A_1201 : vector<1x1x16xf32> to vector<16xf32>
      %add3A_1203 = arith.constant 1 : i32
      %add3A_1204 = arith.addi %mul3A_628, %add3A_1203 : i32
      %get3A_1205 = arith.constant 1 : i32
      %get3A_1206 = arith.index_cast %get3A_1205 : i32 to index
      %get3A_1207 = arith.index_cast %add3A_1204 : i32 to index
      %get3A_1208 = arith.constant 48 : index
      %get3A_1209 = tpu.vector_load %arg6[%get3A_1206, %get3A_1207, %get3A_1208] {strides = array<i32>} : memref<2x640x64xf32, #tpu.memory_space<vmem>>, vector<1x1x16xf32>,
      %get3A_1210 = vector.shape_cast %get3A_1209 : vector<1x1x16xf32> to vector<16xf32>
      %add3A_1211 = arith.addf %get3A_1202, %get3A_1210 : vector<16xf32>
      %add3A_1212 = arith.constant 2 : i32
      %add3A_1213 = arith.addi %mul3A_628, %add3A_1212 : i32
      %get3A_1214 = arith.constant 1 : i32
      %get3A_1215 = arith.index_cast %get3A_1214 : i32 to index
      %get3A_1216 = arith.index_cast %add3A_1213 : i32 to index
      %get3A_1217 = arith.constant 48 : index
      %get3A_1218 = tpu.vector_load %arg6[%get3A_1215, %get3A_1216, %get3A_1217] {strides = array<i32>} : memref<2x640x64xf32, #tpu.memory_space<vmem>>, vector<1x1x16xf32>,
      %get3A_1219 = vector.shape_cast %get3A_1218 : vector<1x1x16xf32> to vector<16xf32>
      %add3A_1220 = arith.addf %add3A_1211, %get3A_1219 : vector<16xf32>
      %add3A_1221 = arith.constant 3 : i32
      %add3A_1222 = arith.addi %mul3A_628, %add3A_1221 : i32
      %get3A_1223 = arith.constant 1 : i32
      %get3A_1224 = arith.index_cast %get3A_1223 : i32 to index
      %get3A_1225 = arith.index_cast %add3A_1222 : i32 to index
      %get3A_1226 = arith.constant 48 : index
      %get3A_1227 = tpu.vector_load %arg6[%get3A_1224, %get3A_1225, %get3A_1226] {strides = array<i32>} : memref<2x640x64xf32, #tpu.memory_space<vmem>>, vector<1x1x16xf32>,
      %get3A_1228 = vector.shape_cast %get3A_1227 : vector<1x1x16xf32> to vector<16xf32>
      %add3A_1229 = arith.addf %add3A_1220, %get3A_1228 : vector<16xf32>
      %add3A_1230 = arith.constant 4 : i32
      %add3A_1231 = arith.addi %mul3A_628, %add3A_1230 : i32
      %get3A_1232 = arith.constant 1 : i32
      %get3A_1233 = arith.index_cast %get3A_1232 : i32 to index
      %get3A_1234 = arith.index_cast %add3A_1231 : i32 to index
      %get3A_1235 = arith.constant 48 : index
      %get3A_1236 = tpu.vector_load %arg6[%get3A_1233, %get3A_1234, %get3A_1235] {strides = array<i32>} : memref<2x640x64xf32, #tpu.memory_space<vmem>>, vector<1x1x16xf32>,
      %get3A_1237 = vector.shape_cast %get3A_1236 : vector<1x1x16xf32> to vector<16xf32>
      %add3A_1238 = arith.addf %add3A_1229, %get3A_1237 : vector<16xf32>
      %add3A_1239 = arith.constant 5 : i32
      %add3A_1240 = arith.addi %mul3A_628, %add3A_1239 : i32
      %get3A_1241 = arith.constant 1 : i32
      %get3A_1242 = arith.index_cast %get3A_1241 : i32 to index
      %get3A_1243 = arith.index_cast %add3A_1240 : i32 to index
      %get3A_1244 = arith.constant 48 : index
      %get3A_1245 = tpu.vector_load %arg6[%get3A_1242, %get3A_1243, %get3A_1244] {strides = array<i32>} : memref<2x640x64xf32, #tpu.memory_space<vmem>>, vector<1x1x16xf32>,
      %get3A_1246 = vector.shape_cast %get3A_1245 : vector<1x1x16xf32> to vector<16xf32>
      %add3A_1247 = arith.addf %add3A_1238, %get3A_1246 : vector<16xf32>
      %add3A_1248 = arith.constant 6 : i32
      %add3A_1249 = arith.addi %mul3A_628, %add3A_1248 : i32
      %get3A_1250 = arith.constant 1 : i32
      %get3A_1251 = arith.index_cast %get3A_1250 : i32 to index
      %get3A_1252 = arith.index_cast %add3A_1249 : i32 to index
      %get3A_1253 = arith.constant 48 : index
      %get3A_1254 = tpu.vector_load %arg6[%get3A_1251, %get3A_1252, %get3A_1253] {strides = array<i32>} : memref<2x640x64xf32, #tpu.memory_space<vmem>>, vector<1x1x16xf32>,
      %get3A_1255 = vector.shape_cast %get3A_1254 : vector<1x1x16xf32> to vector<16xf32>
      %add3A_1256 = arith.addf %add3A_1247, %get3A_1255 : vector<16xf32>
      %add3A_1257 = arith.constant 7 : i32
      %add3A_1258 = arith.addi %mul3A_628, %add3A_1257 : i32
      %get3A_1259 = arith.constant 1 : i32
      %get3A_1260 = arith.index_cast %get3A_1259 : i32 to index
      %get3A_1261 = arith.index_cast %add3A_1258 : i32 to index
      %get3A_1262 = arith.constant 48 : index
      %get3A_1263 = tpu.vector_load %arg6[%get3A_1260, %get3A_1261, %get3A_1262] {strides = array<i32>} : memref<2x640x64xf32, #tpu.memory_space<vmem>>, vector<1x1x16xf32>,
      %get3A_1264 = vector.shape_cast %get3A_1263 : vector<1x1x16xf32> to vector<16xf32>
      %add3A_1265 = arith.addf %add3A_1256, %get3A_1264 : vector<16xf32>
      %add3A_1266 = arith.constant 8 : i32
      %add3A_1267 = arith.addi %mul3A_628, %add3A_1266 : i32
      %get3A_1268 = arith.constant 1 : i32
      %get3A_1269 = arith.index_cast %get3A_1268 : i32 to index
      %get3A_1270 = arith.index_cast %add3A_1267 : i32 to index
      %get3A_1271 = arith.constant 48 : index
      %get3A_1272 = tpu.vector_load %arg6[%get3A_1269, %get3A_1270, %get3A_1271] {strides = array<i32>} : memref<2x640x64xf32, #tpu.memory_space<vmem>>, vector<1x1x16xf32>,
      %get3A_1273 = vector.shape_cast %get3A_1272 : vector<1x1x16xf32> to vector<16xf32>
      %add3A_1274 = arith.addf %add3A_1265, %get3A_1273 : vector<16xf32>
      %add3A_1275 = arith.constant 9 : i32
      %add3A_1276 = arith.addi %mul3A_628, %add3A_1275 : i32
      %get3A_1277 = arith.constant 1 : i32
      %get3A_1278 = arith.index_cast %get3A_1277 : i32 to index
      %get3A_1279 = arith.index_cast %add3A_1276 : i32 to index
      %get3A_1280 = arith.constant 48 : index
      %get3A_1281 = tpu.vector_load %arg6[%get3A_1278, %get3A_1279, %get3A_1280] {strides = array<i32>} : memref<2x640x64xf32, #tpu.memory_space<vmem>>, vector<1x1x16xf32>,
      %get3A_1282 = vector.shape_cast %get3A_1281 : vector<1x1x16xf32> to vector<16xf32>
      %add3A_1283 = arith.addf %add3A_1274, %get3A_1282 : vector<16xf32>
      %add3A_1284 = arith.constant 10 : i32
      %add3A_1285 = arith.addi %mul3A_628, %add3A_1284 : i32
      %get3A_1286 = arith.constant 1 : i32
      %get3A_1287 = arith.index_cast %get3A_1286 : i32 to index
      %get3A_1288 = arith.index_cast %add3A_1285 : i32 to index
      %get3A_1289 = arith.constant 48 : index
      %get3A_1290 = tpu.vector_load %arg6[%get3A_1287, %get3A_1288, %get3A_1289] {strides = array<i32>} : memref<2x640x64xf32, #tpu.memory_space<vmem>>, vector<1x1x16xf32>,
      %get3A_1291 = vector.shape_cast %get3A_1290 : vector<1x1x16xf32> to vector<16xf32>
      %add3A_1292 = arith.addf %add3A_1283, %get3A_1291 : vector<16xf32>
      %add3A_1293 = arith.constant 11 : i32
      %add3A_1294 = arith.addi %mul3A_628, %add3A_1293 : i32
      %get3A_1295 = arith.constant 1 : i32
      %get3A_1296 = arith.index_cast %get3A_1295 : i32 to index
      %get3A_1297 = arith.index_cast %add3A_1294 : i32 to index
      %get3A_1298 = arith.constant 48 : index
      %get3A_1299 = tpu.vector_load %arg6[%get3A_1296, %get3A_1297, %get3A_1298] {strides = array<i32>} : memref<2x640x64xf32, #tpu.memory_space<vmem>>, vector<1x1x16xf32>,
      %get3A_1300 = vector.shape_cast %get3A_1299 : vector<1x1x16xf32> to vector<16xf32>
      %add3A_1301 = arith.addf %add3A_1292, %get3A_1300 : vector<16xf32>
      %add3A_1302 = arith.constant 12 : i32
      %add3A_1303 = arith.addi %mul3A_628, %add3A_1302 : i32
      %get3A_1304 = arith.constant 1 : i32
      %get3A_1305 = arith.index_cast %get3A_1304 : i32 to index
      %get3A_1306 = arith.index_cast %add3A_1303 : i32 to index
      %get3A_1307 = arith.constant 48 : index
      %get3A_1308 = tpu.vector_load %arg6[%get3A_1305, %get3A_1306, %get3A_1307] {strides = array<i32>} : memref<2x640x64xf32, #tpu.memory_space<vmem>>, vector<1x1x16xf32>,
      %get3A_1309 = vector.shape_cast %get3A_1308 : vector<1x1x16xf32> to vector<16xf32>
      %add3A_1310 = arith.addf %add3A_1301, %get3A_1309 : vector<16xf32>
      %add3A_1311 = arith.constant 13 : i32
      %add3A_1312 = arith.addi %mul3A_628, %add3A_1311 : i32
      %get3A_1313 = arith.constant 1 : i32
      %get3A_1314 = arith.index_cast %get3A_1313 : i32 to index
      %get3A_1315 = arith.index_cast %add3A_1312 : i32 to index
      %get3A_1316 = arith.constant 48 : index
      %get3A_1317 = tpu.vector_load %arg6[%get3A_1314, %get3A_1315, %get3A_1316] {strides = array<i32>} : memref<2x640x64xf32, #tpu.memory_space<vmem>>, vector<1x1x16xf32>,
      %get3A_1318 = vector.shape_cast %get3A_1317 : vector<1x1x16xf32> to vector<16xf32>
      %add3A_1319 = arith.addf %add3A_1310, %get3A_1318 : vector<16xf32>
      %add3A_1320 = arith.constant 14 : i32
      %add3A_1321 = arith.addi %mul3A_628, %add3A_1320 : i32
      %get3A_1322 = arith.constant 1 : i32
      %get3A_1323 = arith.index_cast %get3A_1322 : i32 to index
      %get3A_1324 = arith.index_cast %add3A_1321 : i32 to index
      %get3A_1325 = arith.constant 48 : index
      %get3A_1326 = tpu.vector_load %arg6[%get3A_1323, %get3A_1324, %get3A_1325] {strides = array<i32>} : memref<2x640x64xf32, #tpu.memory_space<vmem>>, vector<1x1x16xf32>,
      %get3A_1327 = vector.shape_cast %get3A_1326 : vector<1x1x16xf32> to vector<16xf32>
      %add3A_1328 = arith.addf %add3A_1319, %get3A_1327 : vector<16xf32>
      %add3A_1329 = arith.constant 15 : i32
      %add3A_1330 = arith.addi %mul3A_628, %add3A_1329 : i32
      %get3A_1331 = arith.constant 1 : i32
      %get3A_1332 = arith.index_cast %get3A_1331 : i32 to index
      %get3A_1333 = arith.index_cast %add3A_1330 : i32 to index
      %get3A_1334 = arith.constant 48 : index
      %get3A_1335 = tpu.vector_load %arg6[%get3A_1332, %get3A_1333, %get3A_1334] {strides = array<i32>} : memref<2x640x64xf32, #tpu.memory_space<vmem>>, vector<1x1x16xf32>,
      %get3A_1336 = vector.shape_cast %get3A_1335 : vector<1x1x16xf32> to vector<16xf32>
      %add3A_1337 = arith.addf %add3A_1328, %get3A_1336 : vector<16xf32>
      %add3A_1338 = arith.constant 16 : i32
      %add3A_1339 = arith.addi %mul3A_628, %add3A_1338 : i32
      %get3A_1340 = arith.constant 1 : i32
      %get3A_1341 = arith.index_cast %get3A_1340 : i32 to index
      %get3A_1342 = arith.index_cast %add3A_1339 : i32 to index
      %get3A_1343 = arith.constant 48 : index
      %get3A_1344 = tpu.vector_load %arg6[%get3A_1341, %get3A_1342, %get3A_1343] {strides = array<i32>} : memref<2x640x64xf32, #tpu.memory_space<vmem>>, vector<1x1x16xf32>,
      %get3A_1345 = vector.shape_cast %get3A_1344 : vector<1x1x16xf32> to vector<16xf32>
      %add3A_1346 = arith.addf %add3A_1337, %get3A_1345 : vector<16xf32>
      %add3A_1347 = arith.constant 17 : i32
      %add3A_1348 = arith.addi %mul3A_628, %add3A_1347 : i32
      %get3A_1349 = arith.constant 1 : i32
      %get3A_1350 = arith.index_cast %get3A_1349 : i32 to index
      %get3A_1351 = arith.index_cast %add3A_1348 : i32 to index
      %get3A_1352 = arith.constant 48 : index
      %get3A_1353 = tpu.vector_load %arg6[%get3A_1350, %get3A_1351, %get3A_1352] {strides = array<i32>} : memref<2x640x64xf32, #tpu.memory_space<vmem>>, vector<1x1x16xf32>,
      %get3A_1354 = vector.shape_cast %get3A_1353 : vector<1x1x16xf32> to vector<16xf32>
      %add3A_1355 = arith.addf %add3A_1346, %get3A_1354 : vector<16xf32>
      %add3A_1356 = arith.constant 18 : i32
      %add3A_1357 = arith.addi %mul3A_628, %add3A_1356 : i32
      %get3A_1358 = arith.constant 1 : i32
      %get3A_1359 = arith.index_cast %get3A_1358 : i32 to index
      %get3A_1360 = arith.index_cast %add3A_1357 : i32 to index
      %get3A_1361 = arith.constant 48 : index
      %get3A_1362 = tpu.vector_load %arg6[%get3A_1359, %get3A_1360, %get3A_1361] {strides = array<i32>} : memref<2x640x64xf32, #tpu.memory_space<vmem>>, vector<1x1x16xf32>,
      %get3A_1363 = vector.shape_cast %get3A_1362 : vector<1x1x16xf32> to vector<16xf32>
      %add3A_1364 = arith.addf %add3A_1355, %get3A_1363 : vector<16xf32>
      %add3A_1365 = arith.constant 19 : i32
      %add3A_1366 = arith.addi %mul3A_628, %add3A_1365 : i32
      %get3A_1367 = arith.constant 1 : i32
      %get3A_1368 = arith.index_cast %get3A_1367 : i32 to index
      %get3A_1369 = arith.index_cast %add3A_1366 : i32 to index
      %get3A_1370 = arith.constant 48 : index
      %get3A_1371 = tpu.vector_load %arg6[%get3A_1368, %get3A_1369, %get3A_1370] {strides = array<i32>} : memref<2x640x64xf32, #tpu.memory_space<vmem>>, vector<1x1x16xf32>,
      %get3A_1372 = vector.shape_cast %get3A_1371 : vector<1x1x16xf32> to vector<16xf32>
      %add3A_1373 = arith.addf %add3A_1364, %get3A_1372 : vector<16xf32>
      %mul3A_1374 = arith.constant 5.000000e-02 : f32
      %mul3A_1375 = vector.broadcast %mul3A_1374 : f32 to vector<16xf32>
      %mul3A_1376 = arith.mulf %add3A_1373, %mul3A_1375 : vector<16xf32>
      %add3A_1377 = arith.constant 96 : i32
      %add3A_1378 = arith.addi %add3A_1377, %scan3A_626 : i32
      %mul3A_1379 = arith.constant 128 : i32
      %mul3A_1380 = arith.muli %add3A_1378, %mul3A_1379 : i32
      %add3A_1381 = arith.constant 48 : i32
      %add3A_1382 = arith.addi %mul3A_1380, %add3A_1381 : i32
      %swap3A_1383 = arith.index_cast %add3A_1382 : i32 to index
      %swap3A_1384 = tpu.vector_load %arg7[%swap3A_1383] {strides = array<i32>} : memref<16384xf32, #tpu.memory_space<vmem>>, vector<16xf32>,
      %swap3A_1385 = vector.shape_cast %swap3A_1384 : vector<16xf32> to vector<16xf32>
      %swap3A_1386 = vector.shape_cast %mul3A_1376 : vector<16xf32> to vector<16xf32>
      tpu.vector_store %arg7[%swap3A_1383], %swap3A_1386 {strides = array<i32>} : memref<16384xf32, #tpu.memory_space<vmem>>, vector<16xf32>,
    }
    %scan3A_621 = arith.constant 32 : i32
    %mul3A_622 = arith.constant 128 : i32
    %mul3A_623 = arith.muli %add3A, %mul3A_622 : i32
    %mul3A_624 = arith.constant 128 : i32
    %mul3A_625 = arith.muli %mul3A_623, %mul3A_624 : i32
    "tpu.region"() ({
      %run_scoped3A = tpu.sem_alloc : memref<!tpu.dma_semaphore, #tpu.memory_space<semaphore_mem>>
      %dma_start3A_626 = tpu.memref_slice %arg4[%mul3A_625] : memref<524288xf32, #tpu.memory_space<hbm>> -> memref<16384xf32, #tpu.memory_space<hbm>>
      %dma_start3A_627 = tpu.memref_slice %arg4[%mul3A_625] : memref<524288xf32, #tpu.memory_space<hbm>> -> memref<16384xf32, #tpu.memory_space<hbm>>
      tpu.enqueue_dma source(%arg7 : memref<16384xf32, #tpu.memory_space<vmem>>) target(%dma_start3A_627 : memref<16384xf32, #tpu.memory_space<hbm>>) target_semaphore(%run_scoped3A : memref<!tpu.dma_semaphore, #tpu.memory_space<semaphore_mem>>)
      %dma_wait3A_628 = tpu.memref_slice %arg4[%mul3A_625] : memref<524288xf32, #tpu.memory_space<hbm>> -> memref<16384xf32, #tpu.memory_space<hbm>>
      %dma_wait3A_629 = tpu.memref_slice %arg4[%mul3A_625] : memref<524288xf32, #tpu.memory_space<hbm>> -> memref<16384xf32, #tpu.memory_space<hbm>>
      tpu.wait_dma2 semaphore(%run_scoped3A : memref<!tpu.dma_semaphore, #tpu.memory_space<semaphore_mem>>) src(%arg7 : memref<16384xf32, #tpu.memory_space<vmem>>) dst(%dma_wait3A_629 : memref<16384xf32, #tpu.memory_space<hbm>>)
      tpu.yield
    }) : () -> ()
    return
  }
}

module attributes {stable_mosaic.version = 14 : i64} {
  func.func @_mm_body(%arg0: i32, %arg1: memref<64x1024xf32, #tpu.memory_space<vmem>>, %arg2: memref<4096x128xf32, #tpu.memory_space<vmem>>, %arg3: memref<1024xf32, #tpu.memory_space<vmem>>, %arg4: memref<1024x4096xf32, #tpu.memory_space<vmem>>) attributes {dimension_semantics = [#tpu.dimension_semantics<arbitrary>], iteration_bounds = array<i64: 98>, scalar_prefetch = 0 : i64, scratch_operands = 0 : i64, tpu.core_type = #tpu.core_type<tc>, window_params = [{transform_indices = @transform_0, window_bounds = array<i64: 64, 1024>}, {pipeline_mode = #tpu.pipeline_mode<synchronous>, transform_indices = @transform_1, window_bounds = array<i64: 4096, 128>}, {transform_indices = @transform_2, window_bounds = array<i64: 1024>}, {transform_indices = @transform_3, window_bounds = array<i64: 1024, 4096>}]} {
    %get3A = arith.constant 0 : index
    %get3A_0 = arith.constant 0 : index
    %get3A_1 = vector.load %arg2[%get3A, %get3A_0] : memref<4096x128xf32, #tpu.memory_space<vmem>>, vector<4096x128xf32>
    %slice3A = vector.extract_strided_slice %get3A_1 {offsets = [0, 0], sizes = [4096, 64], strides = [1, 1]} : vector<4096x128xf32> to vector<4096x64xf32>
    %get3A_2 = arith.constant 0 : index
    %get3A_3 = arith.constant 0 : index
    %get3A_4 = vector.load %arg1[%get3A_2, %get3A_3] : memref<64x1024xf32, #tpu.memory_space<vmem>>, vector<64x1024xf32>
    %dot_general3A = arith.constant dense<0.000000e+00> : vector<1024x4096xf32>
    %dot_general3A_5 = tpu.matmul %get3A_4, %slice3A, %dot_general3A {dimension_numbers = #tpu.dot_dimension_numbers<[0], [1], [1], [0], [0, 1, 1, 0], [], []>, transpose_lhs_hint = false} : vector<64x1024xf32>, vector<4096x64xf32>, vector<1024x4096xf32> -> vector<1024x4096xf32>
    %get3A_6 = arith.constant 0 : index
    %get3A_7 = vector.load %arg3[%get3A_6] : memref<1024xf32, #tpu.memory_space<vmem>>, vector<1024xf32>
    %broadcast_in_dim3A = vector.shape_cast %get3A_7 : vector<1024xf32> to vector<1024x1xf32>
    %add3A = vector.broadcast %broadcast_in_dim3A : vector<1024x1xf32> to vector<1024x4096xf32>
    %add3A_8 = arith.addf %dot_general3A_5, %add3A : vector<1024x4096xf32>
    %swap3A = arith.constant 0 : index
    %swap3A_9 = arith.constant 0 : index
    %swap3A_10 = vector.load %arg4[%swap3A, %swap3A_9] : memref<1024x4096xf32, #tpu.memory_space<vmem>>, vector<1024x4096xf32>
    tpu.vector_store %arg4[%swap3A, %swap3A_9], %add3A_8 {strides = array<i32>} : memref<1024x4096xf32, #tpu.memory_space<vmem>>, vector<1024x4096xf32>,
    return
  }
  func.func @transform_0(%arg0: i32) -> (i32, i32) {
    %c0_i32 = arith.constant 0 : i32
    %c0_i32_0 = arith.constant 0 : i32
    return %c0_i32, %arg0 : i32, i32
  }
  func.func @transform_1(%arg0: i32) -> (i32, i32) {
    %c0_i32 = arith.constant 0 : i32
    %c0_i32_0 = arith.constant 0 : i32
    %c0_i32_1 = arith.constant 0 : i32
    return %c0_i32, %c0_i32_0 : i32, i32
  }
  func.func @transform_2(%arg0: i32) -> i32 {
    %c0_i32 = arith.constant 0 : i32
    return %arg0 : i32
  }
  func.func @transform_3(%arg0: i32) -> (i32, i32) {
    %c0_i32 = arith.constant 0 : i32
    %c0_i32_0 = arith.constant 0 : i32
    return %arg0, %c0_i32 : i32, i32
  }
}

</mosaic_0001>

<sc_bundles>
// kernel: kernel.4.cloned.1.call-start
scs
__scs_entry_jumppad:
0x0: {  	(pc) =	sbr.rel $0x88, $3  }
0x1: {  	(tag) =	ssettag $0x0;
	lr =	simm.s32 $0x1  }
0x2: {  	[smem:$0x3F9D] =	sst lr;
	_ =	strace $0xD0000000  }
0x3: {  	_ = 	snop  }
0x4: {  	_ = 	snop  }
0x5: {  	_ = 	snop  }
0x6: {  	_ = 	snop  }
0x7: {  	_ = 	snop  }
__scs_overlays_trampoline_lowered:
0x8: {  	[smem:$0x3FAC] =	sst s0  }
0x9: {  	[smem:$0x3FAD] =	sst s1  }
0xa: {  	[smem:$0x3FAE] =	sst s2  }
0xb: {  	[smem:$0x3FAF] =	sst s3  }
0xc: {  	[smem:$0x3FB0] =	sst s4  }
0xd: {  	[smem:$0x3FB1] =	sst s5  }
0xe: {  	[smem:$0x3FB2] =	sst s6  }
0xf: {  	[smem:$0x3FB3] =	sst s7  }
0x10: {  	[smem:$0x3FB4] =	sst s8  }
0x11: {  	[smem:$0x3FB5] =	sst s9;
	s0 =	simm.s32 @!p0 $0x0  }
0x12: {  	s1 =	sld [smem:$0x3F9B];
	s0 =	simm.s32 @p0 $0x1  }
0x13: {  	[smem:$0x3FB6] =	sst s0;
	s0 =	simm.s32 @!p1 $0x0  }
0x14: {  	s2 =	sld [smem:$0x3F9A];
	s0 =	simm.s32 @p1 $0x1  }
0x15: {  	[smem:$0x3FB7] =	sst s0;
	s0 =	simm.s32 @!p2 $0x0  }
0x16: {  	s3 =	sld [smem:$0x3FDB];
	s0 =	simm.s32 @p2 $0x1  }
0x17: {  	s4 =	simm.s32 $0x1BF5;
	[smem:$0x3FB9] =	sst s0  }
0x18: {  	s0 =	sld [smem:$0x3F9C];
	_ =	swait.ge [sflag:s4], $0x0  }
0x19: {  	s7 =	sld [smem:$0x3F9D]  }
0x1a: {  	s8 =	sadd.s32 $0xFFFFE003, lr  }
0x1b: {  	s9 =	sadd.s32 $0xFFFFFEF7, lr;
	s5 =	simm.s32 $0xFFFFFFFF;
	p2 =	slt.u32 s8, $0xFFFFF086  }
0x1c: {  	p1 =	slt.u32 s9, $0xF7A;
	s5 =	simm.s32 @!p2 $0x0  }
0x1d: {  	s5 =	simm.s32 @p1 $0x1;
	p0 =	seq.s32 s7, s2  }
0x1e: {  	s7 =	smul.u32 @!p0 $0xF7A, s2;
	p2 =	seq.s32 @!p0 s5, $0x0  }
0x1f: {  	s9 =	smul.u32 $0xF7A, s1;
	s8 =	simm.s32 @!p0 $0x1BF5;
	p2 =	por !p2, p0  }
0x20: {  	[sflag:s8] =	ssyncset.s32 @!p0 $0xFFFFF086;
	s6 =	sadd.s32 @!p0 s3, s7;
	s7 =	simm.s32 @!p0 $0x108  }
0x21: {  	s3 =	sadd.s32 s3, s9;
	s6 =	sadd.s32 @!p0 $0x88, s6;
	s7 =	simm.s32 @p2 $0x1082  }
0x22: {  	[simem:s7], [sflag:s8] =	dma.local @!p0 [hbm:s6], $0xF7A  }
0x23: {  	s9 =	sor.u32 $0xD0000000, s2;
	s6 =	simm.s32 $0x108;
	_ =	swait.ge @!p0 [sflag:s8], $0x0  }
0x24: {  	s3 =	sadd.s32 $0x88, s3;
	s6 =	simm.s32 @!p1 $0x1082;
	[sflag:s4] =	ssyncset.s32 $0xFFFFF086  }
0x25: {  	[simem:s6], [sflag:s4] =	dma.local [hbm:s3], $0xF7A  }
0x26: {  	[smem:$0x3F9D] =	sst s1;
	(tag) =	ssettag s2;
	_ =	strace s9  }
0x27: {  	s1 =	sld [smem:$0x3FAD]  }
0x28: {  	s2 =	sld [smem:$0x3FAE]  }
0x29: {  	s4 =	sld [smem:$0x3FB0]  }
0x2a: {  	p0 =	seq.s32 s5, $0x0;
	s5 =	sld [smem:$0x3FB1]  }
0x2b: {  	s6 =	sld [smem:$0x3FB2]  }
0x2c: {  	s7 =	sld [smem:$0x3FB3]  }
0x2d: {  	s3 =	simm.s32 $0x108;
	s8 =	sld [smem:$0x3FB4]  }
0x2e: {  	s3 =	simm.s32 @!p0 $0x1082;
	s9 =	sld [smem:$0x3FB5]  }
0x2f: {  	lr =	sadd.s32 s0, s3;
	s0 =	sld [smem:$0x3FAC]  }
0x30: {  	s3 =	sld [smem:$0x3FAF]  }
0x31: {  	[smem:$0x3FB8] =	sst s10  }
0x32: {  	s10 =	sld [smem:$0x3FB6];
	_ =	sdelay $0x3  }
0x33: {  	p0 =	seq.s32 s10, $0x1;
	s10 =	sld [smem:$0x3FB8];
	_ =	sdelay $0x3  }
0x34: {  	[smem:$0x3FB8] =	sst s10  }
0x35: {  	s10 =	sld [smem:$0x3FB7];
	_ =	sdelay $0x3  }
0x36: {  	p1 =	seq.s32 s10, $0x1;
	s10 =	sld [smem:$0x3FB8];
	_ =	sdelay $0x3  }
0x37: {  	[smem:$0x3FB8] =	sst s10  }
0x38: {  	s10 =	sld [smem:$0x3FB9]  }
0x39: {  	_ = 	snop;
	(pc) =	sbr.ind lr, $3  }
0x3a: {  	_ = 	snop  }
0x3b: {  	_ = 	snop  }
0x3c: {  	p2 =	seq.s32 s10, $0x1;
	s10 =	sld [smem:$0x3FB8]  }
0x3d: {  	_ =	shalt  }
0x3e: {  	_ =	shalt  }
0x3f: {  	_ =	shalt  }
0x40: {  	_ =	shalt  }
0x41: {  	_ =	shalt  }
0x42: {  	_ =	shalt  }
0x43: {  	_ =	shalt  }
0x44: {  	_ =	shalt  }
0x45: {  	_ =	shalt  }
0x46: {  	_ =	shalt  }
0x47: {  	_ =	shalt  }
0x48: {  	_ =	shalt  }
0x49: {  	_ =	shalt  }
0x4a: {  	_ =	shalt  }
0x4b: {  	_ =	shalt  }
0x4c: {  	_ =	shalt  }
0x4d: {  	_ =	shalt  }
0x4e: {  	_ =	shalt  }
0x4f: {  	_ =	shalt  }
0x50: {  	_ =	shalt  }
0x51: {  	_ =	shalt  }
0x52: {  	_ =	shalt  }
0x53: {  	_ =	shalt  }
0x54: {  	_ =	shalt  }
0x55: {  	_ =	shalt  }
0x56: {  	_ =	shalt  }
0x57: {  	_ =	shalt  }
0x58: {  	_ =	shalt  }
0x59: {  	_ =	shalt  }
0x5a: {  	_ =	shalt  }
0x5b: {  	_ =	shalt  }
0x5c: {  	_ =	shalt  }
0x5d: {  	_ =	shalt  }
0x5e: {  	_ =	shalt  }
0x5f: {  	_ =	shalt  }
0x60: {  	_ =	shalt  }
0x61: {  	_ =	shalt  }
0x62: {  	_ =	shalt  }
0x63: {  	_ =	shalt  }
0x64: {  	_ =	shalt  }
0x65: {  	_ =	shalt  }
0x66: {  	_ =	shalt  }
0x67: {  	_ =	shalt  }
0x68: {  	_ =	shalt  }
0x69: {  	_ =	shalt  }
0x6a: {  	_ =	shalt  }
0x6b: {  	_ =	shalt  }
0x6c: {  	_ =	shalt  }
0x6d: {  	_ =	shalt  }
0x6e: {  	_ =	shalt  }
0x6f: {  	_ =	shalt  }
0x70: {  	_ =	shalt  }
0x71: {  	_ =	shalt  }
0x72: {  	_ =	shalt  }
0x73: {  	_ =	shalt  }
0x74: {  	_ =	shalt  }
0x75: {  	_ =	shalt  }
0x76: {  	_ =	shalt  }
0x77: {  	_ =	shalt  }
0x78: {  	_ =	shalt  }
0x79: {  	_ =	shalt  }
0x7a: {  	_ =	shalt  }
0x7b: {  	_ =	shalt  }
0x7c: {  	_ =	shalt  }
0x7d: {  	_ =	shalt  }
0x7e: {  	_ =	shalt  }
0x7f: {  	_ =	shalt  }
0x80: {  	_ =	shalt  }
0x81: {  	_ =	shalt  }
0x82: {  	_ =	shalt  }
0x83: {  	_ =	shalt  }
0x84: {  	_ =	shalt  }
0x85: {  	_ =	shalt  }
0x86: {  	_ =	shalt  }
0x87: {  	_ =	shalt  }
.Lfunc_end0:
.L_simem_size_0:
called_computation_lowered:
.L_overlay_start_0:
0x88: {  	s2 =	sld [smem:$0x3FD9]  }
0x89: {  	s3 =	sld [smem:$0x3FFE];
	_ =	sdelay $0x1  }
0x8a: {  	s1 =	srdreg.scid  }
0x8b: {  	s0 =	sand.u32 $0x1, s1  }
0x8c: {  	s16 =	sshll.u32 s0, $0xA;
	s2 =	sadd.s32 s3, s2  }
0x8d: {  	s2 =	sadd.s32 s2, s16  }
0x8e: {  	[smem:$0x3FC4] =	sst s2  }
0x8f: {  	_ = 	snop  }
0x90: {  	(tm) =	ssettm $0x1  }
0x91: {  	s17 =	sld [smem:$0x3FFB];
	_ =	sdelay $0x3  }
0x92: {  	_ =	strace s17  }
0x93: {  	s2 =	sld [smem:$0x3FFC];
	_ =	sdelay $0x3  }
0x94: {  	_ =	strace s2  }
0x95: {  	s2 =	sld [smem:$0x3FFD];
	_ =	sdelay $0x3  }
0x96: {  	_ =	strace s2  }
0x97: {  	_ =	strace $0x8FFFFFFF  }
0x98: {  	s18 =	sld [smem:$0x3FDB];
	_ =	sdelay $0x1  }
0x99: {  	s19 =	simm.s32 $_scs_section_size  }
0x9a: {  	s4 =	simm.s32 $_size__tile_overlayer_lowered;
	s5 =	simm.s32 $_tile_overlayer_lowered  }
0x9b: {  	s22 =	simm.s32 $0x1BFF;
	s21 =	sshll.u32 s5, $0x1;
	s2 =	sadd.s32 s19, s18  }
0x9c: {  	s6 =	simm.s32 $0x0;
	s20 =	sshll.u32 s4, $0x1;
	s4 =	sadd.s32 s21, s2  }
0x9d: {  	[timem:s6], [sflag:s22] =	dma.local [hbm:s4], s20  }
0x9e: {  	_ =	swait.ge [sflag:s22], s20  }
0x9f: {  	s3 =	ssub.s32 $0x0, s20;
	[sflag:s22] =	ssyncset.done $0x0  }
0xa0: {  	[sflag:s22] =	ssyncadd.s32 s3;
	_ =	sdelay $0x1  }
0xa1: {  	s23 =	simm.s32 $0x1B8B  }
0xa2: {  	_ =	swait.ge [sflag:s23], $0x1  }
0xa3: {  	[sflag:s23] =	ssyncset.done $0x0  }
0xa4: {  	s25 =	simm.s32 $0x1B8E;
	s24 =	sld [smem:$0x3FFE];
	[sflag:s23] =	ssyncadd.s32 $0xFFFFFFFF  }
0xa5: {  	s26 =	simm.s32 $execute0_lowered;
	[smem:$0x3FD2] =	sst s25  }
0xa6: {  	s4 =	sshll.u32 s26, $0x1;
	_ =	strace $0x80000046;
	[dreg:$0x1] =	wrdreg $0xFFFFFFFF  }
0xa7: {  	s28 =	simm.s32 $_size_execute0_lowered;
	s2 =	sadd.s32 s2, s4;
	[dreg:$0x0] =	wrdreg $0x0  }
0xa8: {  	s4 =	sshll.u32 s28, $0x1;
	[dreg:$0x2] =	wrdreg s2  }
0xa9: {  	[dreg:$0x3] =	wrdreg s4  }
0xaa: {  	[dreg:$0x4] =	wrdreg $0xC0  }
0xab: {  	_ =	task [dreg:s6], $0x5FFFF  }
0xac: {  	[dreg:$0x1] =	wrdreg $0xFFFFFFFF  }
0xad: {  	[dreg:$0x0] =	wrdreg $0x60  }
0xae: {  	[dreg:$0x2] =	wrdreg s24  }
0xaf: {  	[dreg:$0x3] =	wrdreg $0x9  }
0xb0: {  	_ =	task.clear_ibuf [dreg:s6], $0x4FFFF;
	_ =	strace $0x90000046  }
0xb1: {  	s29 =	simm.s32 $0x9;
	_ =	strace $0x80000048  }
0xb2: {  	_ =	swait.ge [sflag:s29], $0x1  }
0xb3: {  	[sflag:s29] =	ssyncadd.s32 $0xFFFFFFFF  }
0xb4: {  	_ =	strace $0x90000048  }
0xb5: {  	_ =	sfence  }
0xb6: {  	s30 =	sld [smem:$0x0];
	_ =	sdelay $0x2  }
0xb7: {  	s31 =	sshll.u32 s1, $0xD;
	s1 =	sshrl.u32 s1, $0x2  }
0xb8: {  	s3 =	sand.u32 $0x4000, s31;
	s1 =	sadd.s32 s1, s30  }
0xb9: {  	s0 =	sor.u32 s3, s0;
	s1 =	sshll.u32 s1, $0x11  }
0xba: {  	s0 =	sor.u32 s1, s0  }
0xbb: {  	s0 =	sadd.s32 $0x8F2B, s0  }
0xbc: {  	[sflag:s0] =	ssyncadd.remote.s32 $0x1  }
0xbd: {  	_ =	sfence.sel $0xFFFF  }
0xbe: {  	[dreg:$0x0] =	wrdreg $0xFFFFFFFF;
	(pc) =	sbr.abs _section_cstart, $3  }
0xbf: {  	[dreg:$0x1] =	wrdreg $0xFFFFFFFF  }
0xc0: {  	_ =	task.clear_ibuf [dreg:s6], $0x2FFFF;
	_ =	strace $0x9FFFFFFF  }
0xc1: {  	(tm) =	ssettm $0x7FFFFFFF  }
tec
execute0_lowered:
.L_overlay_start_1:
0x0: {  	(tag) =	ssettag $0x1  }
0x1: {  	s0 =	srdreg.scid  }
0x2: {  	s1 =	stileid.u32;
	s4 =	rddreg [dreg:$0x0]  }
0x3: {  	s2 =	simm.s32 $0x0;
	s7 =	simm.s32 $0x3;
	s8 =	simm.s32 $0x80  }
0x4: {  	s9 =	simm.s32 $0xA00;
	s10 =	simm.s32 $0x2A00;
	s12 =	simm.s32 $0x4A00  }
0x5: {  	s14 =	simm.s32 $0x6A00;
	s16 =	simm.s32 $0x8A00;
	s17 =	simm.s32 $0x1  }
0x6: {  	s19 =	simm.s32 $0xAA00;
	s21 =	simm.s32 $0xCA00;
	s23 =	simm.s32 $0xEA00  }
0x7: {  	s25 =	simm.s32 $0x10A00;
	s28 =	simm.s32 $0x12A00;
	s29 =	simm.s32 $0x2  }
0x8: {  	s11 =	simm.s32 $0x700;
	s13 =	simm.s32 $0x780;
	s15 =	simm.s32 $0x800  }
0x9: {  	s18 =	simm.s32 $0x880;
	s20 =	simm.s32 $0x900;
	s22 =	simm.s32 $0x980  }
0xa: {  	s24 =	simm.s32 $0x14A00;
	s0 =	sand.u32 $0x1, s0;
	s1 =	sshll.u32 s1, $0x1  }
0xb: {  	s26 =	simm.s32 $0x0;
	[smem:$0x7FF] =	sst s2;
	s1 =	sor.u32 s0, s1  }
0xc: {  	s0 =	ssub.s32 $0x2, s0;
	s3 =	smul.u32 $0x140, s1;
	s1 =	sshll.u32 s1, $0xB  }
0xd: {  	_ =	strace $0x80000047;
	s6 =	sshrl.u32 s0, $0x1;
	s1 =	sadd.s32 s1, s4  }
0xe: {  	s0 =	ssub.s32 s0, s6;
	s5 =	sadd.s32 s3, s4;
	s3 =	sadd.s32 $0x2C00, s4  }
0xf: {  	s6 =	smax.u32 s0, $0x1;
	s4 =	sadd.s32 $0x400, s5;
	s5 =	sadd.s32 $0xC6200, s1  }
.LBB2_1:
0x10: {  	[tilespmem:s2], [sflag:$0x3] =	stream.linear.gather [hbm4b:s4+s2], $0xA00, $0x38;
	[tilespmem:$0x18A00] =	vst v63  }
0x11: {  	_ =	swait.ge [sflag:s7], $0xA00  }
0x12: {  	[sflag:s7] =	ssyncset.done $0x0  }
0x13: {  	[sflag:s7] =	ssyncadd.s32 $0xFFFFF600  }
0x14: {  	[tilespmem:s9], [sflag:$0x1] =	stream.indirect.gather [hbm4b:s3+s8], $0x40, s2, s8, $0xb8;
	[tilespmem:$0x18A00] =	vst v63  }
0x15: {  	_ = 	snop  }
0x16: {  	[tilespmem:s10], [sflag:$0x1] =	stream.indirect.gather [hbm4b:s3+s8], $0x40, s8, s8, $0xb8;
	[tilespmem:$0x18A00] =	vst v63  }
0x17: {  	s0 =	simm.s32 $0x100  }
0x18: {  	[tilespmem:s12], [sflag:$0x1] =	stream.indirect.gather [hbm4b:s3+s8], $0x40, s0, s8, $0xb8;
	[tilespmem:$0x18A00] =	vst v63  }
0x19: {  	s1 =	simm.s32 $0x180  }
0x1a: {  	[tilespmem:s14], [sflag:$0x1] =	stream.indirect.gather [hbm4b:s3+s8], $0x40, s1, s8, $0xb8;
	[tilespmem:$0x18A00] =	vst v63  }
0x1b: {  	s1 =	simm.s32 $0x200  }
0x1c: {  	[tilespmem:s16], [sflag:$0x1] =	stream.indirect.gather [hbm4b:s3+s8], $0x40, s1, s8, $0xb8;
	[tilespmem:$0x18A00] =	vst v63  }
0x1d: {  	_ =	swait.ge [sflag:s17], $0x2000  }
0x1e: {  	[sflag:s17] =	ssyncset.done $0x0  }
0x1f: {  	[sflag:s17] =	ssyncadd.s32 $0xFFFFE000  }
0x20: {  	_ =	swait.ge [sflag:s17], $0x2000  }
0x21: {  	[sflag:s17] =	ssyncset.done $0x0  }
0x22: {  	[sflag:s17] =	ssyncadd.s32 $0xFFFFE000  }
0x23: {  	_ =	swait.ge [sflag:s17], $0x2000  }
0x24: {  	[sflag:s17] =	ssyncset.done $0x0  }
0x25: {  	[sflag:s17] =	ssyncadd.s32 $0xFFFFE000  }
0x26: {  	_ =	swait.ge [sflag:s17], $0x2000  }
0x27: {  	[sflag:s17] =	ssyncset.done $0x0  }
0x28: {  	[sflag:s17] =	ssyncadd.s32 $0xFFFFE000  }
0x29: {  	_ =	swait.ge [sflag:s17], $0x2000  }
0x2a: {  	[sflag:s17] =	ssyncset.done $0x0  }
0x2b: {  	s1 =	simm.s32 $0x280;
	[sflag:s17] =	ssyncadd.s32 $0xFFFFE000  }
0x2c: {  	[tilespmem:s19], [sflag:$0x2] =	stream.indirect.gather [hbm4b:s3+s8], $0x40, s1, s8, $0xb8;
	[tilespmem:$0x18A00] =	vst v63  }
0x2d: {  	s1 =	simm.s32 $0x300  }
0x2e: {  	[tilespmem:s21], [sflag:$0x2] =	stream.indirect.gather [hbm4b:s3+s8], $0x40, s1, s8, $0xb8;
	[tilespmem:$0x18A00] =	vst v63  }
0x2f: {  	s1 =	simm.s32 $0x380  }
0x30: {  	[tilespmem:s23], [sflag:$0x2] =	stream.indirect.gather [hbm4b:s3+s8], $0x40, s1, s8, $0xb8;
	[tilespmem:$0x18A00] =	vst v63  }
0x31: {  	s1 =	simm.s32 $0x400  }
0x32: {  	[tilespmem:s25], [sflag:$0x2] =	stream.indirect.gather [hbm4b:s3+s8], $0x40, s1, s8, $0xb8;
	[tilespmem:$0x18A00] =	vst v63  }
0x33: {  	s30 =	simm.s32 $0xC80;
	s1 =	simm.s32 $0x480  }
0x34: {  	[tilespmem:s28], [sflag:$0x2] =	stream.indirect.gather [hbm4b:s3+s8], $0x40, s1, s8, $0xb8;
	[tilespmem:$0x18A00] =	vst v63  }
0x35: {  	v0 =	vld [tilespmem:s30+$0xFFFFFDC0]  }
0x36: {  	v1 =	vld [tilespmem:s30+$0xFFFFFD80];
	_ =	sdelay $0x1  }
0x37: {  	v2 =	vld [tilespmem:s30+$0xFFFFFE00];
	_ =	sdelay $0x1  }
0x38: {  	v3 =	vld [tilespmem:s30+$0xFFFFFE40]  }
0x39: {  	v0 =	vadd.f32 v0, v1  }
0x3a: {  	v1 =	vld [tilespmem:s30+$0xFFFFFE80]  }
0x3b: {  	v0 =	vadd.f32 v2, v0  }
0x3c: {  	v2 =	vld [tilespmem:s30+$0xFFFFFEC0]  }
0x3d: {  	v0 =	vadd.f32 v3, v0  }
0x3e: {  	v3 =	vld [tilespmem:s30+$0xFFFFFF00]  }
0x3f: {  	v0 =	vadd.f32 v1, v0  }
0x40: {  	v1 =	vld [tilespmem:s30+$0xFFFFFF40]  }
0x41: {  	v0 =	vadd.f32 v2, v0  }
0x42: {  	v2 =	vld [tilespmem:s30+$0xFFFFFF80]  }
0x43: {  	v0 =	vadd.f32 v3, v0  }
0x44: {  	v3 =	vld [tilespmem:s30+$0xFFFFFFC0]  }
0x45: {  	v0 =	vadd.f32 v1, v0  }
0x46: {  	v1 =	vld [tilespmem:s30+$0x0]  }
0x47: {  	v0 =	vadd.f32 v2, v0  }
0x48: {  	v2 =	vld [tilespmem:s30+$0x40]  }
0x49: {  	v0 =	vadd.f32 v3, v0  }
0x4a: {  	v3 =	vld [tilespmem:s30+$0x80]  }
0x4b: {  	v0 =	vadd.f32 v1, v0  }
0x4c: {  	v1 =	vld [tilespmem:s30+$0xC0]  }
0x4d: {  	v0 =	vadd.f32 v2, v0  }
0x4e: {  	v2 =	vld [tilespmem:s30+$0x100]  }
0x4f: {  	v0 =	vadd.f32 v3, v0  }
0x50: {  	v3 =	vld [tilespmem:s30+$0x140]  }
0x51: {  	v0 =	vadd.f32 v1, v0  }
0x52: {  	v1 =	vld [tilespmem:s30+$0x180]  }
0x53: {  	v0 =	vadd.f32 v2, v0  }
0x54: {  	v2 =	vld [tilespmem:s30+$0x1C0]  }
0x55: {  	v0 =	vadd.f32 v3, v0  }
0x56: {  	v3 =	vld [tilespmem:s30+$0x200]  }
0x57: {  	v0 =	vadd.f32 v1, v0  }
0x58: {  	v1 =	vld [tilespmem:s30+$0x240]  }
0x59: {  	v0 =	vadd.f32 v2, v0;
	_ =	sdelay $0x1  }
0x5a: {  	v0 =	vadd.f32 v3, v0;
	_ =	sdelay $0x1  }
0x5b: {  	v0 =	vadd.f32 v1, v0;
	_ =	sdelay $0x1  }
0x5c: {  	v0 =	vmul.f32 $5.000000070e-02, v0  }
0x5d: {  	s31 =	simm.s32 $0x0  }
0x5e: {  	[tilespmem:s31+$0x14A00] =	vst v0  }
0x5f: {  	v0 =	vld [tilespmem:s30+$0xFFFFFD90]  }
0x60: {  	v1 =	vld [tilespmem:s30+$0xFFFFFDD0];
	_ =	sdelay $0x1  }
0x61: {  	v2 =	vld [tilespmem:s30+$0xFFFFFE10];
	_ =	sdelay $0x1  }
0x62: {  	v3 =	vld [tilespmem:s30+$0xFFFFFE50]  }
0x63: {  	v0 =	vadd.f32 v1, v0  }
0x64: {  	v1 =	vld [tilespmem:s30+$0xFFFFFE90]  }
0x65: {  	v0 =	vadd.f32 v2, v0  }
0x66: {  	v2 =	vld [tilespmem:s30+$0xFFFFFED0]  }
0x67: {  	v0 =	vadd.f32 v3, v0  }
0x68: {  	v3 =	vld [tilespmem:s30+$0xFFFFFF10]  }
0x69: {  	v0 =	vadd.f32 v1, v0  }
0x6a: {  	v1 =	vld [tilespmem:s30+$0xFFFFFF50]  }
0x6b: {  	v0 =	vadd.f32 v2, v0  }
0x6c: {  	v2 =	vld [tilespmem:s30+$0xFFFFFF90]  }
0x6d: {  	v0 =	vadd.f32 v3, v0  }
0x6e: {  	v3 =	vld [tilespmem:s30+$0xFFFFFFD0]  }
0x6f: {  	v0 =	vadd.f32 v1, v0  }
0x70: {  	v1 =	vld [tilespmem:s30+$0x10]  }
0x71: {  	v0 =	vadd.f32 v2, v0  }
0x72: {  	v2 =	vld [tilespmem:s30+$0x50]  }
0x73: {  	v0 =	vadd.f32 v3, v0  }
0x74: {  	v3 =	vld [tilespmem:s30+$0x90]  }
0x75: {  	v0 =	vadd.f32 v1, v0  }
0x76: {  	v1 =	vld [tilespmem:s30+$0xD0]  }
0x77: {  	v0 =	vadd.f32 v2, v0  }
0x78: {  	v2 =	vld [tilespmem:s30+$0x110]  }
0x79: {  	v0 =	vadd.f32 v3, v0  }
0x7a: {  	v3 =	vld [tilespmem:s30+$0x150]  }
0x7b: {  	v0 =	vadd.f32 v1, v0  }
0x7c: {  	v1 =	vld [tilespmem:s30+$0x190]  }
0x7d: {  	v0 =	vadd.f32 v2, v0  }
0x7e: {  	v2 =	vld [tilespmem:s30+$0x1D0]  }
0x7f: {  	v0 =	vadd.f32 v3, v0  }
0x80: {  	v3 =	vld [tilespmem:s30+$0x210]  }
0x81: {  	v0 =	vadd.f32 v1, v0  }
0x82: {  	v1 =	vld [tilespmem:s30+$0x250]  }
0x83: {  	v0 =	vadd.f32 v2, v0;
	_ =	sdelay $0x1  }
0x84: {  	v0 =	vadd.f32 v3, v0;
	_ =	sdelay $0x1  }
0x85: {  	v0 =	vadd.f32 v1, v0;
	_ =	sdelay $0x1  }
0x86: {  	v0 =	vmul.f32 $5.000000070e-02, v0;
	_ =	sdelay $0x1  }
0x87: {  	[tilespmem:s31+$0x14A10] =	vst v0  }
0x88: {  	v0 =	vld [tilespmem:s30+$0xFFFFFDA0]  }
0x89: {  	v1 =	vld [tilespmem:s30+$0xFFFFFDE0];
	_ =	sdelay $0x1  }
0x8a: {  	v2 =	vld [tilespmem:s30+$0xFFFFFE20];
	_ =	sdelay $0x1  }
0x8b: {  	v3 =	vld [tilespmem:s30+$0xFFFFFE60]  }
0x8c: {  	v0 =	vadd.f32 v1, v0  }
0x8d: {  	v1 =	vld [tilespmem:s30+$0xFFFFFEA0]  }
0x8e: {  	v0 =	vadd.f32 v2, v0  }
0x8f: {  	v2 =	vld [tilespmem:s30+$0xFFFFFEE0]  }
0x90: {  	v0 =	vadd.f32 v3, v0  }
0x91: {  	v3 =	vld [tilespmem:s30+$0xFFFFFF20]  }
0x92: {  	v0 =	vadd.f32 v1, v0  }
0x93: {  	v1 =	vld [tilespmem:s30+$0xFFFFFF60]  }
0x94: {  	v0 =	vadd.f32 v2, v0  }
0x95: {  	v2 =	vld [tilespmem:s30+$0xFFFFFFA0]  }
0x96: {  	v0 =	vadd.f32 v3, v0  }
0x97: {  	v3 =	vld [tilespmem:s30+$0xFFFFFFE0]  }
0x98: {  	v0 =	vadd.f32 v1, v0  }
0x99: {  	v1 =	vld [tilespmem:s30+$0x20]  }
0x9a: {  	v0 =	vadd.f32 v2, v0  }
0x9b: {  	v2 =	vld [tilespmem:s30+$0x60]  }
0x9c: {  	v0 =	vadd.f32 v3, v0  }
0x9d: {  	v3 =	vld [tilespmem:s30+$0xA0]  }
0x9e: {  	v0 =	vadd.f32 v1, v0  }
0x9f: {  	v1 =	vld [tilespmem:s30+$0xE0]  }
0xa0: {  	v0 =	vadd.f32 v2, v0  }
0xa1: {  	v2 =	vld [tilespmem:s30+$0x120]  }
0xa2: {  	v0 =	vadd.f32 v3, v0  }
0xa3: {  	v3 =	vld [tilespmem:s30+$0x160]  }
0xa4: {  	v0 =	vadd.f32 v1, v0  }
0xa5: {  	v1 =	vld [tilespmem:s30+$0x1A0]  }
0xa6: {  	v0 =	vadd.f32 v2, v0  }
0xa7: {  	v2 =	vld [tilespmem:s30+$0x1E0]  }
0xa8: {  	v0 =	vadd.f32 v3, v0  }
0xa9: {  	v3 =	vld [tilespmem:s30+$0x220]  }
0xaa: {  	v0 =	vadd.f32 v1, v0  }
0xab: {  	v1 =	vld [tilespmem:s30+$0x260]  }
0xac: {  	v0 =	vadd.f32 v2, v0;
	_ =	sdelay $0x1  }
0xad: {  	v0 =	vadd.f32 v3, v0;
	_ =	sdelay $0x1  }
0xae: {  	v0 =	vadd.f32 v1, v0;
	_ =	sdelay $0x1  }
0xaf: {  	v0 =	vmul.f32 $5.000000070e-02, v0;
	_ =	sdelay $0x1  }
0xb0: {  	[tilespmem:s31+$0x14A20] =	vst v0  }
0xb1: {  	v0 =	vld [tilespmem:s30+$0xFFFFFDB0]  }
0xb2: {  	v1 =	vld [tilespmem:s30+$0xFFFFFDF0];
	_ =	sdelay $0x1  }
0xb3: {  	v2 =	vld [tilespmem:s30+$0xFFFFFE30];
	_ =	sdelay $0x1  }
0xb4: {  	v3 =	vld [tilespmem:s30+$0xFFFFFE70]  }
0xb5: {  	v0 =	vadd.f32 v1, v0  }
0xb6: {  	v1 =	vld [tilespmem:s30+$0xFFFFFEB0]  }
0xb7: {  	v0 =	vadd.f32 v2, v0  }
0xb8: {  	v2 =	vld [tilespmem:s30+$0xFFFFFEF0]  }
0xb9: {  	v0 =	vadd.f32 v3, v0  }
0xba: {  	v3 =	vld [tilespmem:s30+$0xFFFFFF30]  }
0xbb: {  	v0 =	vadd.f32 v1, v0  }
0xbc: {  	v1 =	vld [tilespmem:s30+$0xFFFFFF70]  }
0xbd: {  	v0 =	vadd.f32 v2, v0  }
0xbe: {  	v2 =	vld [tilespmem:s30+$0xFFFFFFB0]  }
0xbf: {  	v0 =	vadd.f32 v3, v0  }
0xc0: {  	v3 =	vld [tilespmem:s30+$0xFFFFFFF0]  }
0xc1: {  	v0 =	vadd.f32 v1, v0  }
0xc2: {  	v1 =	vld [tilespmem:s30+$0x30]  }
0xc3: {  	v0 =	vadd.f32 v2, v0  }
0xc4: {  	v2 =	vld [tilespmem:s30+$0x70]  }
0xc5: {  	v0 =	vadd.f32 v3, v0  }
0xc6: {  	v3 =	vld [tilespmem:s30+$0xB0]  }
0xc7: {  	v0 =	vadd.f32 v1, v0  }
0xc8: {  	v1 =	vld [tilespmem:s30+$0xF0]  }
0xc9: {  	v0 =	vadd.f32 v2, v0  }
0xca: {  	v2 =	vld [tilespmem:s30+$0x130]  }
0xcb: {  	v0 =	vadd.f32 v3, v0  }
0xcc: {  	v3 =	vld [tilespmem:s30+$0x170]  }
0xcd: {  	v0 =	vadd.f32 v1, v0  }
0xce: {  	v1 =	vld [tilespmem:s30+$0x1B0]  }
0xcf: {  	v0 =	vadd.f32 v2, v0  }
0xd0: {  	v2 =	vld [tilespmem:s30+$0x1F0]  }
0xd1: {  	v0 =	vadd.f32 v3, v0;
	_ =	sdelay $0x1  }
0xd2: {  	v3 =	vld [tilespmem:s30+$0x230];
	v0 =	vadd.f32 v1, v0;
	_ =	sdelay $0x1  }
0xd3: {  	v1 =	vadd.f32 v2, v0;
	v0 =	vld [tilespmem:s30+$0x270];
	_ =	sdelay $0x2  }
0xd4: {  	s1 =	simm.s32 $0x200;
	v1 =	vadd.f32 v3, v1  }
.LBB2_2:
0xd5: {  	p0 =	sne.s32 s1, $0x3E00  }
0xd6: {  	s30 =	sadd.s32 $0x500, s30;
	s0 =	smov.u32 s1;
	s1 =	sadd.s32 $0x200, s1;
	v0 =	vadd.f32 v0, v1  }
0xd7: {  	_ = 	snop  }
0xd8: {  	v0 =	vmul.f32 $5.000000070e-02, v0;
	_ =	sdelay $0x1  }
0xd9: {  	[tilespmem:s31+$0x14A30] =	vst v0  }
0xda: {  	v0 =	vld [tilespmem:s30+$0xFFFFFDC0]  }
0xdb: {  	v1 =	vld [tilespmem:s30+$0xFFFFFD80];
	_ =	sdelay $0x1  }
0xdc: {  	v2 =	vld [tilespmem:s30+$0xFFFFFE00];
	_ =	sdelay $0x1  }
0xdd: {  	v3 =	vld [tilespmem:s30+$0xFFFFFE40]  }
0xde: {  	v0 =	vadd.f32 v0, v1  }
0xdf: {  	v1 =	vld [tilespmem:s30+$0xFFFFFE80]  }
0xe0: {  	v0 =	vadd.f32 v2, v0  }
0xe1: {  	v2 =	vld [tilespmem:s30+$0xFFFFFEC0]  }
0xe2: {  	v0 =	vadd.f32 v3, v0  }
0xe3: {  	v3 =	vld [tilespmem:s30+$0xFFFFFF00]  }
0xe4: {  	v0 =	vadd.f32 v1, v0  }
0xe5: {  	v1 =	vld [tilespmem:s30+$0xFFFFFF40]  }
0xe6: {  	v0 =	vadd.f32 v2, v0  }
0xe7: {  	v2 =	vld [tilespmem:s30+$0xFFFFFF80]  }
0xe8: {  	v0 =	vadd.f32 v3, v0  }
0xe9: {  	v3 =	vld [tilespmem:s30+$0xFFFFFFC0]  }
0xea: {  	v0 =	vadd.f32 v1, v0  }
0xeb: {  	v1 =	vld [tilespmem:s30+$0x0]  }
0xec: {  	v0 =	vadd.f32 v2, v0  }
0xed: {  	v2 =	vld [tilespmem:s30+$0x40]  }
0xee: {  	v0 =	vadd.f32 v3, v0  }
0xef: {  	v3 =	vld [tilespmem:s30+$0x80]  }
0xf0: {  	v0 =	vadd.f32 v1, v0  }
0xf1: {  	v1 =	vld [tilespmem:s30+$0xC0]  }
0xf2: {  	v0 =	vadd.f32 v2, v0  }
0xf3: {  	v2 =	vld [tilespmem:s30+$0x100]  }
0xf4: {  	v0 =	vadd.f32 v3, v0  }
0xf5: {  	v3 =	vld [tilespmem:s30+$0x140]  }
0xf6: {  	v0 =	vadd.f32 v1, v0  }
0xf7: {  	v1 =	vld [tilespmem:s30+$0x180]  }
0xf8: {  	v0 =	vadd.f32 v2, v0  }
0xf9: {  	v2 =	vld [tilespmem:s30+$0x1C0]  }
0xfa: {  	v0 =	vadd.f32 v3, v0  }
0xfb: {  	v3 =	vld [tilespmem:s30+$0x200]  }
0xfc: {  	v0 =	vadd.f32 v1, v0  }
0xfd: {  	v1 =	vld [tilespmem:s30+$0x240]  }
0xfe: {  	v0 =	vadd.f32 v2, v0;
	_ =	sdelay $0x1  }
0xff: {  	v0 =	vadd.f32 v3, v0;
	_ =	sdelay $0x1  }
0x100: {  	v0 =	vadd.f32 v1, v0;
	_ =	sdelay $0x1  }
0x101: {  	v0 =	vmul.f32 $5.000000070e-02, v0  }
0x102: {  	s31 =	sshra.s32 s0, $0x2  }
0x103: {  	[tilespmem:s31+$0x14A00] =	vst v0  }
0x104: {  	v0 =	vld [tilespmem:s30+$0xFFFFFD90]  }
0x105: {  	v1 =	vld [tilespmem:s30+$0xFFFFFDD0];
	_ =	sdelay $0x1  }
0x106: {  	v2 =	vld [tilespmem:s30+$0xFFFFFE10];
	_ =	sdelay $0x1  }
0x107: {  	v3 =	vld [tilespmem:s30+$0xFFFFFE50]  }
0x108: {  	v0 =	vadd.f32 v1, v0  }
0x109: {  	v1 =	vld [tilespmem:s30+$0xFFFFFE90]  }
0x10a: {  	v0 =	vadd.f32 v2, v0  }
0x10b: {  	v2 =	vld [tilespmem:s30+$0xFFFFFED0]  }
0x10c: {  	v0 =	vadd.f32 v3, v0  }
0x10d: {  	v3 =	vld [tilespmem:s30+$0xFFFFFF10]  }
0x10e: {  	v0 =	vadd.f32 v1, v0  }
0x10f: {  	v1 =	vld [tilespmem:s30+$0xFFFFFF50]  }
0x110: {  	v0 =	vadd.f32 v2, v0  }
0x111: {  	v2 =	vld [tilespmem:s30+$0xFFFFFF90]  }
0x112: {  	v0 =	vadd.f32 v3, v0  }
0x113: {  	v3 =	vld [tilespmem:s30+$0xFFFFFFD0]  }
0x114: {  	v0 =	vadd.f32 v1, v0  }
0x115: {  	v1 =	vld [tilespmem:s30+$0x10]  }
0x116: {  	v0 =	vadd.f32 v2, v0  }
0x117: {  	v2 =	vld [tilespmem:s30+$0x50]  }
0x118: {  	v0 =	vadd.f32 v3, v0  }
0x119: {  	v3 =	vld [tilespmem:s30+$0x90]  }
0x11a: {  	v0 =	vadd.f32 v1, v0  }
0x11b: {  	v1 =	vld [tilespmem:s30+$0xD0]  }
0x11c: {  	v0 =	vadd.f32 v2, v0  }
0x11d: {  	v2 =	vld [tilespmem:s30+$0x110]  }
0x11e: {  	v0 =	vadd.f32 v3, v0  }
0x11f: {  	v3 =	vld [tilespmem:s30+$0x150]  }
0x120: {  	v0 =	vadd.f32 v1, v0  }
0x121: {  	v1 =	vld [tilespmem:s30+$0x190]  }
0x122: {  	v0 =	vadd.f32 v2, v0  }
0x123: {  	v2 =	vld [tilespmem:s30+$0x1D0]  }
0x124: {  	v0 =	vadd.f32 v3, v0  }
0x125: {  	v3 =	vld [tilespmem:s30+$0x210]  }
0x126: {  	v0 =	vadd.f32 v1, v0  }
0x127: {  	v1 =	vld [tilespmem:s30+$0x250]  }
0x128: {  	v0 =	vadd.f32 v2, v0;
	_ =	sdelay $0x1  }
0x129: {  	v0 =	vadd.f32 v3, v0;
	_ =	sdelay $0x1  }
0x12a: {  	v0 =	vadd.f32 v1, v0;
	_ =	sdelay $0x1  }
0x12b: {  	v0 =	vmul.f32 $5.000000070e-02, v0;
	_ =	sdelay $0x1  }
0x12c: {  	[tilespmem:s31+$0x14A10] =	vst v0  }
0x12d: {  	v0 =	vld [tilespmem:s30+$0xFFFFFDA0]  }
0x12e: {  	v1 =	vld [tilespmem:s30+$0xFFFFFDE0];
	_ =	sdelay $0x1  }
0x12f: {  	v2 =	vld [tilespmem:s30+$0xFFFFFE20];
	_ =	sdelay $0x1  }
0x130: {  	v3 =	vld [tilespmem:s30+$0xFFFFFE60]  }
0x131: {  	v0 =	vadd.f32 v1, v0  }
0x132: {  	v1 =	vld [tilespmem:s30+$0xFFFFFEA0]  }
0x133: {  	v0 =	vadd.f32 v2, v0  }
0x134: {  	v2 =	vld [tilespmem:s30+$0xFFFFFEE0]  }
0x135: {  	v0 =	vadd.f32 v3, v0  }
0x136: {  	v3 =	vld [tilespmem:s30+$0xFFFFFF20]  }
0x137: {  	v0 =	vadd.f32 v1, v0  }
0x138: {  	v1 =	vld [tilespmem:s30+$0xFFFFFF60]  }
0x139: {  	v0 =	vadd.f32 v2, v0  }
0x13a: {  	v2 =	vld [tilespmem:s30+$0xFFFFFFA0]  }
0x13b: {  	v0 =	vadd.f32 v3, v0  }
0x13c: {  	v3 =	vld [tilespmem:s30+$0xFFFFFFE0]  }
0x13d: {  	v0 =	vadd.f32 v1, v0  }
0x13e: {  	v1 =	vld [tilespmem:s30+$0x20]  }
0x13f: {  	v0 =	vadd.f32 v2, v0  }
0x140: {  	v2 =	vld [tilespmem:s30+$0x60]  }
0x141: {  	v0 =	vadd.f32 v3, v0  }
0x142: {  	v3 =	vld [tilespmem:s30+$0xA0]  }
0x143: {  	v0 =	vadd.f32 v1, v0  }
0x144: {  	v1 =	vld [tilespmem:s30+$0xE0]  }
0x145: {  	v0 =	vadd.f32 v2, v0  }
0x146: {  	v2 =	vld [tilespmem:s30+$0x120]  }
0x147: {  	v0 =	vadd.f32 v3, v0  }
0x148: {  	v3 =	vld [tilespmem:s30+$0x160]  }
0x149: {  	v0 =	vadd.f32 v1, v0  }
0x14a: {  	v1 =	vld [tilespmem:s30+$0x1A0]  }
0x14b: {  	v0 =	vadd.f32 v2, v0  }
0x14c: {  	v2 =	vld [tilespmem:s30+$0x1E0]  }
0x14d: {  	v0 =	vadd.f32 v3, v0  }
0x14e: {  	v3 =	vld [tilespmem:s30+$0x220]  }
0x14f: {  	v0 =	vadd.f32 v1, v0  }
0x150: {  	v1 =	vld [tilespmem:s30+$0x260]  }
0x151: {  	v0 =	vadd.f32 v2, v0;
	_ =	sdelay $0x1  }
0x152: {  	v0 =	vadd.f32 v3, v0;
	_ =	sdelay $0x1  }
0x153: {  	v0 =	vadd.f32 v1, v0;
	_ =	sdelay $0x1  }
0x154: {  	v0 =	vmul.f32 $5.000000070e-02, v0;
	_ =	sdelay $0x1  }
0x155: {  	[tilespmem:s31+$0x14A20] =	vst v0  }
0x156: {  	v0 =	vld [tilespmem:s30+$0xFFFFFDB0]  }
0x157: {  	v1 =	vld [tilespmem:s30+$0xFFFFFDF0]  }
0x158: {  	v2 =	vld [tilespmem:s30+$0xFFFFFE30]  }
0x159: {  	v3 =	vld [tilespmem:s30+$0xFFFFFE70]  }
0x15a: {  	v4 =	vld [tilespmem:s30+$0xFFFFFEB0]  }
0x15b: {  	v5 =	vld [tilespmem:s30+$0xFFFFFEF0]  }
0x15c: {  	v0 =	vadd.f32 v1, v0;
	v1 =	vld [tilespmem:s30+$0xFFFFFF30]  }
0x15d: {  	v6 =	vld [tilespmem:s30+$0xFFFFFF70]  }
0x15e: {  	v0 =	vadd.f32 v2, v0;
	v2 =	vld [tilespmem:s30+$0xFFFFFFB0]  }
0x15f: {  	v7 =	vld [tilespmem:s30+$0xFFFFFFF0]  }
0x160: {  	v0 =	vadd.f32 v3, v0;
	v3 =	vld [tilespmem:s30+$0x30]  }
0x161: {  	v8 =	vld [tilespmem:s30+$0x70]  }
0x162: {  	v0 =	vadd.f32 v4, v0;
	v4 =	vld [tilespmem:s30+$0xB0]  }
0x163: {  	v9 =	vld [tilespmem:s30+$0xF0]  }
0x164: {  	v0 =	vadd.f32 v5, v0;
	v5 =	vld [tilespmem:s30+$0x130]  }
0x165: {  	v10 =	vld [tilespmem:s30+$0x170]  }
0x166: {  	v0 =	vadd.f32 v1, v0;
	v1 =	vld [tilespmem:s30+$0x1B0]  }
0x167: {  	v11 =	vld [tilespmem:s30+$0x1F0]  }
0x168: {  	v6 =	vadd.f32 v6, v0;
	v12 =	vld [tilespmem:s30+$0x230]  }
0x169: {  	v0 =	vld [tilespmem:s30+$0x270]  }
0x16a: {  	v2 =	vadd.f32 v2, v6;
	_ =	sdelay $0x1  }
0x16b: {  	v2 =	vadd.f32 v7, v2;
	_ =	sdelay $0x1  }
0x16c: {  	v2 =	vadd.f32 v3, v2;
	_ =	sdelay $0x1  }
0x16d: {  	v2 =	vadd.f32 v8, v2;
	_ =	sdelay $0x1  }
0x16e: {  	v2 =	vadd.f32 v4, v2;
	_ =	sdelay $0x1  }
0x16f: {  	v2 =	vadd.f32 v9, v2;
	_ =	sdelay $0x1  }
0x170: {  	v2 =	vadd.f32 v5, v2;
	_ =	sdelay $0x1  }
0x171: {  	v2 =	vadd.f32 v10, v2;
	_ =	sdelay $0x1  }
.Ltmp0:
0x172: {  	v1 =	vadd.f32 v1, v2;
	(pc) =	sbr.rel @p0 .LBB2_2-.Ltmp0, $3  }
0x173: {  	_ = 	snop  }
0x174: {  	v1 =	vadd.f32 v11, v1;
	_ =	sdelay $0x1  }
0x175: {  	v1 =	vadd.f32 v12, v1  }
0x176: {  	_ = 	snop  }
0x177: {  	v0 =	vadd.f32 v0, v1;
	_ =	sdelay $0x1  }
0x178: {  	v0 =	vmul.f32 $5.000000070e-02, v0;
	_ =	sdelay $0x1  }
0x179: {  	[tilespmem:s31+$0x14A30] =	vst v0  }
0x17a: {  	_ =	swait.ge [sflag:s29], $0x2000  }
0x17b: {  	[sflag:s29] =	ssyncset.done $0x0  }
0x17c: {  	[sflag:s29] =	ssyncadd.s32 $0xFFFFE000  }
0x17d: {  	_ =	swait.ge [sflag:s29], $0x2000  }
0x17e: {  	[sflag:s29] =	ssyncset.done $0x0  }
0x17f: {  	[sflag:s29] =	ssyncadd.s32 $0xFFFFE000  }
0x180: {  	_ =	swait.ge [sflag:s29], $0x2000  }
0x181: {  	[sflag:s29] =	ssyncset.done $0x0  }
0x182: {  	[sflag:s29] =	ssyncadd.s32 $0xFFFFE000  }
0x183: {  	_ =	swait.ge [sflag:s29], $0x2000  }
0x184: {  	[sflag:s29] =	ssyncset.done $0x0  }
0x185: {  	[sflag:s29] =	ssyncadd.s32 $0xFFFFE000  }
0x186: {  	_ =	swait.ge [sflag:s29], $0x2000  }
0x187: {  	[sflag:s29] =	ssyncset.done $0x0  }
0x188: {  	s0 =	simm.s32 $0x500;
	[sflag:s29] =	ssyncadd.s32 $0xFFFFE000  }
0x189: {  	[tilespmem:s9], [sflag:$0x1] =	stream.indirect.gather [hbm4b:s3+s8], $0x40, s0, s8, $0xb8;
	[tilespmem:$0x18A00] =	vst v63  }
0x18a: {  	s1 =	simm.s32 $0x580  }
0x18b: {  	[tilespmem:s10], [sflag:$0x1] =	stream.indirect.gather [hbm4b:s3+s8], $0x40, s1, s8, $0xb8;
	[tilespmem:$0x18A00] =	vst v63  }
0x18c: {  	s1 =	simm.s32 $0x600  }
0x18d: {  	[tilespmem:s12], [sflag:$0x1] =	stream.indirect.gather [hbm4b:s3+s8], $0x40, s1, s8, $0xb8;
	[tilespmem:$0x18A00] =	vst v63  }
0x18e: {  	s1 =	simm.s32 $0x680  }
0x18f: {  	[tilespmem:s14], [sflag:$0x1] =	stream.indirect.gather [hbm4b:s3+s8], $0x40, s1, s8, $0xb8;
	[tilespmem:$0x18A00] =	vst v63  }
0x190: {  	s1 =	simm.s32 $0x0  }
0x191: {  	[tilespmem:s16], [sflag:$0x1] =	stream.indirect.gather [hbm4b:s3+s8], $0x40, s11, s8, $0xb8;
	[tilespmem:$0x18A00] =	vst v63  }
0x192: {  	v0 =	vld [tilespmem:s1+$0xAA00]  }
0x193: {  	v1 =	vld [tilespmem:s1+$0xAA40];
	_ =	sdelay $0x1  }
0x194: {  	v2 =	vld [tilespmem:s1+$0xAA80];
	_ =	sdelay $0x1  }
0x195: {  	v3 =	vld [tilespmem:s1+$0xAAC0]  }
0x196: {  	v0 =	vadd.f32 v1, v0  }
0x197: {  	v1 =	vld [tilespmem:s1+$0xAB00]  }
0x198: {  	v0 =	vadd.f32 v2, v0  }
0x199: {  	v2 =	vld [tilespmem:s1+$0xAB40]  }
0x19a: {  	v0 =	vadd.f32 v3, v0  }
0x19b: {  	v3 =	vld [tilespmem:s1+$0xAB80]  }
0x19c: {  	v0 =	vadd.f32 v1, v0  }
0x19d: {  	v1 =	vld [tilespmem:s1+$0xABC0]  }
0x19e: {  	v0 =	vadd.f32 v2, v0  }
0x19f: {  	v2 =	vld [tilespmem:s1+$0xAC00]  }
0x1a0: {  	v0 =	vadd.f32 v3, v0  }
0x1a1: {  	v3 =	vld [tilespmem:s1+$0xAC40]  }
0x1a2: {  	v0 =	vadd.f32 v1, v0  }
0x1a3: {  	v1 =	vld [tilespmem:s1+$0xAC80]  }
0x1a4: {  	v0 =	vadd.f32 v2, v0  }
0x1a5: {  	v2 =	vld [tilespmem:s1+$0xACC0]  }
0x1a6: {  	v0 =	vadd.f32 v3, v0  }
0x1a7: {  	v3 =	vld [tilespmem:s1+$0xAD00]  }
0x1a8: {  	v0 =	vadd.f32 v1, v0  }
0x1a9: {  	v1 =	vld [tilespmem:s1+$0xAD40]  }
0x1aa: {  	v0 =	vadd.f32 v2, v0  }
0x1ab: {  	v2 =	vld [tilespmem:s1+$0xAD80]  }
0x1ac: {  	v0 =	vadd.f32 v3, v0  }
0x1ad: {  	v3 =	vld [tilespmem:s1+$0xADC0]  }
0x1ae: {  	v0 =	vadd.f32 v1, v0  }
0x1af: {  	v1 =	vld [tilespmem:s1+$0xAE00]  }
0x1b0: {  	v0 =	vadd.f32 v2, v0  }
0x1b1: {  	v2 =	vld [tilespmem:s1+$0xAE40]  }
0x1b2: {  	v0 =	vadd.f32 v3, v0  }
0x1b3: {  	v3 =	vld [tilespmem:s1+$0xAE80]  }
0x1b4: {  	v0 =	vadd.f32 v1, v0  }
0x1b5: {  	v1 =	vld [tilespmem:s1+$0xAEC0]  }
0x1b6: {  	v0 =	vadd.f32 v2, v0;
	_ =	sdelay $0x1  }
0x1b7: {  	v0 =	vadd.f32 v3, v0;
	_ =	sdelay $0x1  }
0x1b8: {  	v0 =	vadd.f32 v1, v0;
	_ =	sdelay $0x1  }
0x1b9: {  	v0 =	vmul.f32 $5.000000070e-02, v0  }
0x1ba: {  	s30 =	simm.s32 $0x15A30  }
0x1bb: {  	[tilespmem:s30+$0xFFFFFFD0] =	vst v0  }
0x1bc: {  	v0 =	vld [tilespmem:s1+$0xAA10]  }
0x1bd: {  	v1 =	vld [tilespmem:s1+$0xAA50];
	_ =	sdelay $0x1  }
0x1be: {  	v2 =	vld [tilespmem:s1+$0xAA90];
	_ =	sdelay $0x1  }
0x1bf: {  	v3 =	vld [tilespmem:s1+$0xAAD0]  }
0x1c0: {  	v0 =	vadd.f32 v1, v0  }
0x1c1: {  	v1 =	vld [tilespmem:s1+$0xAB10]  }
0x1c2: {  	v0 =	vadd.f32 v2, v0  }
0x1c3: {  	v2 =	vld [tilespmem:s1+$0xAB50]  }
0x1c4: {  	v0 =	vadd.f32 v3, v0  }
0x1c5: {  	v3 =	vld [tilespmem:s1+$0xAB90]  }
0x1c6: {  	v0 =	vadd.f32 v1, v0  }
0x1c7: {  	v1 =	vld [tilespmem:s1+$0xABD0]  }
0x1c8: {  	v0 =	vadd.f32 v2, v0  }
0x1c9: {  	v2 =	vld [tilespmem:s1+$0xAC10]  }
0x1ca: {  	v0 =	vadd.f32 v3, v0  }
0x1cb: {  	v3 =	vld [tilespmem:s1+$0xAC50]  }
0x1cc: {  	v0 =	vadd.f32 v1, v0  }
0x1cd: {  	v1 =	vld [tilespmem:s1+$0xAC90]  }
0x1ce: {  	v0 =	vadd.f32 v2, v0  }
0x1cf: {  	v2 =	vld [tilespmem:s1+$0xACD0]  }
0x1d0: {  	v0 =	vadd.f32 v3, v0  }
0x1d1: {  	v3 =	vld [tilespmem:s1+$0xAD10]  }
0x1d2: {  	v0 =	vadd.f32 v1, v0  }
0x1d3: {  	v1 =	vld [tilespmem:s1+$0xAD50]  }
0x1d4: {  	v0 =	vadd.f32 v2, v0  }
0x1d5: {  	v2 =	vld [tilespmem:s1+$0xAD90]  }
0x1d6: {  	v0 =	vadd.f32 v3, v0  }
0x1d7: {  	v3 =	vld [tilespmem:s1+$0xADD0]  }
0x1d8: {  	v0 =	vadd.f32 v1, v0  }
0x1d9: {  	v1 =	vld [tilespmem:s1+$0xAE10]  }
0x1da: {  	v0 =	vadd.f32 v2, v0  }
0x1db: {  	v2 =	vld [tilespmem:s1+$0xAE50]  }
0x1dc: {  	v0 =	vadd.f32 v3, v0  }
0x1dd: {  	v3 =	vld [tilespmem:s1+$0xAE90]  }
0x1de: {  	v0 =	vadd.f32 v1, v0  }
0x1df: {  	v1 =	vld [tilespmem:s1+$0xAED0]  }
0x1e0: {  	v0 =	vadd.f32 v2, v0;
	_ =	sdelay $0x1  }
0x1e1: {  	v0 =	vadd.f32 v3, v0;
	_ =	sdelay $0x1  }
0x1e2: {  	v0 =	vadd.f32 v1, v0;
	_ =	sdelay $0x1  }
0x1e3: {  	v0 =	vmul.f32 $5.000000070e-02, v0;
	_ =	sdelay $0x1  }
0x1e4: {  	[tilespmem:s30+$0xFFFFFFE0] =	vst v0  }
0x1e5: {  	v0 =	vld [tilespmem:s1+$0xAA20]  }
0x1e6: {  	v1 =	vld [tilespmem:s1+$0xAA60];
	_ =	sdelay $0x1  }
0x1e7: {  	v2 =	vld [tilespmem:s1+$0xAAA0];
	_ =	sdelay $0x1  }
0x1e8: {  	v3 =	vld [tilespmem:s1+$0xAAE0]  }
0x1e9: {  	v0 =	vadd.f32 v1, v0  }
0x1ea: {  	v1 =	vld [tilespmem:s1+$0xAB20]  }
0x1eb: {  	v0 =	vadd.f32 v2, v0  }
0x1ec: {  	v2 =	vld [tilespmem:s1+$0xAB60]  }
0x1ed: {  	v0 =	vadd.f32 v3, v0  }
0x1ee: {  	v3 =	vld [tilespmem:s1+$0xABA0]  }
0x1ef: {  	v0 =	vadd.f32 v1, v0  }
0x1f0: {  	v1 =	vld [tilespmem:s1+$0xABE0]  }
0x1f1: {  	v0 =	vadd.f32 v2, v0  }
0x1f2: {  	v2 =	vld [tilespmem:s1+$0xAC20]  }
0x1f3: {  	v0 =	vadd.f32 v3, v0  }
0x1f4: {  	v3 =	vld [tilespmem:s1+$0xAC60]  }
0x1f5: {  	v0 =	vadd.f32 v1, v0  }
0x1f6: {  	v1 =	vld [tilespmem:s1+$0xACA0]  }
0x1f7: {  	v0 =	vadd.f32 v2, v0  }
0x1f8: {  	v2 =	vld [tilespmem:s1+$0xACE0]  }
0x1f9: {  	v0 =	vadd.f32 v3, v0  }
0x1fa: {  	v3 =	vld [tilespmem:s1+$0xAD20]  }
0x1fb: {  	v0 =	vadd.f32 v1, v0  }
0x1fc: {  	v1 =	vld [tilespmem:s1+$0xAD60]  }
0x1fd: {  	v0 =	vadd.f32 v2, v0  }
0x1fe: {  	v2 =	vld [tilespmem:s1+$0xADA0]  }
0x1ff: {  	v0 =	vadd.f32 v3, v0  }
0x200: {  	v3 =	vld [tilespmem:s1+$0xADE0]  }
0x201: {  	v0 =	vadd.f32 v1, v0  }
0x202: {  	v1 =	vld [tilespmem:s1+$0xAE20]  }
0x203: {  	v0 =	vadd.f32 v2, v0  }
0x204: {  	v2 =	vld [tilespmem:s1+$0xAE60]  }
0x205: {  	v0 =	vadd.f32 v3, v0  }
0x206: {  	v3 =	vld [tilespmem:s1+$0xAEA0]  }
0x207: {  	v0 =	vadd.f32 v1, v0  }
0x208: {  	v1 =	vld [tilespmem:s1+$0xAEE0]  }
0x209: {  	v0 =	vadd.f32 v2, v0;
	_ =	sdelay $0x1  }
0x20a: {  	v0 =	vadd.f32 v3, v0;
	_ =	sdelay $0x1  }
0x20b: {  	v0 =	vadd.f32 v1, v0;
	_ =	sdelay $0x1  }
0x20c: {  	v0 =	vmul.f32 $5.000000070e-02, v0;
	_ =	sdelay $0x1  }
0x20d: {  	[tilespmem:s30+$0xFFFFFFF0] =	vst v0  }
0x20e: {  	v0 =	vld [tilespmem:s1+$0xAA30]  }
0x20f: {  	v1 =	vld [tilespmem:s1+$0xAA70];
	_ =	sdelay $0x1  }
0x210: {  	v2 =	vld [tilespmem:s1+$0xAAB0];
	_ =	sdelay $0x1  }
0x211: {  	v3 =	vld [tilespmem:s1+$0xAAF0]  }
0x212: {  	v0 =	vadd.f32 v1, v0  }
0x213: {  	v1 =	vld [tilespmem:s1+$0xAB30]  }
0x214: {  	v0 =	vadd.f32 v2, v0  }
0x215: {  	v2 =	vld [tilespmem:s1+$0xAB70]  }
0x216: {  	v0 =	vadd.f32 v3, v0  }
0x217: {  	v3 =	vld [tilespmem:s1+$0xABB0]  }
0x218: {  	v0 =	vadd.f32 v1, v0  }
0x219: {  	v1 =	vld [tilespmem:s1+$0xABF0]  }
0x21a: {  	v0 =	vadd.f32 v2, v0  }
0x21b: {  	v2 =	vld [tilespmem:s1+$0xAC30]  }
0x21c: {  	v0 =	vadd.f32 v3, v0  }
0x21d: {  	v3 =	vld [tilespmem:s1+$0xAC70]  }
0x21e: {  	v0 =	vadd.f32 v1, v0  }
0x21f: {  	v1 =	vld [tilespmem:s1+$0xACB0]  }
0x220: {  	v0 =	vadd.f32 v2, v0  }
0x221: {  	v2 =	vld [tilespmem:s1+$0xACF0]  }
0x222: {  	v0 =	vadd.f32 v3, v0  }
0x223: {  	v3 =	vld [tilespmem:s1+$0xAD30]  }
0x224: {  	v0 =	vadd.f32 v1, v0  }
0x225: {  	v1 =	vld [tilespmem:s1+$0xAD70]  }
0x226: {  	v0 =	vadd.f32 v2, v0  }
0x227: {  	v2 =	vld [tilespmem:s1+$0xADB0]  }
0x228: {  	v0 =	vadd.f32 v3, v0  }
0x229: {  	v3 =	vld [tilespmem:s1+$0xADF0]  }
0x22a: {  	v0 =	vadd.f32 v1, v0  }
0x22b: {  	v1 =	vld [tilespmem:s1+$0xAE30]  }
0x22c: {  	v0 =	vadd.f32 v2, v0  }
0x22d: {  	v2 =	vld [tilespmem:s1+$0xAE70]  }
0x22e: {  	v0 =	vadd.f32 v3, v0  }
0x22f: {  	v3 =	vld [tilespmem:s1+$0xAEB0]  }
0x230: {  	v0 =	vadd.f32 v1, v0;
	_ =	sdelay $0x1  }
0x231: {  	v1 =	vadd.f32 v2, v0;
	v0 =	vld [tilespmem:s1+$0xAEF0];
	_ =	sdelay $0x1  }
0x232: {  	s31 =	simm.s32 $0x1400;
	s1 =	simm.s32 $0x15A30;
	v1 =	vadd.f32 v3, v1  }
.LBB2_4:
0x233: {  	p0 =	sne.s32 s31, $0x26C00  }
0x234: {  	s30 =	sadd.s32 $0x80, s30;
	s0 =	smov.u32 s31;
	s31 =	sadd.s32 $0x1400, s31  }
0x235: {  	v0 =	vadd.f32 v0, v1;
	_ =	sdelay $0x1  }
0x236: {  	v0 =	vmul.f32 $5.000000070e-02, v0  }
0x237: {  	s0 =	sshra.s32 s0, $0x2  }
0x238: {  	[tilespmem:s1+$0x0] =	vst v0;
	s1 =	smov.u32 s30  }
0x239: {  	v0 =	vld [tilespmem:s0+$0xAA00]  }
0x23a: {  	v1 =	vld [tilespmem:s0+$0xAA40];
	_ =	sdelay $0x1  }
0x23b: {  	v2 =	vld [tilespmem:s0+$0xAA80];
	_ =	sdelay $0x1  }
0x23c: {  	v3 =	vld [tilespmem:s0+$0xAAC0]  }
0x23d: {  	v0 =	vadd.f32 v1, v0  }
0x23e: {  	v1 =	vld [tilespmem:s0+$0xAB00]  }
0x23f: {  	v0 =	vadd.f32 v2, v0  }
0x240: {  	v2 =	vld [tilespmem:s0+$0xAB40]  }
0x241: {  	v0 =	vadd.f32 v3, v0  }
0x242: {  	v3 =	vld [tilespmem:s0+$0xAB80]  }
0x243: {  	v0 =	vadd.f32 v1, v0  }
0x244: {  	v1 =	vld [tilespmem:s0+$0xABC0]  }
0x245: {  	v0 =	vadd.f32 v2, v0  }
0x246: {  	v2 =	vld [tilespmem:s0+$0xAC00]  }
0x247: {  	v0 =	vadd.f32 v3, v0  }
0x248: {  	v3 =	vld [tilespmem:s0+$0xAC40]  }
0x249: {  	v0 =	vadd.f32 v1, v0  }
0x24a: {  	v1 =	vld [tilespmem:s0+$0xAC80]  }
0x24b: {  	v0 =	vadd.f32 v2, v0  }
0x24c: {  	v2 =	vld [tilespmem:s0+$0xACC0]  }
0x24d: {  	v0 =	vadd.f32 v3, v0  }
0x24e: {  	v3 =	vld [tilespmem:s0+$0xAD00]  }
0x24f: {  	v0 =	vadd.f32 v1, v0  }
0x250: {  	v1 =	vld [tilespmem:s0+$0xAD40]  }
0x251: {  	v0 =	vadd.f32 v2, v0  }
0x252: {  	v2 =	vld [tilespmem:s0+$0xAD80]  }
0x253: {  	v0 =	vadd.f32 v3, v0  }
0x254: {  	v3 =	vld [tilespmem:s0+$0xADC0]  }
0x255: {  	v0 =	vadd.f32 v1, v0  }
0x256: {  	v1 =	vld [tilespmem:s0+$0xAE00]  }
0x257: {  	v0 =	vadd.f32 v2, v0  }
0x258: {  	v2 =	vld [tilespmem:s0+$0xAE40]  }
0x259: {  	v0 =	vadd.f32 v3, v0  }
0x25a: {  	v3 =	vld [tilespmem:s0+$0xAE80]  }
0x25b: {  	v0 =	vadd.f32 v1, v0  }
0x25c: {  	v1 =	vld [tilespmem:s0+$0xAEC0]  }
0x25d: {  	v0 =	vadd.f32 v2, v0;
	_ =	sdelay $0x1  }
0x25e: {  	v0 =	vadd.f32 v3, v0;
	_ =	sdelay $0x1  }
0x25f: {  	v0 =	vadd.f32 v1, v0;
	_ =	sdelay $0x1  }
0x260: {  	v0 =	vmul.f32 $5.000000070e-02, v0;
	_ =	sdelay $0x1  }
0x261: {  	[tilespmem:s30+$0xFFFFFFD0] =	vst v0  }
0x262: {  	v0 =	vld [tilespmem:s0+$0xAA10]  }
0x263: {  	v1 =	vld [tilespmem:s0+$0xAA50];
	_ =	sdelay $0x1  }
0x264: {  	v2 =	vld [tilespmem:s0+$0xAA90];
	_ =	sdelay $0x1  }
0x265: {  	v3 =	vld [tilespmem:s0+$0xAAD0]  }
0x266: {  	v0 =	vadd.f32 v1, v0  }
0x267: {  	v1 =	vld [tilespmem:s0+$0xAB10]  }
0x268: {  	v0 =	vadd.f32 v2, v0  }
0x269: {  	v2 =	vld [tilespmem:s0+$0xAB50]  }
0x26a: {  	v0 =	vadd.f32 v3, v0  }
0x26b: {  	v3 =	vld [tilespmem:s0+$0xAB90]  }
0x26c: {  	v0 =	vadd.f32 v1, v0  }
0x26d: {  	v1 =	vld [tilespmem:s0+$0xABD0]  }
0x26e: {  	v0 =	vadd.f32 v2, v0  }
0x26f: {  	v2 =	vld [tilespmem:s0+$0xAC10]  }
0x270: {  	v0 =	vadd.f32 v3, v0  }
0x271: {  	v3 =	vld [tilespmem:s0+$0xAC50]  }
0x272: {  	v0 =	vadd.f32 v1, v0  }
0x273: {  	v1 =	vld [tilespmem:s0+$0xAC90]  }
0x274: {  	v0 =	vadd.f32 v2, v0  }
0x275: {  	v2 =	vld [tilespmem:s0+$0xACD0]  }
0x276: {  	v0 =	vadd.f32 v3, v0  }
0x277: {  	v3 =	vld [tilespmem:s0+$0xAD10]  }
0x278: {  	v0 =	vadd.f32 v1, v0  }
0x279: {  	v1 =	vld [tilespmem:s0+$0xAD50]  }
0x27a: {  	v0 =	vadd.f32 v2, v0  }
0x27b: {  	v2 =	vld [tilespmem:s0+$0xAD90]  }
0x27c: {  	v0 =	vadd.f32 v3, v0  }
0x27d: {  	v3 =	vld [tilespmem:s0+$0xADD0]  }
0x27e: {  	v0 =	vadd.f32 v1, v0  }
0x27f: {  	v1 =	vld [tilespmem:s0+$0xAE10]  }
0x280: {  	v0 =	vadd.f32 v2, v0  }
0x281: {  	v2 =	vld [tilespmem:s0+$0xAE50]  }
0x282: {  	v0 =	vadd.f32 v3, v0  }
0x283: {  	v3 =	vld [tilespmem:s0+$0xAE90]  }
0x284: {  	v0 =	vadd.f32 v1, v0  }
0x285: {  	v1 =	vld [tilespmem:s0+$0xAED0]  }
0x286: {  	v0 =	vadd.f32 v2, v0;
	_ =	sdelay $0x1  }
0x287: {  	v0 =	vadd.f32 v3, v0;
	_ =	sdelay $0x1  }
0x288: {  	v0 =	vadd.f32 v1, v0;
	_ =	sdelay $0x1  }
0x289: {  	v0 =	vmul.f32 $5.000000070e-02, v0;
	_ =	sdelay $0x1  }
0x28a: {  	[tilespmem:s30+$0xFFFFFFE0] =	vst v0  }
0x28b: {  	v0 =	vld [tilespmem:s0+$0xAA20]  }
0x28c: {  	v1 =	vld [tilespmem:s0+$0xAA60];
	_ =	sdelay $0x1  }
0x28d: {  	v2 =	vld [tilespmem:s0+$0xAAA0];
	_ =	sdelay $0x1  }
0x28e: {  	v3 =	vld [tilespmem:s0+$0xAAE0]  }
0x28f: {  	v0 =	vadd.f32 v1, v0  }
0x290: {  	v1 =	vld [tilespmem:s0+$0xAB20]  }
0x291: {  	v0 =	vadd.f32 v2, v0  }
0x292: {  	v2 =	vld [tilespmem:s0+$0xAB60]  }
0x293: {  	v0 =	vadd.f32 v3, v0  }
0x294: {  	v3 =	vld [tilespmem:s0+$0xABA0]  }
0x295: {  	v0 =	vadd.f32 v1, v0  }
0x296: {  	v1 =	vld [tilespmem:s0+$0xABE0]  }
0x297: {  	v0 =	vadd.f32 v2, v0  }
0x298: {  	v2 =	vld [tilespmem:s0+$0xAC20]  }
0x299: {  	v0 =	vadd.f32 v3, v0  }
0x29a: {  	v3 =	vld [tilespmem:s0+$0xAC60]  }
0x29b: {  	v0 =	vadd.f32 v1, v0  }
0x29c: {  	v1 =	vld [tilespmem:s0+$0xACA0]  }
0x29d: {  	v0 =	vadd.f32 v2, v0  }
0x29e: {  	v2 =	vld [tilespmem:s0+$0xACE0]  }
0x29f: {  	v0 =	vadd.f32 v3, v0  }
0x2a0: {  	v3 =	vld [tilespmem:s0+$0xAD20]  }
0x2a1: {  	v0 =	vadd.f32 v1, v0  }
0x2a2: {  	v1 =	vld [tilespmem:s0+$0xAD60]  }
0x2a3: {  	v0 =	vadd.f32 v2, v0  }
0x2a4: {  	v2 =	vld [tilespmem:s0+$0xADA0]  }
0x2a5: {  	v0 =	vadd.f32 v3, v0  }
0x2a6: {  	v3 =	vld [tilespmem:s0+$0xADE0]  }
0x2a7: {  	v0 =	vadd.f32 v1, v0  }
0x2a8: {  	v1 =	vld [tilespmem:s0+$0xAE20]  }
0x2a9: {  	v0 =	vadd.f32 v2, v0  }
0x2aa: {  	v2 =	vld [tilespmem:s0+$0xAE60]  }
0x2ab: {  	v0 =	vadd.f32 v3, v0  }
0x2ac: {  	v3 =	vld [tilespmem:s0+$0xAEA0]  }
0x2ad: {  	v0 =	vadd.f32 v1, v0  }
0x2ae: {  	v1 =	vld [tilespmem:s0+$0xAEE0]  }
0x2af: {  	v0 =	vadd.f32 v2, v0;
	_ =	sdelay $0x1  }
0x2b0: {  	v0 =	vadd.f32 v3, v0;
	_ =	sdelay $0x1  }
0x2b1: {  	v0 =	vadd.f32 v1, v0;
	_ =	sdelay $0x1  }
0x2b2: {  	v0 =	vmul.f32 $5.000000070e-02, v0;
	_ =	sdelay $0x1  }
0x2b3: {  	[tilespmem:s30+$0xFFFFFFF0] =	vst v0  }
0x2b4: {  	v0 =	vld [tilespmem:s0+$0xAA30]  }
0x2b5: {  	v1 =	vld [tilespmem:s0+$0xAA70]  }
0x2b6: {  	v2 =	vld [tilespmem:s0+$0xAAB0]  }
0x2b7: {  	v3 =	vld [tilespmem:s0+$0xAAF0]  }
0x2b8: {  	v4 =	vld [tilespmem:s0+$0xAB30]  }
0x2b9: {  	v5 =	vld [tilespmem:s0+$0xAB70]  }
0x2ba: {  	v0 =	vadd.f32 v1, v0;
	v1 =	vld [tilespmem:s0+$0xABB0]  }
0x2bb: {  	v6 =	vld [tilespmem:s0+$0xABF0]  }
0x2bc: {  	v0 =	vadd.f32 v2, v0;
	v2 =	vld [tilespmem:s0+$0xAC30]  }
0x2bd: {  	v7 =	vld [tilespmem:s0+$0xAC70]  }
0x2be: {  	v0 =	vadd.f32 v3, v0;
	v3 =	vld [tilespmem:s0+$0xACB0]  }
0x2bf: {  	v8 =	vld [tilespmem:s0+$0xACF0]  }
0x2c0: {  	v0 =	vadd.f32 v4, v0;
	v4 =	vld [tilespmem:s0+$0xAD30]  }
0x2c1: {  	v9 =	vld [tilespmem:s0+$0xAD70]  }
0x2c2: {  	v0 =	vadd.f32 v5, v0;
	v5 =	vld [tilespmem:s0+$0xADB0]  }
0x2c3: {  	v10 =	vld [tilespmem:s0+$0xADF0]  }
0x2c4: {  	v0 =	vadd.f32 v1, v0;
	v1 =	vld [tilespmem:s0+$0xAE30]  }
0x2c5: {  	v11 =	vld [tilespmem:s0+$0xAE70]  }
0x2c6: {  	v6 =	vadd.f32 v6, v0;
	v12 =	vld [tilespmem:s0+$0xAEB0]  }
0x2c7: {  	v0 =	vld [tilespmem:s0+$0xAEF0]  }
0x2c8: {  	v2 =	vadd.f32 v2, v6;
	_ =	sdelay $0x1  }
0x2c9: {  	v2 =	vadd.f32 v7, v2;
	_ =	sdelay $0x1  }
0x2ca: {  	v2 =	vadd.f32 v3, v2;
	_ =	sdelay $0x1  }
0x2cb: {  	v2 =	vadd.f32 v8, v2;
	_ =	sdelay $0x1  }
0x2cc: {  	v2 =	vadd.f32 v4, v2;
	_ =	sdelay $0x1  }
0x2cd: {  	v2 =	vadd.f32 v9, v2;
	_ =	sdelay $0x1  }
0x2ce: {  	v2 =	vadd.f32 v5, v2;
	_ =	sdelay $0x1  }
0x2cf: {  	v2 =	vadd.f32 v10, v2;
	_ =	sdelay $0x1  }
.Ltmp1:
0x2d0: {  	v1 =	vadd.f32 v1, v2;
	(pc) =	sbr.rel @p0 .LBB2_4-.Ltmp1, $3  }
0x2d1: {  	_ = 	snop  }
0x2d2: {  	v1 =	vadd.f32 v11, v1;
	_ =	sdelay $0x1  }
0x2d3: {  	v1 =	vadd.f32 v12, v1  }
0x2d4: {  	_ = 	snop  }
0x2d5: {  	v0 =	vadd.f32 v0, v1;
	_ =	sdelay $0x1  }
0x2d6: {  	v0 =	vmul.f32 $5.000000070e-02, v0;
	_ =	sdelay $0x1  }
0x2d7: {  	[tilespmem:s1+$0x0] =	vst v0  }
0x2d8: {  	_ =	swait.ge [sflag:s17], $0x2000  }
0x2d9: {  	[sflag:s17] =	ssyncset.done $0x0  }
0x2da: {  	[sflag:s17] =	ssyncadd.s32 $0xFFFFE000  }
0x2db: {  	_ =	swait.ge [sflag:s17], $0x2000  }
0x2dc: {  	[sflag:s17] =	ssyncset.done $0x0  }
0x2dd: {  	[sflag:s17] =	ssyncadd.s32 $0xFFFFE000  }
0x2de: {  	_ =	swait.ge [sflag:s17], $0x2000  }
0x2df: {  	[sflag:s17] =	ssyncset.done $0x0  }
0x2e0: {  	[sflag:s17] =	ssyncadd.s32 $0xFFFFE000  }
0x2e1: {  	_ =	swait.ge [sflag:s17], $0x2000  }
0x2e2: {  	[sflag:s17] =	ssyncset.done $0x0  }
0x2e3: {  	[sflag:s17] =	ssyncadd.s32 $0xFFFFE000  }
0x2e4: {  	_ =	swait.ge [sflag:s17], $0x2000  }
0x2e5: {  	[sflag:s17] =	ssyncset.done $0x0  }
0x2e6: {  	[sflag:s17] =	ssyncadd.s32 $0xFFFFE000  }
0x2e7: {  	[tilespmem:s19], [sflag:$0x2] =	stream.indirect.gather [hbm4b:s3+s8], $0x40, s13, s8, $0xb8;
	[tilespmem:$0x18A00] =	vst v63  }
0x2e8: {  	_ = 	snop  }
0x2e9: {  	[tilespmem:s21], [sflag:$0x2] =	stream.indirect.gather [hbm4b:s3+s8], $0x40, s15, s8, $0xb8;
	[tilespmem:$0x18A00] =	vst v63  }
0x2ea: {  	_ = 	snop  }
0x2eb: {  	[tilespmem:s23], [sflag:$0x2] =	stream.indirect.gather [hbm4b:s3+s8], $0x40, s18, s8, $0xb8;
	[tilespmem:$0x18A00] =	vst v63  }
0x2ec: {  	_ = 	snop  }
0x2ed: {  	[tilespmem:s25], [sflag:$0x2] =	stream.indirect.gather [hbm4b:s3+s8], $0x40, s20, s8, $0xb8;
	[tilespmem:$0x18A00] =	vst v63  }
0x2ee: {  	s30 =	simm.s32 $0xC80  }
0x2ef: {  	[tilespmem:s28], [sflag:$0x2] =	stream.indirect.gather [hbm4b:s3+s8], $0x40, s22, s8, $0xb8;
	[tilespmem:$0x18A00] =	vst v63  }
0x2f0: {  	v0 =	vld [tilespmem:s30+$0xFFFFFDC0]  }
0x2f1: {  	v1 =	vld [tilespmem:s30+$0xFFFFFD80];
	_ =	sdelay $0x1  }
0x2f2: {  	v2 =	vld [tilespmem:s30+$0xFFFFFE00];
	_ =	sdelay $0x1  }
0x2f3: {  	v3 =	vld [tilespmem:s30+$0xFFFFFE40]  }
0x2f4: {  	v0 =	vadd.f32 v0, v1  }
0x2f5: {  	v1 =	vld [tilespmem:s30+$0xFFFFFE80]  }
0x2f6: {  	v0 =	vadd.f32 v2, v0  }
0x2f7: {  	v2 =	vld [tilespmem:s30+$0xFFFFFEC0]  }
0x2f8: {  	v0 =	vadd.f32 v3, v0  }
0x2f9: {  	v3 =	vld [tilespmem:s30+$0xFFFFFF00]  }
0x2fa: {  	v0 =	vadd.f32 v1, v0  }
0x2fb: {  	v1 =	vld [tilespmem:s30+$0xFFFFFF40]  }
0x2fc: {  	v0 =	vadd.f32 v2, v0  }
0x2fd: {  	v2 =	vld [tilespmem:s30+$0xFFFFFF80]  }
0x2fe: {  	v0 =	vadd.f32 v3, v0  }
0x2ff: {  	v3 =	vld [tilespmem:s30+$0xFFFFFFC0]  }
0x300: {  	v0 =	vadd.f32 v1, v0  }
0x301: {  	v1 =	vld [tilespmem:s30+$0x0]  }
0x302: {  	v0 =	vadd.f32 v2, v0  }
0x303: {  	v2 =	vld [tilespmem:s30+$0x40]  }
0x304: {  	v0 =	vadd.f32 v3, v0  }
0x305: {  	v3 =	vld [tilespmem:s30+$0x80]  }
0x306: {  	v0 =	vadd.f32 v1, v0  }
0x307: {  	v1 =	vld [tilespmem:s30+$0xC0]  }
0x308: {  	v0 =	vadd.f32 v2, v0  }
0x309: {  	v2 =	vld [tilespmem:s30+$0x100]  }
0x30a: {  	v0 =	vadd.f32 v3, v0  }
0x30b: {  	v3 =	vld [tilespmem:s30+$0x140]  }
0x30c: {  	v0 =	vadd.f32 v1, v0  }
0x30d: {  	v1 =	vld [tilespmem:s30+$0x180]  }
0x30e: {  	v0 =	vadd.f32 v2, v0  }
0x30f: {  	v2 =	vld [tilespmem:s30+$0x1C0]  }
0x310: {  	v0 =	vadd.f32 v3, v0  }
0x311: {  	v3 =	vld [tilespmem:s30+$0x200]  }
0x312: {  	v0 =	vadd.f32 v1, v0  }
0x313: {  	v1 =	vld [tilespmem:s30+$0x240]  }
0x314: {  	v0 =	vadd.f32 v2, v0;
	_ =	sdelay $0x1  }
0x315: {  	v0 =	vadd.f32 v3, v0;
	_ =	sdelay $0x1  }
0x316: {  	v0 =	vadd.f32 v1, v0;
	_ =	sdelay $0x1  }
0x317: {  	v0 =	vmul.f32 $5.000000070e-02, v0  }
0x318: {  	s31 =	simm.s32 $0x0  }
0x319: {  	[tilespmem:s31+$0x16A00] =	vst v0  }
0x31a: {  	v0 =	vld [tilespmem:s30+$0xFFFFFD90]  }
0x31b: {  	v1 =	vld [tilespmem:s30+$0xFFFFFDD0];
	_ =	sdelay $0x1  }
0x31c: {  	v2 =	vld [tilespmem:s30+$0xFFFFFE10];
	_ =	sdelay $0x1  }
0x31d: {  	v3 =	vld [tilespmem:s30+$0xFFFFFE50]  }
0x31e: {  	v0 =	vadd.f32 v1, v0  }
0x31f: {  	v1 =	vld [tilespmem:s30+$0xFFFFFE90]  }
0x320: {  	v0 =	vadd.f32 v2, v0  }
0x321: {  	v2 =	vld [tilespmem:s30+$0xFFFFFED0]  }
0x322: {  	v0 =	vadd.f32 v3, v0  }
0x323: {  	v3 =	vld [tilespmem:s30+$0xFFFFFF10]  }
0x324: {  	v0 =	vadd.f32 v1, v0  }
0x325: {  	v1 =	vld [tilespmem:s30+$0xFFFFFF50]  }
0x326: {  	v0 =	vadd.f32 v2, v0  }
0x327: {  	v2 =	vld [tilespmem:s30+$0xFFFFFF90]  }
0x328: {  	v0 =	vadd.f32 v3, v0  }
0x329: {  	v3 =	vld [tilespmem:s30+$0xFFFFFFD0]  }
0x32a: {  	v0 =	vadd.f32 v1, v0  }
0x32b: {  	v1 =	vld [tilespmem:s30+$0x10]  }
0x32c: {  	v0 =	vadd.f32 v2, v0  }
0x32d: {  	v2 =	vld [tilespmem:s30+$0x50]  }
0x32e: {  	v0 =	vadd.f32 v3, v0  }
0x32f: {  	v3 =	vld [tilespmem:s30+$0x90]  }
0x330: {  	v0 =	vadd.f32 v1, v0  }
0x331: {  	v1 =	vld [tilespmem:s30+$0xD0]  }
0x332: {  	v0 =	vadd.f32 v2, v0  }
0x333: {  	v2 =	vld [tilespmem:s30+$0x110]  }
0x334: {  	v0 =	vadd.f32 v3, v0  }
0x335: {  	v3 =	vld [tilespmem:s30+$0x150]  }
0x336: {  	v0 =	vadd.f32 v1, v0  }
0x337: {  	v1 =	vld [tilespmem:s30+$0x190]  }
0x338: {  	v0 =	vadd.f32 v2, v0  }
0x339: {  	v2 =	vld [tilespmem:s30+$0x1D0]  }
0x33a: {  	v0 =	vadd.f32 v3, v0  }
0x33b: {  	v3 =	vld [tilespmem:s30+$0x210]  }
0x33c: {  	v0 =	vadd.f32 v1, v0  }
0x33d: {  	v1 =	vld [tilespmem:s30+$0x250]  }
0x33e: {  	v0 =	vadd.f32 v2, v0;
	_ =	sdelay $0x1  }
0x33f: {  	v0 =	vadd.f32 v3, v0;
	_ =	sdelay $0x1  }
0x340: {  	v0 =	vadd.f32 v1, v0;
	_ =	sdelay $0x1  }
0x341: {  	v0 =	vmul.f32 $5.000000070e-02, v0;
	_ =	sdelay $0x1  }
0x342: {  	[tilespmem:s31+$0x16A10] =	vst v0  }
0x343: {  	v0 =	vld [tilespmem:s30+$0xFFFFFDA0]  }
0x344: {  	v1 =	vld [tilespmem:s30+$0xFFFFFDE0];
	_ =	sdelay $0x1  }
0x345: {  	v2 =	vld [tilespmem:s30+$0xFFFFFE20];
	_ =	sdelay $0x1  }
0x346: {  	v3 =	vld [tilespmem:s30+$0xFFFFFE60]  }
0x347: {  	v0 =	vadd.f32 v1, v0  }
0x348: {  	v1 =	vld [tilespmem:s30+$0xFFFFFEA0]  }
0x349: {  	v0 =	vadd.f32 v2, v0  }
0x34a: {  	v2 =	vld [tilespmem:s30+$0xFFFFFEE0]  }
0x34b: {  	v0 =	vadd.f32 v3, v0  }
0x34c: {  	v3 =	vld [tilespmem:s30+$0xFFFFFF20]  }
0x34d: {  	v0 =	vadd.f32 v1, v0  }
0x34e: {  	v1 =	vld [tilespmem:s30+$0xFFFFFF60]  }
0x34f: {  	v0 =	vadd.f32 v2, v0  }
0x350: {  	v2 =	vld [tilespmem:s30+$0xFFFFFFA0]  }
0x351: {  	v0 =	vadd.f32 v3, v0  }
0x352: {  	v3 =	vld [tilespmem:s30+$0xFFFFFFE0]  }
0x353: {  	v0 =	vadd.f32 v1, v0  }
0x354: {  	v1 =	vld [tilespmem:s30+$0x20]  }
0x355: {  	v0 =	vadd.f32 v2, v0  }
0x356: {  	v2 =	vld [tilespmem:s30+$0x60]  }
0x357: {  	v0 =	vadd.f32 v3, v0  }
0x358: {  	v3 =	vld [tilespmem:s30+$0xA0]  }
0x359: {  	v0 =	vadd.f32 v1, v0  }
0x35a: {  	v1 =	vld [tilespmem:s30+$0xE0]  }
0x35b: {  	v0 =	vadd.f32 v2, v0  }
0x35c: {  	v2 =	vld [tilespmem:s30+$0x120]  }
0x35d: {  	v0 =	vadd.f32 v3, v0  }
0x35e: {  	v3 =	vld [tilespmem:s30+$0x160]  }
0x35f: {  	v0 =	vadd.f32 v1, v0  }
0x360: {  	v1 =	vld [tilespmem:s30+$0x1A0]  }
0x361: {  	v0 =	vadd.f32 v2, v0  }
0x362: {  	v2 =	vld [tilespmem:s30+$0x1E0]  }
0x363: {  	v0 =	vadd.f32 v3, v0  }
0x364: {  	v3 =	vld [tilespmem:s30+$0x220]  }
0x365: {  	v0 =	vadd.f32 v1, v0  }
0x366: {  	v1 =	vld [tilespmem:s30+$0x260]  }
0x367: {  	v0 =	vadd.f32 v2, v0;
	_ =	sdelay $0x1  }
0x368: {  	v0 =	vadd.f32 v3, v0;
	_ =	sdelay $0x1  }
0x369: {  	v0 =	vadd.f32 v1, v0;
	_ =	sdelay $0x1  }
0x36a: {  	v0 =	vmul.f32 $5.000000070e-02, v0;
	_ =	sdelay $0x1  }
0x36b: {  	[tilespmem:s31+$0x16A20] =	vst v0  }
0x36c: {  	v0 =	vld [tilespmem:s30+$0xFFFFFDB0]  }
0x36d: {  	v1 =	vld [tilespmem:s30+$0xFFFFFDF0];
	_ =	sdelay $0x1  }
0x36e: {  	v2 =	vld [tilespmem:s30+$0xFFFFFE30];
	_ =	sdelay $0x1  }
0x36f: {  	v3 =	vld [tilespmem:s30+$0xFFFFFE70]  }
0x370: {  	v0 =	vadd.f32 v1, v0  }
0x371: {  	v1 =	vld [tilespmem:s30+$0xFFFFFEB0]  }
0x372: {  	v0 =	vadd.f32 v2, v0  }
0x373: {  	v2 =	vld [tilespmem:s30+$0xFFFFFEF0]  }
0x374: {  	v0 =	vadd.f32 v3, v0  }
0x375: {  	v3 =	vld [tilespmem:s30+$0xFFFFFF30]  }
0x376: {  	v0 =	vadd.f32 v1, v0  }
0x377: {  	v1 =	vld [tilespmem:s30+$0xFFFFFF70]  }
0x378: {  	v0 =	vadd.f32 v2, v0  }
0x379: {  	v2 =	vld [tilespmem:s30+$0xFFFFFFB0]  }
0x37a: {  	v0 =	vadd.f32 v3, v0  }
0x37b: {  	v3 =	vld [tilespmem:s30+$0xFFFFFFF0]  }
0x37c: {  	v0 =	vadd.f32 v1, v0  }
0x37d: {  	v1 =	vld [tilespmem:s30+$0x30]  }
0x37e: {  	v0 =	vadd.f32 v2, v0  }
0x37f: {  	v2 =	vld [tilespmem:s30+$0x70]  }
0x380: {  	v0 =	vadd.f32 v3, v0  }
0x381: {  	v3 =	vld [tilespmem:s30+$0xB0]  }
0x382: {  	v0 =	vadd.f32 v1, v0  }
0x383: {  	v1 =	vld [tilespmem:s30+$0xF0]  }
0x384: {  	v0 =	vadd.f32 v2, v0  }
0x385: {  	v2 =	vld [tilespmem:s30+$0x130]  }
0x386: {  	v0 =	vadd.f32 v3, v0  }
0x387: {  	v3 =	vld [tilespmem:s30+$0x170]  }
0x388: {  	v0 =	vadd.f32 v1, v0  }
0x389: {  	v1 =	vld [tilespmem:s30+$0x1B0]  }
0x38a: {  	v0 =	vadd.f32 v2, v0  }
0x38b: {  	v2 =	vld [tilespmem:s30+$0x1F0]  }
0x38c: {  	v0 =	vadd.f32 v3, v0;
	_ =	sdelay $0x1  }
0x38d: {  	v3 =	vld [tilespmem:s30+$0x230];
	v0 =	vadd.f32 v1, v0;
	_ =	sdelay $0x1  }
0x38e: {  	v1 =	vadd.f32 v2, v0;
	v0 =	vld [tilespmem:s30+$0x270];
	_ =	sdelay $0x2  }
0x38f: {  	s1 =	simm.s32 $0x200;
	v1 =	vadd.f32 v3, v1  }
.LBB2_6:
0x390: {  	p0 =	sne.s32 s1, $0x3E00  }
0x391: {  	s30 =	sadd.s32 $0x500, s30;
	s0 =	smov.u32 s1;
	s1 =	sadd.s32 $0x200, s1;
	v0 =	vadd.f32 v0, v1  }
0x392: {  	_ = 	snop  }
0x393: {  	v0 =	vmul.f32 $5.000000070e-02, v0;
	_ =	sdelay $0x1  }
0x394: {  	[tilespmem:s31+$0x16A30] =	vst v0  }
0x395: {  	v0 =	vld [tilespmem:s30+$0xFFFFFDC0]  }
0x396: {  	v1 =	vld [tilespmem:s30+$0xFFFFFD80];
	_ =	sdelay $0x1  }
0x397: {  	v2 =	vld [tilespmem:s30+$0xFFFFFE00];
	_ =	sdelay $0x1  }
0x398: {  	v3 =	vld [tilespmem:s30+$0xFFFFFE40]  }
0x399: {  	v0 =	vadd.f32 v0, v1  }
0x39a: {  	v1 =	vld [tilespmem:s30+$0xFFFFFE80]  }
0x39b: {  	v0 =	vadd.f32 v2, v0  }
0x39c: {  	v2 =	vld [tilespmem:s30+$0xFFFFFEC0]  }
0x39d: {  	v0 =	vadd.f32 v3, v0  }
0x39e: {  	v3 =	vld [tilespmem:s30+$0xFFFFFF00]  }
0x39f: {  	v0 =	vadd.f32 v1, v0  }
0x3a0: {  	v1 =	vld [tilespmem:s30+$0xFFFFFF40]  }
0x3a1: {  	v0 =	vadd.f32 v2, v0  }
0x3a2: {  	v2 =	vld [tilespmem:s30+$0xFFFFFF80]  }
0x3a3: {  	v0 =	vadd.f32 v3, v0  }
0x3a4: {  	v3 =	vld [tilespmem:s30+$0xFFFFFFC0]  }
0x3a5: {  	v0 =	vadd.f32 v1, v0  }
0x3a6: {  	v1 =	vld [tilespmem:s30+$0x0]  }
0x3a7: {  	v0 =	vadd.f32 v2, v0  }
0x3a8: {  	v2 =	vld [tilespmem:s30+$0x40]  }
0x3a9: {  	v0 =	vadd.f32 v3, v0  }
0x3aa: {  	v3 =	vld [tilespmem:s30+$0x80]  }
0x3ab: {  	v0 =	vadd.f32 v1, v0  }
0x3ac: {  	v1 =	vld [tilespmem:s30+$0xC0]  }
0x3ad: {  	v0 =	vadd.f32 v2, v0  }
0x3ae: {  	v2 =	vld [tilespmem:s30+$0x100]  }
0x3af: {  	v0 =	vadd.f32 v3, v0  }
0x3b0: {  	v3 =	vld [tilespmem:s30+$0x140]  }
0x3b1: {  	v0 =	vadd.f32 v1, v0  }
0x3b2: {  	v1 =	vld [tilespmem:s30+$0x180]  }
0x3b3: {  	v0 =	vadd.f32 v2, v0  }
0x3b4: {  	v2 =	vld [tilespmem:s30+$0x1C0]  }
0x3b5: {  	v0 =	vadd.f32 v3, v0  }
0x3b6: {  	v3 =	vld [tilespmem:s30+$0x200]  }
0x3b7: {  	v0 =	vadd.f32 v1, v0  }
0x3b8: {  	v1 =	vld [tilespmem:s30+$0x240]  }
0x3b9: {  	v0 =	vadd.f32 v2, v0;
	_ =	sdelay $0x1  }
0x3ba: {  	v0 =	vadd.f32 v3, v0;
	_ =	sdelay $0x1  }
0x3bb: {  	v0 =	vadd.f32 v1, v0;
	_ =	sdelay $0x1  }
0x3bc: {  	v0 =	vmul.f32 $5.000000070e-02, v0  }
0x3bd: {  	s31 =	sshra.s32 s0, $0x2  }
0x3be: {  	[tilespmem:s31+$0x16A00] =	vst v0  }
0x3bf: {  	v0 =	vld [tilespmem:s30+$0xFFFFFD90]  }
0x3c0: {  	v1 =	vld [tilespmem:s30+$0xFFFFFDD0];
	_ =	sdelay $0x1  }
0x3c1: {  	v2 =	vld [tilespmem:s30+$0xFFFFFE10];
	_ =	sdelay $0x1  }
0x3c2: {  	v3 =	vld [tilespmem:s30+$0xFFFFFE50]  }
0x3c3: {  	v0 =	vadd.f32 v1, v0  }
0x3c4: {  	v1 =	vld [tilespmem:s30+$0xFFFFFE90]  }
0x3c5: {  	v0 =	vadd.f32 v2, v0  }
0x3c6: {  	v2 =	vld [tilespmem:s30+$0xFFFFFED0]  }
0x3c7: {  	v0 =	vadd.f32 v3, v0  }
0x3c8: {  	v3 =	vld [tilespmem:s30+$0xFFFFFF10]  }
0x3c9: {  	v0 =	vadd.f32 v1, v0  }
0x3ca: {  	v1 =	vld [tilespmem:s30+$0xFFFFFF50]  }
0x3cb: {  	v0 =	vadd.f32 v2, v0  }
0x3cc: {  	v2 =	vld [tilespmem:s30+$0xFFFFFF90]  }
0x3cd: {  	v0 =	vadd.f32 v3, v0  }
0x3ce: {  	v3 =	vld [tilespmem:s30+$0xFFFFFFD0]  }
0x3cf: {  	v0 =	vadd.f32 v1, v0  }
0x3d0: {  	v1 =	vld [tilespmem:s30+$0x10]  }
0x3d1: {  	v0 =	vadd.f32 v2, v0  }
0x3d2: {  	v2 =	vld [tilespmem:s30+$0x50]  }
0x3d3: {  	v0 =	vadd.f32 v3, v0  }
0x3d4: {  	v3 =	vld [tilespmem:s30+$0x90]  }
0x3d5: {  	v0 =	vadd.f32 v1, v0  }
0x3d6: {  	v1 =	vld [tilespmem:s30+$0xD0]  }
0x3d7: {  	v0 =	vadd.f32 v2, v0  }
0x3d8: {  	v2 =	vld [tilespmem:s30+$0x110]  }
0x3d9: {  	v0 =	vadd.f32 v3, v0  }
0x3da: {  	v3 =	vld [tilespmem:s30+$0x150]  }
0x3db: {  	v0 =	vadd.f32 v1, v0  }
0x3dc: {  	v1 =	vld [tilespmem:s30+$0x190]  }
0x3dd: {  	v0 =	vadd.f32 v2, v0  }
0x3de: {  	v2 =	vld [tilespmem:s30+$0x1D0]  }
0x3df: {  	v0 =	vadd.f32 v3, v0  }
0x3e0: {  	v3 =	vld [tilespmem:s30+$0x210]  }
0x3e1: {  	v0 =	vadd.f32 v1, v0  }
0x3e2: {  	v1 =	vld [tilespmem:s30+$0x250]  }
0x3e3: {  	v0 =	vadd.f32 v2, v0;
	_ =	sdelay $0x1  }
0x3e4: {  	v0 =	vadd.f32 v3, v0;
	_ =	sdelay $0x1  }
0x3e5: {  	v0 =	vadd.f32 v1, v0;
	_ =	sdelay $0x1  }
0x3e6: {  	v0 =	vmul.f32 $5.000000070e-02, v0;
	_ =	sdelay $0x1  }
0x3e7: {  	[tilespmem:s31+$0x16A10] =	vst v0  }
0x3e8: {  	v0 =	vld [tilespmem:s30+$0xFFFFFDA0]  }
0x3e9: {  	v1 =	vld [tilespmem:s30+$0xFFFFFDE0];
	_ =	sdelay $0x1  }
0x3ea: {  	v2 =	vld [tilespmem:s30+$0xFFFFFE20];
	_ =	sdelay $0x1  }
0x3eb: {  	v3 =	vld [tilespmem:s30+$0xFFFFFE60]  }
0x3ec: {  	v0 =	vadd.f32 v1, v0  }
0x3ed: {  	v1 =	vld [tilespmem:s30+$0xFFFFFEA0]  }
0x3ee: {  	v0 =	vadd.f32 v2, v0  }
0x3ef: {  	v2 =	vld [tilespmem:s30+$0xFFFFFEE0]  }
0x3f0: {  	v0 =	vadd.f32 v3, v0  }
0x3f1: {  	v3 =	vld [tilespmem:s30+$0xFFFFFF20]  }
0x3f2: {  	v0 =	vadd.f32 v1, v0  }
0x3f3: {  	v1 =	vld [tilespmem:s30+$0xFFFFFF60]  }
0x3f4: {  	v0 =	vadd.f32 v2, v0  }
0x3f5: {  	v2 =	vld [tilespmem:s30+$0xFFFFFFA0]  }
0x3f6: {  	v0 =	vadd.f32 v3, v0  }
0x3f7: {  	v3 =	vld [tilespmem:s30+$0xFFFFFFE0]  }
0x3f8: {  	v0 =	vadd.f32 v1, v0  }
0x3f9: {  	v1 =	vld [tilespmem:s30+$0x20]  }
0x3fa: {  	v0 =	vadd.f32 v2, v0  }
0x3fb: {  	v2 =	vld [tilespmem:s30+$0x60]  }
0x3fc: {  	v0 =	vadd.f32 v3, v0  }
0x3fd: {  	v3 =	vld [tilespmem:s30+$0xA0]  }
0x3fe: {  	v0 =	vadd.f32 v1, v0  }
0x3ff: {  	v1 =	vld [tilespmem:s30+$0xE0]  }
0x400: {  	v0 =	vadd.f32 v2, v0  }
0x401: {  	v2 =	vld [tilespmem:s30+$0x120]  }
0x402: {  	v0 =	vadd.f32 v3, v0  }
0x403: {  	v3 =	vld [tilespmem:s30+$0x160]  }
0x404: {  	v0 =	vadd.f32 v1, v0  }
0x405: {  	v1 =	vld [tilespmem:s30+$0x1A0]  }
0x406: {  	v0 =	vadd.f32 v2, v0  }
0x407: {  	v2 =	vld [tilespmem:s30+$0x1E0]  }
0x408: {  	v0 =	vadd.f32 v3, v0  }
0x409: {  	v3 =	vld [tilespmem:s30+$0x220]  }
0x40a: {  	v0 =	vadd.f32 v1, v0  }
0x40b: {  	v1 =	vld [tilespmem:s30+$0x260]  }
0x40c: {  	v0 =	vadd.f32 v2, v0;
	_ =	sdelay $0x1  }
0x40d: {  	v0 =	vadd.f32 v3, v0;
	_ =	sdelay $0x1  }
0x40e: {  	v0 =	vadd.f32 v1, v0;
	_ =	sdelay $0x1  }
0x40f: {  	v0 =	vmul.f32 $5.000000070e-02, v0;
	_ =	sdelay $0x1  }
0x410: {  	[tilespmem:s31+$0x16A20] =	vst v0  }
0x411: {  	v0 =	vld [tilespmem:s30+$0xFFFFFDB0]  }
0x412: {  	v1 =	vld [tilespmem:s30+$0xFFFFFDF0]  }
0x413: {  	v2 =	vld [tilespmem:s30+$0xFFFFFE30]  }
0x414: {  	v3 =	vld [tilespmem:s30+$0xFFFFFE70]  }
0x415: {  	v4 =	vld [tilespmem:s30+$0xFFFFFEB0]  }
0x416: {  	v5 =	vld [tilespmem:s30+$0xFFFFFEF0]  }
0x417: {  	v0 =	vadd.f32 v1, v0;
	v1 =	vld [tilespmem:s30+$0xFFFFFF30]  }
0x418: {  	v6 =	vld [tilespmem:s30+$0xFFFFFF70]  }
0x419: {  	v0 =	vadd.f32 v2, v0;
	v2 =	vld [tilespmem:s30+$0xFFFFFFB0]  }
0x41a: {  	v7 =	vld [tilespmem:s30+$0xFFFFFFF0]  }
0x41b: {  	v0 =	vadd.f32 v3, v0;
	v3 =	vld [tilespmem:s30+$0x30]  }
0x41c: {  	v8 =	vld [tilespmem:s30+$0x70]  }
0x41d: {  	v0 =	vadd.f32 v4, v0;
	v4 =	vld [tilespmem:s30+$0xB0]  }
0x41e: {  	v9 =	vld [tilespmem:s30+$0xF0]  }
0x41f: {  	v0 =	vadd.f32 v5, v0;
	v5 =	vld [tilespmem:s30+$0x130]  }
0x420: {  	v10 =	vld [tilespmem:s30+$0x170]  }
0x421: {  	v0 =	vadd.f32 v1, v0;
	v1 =	vld [tilespmem:s30+$0x1B0]  }
0x422: {  	v11 =	vld [tilespmem:s30+$0x1F0]  }
0x423: {  	v6 =	vadd.f32 v6, v0;
	v12 =	vld [tilespmem:s30+$0x230]  }
0x424: {  	v0 =	vld [tilespmem:s30+$0x270]  }
0x425: {  	v2 =	vadd.f32 v2, v6;
	_ =	sdelay $0x1  }
0x426: {  	v2 =	vadd.f32 v7, v2;
	_ =	sdelay $0x1  }
0x427: {  	v2 =	vadd.f32 v3, v2;
	_ =	sdelay $0x1  }
0x428: {  	v2 =	vadd.f32 v8, v2;
	_ =	sdelay $0x1  }
0x429: {  	v2 =	vadd.f32 v4, v2;
	_ =	sdelay $0x1  }
0x42a: {  	v2 =	vadd.f32 v9, v2;
	_ =	sdelay $0x1  }
0x42b: {  	v2 =	vadd.f32 v5, v2;
	_ =	sdelay $0x1  }
0x42c: {  	v2 =	vadd.f32 v10, v2;
	_ =	sdelay $0x1  }
.Ltmp2:
0x42d: {  	v1 =	vadd.f32 v1, v2;
	(pc) =	sbr.rel @p0 .LBB2_6-.Ltmp2, $3  }
0x42e: {  	_ = 	snop  }
0x42f: {  	v1 =	vadd.f32 v11, v1;
	_ =	sdelay $0x1  }
0x430: {  	v1 =	vadd.f32 v12, v1  }
0x431: {  	_ = 	snop  }
0x432: {  	v0 =	vadd.f32 v0, v1;
	_ =	sdelay $0x1  }
0x433: {  	v0 =	vmul.f32 $5.000000070e-02, v0;
	_ =	sdelay $0x1  }
0x434: {  	[tilespmem:s31+$0x16A30] =	vst v0  }
0x435: {  	_ =	swait.ge [sflag:s29], $0x2000  }
0x436: {  	[sflag:s29] =	ssyncset.done $0x0  }
0x437: {  	[sflag:s29] =	ssyncadd.s32 $0xFFFFE000  }
0x438: {  	_ =	swait.ge [sflag:s29], $0x2000  }
0x439: {  	[sflag:s29] =	ssyncset.done $0x0  }
0x43a: {  	[sflag:s29] =	ssyncadd.s32 $0xFFFFE000  }
0x43b: {  	_ =	swait.ge [sflag:s29], $0x2000  }
0x43c: {  	[sflag:s29] =	ssyncset.done $0x0  }
0x43d: {  	[sflag:s29] =	ssyncadd.s32 $0xFFFFE000  }
0x43e: {  	_ =	swait.ge [sflag:s29], $0x2000  }
0x43f: {  	[sflag:s29] =	ssyncset.done $0x0  }
0x440: {  	[sflag:s29] =	ssyncadd.s32 $0xFFFFE000  }
0x441: {  	_ =	swait.ge [sflag:s29], $0x2000  }
0x442: {  	[sflag:s29] =	ssyncset.done $0x0  }
0x443: {  	s0 =	simm.s32 $0x0;
	[sflag:s29] =	ssyncadd.s32 $0xFFFFE000  }
0x444: {  	v0 =	vld [tilespmem:s0+$0xAA00]  }
0x445: {  	v1 =	vld [tilespmem:s0+$0xAA40];
	_ =	sdelay $0x1  }
0x446: {  	v2 =	vld [tilespmem:s0+$0xAA80];
	_ =	sdelay $0x1  }
0x447: {  	v3 =	vld [tilespmem:s0+$0xAAC0]  }
0x448: {  	v0 =	vadd.f32 v1, v0  }
0x449: {  	v1 =	vld [tilespmem:s0+$0xAB00]  }
0x44a: {  	v0 =	vadd.f32 v2, v0  }
0x44b: {  	v2 =	vld [tilespmem:s0+$0xAB40]  }
0x44c: {  	v0 =	vadd.f32 v3, v0  }
0x44d: {  	v3 =	vld [tilespmem:s0+$0xAB80]  }
0x44e: {  	v0 =	vadd.f32 v1, v0  }
0x44f: {  	v1 =	vld [tilespmem:s0+$0xABC0]  }
0x450: {  	v0 =	vadd.f32 v2, v0  }
0x451: {  	v2 =	vld [tilespmem:s0+$0xAC00]  }
0x452: {  	v0 =	vadd.f32 v3, v0  }
0x453: {  	v3 =	vld [tilespmem:s0+$0xAC40]  }
0x454: {  	v0 =	vadd.f32 v1, v0  }
0x455: {  	v1 =	vld [tilespmem:s0+$0xAC80]  }
0x456: {  	v0 =	vadd.f32 v2, v0  }
0x457: {  	v2 =	vld [tilespmem:s0+$0xACC0]  }
0x458: {  	v0 =	vadd.f32 v3, v0  }
0x459: {  	v3 =	vld [tilespmem:s0+$0xAD00]  }
0x45a: {  	v0 =	vadd.f32 v1, v0  }
0x45b: {  	v1 =	vld [tilespmem:s0+$0xAD40]  }
0x45c: {  	v0 =	vadd.f32 v2, v0  }
0x45d: {  	v2 =	vld [tilespmem:s0+$0xAD80]  }
0x45e: {  	v0 =	vadd.f32 v3, v0  }
0x45f: {  	v3 =	vld [tilespmem:s0+$0xADC0]  }
0x460: {  	v0 =	vadd.f32 v1, v0  }
0x461: {  	v1 =	vld [tilespmem:s0+$0xAE00]  }
0x462: {  	v0 =	vadd.f32 v2, v0  }
0x463: {  	v2 =	vld [tilespmem:s0+$0xAE40]  }
0x464: {  	v0 =	vadd.f32 v3, v0  }
0x465: {  	v3 =	vld [tilespmem:s0+$0xAE80]  }
0x466: {  	v0 =	vadd.f32 v1, v0  }
0x467: {  	v1 =	vld [tilespmem:s0+$0xAEC0]  }
0x468: {  	v0 =	vadd.f32 v2, v0;
	_ =	sdelay $0x1  }
0x469: {  	v0 =	vadd.f32 v3, v0;
	_ =	sdelay $0x1  }
0x46a: {  	v0 =	vadd.f32 v1, v0;
	_ =	sdelay $0x1  }
0x46b: {  	v0 =	vmul.f32 $5.000000070e-02, v0  }
0x46c: {  	s30 =	simm.s32 $0x17A30  }
0x46d: {  	[tilespmem:s30+$0xFFFFFFD0] =	vst v0  }
0x46e: {  	v0 =	vld [tilespmem:s0+$0xAA10]  }
0x46f: {  	v1 =	vld [tilespmem:s0+$0xAA50];
	_ =	sdelay $0x1  }
0x470: {  	v2 =	vld [tilespmem:s0+$0xAA90];
	_ =	sdelay $0x1  }
0x471: {  	v3 =	vld [tilespmem:s0+$0xAAD0]  }
0x472: {  	v0 =	vadd.f32 v1, v0  }
0x473: {  	v1 =	vld [tilespmem:s0+$0xAB10]  }
0x474: {  	v0 =	vadd.f32 v2, v0  }
0x475: {  	v2 =	vld [tilespmem:s0+$0xAB50]  }
0x476: {  	v0 =	vadd.f32 v3, v0  }
0x477: {  	v3 =	vld [tilespmem:s0+$0xAB90]  }
0x478: {  	v0 =	vadd.f32 v1, v0  }
0x479: {  	v1 =	vld [tilespmem:s0+$0xABD0]  }
0x47a: {  	v0 =	vadd.f32 v2, v0  }
0x47b: {  	v2 =	vld [tilespmem:s0+$0xAC10]  }
0x47c: {  	v0 =	vadd.f32 v3, v0  }
0x47d: {  	v3 =	vld [tilespmem:s0+$0xAC50]  }
0x47e: {  	v0 =	vadd.f32 v1, v0  }
0x47f: {  	v1 =	vld [tilespmem:s0+$0xAC90]  }
0x480: {  	v0 =	vadd.f32 v2, v0  }
0x481: {  	v2 =	vld [tilespmem:s0+$0xACD0]  }
0x482: {  	v0 =	vadd.f32 v3, v0  }
0x483: {  	v3 =	vld [tilespmem:s0+$0xAD10]  }
0x484: {  	v0 =	vadd.f32 v1, v0  }
0x485: {  	v1 =	vld [tilespmem:s0+$0xAD50]  }
0x486: {  	v0 =	vadd.f32 v2, v0  }
0x487: {  	v2 =	vld [tilespmem:s0+$0xAD90]  }
0x488: {  	v0 =	vadd.f32 v3, v0  }
0x489: {  	v3 =	vld [tilespmem:s0+$0xADD0]  }
0x48a: {  	v0 =	vadd.f32 v1, v0  }
0x48b: {  	v1 =	vld [tilespmem:s0+$0xAE10]  }
0x48c: {  	v0 =	vadd.f32 v2, v0  }
0x48d: {  	v2 =	vld [tilespmem:s0+$0xAE50]  }
0x48e: {  	v0 =	vadd.f32 v3, v0  }
0x48f: {  	v3 =	vld [tilespmem:s0+$0xAE90]  }
0x490: {  	v0 =	vadd.f32 v1, v0  }
0x491: {  	v1 =	vld [tilespmem:s0+$0xAED0]  }
0x492: {  	v0 =	vadd.f32 v2, v0;
	_ =	sdelay $0x1  }
0x493: {  	v0 =	vadd.f32 v3, v0;
	_ =	sdelay $0x1  }
0x494: {  	v0 =	vadd.f32 v1, v0;
	_ =	sdelay $0x1  }
0x495: {  	v0 =	vmul.f32 $5.000000070e-02, v0;
	_ =	sdelay $0x1  }
0x496: {  	[tilespmem:s30+$0xFFFFFFE0] =	vst v0  }
0x497: {  	v0 =	vld [tilespmem:s0+$0xAA20]  }
0x498: {  	v1 =	vld [tilespmem:s0+$0xAA60];
	_ =	sdelay $0x1  }
0x499: {  	v2 =	vld [tilespmem:s0+$0xAAA0];
	_ =	sdelay $0x1  }
0x49a: {  	v3 =	vld [tilespmem:s0+$0xAAE0]  }
0x49b: {  	v0 =	vadd.f32 v1, v0  }
0x49c: {  	v1 =	vld [tilespmem:s0+$0xAB20]  }
0x49d: {  	v0 =	vadd.f32 v2, v0  }
0x49e: {  	v2 =	vld [tilespmem:s0+$0xAB60]  }
0x49f: {  	v0 =	vadd.f32 v3, v0  }
0x4a0: {  	v3 =	vld [tilespmem:s0+$0xABA0]  }
0x4a1: {  	v0 =	vadd.f32 v1, v0  }
0x4a2: {  	v1 =	vld [tilespmem:s0+$0xABE0]  }
0x4a3: {  	v0 =	vadd.f32 v2, v0  }
0x4a4: {  	v2 =	vld [tilespmem:s0+$0xAC20]  }
0x4a5: {  	v0 =	vadd.f32 v3, v0  }
0x4a6: {  	v3 =	vld [tilespmem:s0+$0xAC60]  }
0x4a7: {  	v0 =	vadd.f32 v1, v0  }
0x4a8: {  	v1 =	vld [tilespmem:s0+$0xACA0]  }
0x4a9: {  	v0 =	vadd.f32 v2, v0  }
0x4aa: {  	v2 =	vld [tilespmem:s0+$0xACE0]  }
0x4ab: {  	v0 =	vadd.f32 v3, v0  }
0x4ac: {  	v3 =	vld [tilespmem:s0+$0xAD20]  }
0x4ad: {  	v0 =	vadd.f32 v1, v0  }
0x4ae: {  	v1 =	vld [tilespmem:s0+$0xAD60]  }
0x4af: {  	v0 =	vadd.f32 v2, v0  }
0x4b0: {  	v2 =	vld [tilespmem:s0+$0xADA0]  }
0x4b1: {  	v0 =	vadd.f32 v3, v0  }
0x4b2: {  	v3 =	vld [tilespmem:s0+$0xADE0]  }
0x4b3: {  	v0 =	vadd.f32 v1, v0  }
0x4b4: {  	v1 =	vld [tilespmem:s0+$0xAE20]  }
0x4b5: {  	v0 =	vadd.f32 v2, v0  }
0x4b6: {  	v2 =	vld [tilespmem:s0+$0xAE60]  }
0x4b7: {  	v0 =	vadd.f32 v3, v0  }
0x4b8: {  	v3 =	vld [tilespmem:s0+$0xAEA0]  }
0x4b9: {  	v0 =	vadd.f32 v1, v0  }
0x4ba: {  	v1 =	vld [tilespmem:s0+$0xAEE0]  }
0x4bb: {  	v0 =	vadd.f32 v2, v0;
	_ =	sdelay $0x1  }
0x4bc: {  	v0 =	vadd.f32 v3, v0;
	_ =	sdelay $0x1  }
0x4bd: {  	v0 =	vadd.f32 v1, v0;
	_ =	sdelay $0x1  }
0x4be: {  	v0 =	vmul.f32 $5.000000070e-02, v0;
	_ =	sdelay $0x1  }
0x4bf: {  	[tilespmem:s30+$0xFFFFFFF0] =	vst v0  }
0x4c0: {  	v0 =	vld [tilespmem:s0+$0xAA30]  }
0x4c1: {  	v1 =	vld [tilespmem:s0+$0xAA70];
	_ =	sdelay $0x1  }
0x4c2: {  	v2 =	vld [tilespmem:s0+$0xAAB0];
	_ =	sdelay $0x1  }
0x4c3: {  	v3 =	vld [tilespmem:s0+$0xAAF0]  }
0x4c4: {  	v0 =	vadd.f32 v1, v0  }
0x4c5: {  	v1 =	vld [tilespmem:s0+$0xAB30]  }
0x4c6: {  	v0 =	vadd.f32 v2, v0  }
0x4c7: {  	v2 =	vld [tilespmem:s0+$0xAB70]  }
0x4c8: {  	v0 =	vadd.f32 v3, v0  }
0x4c9: {  	v3 =	vld [tilespmem:s0+$0xABB0]  }
0x4ca: {  	v0 =	vadd.f32 v1, v0  }
0x4cb: {  	v1 =	vld [tilespmem:s0+$0xABF0]  }
0x4cc: {  	v0 =	vadd.f32 v2, v0  }
0x4cd: {  	v2 =	vld [tilespmem:s0+$0xAC30]  }
0x4ce: {  	v0 =	vadd.f32 v3, v0  }
0x4cf: {  	v3 =	vld [tilespmem:s0+$0xAC70]  }
0x4d0: {  	v0 =	vadd.f32 v1, v0  }
0x4d1: {  	v1 =	vld [tilespmem:s0+$0xACB0]  }
0x4d2: {  	v0 =	vadd.f32 v2, v0  }
0x4d3: {  	v2 =	vld [tilespmem:s0+$0xACF0]  }
0x4d4: {  	v0 =	vadd.f32 v3, v0  }
0x4d5: {  	v3 =	vld [tilespmem:s0+$0xAD30]  }
0x4d6: {  	v0 =	vadd.f32 v1, v0  }
0x4d7: {  	v1 =	vld [tilespmem:s0+$0xAD70]  }
0x4d8: {  	v0 =	vadd.f32 v2, v0  }
0x4d9: {  	v2 =	vld [tilespmem:s0+$0xADB0]  }
0x4da: {  	v0 =	vadd.f32 v3, v0  }
0x4db: {  	v3 =	vld [tilespmem:s0+$0xADF0]  }
0x4dc: {  	v0 =	vadd.f32 v1, v0  }
0x4dd: {  	v1 =	vld [tilespmem:s0+$0xAE30]  }
0x4de: {  	v0 =	vadd.f32 v2, v0  }
0x4df: {  	v2 =	vld [tilespmem:s0+$0xAE70]  }
0x4e0: {  	v0 =	vadd.f32 v3, v0  }
0x4e1: {  	v3 =	vld [tilespmem:s0+$0xAEB0]  }
0x4e2: {  	v0 =	vadd.f32 v1, v0;
	_ =	sdelay $0x1  }
0x4e3: {  	v1 =	vadd.f32 v2, v0;
	v0 =	vld [tilespmem:s0+$0xAEF0];
	_ =	sdelay $0x1  }
0x4e4: {  	s1 =	simm.s32 $0x17A30;
	s31 =	simm.s32 $0x1400;
	v1 =	vadd.f32 v3, v1  }
.LBB2_8:
0x4e5: {  	p0 =	sne.s32 s31, $0x26C00  }
0x4e6: {  	s30 =	sadd.s32 $0x80, s30;
	s0 =	smov.u32 s31;
	s31 =	sadd.s32 $0x1400, s31  }
0x4e7: {  	v0 =	vadd.f32 v0, v1;
	_ =	sdelay $0x1  }
0x4e8: {  	v0 =	vmul.f32 $5.000000070e-02, v0  }
0x4e9: {  	s0 =	sshra.s32 s0, $0x2  }
0x4ea: {  	[tilespmem:s1+$0x0] =	vst v0;
	s1 =	smov.u32 s30  }
0x4eb: {  	v0 =	vld [tilespmem:s0+$0xAA00]  }
0x4ec: {  	v1 =	vld [tilespmem:s0+$0xAA40];
	_ =	sdelay $0x1  }
0x4ed: {  	v2 =	vld [tilespmem:s0+$0xAA80];
	_ =	sdelay $0x1  }
0x4ee: {  	v3 =	vld [tilespmem:s0+$0xAAC0]  }
0x4ef: {  	v0 =	vadd.f32 v1, v0  }
0x4f0: {  	v1 =	vld [tilespmem:s0+$0xAB00]  }
0x4f1: {  	v0 =	vadd.f32 v2, v0  }
0x4f2: {  	v2 =	vld [tilespmem:s0+$0xAB40]  }
0x4f3: {  	v0 =	vadd.f32 v3, v0  }
0x4f4: {  	v3 =	vld [tilespmem:s0+$0xAB80]  }
0x4f5: {  	v0 =	vadd.f32 v1, v0  }
0x4f6: {  	v1 =	vld [tilespmem:s0+$0xABC0]  }
0x4f7: {  	v0 =	vadd.f32 v2, v0  }
0x4f8: {  	v2 =	vld [tilespmem:s0+$0xAC00]  }
0x4f9: {  	v0 =	vadd.f32 v3, v0  }
0x4fa: {  	v3 =	vld [tilespmem:s0+$0xAC40]  }
0x4fb: {  	v0 =	vadd.f32 v1, v0  }
0x4fc: {  	v1 =	vld [tilespmem:s0+$0xAC80]  }
0x4fd: {  	v0 =	vadd.f32 v2, v0  }
0x4fe: {  	v2 =	vld [tilespmem:s0+$0xACC0]  }
0x4ff: {  	v0 =	vadd.f32 v3, v0  }
0x500: {  	v3 =	vld [tilespmem:s0+$0xAD00]  }
0x501: {  	v0 =	vadd.f32 v1, v0  }
0x502: {  	v1 =	vld [tilespmem:s0+$0xAD40]  }
0x503: {  	v0 =	vadd.f32 v2, v0  }
0x504: {  	v2 =	vld [tilespmem:s0+$0xAD80]  }
0x505: {  	v0 =	vadd.f32 v3, v0  }
0x506: {  	v3 =	vld [tilespmem:s0+$0xADC0]  }
0x507: {  	v0 =	vadd.f32 v1, v0  }
0x508: {  	v1 =	vld [tilespmem:s0+$0xAE00]  }
0x509: {  	v0 =	vadd.f32 v2, v0  }
0x50a: {  	v2 =	vld [tilespmem:s0+$0xAE40]  }
0x50b: {  	v0 =	vadd.f32 v3, v0  }
0x50c: {  	v3 =	vld [tilespmem:s0+$0xAE80]  }
0x50d: {  	v0 =	vadd.f32 v1, v0  }
0x50e: {  	v1 =	vld [tilespmem:s0+$0xAEC0]  }
0x50f: {  	v0 =	vadd.f32 v2, v0;
	_ =	sdelay $0x1  }
0x510: {  	v0 =	vadd.f32 v3, v0;
	_ =	sdelay $0x1  }
0x511: {  	v0 =	vadd.f32 v1, v0;
	_ =	sdelay $0x1  }
0x512: {  	v0 =	vmul.f32 $5.000000070e-02, v0;
	_ =	sdelay $0x1  }
0x513: {  	[tilespmem:s30+$0xFFFFFFD0] =	vst v0  }
0x514: {  	v0 =	vld [tilespmem:s0+$0xAA10]  }
0x515: {  	v1 =	vld [tilespmem:s0+$0xAA50];
	_ =	sdelay $0x1  }
0x516: {  	v2 =	vld [tilespmem:s0+$0xAA90];
	_ =	sdelay $0x1  }
0x517: {  	v3 =	vld [tilespmem:s0+$0xAAD0]  }
0x518: {  	v0 =	vadd.f32 v1, v0  }
0x519: {  	v1 =	vld [tilespmem:s0+$0xAB10]  }
0x51a: {  	v0 =	vadd.f32 v2, v0  }
0x51b: {  	v2 =	vld [tilespmem:s0+$0xAB50]  }
0x51c: {  	v0 =	vadd.f32 v3, v0  }
0x51d: {  	v3 =	vld [tilespmem:s0+$0xAB90]  }
0x51e: {  	v0 =	vadd.f32 v1, v0  }
0x51f: {  	v1 =	vld [tilespmem:s0+$0xABD0]  }
0x520: {  	v0 =	vadd.f32 v2, v0  }
0x521: {  	v2 =	vld [tilespmem:s0+$0xAC10]  }
0x522: {  	v0 =	vadd.f32 v3, v0  }
0x523: {  	v3 =	vld [tilespmem:s0+$0xAC50]  }
0x524: {  	v0 =	vadd.f32 v1, v0  }
0x525: {  	v1 =	vld [tilespmem:s0+$0xAC90]  }
0x526: {  	v0 =	vadd.f32 v2, v0  }
0x527: {  	v2 =	vld [tilespmem:s0+$0xACD0]  }
0x528: {  	v0 =	vadd.f32 v3, v0  }
0x529: {  	v3 =	vld [tilespmem:s0+$0xAD10]  }
0x52a: {  	v0 =	vadd.f32 v1, v0  }
0x52b: {  	v1 =	vld [tilespmem:s0+$0xAD50]  }
0x52c: {  	v0 =	vadd.f32 v2, v0  }
0x52d: {  	v2 =	vld [tilespmem:s0+$0xAD90]  }
0x52e: {  	v0 =	vadd.f32 v3, v0  }
0x52f: {  	v3 =	vld [tilespmem:s0+$0xADD0]  }
0x530: {  	v0 =	vadd.f32 v1, v0  }
0x531: {  	v1 =	vld [tilespmem:s0+$0xAE10]  }
0x532: {  	v0 =	vadd.f32 v2, v0  }
0x533: {  	v2 =	vld [tilespmem:s0+$0xAE50]  }
0x534: {  	v0 =	vadd.f32 v3, v0  }
0x535: {  	v3 =	vld [tilespmem:s0+$0xAE90]  }
0x536: {  	v0 =	vadd.f32 v1, v0  }
0x537: {  	v1 =	vld [tilespmem:s0+$0xAED0]  }
0x538: {  	v0 =	vadd.f32 v2, v0;
	_ =	sdelay $0x1  }
0x539: {  	v0 =	vadd.f32 v3, v0;
	_ =	sdelay $0x1  }
0x53a: {  	v0 =	vadd.f32 v1, v0;
	_ =	sdelay $0x1  }
0x53b: {  	v0 =	vmul.f32 $5.000000070e-02, v0;
	_ =	sdelay $0x1  }
0x53c: {  	[tilespmem:s30+$0xFFFFFFE0] =	vst v0  }
0x53d: {  	v0 =	vld [tilespmem:s0+$0xAA20]  }
0x53e: {  	v1 =	vld [tilespmem:s0+$0xAA60];
	_ =	sdelay $0x1  }
0x53f: {  	v2 =	vld [tilespmem:s0+$0xAAA0];
	_ =	sdelay $0x1  }
0x540: {  	v3 =	vld [tilespmem:s0+$0xAAE0]  }
0x541: {  	v0 =	vadd.f32 v1, v0  }
0x542: {  	v1 =	vld [tilespmem:s0+$0xAB20]  }
0x543: {  	v0 =	vadd.f32 v2, v0  }
0x544: {  	v2 =	vld [tilespmem:s0+$0xAB60]  }
0x545: {  	v0 =	vadd.f32 v3, v0  }
0x546: {  	v3 =	vld [tilespmem:s0+$0xABA0]  }
0x547: {  	v0 =	vadd.f32 v1, v0  }
0x548: {  	v1 =	vld [tilespmem:s0+$0xABE0]  }
0x549: {  	v0 =	vadd.f32 v2, v0  }
0x54a: {  	v2 =	vld [tilespmem:s0+$0xAC20]  }
0x54b: {  	v0 =	vadd.f32 v3, v0  }
0x54c: {  	v3 =	vld [tilespmem:s0+$0xAC60]  }
0x54d: {  	v0 =	vadd.f32 v1, v0  }
0x54e: {  	v1 =	vld [tilespmem:s0+$0xACA0]  }
0x54f: {  	v0 =	vadd.f32 v2, v0  }
0x550: {  	v2 =	vld [tilespmem:s0+$0xACE0]  }
0x551: {  	v0 =	vadd.f32 v3, v0  }
0x552: {  	v3 =	vld [tilespmem:s0+$0xAD20]  }
0x553: {  	v0 =	vadd.f32 v1, v0  }
0x554: {  	v1 =	vld [tilespmem:s0+$0xAD60]  }
0x555: {  	v0 =	vadd.f32 v2, v0  }
0x556: {  	v2 =	vld [tilespmem:s0+$0xADA0]  }
0x557: {  	v0 =	vadd.f32 v3, v0  }
0x558: {  	v3 =	vld [tilespmem:s0+$0xADE0]  }
0x559: {  	v0 =	vadd.f32 v1, v0  }
0x55a: {  	v1 =	vld [tilespmem:s0+$0xAE20]  }
0x55b: {  	v0 =	vadd.f32 v2, v0  }
0x55c: {  	v2 =	vld [tilespmem:s0+$0xAE60]  }
0x55d: {  	v0 =	vadd.f32 v3, v0  }
0x55e: {  	v3 =	vld [tilespmem:s0+$0xAEA0]  }
0x55f: {  	v0 =	vadd.f32 v1, v0  }
0x560: {  	v1 =	vld [tilespmem:s0+$0xAEE0]  }
0x561: {  	v0 =	vadd.f32 v2, v0;
	_ =	sdelay $0x1  }
0x562: {  	v0 =	vadd.f32 v3, v0;
	_ =	sdelay $0x1  }
0x563: {  	v0 =	vadd.f32 v1, v0;
	_ =	sdelay $0x1  }
0x564: {  	v0 =	vmul.f32 $5.000000070e-02, v0;
	_ =	sdelay $0x1  }
0x565: {  	[tilespmem:s30+$0xFFFFFFF0] =	vst v0  }
0x566: {  	v0 =	vld [tilespmem:s0+$0xAA30]  }
0x567: {  	v1 =	vld [tilespmem:s0+$0xAA70]  }
0x568: {  	v2 =	vld [tilespmem:s0+$0xAAB0]  }
0x569: {  	v3 =	vld [tilespmem:s0+$0xAAF0]  }
0x56a: {  	v4 =	vld [tilespmem:s0+$0xAB30]  }
0x56b: {  	v5 =	vld [tilespmem:s0+$0xAB70]  }
0x56c: {  	v0 =	vadd.f32 v1, v0;
	v1 =	vld [tilespmem:s0+$0xABB0]  }
0x56d: {  	v6 =	vld [tilespmem:s0+$0xABF0]  }
0x56e: {  	v0 =	vadd.f32 v2, v0;
	v2 =	vld [tilespmem:s0+$0xAC30]  }
0x56f: {  	v7 =	vld [tilespmem:s0+$0xAC70]  }
0x570: {  	v0 =	vadd.f32 v3, v0;
	v3 =	vld [tilespmem:s0+$0xACB0]  }
0x571: {  	v8 =	vld [tilespmem:s0+$0xACF0]  }
0x572: {  	v0 =	vadd.f32 v4, v0;
	v4 =	vld [tilespmem:s0+$0xAD30]  }
0x573: {  	v9 =	vld [tilespmem:s0+$0xAD70]  }
0x574: {  	v0 =	vadd.f32 v5, v0;
	v5 =	vld [tilespmem:s0+$0xADB0]  }
0x575: {  	v10 =	vld [tilespmem:s0+$0xADF0]  }
0x576: {  	v0 =	vadd.f32 v1, v0;
	v1 =	vld [tilespmem:s0+$0xAE30]  }
0x577: {  	v11 =	vld [tilespmem:s0+$0xAE70]  }
0x578: {  	v6 =	vadd.f32 v6, v0;
	v12 =	vld [tilespmem:s0+$0xAEB0]  }
0x579: {  	v0 =	vld [tilespmem:s0+$0xAEF0]  }
0x57a: {  	v2 =	vadd.f32 v2, v6;
	_ =	sdelay $0x1  }
0x57b: {  	v2 =	vadd.f32 v7, v2;
	_ =	sdelay $0x1  }
0x57c: {  	v2 =	vadd.f32 v3, v2;
	_ =	sdelay $0x1  }
0x57d: {  	v2 =	vadd.f32 v8, v2;
	_ =	sdelay $0x1  }
0x57e: {  	v2 =	vadd.f32 v4, v2;
	_ =	sdelay $0x1  }
0x57f: {  	v2 =	vadd.f32 v9, v2;
	_ =	sdelay $0x1  }
0x580: {  	v2 =	vadd.f32 v5, v2;
	_ =	sdelay $0x1  }
0x581: {  	v2 =	vadd.f32 v10, v2;
	_ =	sdelay $0x1  }
.Ltmp3:
0x582: {  	v1 =	vadd.f32 v1, v2;
	(pc) =	sbr.rel @p0 .LBB2_8-.Ltmp3, $3  }
0x583: {  	_ = 	snop  }
0x584: {  	v1 =	vadd.f32 v11, v1;
	_ =	sdelay $0x1  }
0x585: {  	v1 =	vadd.f32 v12, v1  }
0x586: {  	_ = 	snop  }
0x587: {  	v0 =	vadd.f32 v0, v1;
	_ =	sdelay $0x1  }
0x588: {  	s26 =	sadd.s32 $0x1, s26;
	v0 =	vmul.f32 $5.000000070e-02, v0  }
0x589: {  	p0 =	sne.s32 s26, s6  }
.Ltmp4:
0x58a: {  	[tilespmem:s1+$0x0] =	vst v0;
	(pc) =	sbr.rel @p0 .LBB2_1-.Ltmp4, $4  }
0x58b: {  	[hbm4b:s5+s2] =	stream.linear.scatter [tilespmem:s24], [sflag:$0x3], $0x4000, $0x38;
	[tilespmem:$0x18A00] =	vst v63  }
0x58c: {  	_ =	swait.ge [sflag:s7], $0x4000  }
0x58d: {  	[sflag:s7] =	ssyncset.done $0x0  }
0x58e: {  	[sflag:s7] =	ssyncadd.s32 $0xFFFFC000  }
0x58f: {  	_ =	sfence.sel $0x180000  }
0x590: {  	[bflag:$0x0] =	sbarrier.arrive $0xFFFF  }
0x591: {  	_ =	strace $0x90000047  }
0x592: {  	s0 =	stileid.u32;
	[bflag:$0x2] =	sbarrier.arrive $0xFFFF  }
0x593: {  	p0 =	sne.s32 s0, $0x0;
	s0 =	rddreg [dreg:$0x1]  }
0x594: {  	s0 =	sadd.s32 @!p0 $0x100000, s0  }
0x595: {  	[sflag:s0] =	ssyncadd.tile.s32 @!p0 $0x1;
	_ =	shalt  }
.Lfunc_end2:
_tile_overlayer_lowered:
.L_overlay_start_2:
0x596: {  	(tag) =	ssettag $0x2  }
0x597: {  	s0 =	rddreg [dreg:$0x0];
	s2 =	stileid.u32  }
0x598: {  	s1 =	rddreg [dreg:$0x1];
	p0 =	sne.s32 s2, $0x0  }
0x599: {  	s3 =	rddreg [dreg:$0x2];
	[bflag:$0x3] =	sbarrier.arrive $0xFFFF;
	s2 =	simm.s32 @!p0 $0x1C03  }
0x59a: {  	[timem:s3], [sflag:s2] =	dma.local @!p0 [hbm:s0], s1  }
0x59b: {  	s0 =	simm.s32 @!p0 $0x3  }
0x59c: {  	_ =	swait.ge @!p0 [sflag:s0], s1  }
0x59d: {  	s1 =	ssub.s32 @!p0 $0x0, s1;
	[sflag:s0] =	ssyncset.done @!p0 $0x0  }
0x59e: {  	[sflag:s0] =	ssyncadd.s32 @!p0 s1  }
0x59f: {  	[bflag:$0x3] =	sbarrier.arrive $0xFFFF  }
0x5a0: {  	_ =	shalt  }

</sc_bundles>
